<compile_context>
chip_gen: v7x
topology: tpu7x:2x2x1
jax: 0.10.2.dev20260603
libtpu: 0.0.44.dev20260713+nightly
codegen_flags: <defaults>
</compile_context>

<pallas_src>
import jax
import jax.numpy as jnp
from jax import lax
from jax.experimental import pallas as pl
from jax.experimental.pallas import tpu as pltpu
from jax.experimental.pallas import tpu_sc as plsc

C = 128
DEG = 32
NN = 10000
NW = 32
PPT = 2
G = 1024
NB = 10
N_PAD = NB * G
L = 16
N_TAB = N_PAD
EBLK = G * DEG
TAIL = NN * DEG - (NB - 1) * EBLK
QMAX = 32704.0


def _matmul_t_kernel(w_ref, x_ref, e_ref, o_ref, mx_ref, et_ref):
  i = pl.program_id(0)
  m = lax.dot_general(w_ref[...], x_ref[...], (((0,), (1,)), ((), ())),
                      preferred_element_type=jnp.float32)
  col = lax.broadcasted_iota(jnp.int32, (C, G), 1) + i * G
  mx = jnp.max(jnp.where(col < NN, jnp.abs(m), 0.0))
  o_ref[...] = m
  mx_ref[...] = jnp.full((1, 1, C), mx, jnp.float32)
  et_ref[...] = jnp.transpose(jnp.clip(e_ref[...], 0, NN))


def _gru_kernel(st_ref, x_ref, wih_ref, whh_ref, bih_ref, bhh_ref, inv_ref,
                o_ref):
  h = x_ref[...]
  s = st_ref[...].astype(jnp.float32) * inv_ref[...]
  gi = lax.dot_general(s, wih_ref[...], (((0,), (1,)), ((), ())),
                       preferred_element_type=jnp.float32) + bih_ref[...]
  gh = lax.dot_general(h, whh_ref[...], (((1,), (1,)), ((), ())),
                       preferred_element_type=jnp.float32) + bhh_ref[...]
  r = jax.nn.sigmoid(gi[:, :C] + gh[:, :C])
  z = jax.nn.sigmoid(gi[:, C:2 * C] + gh[:, C:2 * C])
  n = jnp.tanh(gi[:, 2 * C:] + r * gh[:, 2 * C:])
  o_ref[...] = (1.0 - z) * n + z * h


def _gather_sum_body(mt_hbm, e_hbm, out_hbm, tab_v, ebuf_v, obuf_v,
                     sem_t, sem_e, sem_o):
  cix = lax.axis_index("c")
  six = lax.axis_index("s")
  wid = six * 2 + cix
  p0 = wid * PPT
  orow = [p0, p0 + C // 2, p0 + 1, p0 + 1 + C // 2]

  for r in range(PPT):
    pltpu.async_copy(mt_hbm.at[p0 + r], tab_v.at[pl.ds(r * N_TAB, N_TAB)],
                     sem_t)
  for d in range(DEG):
    pltpu.async_copy(e_hbm.at[d, pl.ds(0, G)],
                     ebuf_v.at[pl.ds(d * G, G)], sem_e)
  for r in range(PPT):
    pltpu.make_async_copy(mt_hbm.at[p0 + r],
                          tab_v.at[pl.ds(r * N_TAB, N_TAB)], sem_t).wait()
    tab_v[pl.ds(r * N_TAB + NN, L)] = jnp.full((L,), 32768, jnp.int32)

  off1 = jnp.full((L,), N_TAB, jnp.int32)
  sh16 = jnp.full((L,), 16, jnp.int32)
  mlo = jnp.full((L,), 0xFFFF, jnp.int32)
  lobias = jnp.full((L,), 32768 * DEG, jnp.int32)

  def fetch(b2, k2):
    for d in range(DEG):
      pltpu.async_copy(e_hbm.at[d, pl.ds(b2 * G, G)],
                       ebuf_v.at[pl.ds(k2 * EBLK + d * G, G)], sem_e)

  def wait_fetch(b2, k2):
    for d in range(DEG):
      pltpu.make_async_copy(e_hbm.at[d, pl.ds(b2 * G, G)],
                            ebuf_v.at[pl.ds(k2 * EBLK + d * G, G)],
                            sem_e).wait()

  def do_block(b, k):
    wait_fetch(b, k)

    @pl.when(b + 1 < NB)
    def _():
      fetch(b + 1, 1 - k)

    def g_body(g, carry):
      ebase = k * EBLK + g * L
      obase = k * (2 * PPT * G) + g * L
      acc = [jnp.zeros((L,), jnp.int32) for _ in range(2 * PPT)]
      for d in range(DEG):
        idx = ebuf_v[pl.ds(ebase + d * G, L)]
        for r in range(PPT):
          gv = plsc.load_gather(tab_v, [idx + off1 if r else idx])
          acc[2 * r] = acc[2 * r] + lax.shift_right_arithmetic(gv, sh16)
          acc[2 * r + 1] = acc[2 * r + 1] + (gv & mlo)
      for j in range(2 * PPT):
        v = acc[j] if j % 2 == 0 else acc[j] - lobias
        obuf_v[pl.ds(obase + j * G, L)] = v
      return carry

    lax.fori_loop(0, G // L, g_body, 0)
    for j in range(2 * PPT):
      pltpu.async_copy(obuf_v.at[pl.ds(k * (2 * PPT * G) + j * G, G)],
                       out_hbm.at[orow[j], pl.ds(b * G, G)], sem_o)

  def pair(bb, carry):
    for k in range(2):
      b = bb * 2 + k

      @pl.when(bb > 0)
      def _():
        for j in range(2 * PPT):
          pltpu.make_async_copy(
              obuf_v.at[pl.ds(k * (2 * PPT * G) + j * G, G)],
              out_hbm.at[orow[j], pl.ds(b * G, G)], sem_o).wait()

      do_block(b, k)
    return carry

  lax.fori_loop(0, NB // 2, pair, 0)
  for k in range(2):
    b = NB - 2 + k
    for j in range(2 * PPT):
      pltpu.make_async_copy(
          obuf_v.at[pl.ds(k * (2 * PPT * G) + j * G, G)],
          out_hbm.at[orow[j], pl.ds(b * G, G)], sem_o).wait()


def _make_gather_sum():
  mesh = plsc.VectorSubcoreMesh(core_axis_name="c", subcore_axis_name="s")
  return pl.kernel(
      _gather_sum_body,
      out_type=jax.ShapeDtypeStruct((C, N_PAD), jnp.int32),
      mesh=mesh,
      scratch_types=[
          pltpu.VMEM((PPT * N_TAB,), jnp.int32),
          pltpu.VMEM((2 * EBLK,), jnp.int32),
          pltpu.VMEM((2 * 2 * PPT * G,), jnp.int32),
          pltpu.SemaphoreType.DMA,
          pltpu.SemaphoreType.DMA,
          pltpu.SemaphoreType.DMA,
      ],
      compiler_params=pltpu.CompilerParams(needs_layout_passes=False),
  )


@jax.jit
def kernel(x, edge_index, weight, W_ih, W_hh, b_ih, b_hh):
  e = edge_index.astype(jnp.int32)

  m_t, mx, e_t = pl.pallas_call(
      _matmul_t_kernel,
      grid=(NB,),
      in_specs=[
          pl.BlockSpec((C, C), lambda i: (0, 0)),
          pl.BlockSpec((G, C), lambda i: (i, 0)),
          pl.BlockSpec((G, DEG), lambda i: (i, 0)),
      ],
      out_specs=[
          pl.BlockSpec((C, G), lambda i: (0, i)),
          pl.BlockSpec((1, 1, C), lambda i: (i, 0, 0)),
          pl.BlockSpec((DEG, G), lambda i: (0, i)),
      ],
      out_shape=[
          jax.ShapeDtypeStruct((C, N_PAD), jnp.float32),
          jax.ShapeDtypeStruct((NB, 1, C), jnp.float32),
          jax.ShapeDtypeStruct((DEG, N_PAD), jnp.int32),
      ],
  )(weight[0], x, e)

  amax = jnp.max(mx)
  scale = jnp.where(amax > 0, QMAX / amax, 1.0)
  inv = jnp.where(amax > 0, amax / QMAX, 1.0).reshape(1, 1)
  q = jnp.round(m_t * scale).astype(jnp.int32)
  pk = lax.shift_left(q[:C // 2], 16) | ((q[C // 2:] + 32768) & 0xFFFF)

  s_t = _make_gather_sum()(pk, e_t)

  out = pl.pallas_call(
      _gru_kernel,
      grid=(NB,),
      in_specs=[
          pl.BlockSpec((C, G), lambda i: (0, i)),
          pl.BlockSpec((G, C), lambda i: (i, 0)),
          pl.BlockSpec((3 * C, C), lambda i: (0, 0)),
          pl.BlockSpec((3 * C, C), lambda i: (0, 0)),
          pl.BlockSpec((1, 3 * C), lambda i: (0, 0)),
          pl.BlockSpec((1, 3 * C), lambda i: (0, 0)),
          pl.BlockSpec((1, 1), lambda i: (0, 0)),
      ],
      out_specs=pl.BlockSpec((G, C), lambda i: (i, 0)),
      out_shape=jax.ShapeDtypeStruct((NN, C), jnp.float32),
  )(s_t, x, W_ih, W_hh, b_ih.reshape(1, 3 * C), b_hh.reshape(1, 3 * C), inv)

  return out

# --- scband reference (transcript-rebuilt; emitter-appended) ---
"""Pipeline reference for scband-gated-graph-conv-28080496181509 (READ-ONLY COPY).

The authoritative reference and input builder live on the scoring server;
editing this copy changes nothing except your own understanding.
"""

import jax, jax.numpy as jnp
import numpy as np

OUT_CHANNELS = 128
NUM_LAYERS = 1
N_NODES = 10000
DEG = 32


def setup_inputs(seed: int = 0) -> dict:
    key = jax.random.key(seed)
    k_x, k_e, k_w, k_wi, k_wh, k_bi, k_bh = jax.random.split(key, 7)
    C = OUT_CHANNELS
    x = jax.random.normal(k_x, (N_NODES, C), dtype=jnp.float32)
    # padded adjacency list; index N_NODES refers to the appended zero row
    edge_index = jax.random.randint(k_e, (N_NODES, DEG), 0, N_NODES + 1, dtype=jnp.int64)
    weight = jax.random.normal(k_w, (NUM_LAYERS, C, C), dtype=jnp.float32)
    bound = 1.0 / np.sqrt(C)
    W_ih = jax.random.uniform(k_wi, (3 * C, C), minval=-bound, maxval=bound, dtype=jnp.float32)
    W_hh = jax.random.uniform(k_wh, (3 * C, C), minval=-bound, maxval=bound, dtype=jnp.float32)
    b_ih = jax.random.uniform(k_bi, (3 * C,), minval=-bound, maxval=bound, dtype=jnp.float32)
    b_hh = jax.random.uniform(k_bh, (3 * C,), minval=-bound, maxval=bound, dtype=jnp.float32)
    return {"x": x, "edge_index": edge_index, "weight": weight,
            "W_ih": W_ih, "W_hh": W_hh, "b_ih": b_ih, "b_hh": b_hh}


def _gru_cell(inp, h, W_ih, W_hh, b_ih, b_hh):
    gi = inp @ W_ih.T + b_ih
    gh = h @ W_hh.T + b_hh
    i_r, i_z, i_n = jnp.split(gi, 3, axis=1)
    h_r, h_z, h_n = jnp.split(gh, 3, axis=1)
    r = jax.nn.sigmoid(i_r + h_r)
    z = jax.nn.sigmoid(i_z + h_z)
    n = jnp.tanh(i_n + r * h_n)
    return (1.0 - z) * n + z * h


def reference(x, edge_index, weight, W_ih, W_hh, b_ih, b_hh):
    C = weight.shape[-1]
    if x.shape[-1] < C:
        x = jnp.concatenate([x, jnp.zeros((x.shape[0], C - x.shape[-1]), dtype=x.dtype)], axis=1)
    for i in range(NUM_LAYERS):
        m = x @ weight[i]
        node_feature_padded = jnp.concatenate([m, jnp.zeros((1, C), dtype=m.dtype)], axis=0)
        neigh_feature = node_feature_padded[edge_index]  # [N, DEG, C] gather
        m = neigh_feature.sum(axis=1)
        x = _gru_cell(m, x, W_ih, W_hh, b_ih, b_hh)
    return x

if __name__ == "__main__":
    import jax
    _d = setup_inputs()
    print(jax.jit(kernel)(*tuple(_d.values())))

</pallas_src>

<mosaic_0001>
#map = affine_map<(d0, d1) -> (0, 0)>
module attributes {stable_mosaic.version = 14 : i64} {
  func.func @_gather_sum_body(%arg0: i32, %arg1: i32, %arg2: memref<64x10240xi32, #tpu.memory_space<hbm>>, %arg3: memref<32x10240xi32, #tpu.memory_space<hbm>>, %arg4: memref<128x10240xi32, #tpu.memory_space<hbm>>, %arg5: memref<20480xi32, #tpu.memory_space<vmem>>, %arg6: memref<65536xi32, #tpu.memory_space<vmem>>, %arg7: memref<8192xi32, #tpu.memory_space<vmem>>, %arg8: memref<!tpu.dma_semaphore, #tpu.memory_space<semaphore_mem>>, %arg9: memref<!tpu.dma_semaphore, #tpu.memory_space<semaphore_mem>>, %arg10: memref<!tpu.dma_semaphore, #tpu.memory_space<semaphore_mem>>) attributes {dimension_semantics = [#tpu.dimension_semantics<core_parallel>, #tpu.dimension_semantics<subcore_parallel>], iteration_bounds = array<i64: 2, 16>, scalar_prefetch = 0 : i64, scratch_operands = 6 : i64, tpu.core_type = #tpu.core_type<sc_vector_subcore>, window_params = [{transform_indices = #map}, {transform_indices = #map}, {transform_indices = #map}]} {
    %mul3A = arith.constant 2 : i32
    %mul3A_0 = arith.muli %arg1, %mul3A : i32
    %add3A = arith.addi %mul3A_0, %arg0 : i32
    %mul3A_1 = arith.constant 2 : i32
    %mul3A_2 = arith.muli %add3A, %mul3A_1 : i32
    %add3A_3 = arith.constant 64 : i32
    %add3A_4 = arith.addi %mul3A_2, %add3A_3 : i32
    %add3A_5 = arith.constant 1 : i32
    %add3A_6 = arith.addi %mul3A_2, %add3A_5 : i32
    %add3A_7 = arith.constant 1 : i32
    %add3A_8 = arith.addi %mul3A_2, %add3A_7 : i32
    %add3A_9 = arith.constant 64 : i32
    %add3A_10 = arith.addi %add3A_8, %add3A_9 : i32
    %add3A_11 = arith.constant 0 : i32
    %add3A_12 = arith.addi %mul3A_2, %add3A_11 : i32
    %dma_start3A = arith.constant 0 : i32
    %dma_start3A_13 = tpu.memref_slice %arg5[%dma_start3A] : memref<20480xi32, #tpu.memory_space<vmem>> -> memref<10240xi32, #tpu.memory_space<vmem>>
    %dma_start3A_14 = arith.constant 0 : i32
    %dma_start3A_15 = tpu.memref_slice %arg2[%add3A_12, %dma_start3A_14] : memref<64x10240xi32, #tpu.memory_space<hbm>> -> memref<1x10240xi32, #tpu.memory_space<hbm>>
    %dma_start3A_16 = tpu.memref_squeeze %dma_start3A_15 : memref<1x10240xi32, #tpu.memory_space<hbm>> -> memref<10240xi32, #tpu.memory_space<hbm>>
    %dma_start3A_17 = arith.constant 0 : i32
    %dma_start3A_18 = tpu.memref_slice %arg5[%dma_start3A_17] : memref<20480xi32, #tpu.memory_space<vmem>> -> memref<10240xi32, #tpu.memory_space<vmem>>
    %dma_start3A_19 = arith.constant 0 : i32
    %dma_start3A_20 = tpu.memref_slice %arg2[%add3A_12, %dma_start3A_19] : memref<64x10240xi32, #tpu.memory_space<hbm>> -> memref<1x10240xi32, #tpu.memory_space<hbm>>
    %dma_start3A_21 = tpu.memref_squeeze %dma_start3A_20 : memref<1x10240xi32, #tpu.memory_space<hbm>> -> memref<10240xi32, #tpu.memory_space<hbm>>
    tpu.enqueue_dma source(%dma_start3A_21 : memref<10240xi32, #tpu.memory_space<hbm>>) target(%dma_start3A_18 : memref<10240xi32, #tpu.memory_space<vmem>>) target_semaphore(%arg8 : memref<!tpu.dma_semaphore, #tpu.memory_space<semaphore_mem>>)
    %add3A_22 = arith.constant 1 : i32
    %add3A_23 = arith.addi %mul3A_2, %add3A_22 : i32
    %dma_start3A_24 = arith.constant 10240 : i32
    %dma_start3A_25 = tpu.memref_slice %arg5[%dma_start3A_24] : memref<20480xi32, #tpu.memory_space<vmem>> -> memref<10240xi32, #tpu.memory_space<vmem>>
    %dma_start3A_26 = arith.constant 0 : i32
    %dma_start3A_27 = tpu.memref_slice %arg2[%add3A_23, %dma_start3A_26] : memref<64x10240xi32, #tpu.memory_space<hbm>> -> memref<1x10240xi32, #tpu.memory_space<hbm>>
    %dma_start3A_28 = tpu.memref_squeeze %dma_start3A_27 : memref<1x10240xi32, #tpu.memory_space<hbm>> -> memref<10240xi32, #tpu.memory_space<hbm>>
    %dma_start3A_29 = arith.constant 10240 : i32
    %dma_start3A_30 = tpu.memref_slice %arg5[%dma_start3A_29] : memref<20480xi32, #tpu.memory_space<vmem>> -> memref<10240xi32, #tpu.memory_space<vmem>>
    %dma_start3A_31 = arith.constant 0 : i32
    %dma_start3A_32 = tpu.memref_slice %arg2[%add3A_23, %dma_start3A_31] : memref<64x10240xi32, #tpu.memory_space<hbm>> -> memref<1x10240xi32, #tpu.memory_space<hbm>>
    %dma_start3A_33 = tpu.memref_squeeze %dma_start3A_32 : memref<1x10240xi32, #tpu.memory_space<hbm>> -> memref<10240xi32, #tpu.memory_space<hbm>>
    tpu.enqueue_dma source(%dma_start3A_33 : memref<10240xi32, #tpu.memory_space<hbm>>) target(%dma_start3A_30 : memref<10240xi32, #tpu.memory_space<vmem>>) target_semaphore(%arg8 : memref<!tpu.dma_semaphore, #tpu.memory_space<semaphore_mem>>)
    %dma_start3A_34 = arith.constant 0 : i32
    %dma_start3A_35 = arith.constant 0 : i32
    %dma_start3A_36 = tpu.memref_slice %arg6[%dma_start3A_35] : memref<65536xi32, #tpu.memory_space<vmem>> -> memref<1024xi32, #tpu.memory_space<vmem>>
    %dma_start3A_37 = arith.constant 0 : i32
    %dma_start3A_38 = tpu.memref_slice %arg3[%dma_start3A_34, %dma_start3A_37] : memref<32x10240xi32, #tpu.memory_space<hbm>> -> memref<1x1024xi32, #tpu.memory_space<hbm>>
    %dma_start3A_39 = tpu.memref_squeeze %dma_start3A_38 : memref<1x1024xi32, #tpu.memory_space<hbm>> -> memref<1024xi32, #tpu.memory_space<hbm>>
    %dma_start3A_40 = arith.constant 0 : i32
    %dma_start3A_41 = tpu.memref_slice %arg6[%dma_start3A_40] : memref<65536xi32, #tpu.memory_space<vmem>> -> memref<1024xi32, #tpu.memory_space<vmem>>
    %dma_start3A_42 = arith.constant 0 : i32
    %dma_start3A_43 = tpu.memref_slice %arg3[%dma_start3A_34, %dma_start3A_42] : memref<32x10240xi32, #tpu.memory_space<hbm>> -> memref<1x1024xi32, #tpu.memory_space<hbm>>
    %dma_start3A_44 = tpu.memref_squeeze %dma_start3A_43 : memref<1x1024xi32, #tpu.memory_space<hbm>> -> memref<1024xi32, #tpu.memory_space<hbm>>
    tpu.enqueue_dma source(%dma_start3A_44 : memref<1024xi32, #tpu.memory_space<hbm>>) target(%dma_start3A_41 : memref<1024xi32, #tpu.memory_space<vmem>>) target_semaphore(%arg9 : memref<!tpu.dma_semaphore, #tpu.memory_space<semaphore_mem>>)
    %dma_start3A_45 = arith.constant 1 : i32
    %dma_start3A_46 = arith.constant 1024 : i32
    %dma_start3A_47 = tpu.memref_slice %arg6[%dma_start3A_46] : memref<65536xi32, #tpu.memory_space<vmem>> -> memref<1024xi32, #tpu.memory_space<vmem>>
    %dma_start3A_48 = arith.constant 0 : i32
    %dma_start3A_49 = tpu.memref_slice %arg3[%dma_start3A_45, %dma_start3A_48] : memref<32x10240xi32, #tpu.memory_space<hbm>> -> memref<1x1024xi32, #tpu.memory_space<hbm>>
    %dma_start3A_50 = tpu.memref_squeeze %dma_start3A_49 : memref<1x1024xi32, #tpu.memory_space<hbm>> -> memref<1024xi32, #tpu.memory_space<hbm>>
    %dma_start3A_51 = arith.constant 1024 : i32
    %dma_start3A_52 = tpu.memref_slice %arg6[%dma_start3A_51] : memref<65536xi32, #tpu.memory_space<vmem>> -> memref<1024xi32, #tpu.memory_space<vmem>>
    %dma_start3A_53 = arith.constant 0 : i32
    %dma_start3A_54 = tpu.memref_slice %arg3[%dma_start3A_45, %dma_start3A_53] : memref<32x10240xi32, #tpu.memory_space<hbm>> -> memref<1x1024xi32, #tpu.memory_space<hbm>>
    %dma_start3A_55 = tpu.memref_squeeze %dma_start3A_54 : memref<1x1024xi32, #tpu.memory_space<hbm>> -> memref<1024xi32, #tpu.memory_space<hbm>>
    tpu.enqueue_dma source(%dma_start3A_55 : memref<1024xi32, #tpu.memory_space<hbm>>) target(%dma_start3A_52 : memref<1024xi32, #tpu.memory_space<vmem>>) target_semaphore(%arg9 : memref<!tpu.dma_semaphore, #tpu.memory_space<semaphore_mem>>)
    %dma_start3A_56 = arith.constant 2 : i32
    %dma_start3A_57 = arith.constant 2048 : i32
    %dma_start3A_58 = tpu.memref_slice %arg6[%dma_start3A_57] : memref<65536xi32, #tpu.memory_space<vmem>> -> memref<1024xi32, #tpu.memory_space<vmem>>
    %dma_start3A_59 = arith.constant 0 : i32
    %dma_start3A_60 = tpu.memref_slice %arg3[%dma_start3A_56, %dma_start3A_59] : memref<32x10240xi32, #tpu.memory_space<hbm>> -> memref<1x1024xi32, #tpu.memory_space<hbm>>
    %dma_start3A_61 = tpu.memref_squeeze %dma_start3A_60 : memref<1x1024xi32, #tpu.memory_space<hbm>> -> memref<1024xi32, #tpu.memory_space<hbm>>
    %dma_start3A_62 = arith.constant 2048 : i32
    %dma_start3A_63 = tpu.memref_slice %arg6[%dma_start3A_62] : memref<65536xi32, #tpu.memory_space<vmem>> -> memref<1024xi32, #tpu.memory_space<vmem>>
    %dma_start3A_64 = arith.constant 0 : i32
    %dma_start3A_65 = tpu.memref_slice %arg3[%dma_start3A_56, %dma_start3A_64] : memref<32x10240xi32, #tpu.memory_space<hbm>> -> memref<1x1024xi32, #tpu.memory_space<hbm>>
    %dma_start3A_66 = tpu.memref_squeeze %dma_start3A_65 : memref<1x1024xi32, #tpu.memory_space<hbm>> -> memref<1024xi32, #tpu.memory_space<hbm>>
    tpu.enqueue_dma source(%dma_start3A_66 : memref<1024xi32, #tpu.memory_space<hbm>>) target(%dma_start3A_63 : memref<1024xi32, #tpu.memory_space<vmem>>) target_semaphore(%arg9 : memref<!tpu.dma_semaphore, #tpu.memory_space<semaphore_mem>>)
    %dma_start3A_67 = arith.constant 3 : i32
    %dma_start3A_68 = arith.constant 3072 : i32
    %dma_start3A_69 = tpu.memref_slice %arg6[%dma_start3A_68] : memref<65536xi32, #tpu.memory_space<vmem>> -> memref<1024xi32, #tpu.memory_space<vmem>>
    %dma_start3A_70 = arith.constant 0 : i32
    %dma_start3A_71 = tpu.memref_slice %arg3[%dma_start3A_67, %dma_start3A_70] : memref<32x10240xi32, #tpu.memory_space<hbm>> -> memref<1x1024xi32, #tpu.memory_space<hbm>>
    %dma_start3A_72 = tpu.memref_squeeze %dma_start3A_71 : memref<1x1024xi32, #tpu.memory_space<hbm>> -> memref<1024xi32, #tpu.memory_space<hbm>>
    %dma_start3A_73 = arith.constant 3072 : i32
    %dma_start3A_74 = tpu.memref_slice %arg6[%dma_start3A_73] : memref<65536xi32, #tpu.memory_space<vmem>> -> memref<1024xi32, #tpu.memory_space<vmem>>
    %dma_start3A_75 = arith.constant 0 : i32
    %dma_start3A_76 = tpu.memref_slice %arg3[%dma_start3A_67, %dma_start3A_75] : memref<32x10240xi32, #tpu.memory_space<hbm>> -> memref<1x1024xi32, #tpu.memory_space<hbm>>
    %dma_start3A_77 = tpu.memref_squeeze %dma_start3A_76 : memref<1x1024xi32, #tpu.memory_space<hbm>> -> memref<1024xi32, #tpu.memory_space<hbm>>
    tpu.enqueue_dma source(%dma_start3A_77 : memref<1024xi32, #tpu.memory_space<hbm>>) target(%dma_start3A_74 : memref<1024xi32, #tpu.memory_space<vmem>>) target_semaphore(%arg9 : memref<!tpu.dma_semaphore, #tpu.memory_space<semaphore_mem>>)
    %dma_start3A_78 = arith.constant 4 : i32
    %dma_start3A_79 = arith.constant 4096 : i32
    %dma_start3A_80 = tpu.memref_slice %arg6[%dma_start3A_79] : memref<65536xi32, #tpu.memory_space<vmem>> -> memref<1024xi32, #tpu.memory_space<vmem>>
    %dma_start3A_81 = arith.constant 0 : i32
    %dma_start3A_82 = tpu.memref_slice %arg3[%dma_start3A_78, %dma_start3A_81] : memref<32x10240xi32, #tpu.memory_space<hbm>> -> memref<1x1024xi32, #tpu.memory_space<hbm>>
    %dma_start3A_83 = tpu.memref_squeeze %dma_start3A_82 : memref<1x1024xi32, #tpu.memory_space<hbm>> -> memref<1024xi32, #tpu.memory_space<hbm>>
    %dma_start3A_84 = arith.constant 4096 : i32
    %dma_start3A_85 = tpu.memref_slice %arg6[%dma_start3A_84] : memref<65536xi32, #tpu.memory_space<vmem>> -> memref<1024xi32, #tpu.memory_space<vmem>>
    %dma_start3A_86 = arith.constant 0 : i32
    %dma_start3A_87 = tpu.memref_slice %arg3[%dma_start3A_78, %dma_start3A_86] : memref<32x10240xi32, #tpu.memory_space<hbm>> -> memref<1x1024xi32, #tpu.memory_space<hbm>>
    %dma_start3A_88 = tpu.memref_squeeze %dma_start3A_87 : memref<1x1024xi32, #tpu.memory_space<hbm>> -> memref<1024xi32, #tpu.memory_space<hbm>>
    tpu.enqueue_dma source(%dma_start3A_88 : memref<1024xi32, #tpu.memory_space<hbm>>) target(%dma_start3A_85 : memref<1024xi32, #tpu.memory_space<vmem>>) target_semaphore(%arg9 : memref<!tpu.dma_semaphore, #tpu.memory_space<semaphore_mem>>)
    %dma_start3A_89 = arith.constant 5 : i32
    %dma_start3A_90 = arith.constant 5120 : i32
    %dma_start3A_91 = tpu.memref_slice %arg6[%dma_start3A_90] : memref<65536xi32, #tpu.memory_space<vmem>> -> memref<1024xi32, #tpu.memory_space<vmem>>
    %dma_start3A_92 = arith.constant 0 : i32
    %dma_start3A_93 = tpu.memref_slice %arg3[%dma_start3A_89, %dma_start3A_92] : memref<32x10240xi32, #tpu.memory_space<hbm>> -> memref<1x1024xi32, #tpu.memory_space<hbm>>
    %dma_start3A_94 = tpu.memref_squeeze %dma_start3A_93 : memref<1x1024xi32, #tpu.memory_space<hbm>> -> memref<1024xi32, #tpu.memory_space<hbm>>
    %dma_start3A_95 = arith.constant 5120 : i32
    %dma_start3A_96 = tpu.memref_slice %arg6[%dma_start3A_95] : memref<65536xi32, #tpu.memory_space<vmem>> -> memref<1024xi32, #tpu.memory_space<vmem>>
    %dma_start3A_97 = arith.constant 0 : i32
    %dma_start3A_98 = tpu.memref_slice %arg3[%dma_start3A_89, %dma_start3A_97] : memref<32x10240xi32, #tpu.memory_space<hbm>> -> memref<1x1024xi32, #tpu.memory_space<hbm>>
    %dma_start3A_99 = tpu.memref_squeeze %dma_start3A_98 : memref<1x1024xi32, #tpu.memory_space<hbm>> -> memref<1024xi32, #tpu.memory_space<hbm>>
    tpu.enqueue_dma source(%dma_start3A_99 : memref<1024xi32, #tpu.memory_space<hbm>>) target(%dma_start3A_96 : memref<1024xi32, #tpu.memory_space<vmem>>) target_semaphore(%arg9 : memref<!tpu.dma_semaphore, #tpu.memory_space<semaphore_mem>>)
    %dma_start3A_100 = arith.constant 6 : i32
    %dma_start3A_101 = arith.constant 6144 : i32
    %dma_start3A_102 = tpu.memref_slice %arg6[%dma_start3A_101] : memref<65536xi32, #tpu.memory_space<vmem>> -> memref<1024xi32, #tpu.memory_space<vmem>>
    %dma_start3A_103 = arith.constant 0 : i32
    %dma_start3A_104 = tpu.memref_slice %arg3[%dma_start3A_100, %dma_start3A_103] : memref<32x10240xi32, #tpu.memory_space<hbm>> -> memref<1x1024xi32, #tpu.memory_space<hbm>>
    %dma_start3A_105 = tpu.memref_squeeze %dma_start3A_104 : memref<1x1024xi32, #tpu.memory_space<hbm>> -> memref<1024xi32, #tpu.memory_space<hbm>>
    %dma_start3A_106 = arith.constant 6144 : i32
    %dma_start3A_107 = tpu.memref_slice %arg6[%dma_start3A_106] : memref<65536xi32, #tpu.memory_space<vmem>> -> memref<1024xi32, #tpu.memory_space<vmem>>
    %dma_start3A_108 = arith.constant 0 : i32
    %dma_start3A_109 = tpu.memref_slice %arg3[%dma_start3A_100, %dma_start3A_108] : memref<32x10240xi32, #tpu.memory_space<hbm>> -> memref<1x1024xi32, #tpu.memory_space<hbm>>
    %dma_start3A_110 = tpu.memref_squeeze %dma_start3A_109 : memref<1x1024xi32, #tpu.memory_space<hbm>> -> memref<1024xi32, #tpu.memory_space<hbm>>
    tpu.enqueue_dma source(%dma_start3A_110 : memref<1024xi32, #tpu.memory_space<hbm>>) target(%dma_start3A_107 : memref<1024xi32, #tpu.memory_space<vmem>>) target_semaphore(%arg9 : memref<!tpu.dma_semaphore, #tpu.memory_space<semaphore_mem>>)
    %dma_start3A_111 = arith.constant 7 : i32
    %dma_start3A_112 = arith.constant 7168 : i32
    %dma_start3A_113 = tpu.memref_slice %arg6[%dma_start3A_112] : memref<65536xi32, #tpu.memory_space<vmem>> -> memref<1024xi32, #tpu.memory_space<vmem>>
    %dma_start3A_114 = arith.constant 0 : i32
    %dma_start3A_115 = tpu.memref_slice %arg3[%dma_start3A_111, %dma_start3A_114] : memref<32x10240xi32, #tpu.memory_space<hbm>> -> memref<1x1024xi32, #tpu.memory_space<hbm>>
    %dma_start3A_116 = tpu.memref_squeeze %dma_start3A_115 : memref<1x1024xi32, #tpu.memory_space<hbm>> -> memref<1024xi32, #tpu.memory_space<hbm>>
    %dma_start3A_117 = arith.constant 7168 : i32
    %dma_start3A_118 = tpu.memref_slice %arg6[%dma_start3A_117] : memref<65536xi32, #tpu.memory_space<vmem>> -> memref<1024xi32, #tpu.memory_space<vmem>>
    %dma_start3A_119 = arith.constant 0 : i32
    %dma_start3A_120 = tpu.memref_slice %arg3[%dma_start3A_111, %dma_start3A_119] : memref<32x10240xi32, #tpu.memory_space<hbm>> -> memref<1x1024xi32, #tpu.memory_space<hbm>>
    %dma_start3A_121 = tpu.memref_squeeze %dma_start3A_120 : memref<1x1024xi32, #tpu.memory_space<hbm>> -> memref<1024xi32, #tpu.memory_space<hbm>>
    tpu.enqueue_dma source(%dma_start3A_121 : memref<1024xi32, #tpu.memory_space<hbm>>) target(%dma_start3A_118 : memref<1024xi32, #tpu.memory_space<vmem>>) target_semaphore(%arg9 : memref<!tpu.dma_semaphore, #tpu.memory_space<semaphore_mem>>)
    %dma_start3A_122 = arith.constant 8 : i32
    %dma_start3A_123 = arith.constant 8192 : i32
    %dma_start3A_124 = tpu.memref_slice %arg6[%dma_start3A_123] : memref<65536xi32, #tpu.memory_space<vmem>> -> memref<1024xi32, #tpu.memory_space<vmem>>
    %dma_start3A_125 = arith.constant 0 : i32
    %dma_start3A_126 = tpu.memref_slice %arg3[%dma_start3A_122, %dma_start3A_125] : memref<32x10240xi32, #tpu.memory_space<hbm>> -> memref<1x1024xi32, #tpu.memory_space<hbm>>
    %dma_start3A_127 = tpu.memref_squeeze %dma_start3A_126 : memref<1x1024xi32, #tpu.memory_space<hbm>> -> memref<1024xi32, #tpu.memory_space<hbm>>
    %dma_start3A_128 = arith.constant 8192 : i32
    %dma_start3A_129 = tpu.memref_slice %arg6[%dma_start3A_128] : memref<65536xi32, #tpu.memory_space<vmem>> -> memref<1024xi32, #tpu.memory_space<vmem>>
    %dma_start3A_130 = arith.constant 0 : i32
    %dma_start3A_131 = tpu.memref_slice %arg3[%dma_start3A_122, %dma_start3A_130] : memref<32x10240xi32, #tpu.memory_space<hbm>> -> memref<1x1024xi32, #tpu.memory_space<hbm>>
    %dma_start3A_132 = tpu.memref_squeeze %dma_start3A_131 : memref<1x1024xi32, #tpu.memory_space<hbm>> -> memref<1024xi32, #tpu.memory_space<hbm>>
    tpu.enqueue_dma source(%dma_start3A_132 : memref<1024xi32, #tpu.memory_space<hbm>>) target(%dma_start3A_129 : memref<1024xi32, #tpu.memory_space<vmem>>) target_semaphore(%arg9 : memref<!tpu.dma_semaphore, #tpu.memory_space<semaphore_mem>>)
    %dma_start3A_133 = arith.constant 9 : i32
    %dma_start3A_134 = arith.constant 9216 : i32
    %dma_start3A_135 = tpu.memref_slice %arg6[%dma_start3A_134] : memref<65536xi32, #tpu.memory_space<vmem>> -> memref<1024xi32, #tpu.memory_space<vmem>>
    %dma_start3A_136 = arith.constant 0 : i32
    %dma_start3A_137 = tpu.memref_slice %arg3[%dma_start3A_133, %dma_start3A_136] : memref<32x10240xi32, #tpu.memory_space<hbm>> -> memref<1x1024xi32, #tpu.memory_space<hbm>>
    %dma_start3A_138 = tpu.memref_squeeze %dma_start3A_137 : memref<1x1024xi32, #tpu.memory_space<hbm>> -> memref<1024xi32, #tpu.memory_space<hbm>>
    %dma_start3A_139 = arith.constant 9216 : i32
    %dma_start3A_140 = tpu.memref_slice %arg6[%dma_start3A_139] : memref<65536xi32, #tpu.memory_space<vmem>> -> memref<1024xi32, #tpu.memory_space<vmem>>
    %dma_start3A_141 = arith.constant 0 : i32
    %dma_start3A_142 = tpu.memref_slice %arg3[%dma_start3A_133, %dma_start3A_141] : memref<32x10240xi32, #tpu.memory_space<hbm>> -> memref<1x1024xi32, #tpu.memory_space<hbm>>
    %dma_start3A_143 = tpu.memref_squeeze %dma_start3A_142 : memref<1x1024xi32, #tpu.memory_space<hbm>> -> memref<1024xi32, #tpu.memory_space<hbm>>
    tpu.enqueue_dma source(%dma_start3A_143 : memref<1024xi32, #tpu.memory_space<hbm>>) target(%dma_start3A_140 : memref<1024xi32, #tpu.memory_space<vmem>>) target_semaphore(%arg9 : memref<!tpu.dma_semaphore, #tpu.memory_space<semaphore_mem>>)
    %dma_start3A_144 = arith.constant 10 : i32
    %dma_start3A_145 = arith.constant 10240 : i32
    %dma_start3A_146 = tpu.memref_slice %arg6[%dma_start3A_145] : memref<65536xi32, #tpu.memory_space<vmem>> -> memref<1024xi32, #tpu.memory_space<vmem>>
    %dma_start3A_147 = arith.constant 0 : i32
    %dma_start3A_148 = tpu.memref_slice %arg3[%dma_start3A_144, %dma_start3A_147] : memref<32x10240xi32, #tpu.memory_space<hbm>> -> memref<1x1024xi32, #tpu.memory_space<hbm>>
    %dma_start3A_149 = tpu.memref_squeeze %dma_start3A_148 : memref<1x1024xi32, #tpu.memory_space<hbm>> -> memref<1024xi32, #tpu.memory_space<hbm>>
    %dma_start3A_150 = arith.constant 10240 : i32
    %dma_start3A_151 = tpu.memref_slice %arg6[%dma_start3A_150] : memref<65536xi32, #tpu.memory_space<vmem>> -> memref<1024xi32, #tpu.memory_space<vmem>>
    %dma_start3A_152 = arith.constant 0 : i32
    %dma_start3A_153 = tpu.memref_slice %arg3[%dma_start3A_144, %dma_start3A_152] : memref<32x10240xi32, #tpu.memory_space<hbm>> -> memref<1x1024xi32, #tpu.memory_space<hbm>>
    %dma_start3A_154 = tpu.memref_squeeze %dma_start3A_153 : memref<1x1024xi32, #tpu.memory_space<hbm>> -> memref<1024xi32, #tpu.memory_space<hbm>>
    tpu.enqueue_dma source(%dma_start3A_154 : memref<1024xi32, #tpu.memory_space<hbm>>) target(%dma_start3A_151 : memref<1024xi32, #tpu.memory_space<vmem>>) target_semaphore(%arg9 : memref<!tpu.dma_semaphore, #tpu.memory_space<semaphore_mem>>)
    %dma_start3A_155 = arith.constant 11 : i32
    %dma_start3A_156 = arith.constant 11264 : i32
    %dma_start3A_157 = tpu.memref_slice %arg6[%dma_start3A_156] : memref<65536xi32, #tpu.memory_space<vmem>> -> memref<1024xi32, #tpu.memory_space<vmem>>
    %dma_start3A_158 = arith.constant 0 : i32
    %dma_start3A_159 = tpu.memref_slice %arg3[%dma_start3A_155, %dma_start3A_158] : memref<32x10240xi32, #tpu.memory_space<hbm>> -> memref<1x1024xi32, #tpu.memory_space<hbm>>
    %dma_start3A_160 = tpu.memref_squeeze %dma_start3A_159 : memref<1x1024xi32, #tpu.memory_space<hbm>> -> memref<1024xi32, #tpu.memory_space<hbm>>
    %dma_start3A_161 = arith.constant 11264 : i32
    %dma_start3A_162 = tpu.memref_slice %arg6[%dma_start3A_161] : memref<65536xi32, #tpu.memory_space<vmem>> -> memref<1024xi32, #tpu.memory_space<vmem>>
    %dma_start3A_163 = arith.constant 0 : i32
    %dma_start3A_164 = tpu.memref_slice %arg3[%dma_start3A_155, %dma_start3A_163] : memref<32x10240xi32, #tpu.memory_space<hbm>> -> memref<1x1024xi32, #tpu.memory_space<hbm>>
    %dma_start3A_165 = tpu.memref_squeeze %dma_start3A_164 : memref<1x1024xi32, #tpu.memory_space<hbm>> -> memref<1024xi32, #tpu.memory_space<hbm>>
    tpu.enqueue_dma source(%dma_start3A_165 : memref<1024xi32, #tpu.memory_space<hbm>>) target(%dma_start3A_162 : memref<1024xi32, #tpu.memory_space<vmem>>) target_semaphore(%arg9 : memref<!tpu.dma_semaphore, #tpu.memory_space<semaphore_mem>>)
    %dma_start3A_166 = arith.constant 12 : i32
    %dma_start3A_167 = arith.constant 12288 : i32
    %dma_start3A_168 = tpu.memref_slice %arg6[%dma_start3A_167] : memref<65536xi32, #tpu.memory_space<vmem>> -> memref<1024xi32, #tpu.memory_space<vmem>>
    %dma_start3A_169 = arith.constant 0 : i32
    %dma_start3A_170 = tpu.memref_slice %arg3[%dma_start3A_166, %dma_start3A_169] : memref<32x10240xi32, #tpu.memory_space<hbm>> -> memref<1x1024xi32, #tpu.memory_space<hbm>>
    %dma_start3A_171 = tpu.memref_squeeze %dma_start3A_170 : memref<1x1024xi32, #tpu.memory_space<hbm>> -> memref<1024xi32, #tpu.memory_space<hbm>>
    %dma_start3A_172 = arith.constant 12288 : i32
    %dma_start3A_173 = tpu.memref_slice %arg6[%dma_start3A_172] : memref<65536xi32, #tpu.memory_space<vmem>> -> memref<1024xi32, #tpu.memory_space<vmem>>
    %dma_start3A_174 = arith.constant 0 : i32
    %dma_start3A_175 = tpu.memref_slice %arg3[%dma_start3A_166, %dma_start3A_174] : memref<32x10240xi32, #tpu.memory_space<hbm>> -> memref<1x1024xi32, #tpu.memory_space<hbm>>
    %dma_start3A_176 = tpu.memref_squeeze %dma_start3A_175 : memref<1x1024xi32, #tpu.memory_space<hbm>> -> memref<1024xi32, #tpu.memory_space<hbm>>
    tpu.enqueue_dma source(%dma_start3A_176 : memref<1024xi32, #tpu.memory_space<hbm>>) target(%dma_start3A_173 : memref<1024xi32, #tpu.memory_space<vmem>>) target_semaphore(%arg9 : memref<!tpu.dma_semaphore, #tpu.memory_space<semaphore_mem>>)
    %dma_start3A_177 = arith.constant 13 : i32
    %dma_start3A_178 = arith.constant 13312 : i32
    %dma_start3A_179 = tpu.memref_slice %arg6[%dma_start3A_178] : memref<65536xi32, #tpu.memory_space<vmem>> -> memref<1024xi32, #tpu.memory_space<vmem>>
    %dma_start3A_180 = arith.constant 0 : i32
    %dma_start3A_181 = tpu.memref_slice %arg3[%dma_start3A_177, %dma_start3A_180] : memref<32x10240xi32, #tpu.memory_space<hbm>> -> memref<1x1024xi32, #tpu.memory_space<hbm>>
    %dma_start3A_182 = tpu.memref_squeeze %dma_start3A_181 : memref<1x1024xi32, #tpu.memory_space<hbm>> -> memref<1024xi32, #tpu.memory_space<hbm>>
    %dma_start3A_183 = arith.constant 13312 : i32
    %dma_start3A_184 = tpu.memref_slice %arg6[%dma_start3A_183] : memref<65536xi32, #tpu.memory_space<vmem>> -> memref<1024xi32, #tpu.memory_space<vmem>>
    %dma_start3A_185 = arith.constant 0 : i32
    %dma_start3A_186 = tpu.memref_slice %arg3[%dma_start3A_177, %dma_start3A_185] : memref<32x10240xi32, #tpu.memory_space<hbm>> -> memref<1x1024xi32, #tpu.memory_space<hbm>>
    %dma_start3A_187 = tpu.memref_squeeze %dma_start3A_186 : memref<1x1024xi32, #tpu.memory_space<hbm>> -> memref<1024xi32, #tpu.memory_space<hbm>>
    tpu.enqueue_dma source(%dma_start3A_187 : memref<1024xi32, #tpu.memory_space<hbm>>) target(%dma_start3A_184 : memref<1024xi32, #tpu.memory_space<vmem>>) target_semaphore(%arg9 : memref<!tpu.dma_semaphore, #tpu.memory_space<semaphore_mem>>)
    %dma_start3A_188 = arith.constant 14 : i32
    %dma_start3A_189 = arith.constant 14336 : i32
    %dma_start3A_190 = tpu.memref_slice %arg6[%dma_start3A_189] : memref<65536xi32, #tpu.memory_space<vmem>> -> memref<1024xi32, #tpu.memory_space<vmem>>
    %dma_start3A_191 = arith.constant 0 : i32
    %dma_start3A_192 = tpu.memref_slice %arg3[%dma_start3A_188, %dma_start3A_191] : memref<32x10240xi32, #tpu.memory_space<hbm>> -> memref<1x1024xi32, #tpu.memory_space<hbm>>
    %dma_start3A_193 = tpu.memref_squeeze %dma_start3A_192 : memref<1x1024xi32, #tpu.memory_space<hbm>> -> memref<1024xi32, #tpu.memory_space<hbm>>
    %dma_start3A_194 = arith.constant 14336 : i32
    %dma_start3A_195 = tpu.memref_slice %arg6[%dma_start3A_194] : memref<65536xi32, #tpu.memory_space<vmem>> -> memref<1024xi32, #tpu.memory_space<vmem>>
    %dma_start3A_196 = arith.constant 0 : i32
    %dma_start3A_197 = tpu.memref_slice %arg3[%dma_start3A_188, %dma_start3A_196] : memref<32x10240xi32, #tpu.memory_space<hbm>> -> memref<1x1024xi32, #tpu.memory_space<hbm>>
    %dma_start3A_198 = tpu.memref_squeeze %dma_start3A_197 : memref<1x1024xi32, #tpu.memory_space<hbm>> -> memref<1024xi32, #tpu.memory_space<hbm>>
    tpu.enqueue_dma source(%dma_start3A_198 : memref<1024xi32, #tpu.memory_space<hbm>>) target(%dma_start3A_195 : memref<1024xi32, #tpu.memory_space<vmem>>) target_semaphore(%arg9 : memref<!tpu.dma_semaphore, #tpu.memory_space<semaphore_mem>>)
    %dma_start3A_199 = arith.constant 15 : i32
    %dma_start3A_200 = arith.constant 15360 : i32
    %dma_start3A_201 = tpu.memref_slice %arg6[%dma_start3A_200] : memref<65536xi32, #tpu.memory_space<vmem>> -> memref<1024xi32, #tpu.memory_space<vmem>>
    %dma_start3A_202 = arith.constant 0 : i32
    %dma_start3A_203 = tpu.memref_slice %arg3[%dma_start3A_199, %dma_start3A_202] : memref<32x10240xi32, #tpu.memory_space<hbm>> -> memref<1x1024xi32, #tpu.memory_space<hbm>>
    %dma_start3A_204 = tpu.memref_squeeze %dma_start3A_203 : memref<1x1024xi32, #tpu.memory_space<hbm>> -> memref<1024xi32, #tpu.memory_space<hbm>>
    %dma_start3A_205 = arith.constant 15360 : i32
    %dma_start3A_206 = tpu.memref_slice %arg6[%dma_start3A_205] : memref<65536xi32, #tpu.memory_space<vmem>> -> memref<1024xi32, #tpu.memory_space<vmem>>
    %dma_start3A_207 = arith.constant 0 : i32
    %dma_start3A_208 = tpu.memref_slice %arg3[%dma_start3A_199, %dma_start3A_207] : memref<32x10240xi32, #tpu.memory_space<hbm>> -> memref<1x1024xi32, #tpu.memory_space<hbm>>
    %dma_start3A_209 = tpu.memref_squeeze %dma_start3A_208 : memref<1x1024xi32, #tpu.memory_space<hbm>> -> memref<1024xi32, #tpu.memory_space<hbm>>
    tpu.enqueue_dma source(%dma_start3A_209 : memref<1024xi32, #tpu.memory_space<hbm>>) target(%dma_start3A_206 : memref<1024xi32, #tpu.memory_space<vmem>>) target_semaphore(%arg9 : memref<!tpu.dma_semaphore, #tpu.memory_space<semaphore_mem>>)
    %dma_start3A_210 = arith.constant 16 : i32
    %dma_start3A_211 = arith.constant 16384 : i32
    %dma_start3A_212 = tpu.memref_slice %arg6[%dma_start3A_211] : memref<65536xi32, #tpu.memory_space<vmem>> -> memref<1024xi32, #tpu.memory_space<vmem>>
    %dma_start3A_213 = arith.constant 0 : i32
    %dma_start3A_214 = tpu.memref_slice %arg3[%dma_start3A_210, %dma_start3A_213] : memref<32x10240xi32, #tpu.memory_space<hbm>> -> memref<1x1024xi32, #tpu.memory_space<hbm>>
    %dma_start3A_215 = tpu.memref_squeeze %dma_start3A_214 : memref<1x1024xi32, #tpu.memory_space<hbm>> -> memref<1024xi32, #tpu.memory_space<hbm>>
    %dma_start3A_216 = arith.constant 16384 : i32
    %dma_start3A_217 = tpu.memref_slice %arg6[%dma_start3A_216] : memref<65536xi32, #tpu.memory_space<vmem>> -> memref<1024xi32, #tpu.memory_space<vmem>>
    %dma_start3A_218 = arith.constant 0 : i32
    %dma_start3A_219 = tpu.memref_slice %arg3[%dma_start3A_210, %dma_start3A_218] : memref<32x10240xi32, #tpu.memory_space<hbm>> -> memref<1x1024xi32, #tpu.memory_space<hbm>>
    %dma_start3A_220 = tpu.memref_squeeze %dma_start3A_219 : memref<1x1024xi32, #tpu.memory_space<hbm>> -> memref<1024xi32, #tpu.memory_space<hbm>>
    tpu.enqueue_dma source(%dma_start3A_220 : memref<1024xi32, #tpu.memory_space<hbm>>) target(%dma_start3A_217 : memref<1024xi32, #tpu.memory_space<vmem>>) target_semaphore(%arg9 : memref<!tpu.dma_semaphore, #tpu.memory_space<semaphore_mem>>)
    %dma_start3A_221 = arith.constant 17 : i32
    %dma_start3A_222 = arith.constant 17408 : i32
    %dma_start3A_223 = tpu.memref_slice %arg6[%dma_start3A_222] : memref<65536xi32, #tpu.memory_space<vmem>> -> memref<1024xi32, #tpu.memory_space<vmem>>
    %dma_start3A_224 = arith.constant 0 : i32
    %dma_start3A_225 = tpu.memref_slice %arg3[%dma_start3A_221, %dma_start3A_224] : memref<32x10240xi32, #tpu.memory_space<hbm>> -> memref<1x1024xi32, #tpu.memory_space<hbm>>
    %dma_start3A_226 = tpu.memref_squeeze %dma_start3A_225 : memref<1x1024xi32, #tpu.memory_space<hbm>> -> memref<1024xi32, #tpu.memory_space<hbm>>
    %dma_start3A_227 = arith.constant 17408 : i32
    %dma_start3A_228 = tpu.memref_slice %arg6[%dma_start3A_227] : memref<65536xi32, #tpu.memory_space<vmem>> -> memref<1024xi32, #tpu.memory_space<vmem>>
    %dma_start3A_229 = arith.constant 0 : i32
    %dma_start3A_230 = tpu.memref_slice %arg3[%dma_start3A_221, %dma_start3A_229] : memref<32x10240xi32, #tpu.memory_space<hbm>> -> memref<1x1024xi32, #tpu.memory_space<hbm>>
    %dma_start3A_231 = tpu.memref_squeeze %dma_start3A_230 : memref<1x1024xi32, #tpu.memory_space<hbm>> -> memref<1024xi32, #tpu.memory_space<hbm>>
    tpu.enqueue_dma source(%dma_start3A_231 : memref<1024xi32, #tpu.memory_space<hbm>>) target(%dma_start3A_228 : memref<1024xi32, #tpu.memory_space<vmem>>) target_semaphore(%arg9 : memref<!tpu.dma_semaphore, #tpu.memory_space<semaphore_mem>>)
    %dma_start3A_232 = arith.constant 18 : i32
    %dma_start3A_233 = arith.constant 18432 : i32
    %dma_start3A_234 = tpu.memref_slice %arg6[%dma_start3A_233] : memref<65536xi32, #tpu.memory_space<vmem>> -> memref<1024xi32, #tpu.memory_space<vmem>>
    %dma_start3A_235 = arith.constant 0 : i32
    %dma_start3A_236 = tpu.memref_slice %arg3[%dma_start3A_232, %dma_start3A_235] : memref<32x10240xi32, #tpu.memory_space<hbm>> -> memref<1x1024xi32, #tpu.memory_space<hbm>>
    %dma_start3A_237 = tpu.memref_squeeze %dma_start3A_236 : memref<1x1024xi32, #tpu.memory_space<hbm>> -> memref<1024xi32, #tpu.memory_space<hbm>>
    %dma_start3A_238 = arith.constant 18432 : i32
    %dma_start3A_239 = tpu.memref_slice %arg6[%dma_start3A_238] : memref<65536xi32, #tpu.memory_space<vmem>> -> memref<1024xi32, #tpu.memory_space<vmem>>
    %dma_start3A_240 = arith.constant 0 : i32
    %dma_start3A_241 = tpu.memref_slice %arg3[%dma_start3A_232, %dma_start3A_240] : memref<32x10240xi32, #tpu.memory_space<hbm>> -> memref<1x1024xi32, #tpu.memory_space<hbm>>
    %dma_start3A_242 = tpu.memref_squeeze %dma_start3A_241 : memref<1x1024xi32, #tpu.memory_space<hbm>> -> memref<1024xi32, #tpu.memory_space<hbm>>
    tpu.enqueue_dma source(%dma_start3A_242 : memref<1024xi32, #tpu.memory_space<hbm>>) target(%dma_start3A_239 : memref<1024xi32, #tpu.memory_space<vmem>>) target_semaphore(%arg9 : memref<!tpu.dma_semaphore, #tpu.memory_space<semaphore_mem>>)
    %dma_start3A_243 = arith.constant 19 : i32
    %dma_start3A_244 = arith.constant 19456 : i32
    %dma_start3A_245 = tpu.memref_slice %arg6[%dma_start3A_244] : memref<65536xi32, #tpu.memory_space<vmem>> -> memref<1024xi32, #tpu.memory_space<vmem>>
    %dma_start3A_246 = arith.constant 0 : i32
    %dma_start3A_247 = tpu.memref_slice %arg3[%dma_start3A_243, %dma_start3A_246] : memref<32x10240xi32, #tpu.memory_space<hbm>> -> memref<1x1024xi32, #tpu.memory_space<hbm>>
    %dma_start3A_248 = tpu.memref_squeeze %dma_start3A_247 : memref<1x1024xi32, #tpu.memory_space<hbm>> -> memref<1024xi32, #tpu.memory_space<hbm>>
    %dma_start3A_249 = arith.constant 19456 : i32
    %dma_start3A_250 = tpu.memref_slice %arg6[%dma_start3A_249] : memref<65536xi32, #tpu.memory_space<vmem>> -> memref<1024xi32, #tpu.memory_space<vmem>>
    %dma_start3A_251 = arith.constant 0 : i32
    %dma_start3A_252 = tpu.memref_slice %arg3[%dma_start3A_243, %dma_start3A_251] : memref<32x10240xi32, #tpu.memory_space<hbm>> -> memref<1x1024xi32, #tpu.memory_space<hbm>>
    %dma_start3A_253 = tpu.memref_squeeze %dma_start3A_252 : memref<1x1024xi32, #tpu.memory_space<hbm>> -> memref<1024xi32, #tpu.memory_space<hbm>>
    tpu.enqueue_dma source(%dma_start3A_253 : memref<1024xi32, #tpu.memory_space<hbm>>) target(%dma_start3A_250 : memref<1024xi32, #tpu.memory_space<vmem>>) target_semaphore(%arg9 : memref<!tpu.dma_semaphore, #tpu.memory_space<semaphore_mem>>)
    %dma_start3A_254 = arith.constant 20 : i32
    %dma_start3A_255 = arith.constant 20480 : i32
    %dma_start3A_256 = tpu.memref_slice %arg6[%dma_start3A_255] : memref<65536xi32, #tpu.memory_space<vmem>> -> memref<1024xi32, #tpu.memory_space<vmem>>
    %dma_start3A_257 = arith.constant 0 : i32
    %dma_start3A_258 = tpu.memref_slice %arg3[%dma_start3A_254, %dma_start3A_257] : memref<32x10240xi32, #tpu.memory_space<hbm>> -> memref<1x1024xi32, #tpu.memory_space<hbm>>
    %dma_start3A_259 = tpu.memref_squeeze %dma_start3A_258 : memref<1x1024xi32, #tpu.memory_space<hbm>> -> memref<1024xi32, #tpu.memory_space<hbm>>
    %dma_start3A_260 = arith.constant 20480 : i32
    %dma_start3A_261 = tpu.memref_slice %arg6[%dma_start3A_260] : memref<65536xi32, #tpu.memory_space<vmem>> -> memref<1024xi32, #tpu.memory_space<vmem>>
    %dma_start3A_262 = arith.constant 0 : i32
    %dma_start3A_263 = tpu.memref_slice %arg3[%dma_start3A_254, %dma_start3A_262] : memref<32x10240xi32, #tpu.memory_space<hbm>> -> memref<1x1024xi32, #tpu.memory_space<hbm>>
    %dma_start3A_264 = tpu.memref_squeeze %dma_start3A_263 : memref<1x1024xi32, #tpu.memory_space<hbm>> -> memref<1024xi32, #tpu.memory_space<hbm>>
    tpu.enqueue_dma source(%dma_start3A_264 : memref<1024xi32, #tpu.memory_space<hbm>>) target(%dma_start3A_261 : memref<1024xi32, #tpu.memory_space<vmem>>) target_semaphore(%arg9 : memref<!tpu.dma_semaphore, #tpu.memory_space<semaphore_mem>>)
    %dma_start3A_265 = arith.constant 21 : i32
    %dma_start3A_266 = arith.constant 21504 : i32
    %dma_start3A_267 = tpu.memref_slice %arg6[%dma_start3A_266] : memref<65536xi32, #tpu.memory_space<vmem>> -> memref<1024xi32, #tpu.memory_space<vmem>>
    %dma_start3A_268 = arith.constant 0 : i32
    %dma_start3A_269 = tpu.memref_slice %arg3[%dma_start3A_265, %dma_start3A_268] : memref<32x10240xi32, #tpu.memory_space<hbm>> -> memref<1x1024xi32, #tpu.memory_space<hbm>>
    %dma_start3A_270 = tpu.memref_squeeze %dma_start3A_269 : memref<1x1024xi32, #tpu.memory_space<hbm>> -> memref<1024xi32, #tpu.memory_space<hbm>>
    %dma_start3A_271 = arith.constant 21504 : i32
    %dma_start3A_272 = tpu.memref_slice %arg6[%dma_start3A_271] : memref<65536xi32, #tpu.memory_space<vmem>> -> memref<1024xi32, #tpu.memory_space<vmem>>
    %dma_start3A_273 = arith.constant 0 : i32
    %dma_start3A_274 = tpu.memref_slice %arg3[%dma_start3A_265, %dma_start3A_273] : memref<32x10240xi32, #tpu.memory_space<hbm>> -> memref<1x1024xi32, #tpu.memory_space<hbm>>
    %dma_start3A_275 = tpu.memref_squeeze %dma_start3A_274 : memref<1x1024xi32, #tpu.memory_space<hbm>> -> memref<1024xi32, #tpu.memory_space<hbm>>
    tpu.enqueue_dma source(%dma_start3A_275 : memref<1024xi32, #tpu.memory_space<hbm>>) target(%dma_start3A_272 : memref<1024xi32, #tpu.memory_space<vmem>>) target_semaphore(%arg9 : memref<!tpu.dma_semaphore, #tpu.memory_space<semaphore_mem>>)
    %dma_start3A_276 = arith.constant 22 : i32
    %dma_start3A_277 = arith.constant 22528 : i32
    %dma_start3A_278 = tpu.memref_slice %arg6[%dma_start3A_277] : memref<65536xi32, #tpu.memory_space<vmem>> -> memref<1024xi32, #tpu.memory_space<vmem>>
    %dma_start3A_279 = arith.constant 0 : i32
    %dma_start3A_280 = tpu.memref_slice %arg3[%dma_start3A_276, %dma_start3A_279] : memref<32x10240xi32, #tpu.memory_space<hbm>> -> memref<1x1024xi32, #tpu.memory_space<hbm>>
    %dma_start3A_281 = tpu.memref_squeeze %dma_start3A_280 : memref<1x1024xi32, #tpu.memory_space<hbm>> -> memref<1024xi32, #tpu.memory_space<hbm>>
    %dma_start3A_282 = arith.constant 22528 : i32
    %dma_start3A_283 = tpu.memref_slice %arg6[%dma_start3A_282] : memref<65536xi32, #tpu.memory_space<vmem>> -> memref<1024xi32, #tpu.memory_space<vmem>>
    %dma_start3A_284 = arith.constant 0 : i32
    %dma_start3A_285 = tpu.memref_slice %arg3[%dma_start3A_276, %dma_start3A_284] : memref<32x10240xi32, #tpu.memory_space<hbm>> -> memref<1x1024xi32, #tpu.memory_space<hbm>>
    %dma_start3A_286 = tpu.memref_squeeze %dma_start3A_285 : memref<1x1024xi32, #tpu.memory_space<hbm>> -> memref<1024xi32, #tpu.memory_space<hbm>>
    tpu.enqueue_dma source(%dma_start3A_286 : memref<1024xi32, #tpu.memory_space<hbm>>) target(%dma_start3A_283 : memref<1024xi32, #tpu.memory_space<vmem>>) target_semaphore(%arg9 : memref<!tpu.dma_semaphore, #tpu.memory_space<semaphore_mem>>)
    %dma_start3A_287 = arith.constant 23 : i32
    %dma_start3A_288 = arith.constant 23552 : i32
    %dma_start3A_289 = tpu.memref_slice %arg6[%dma_start3A_288] : memref<65536xi32, #tpu.memory_space<vmem>> -> memref<1024xi32, #tpu.memory_space<vmem>>
    %dma_start3A_290 = arith.constant 0 : i32
    %dma_start3A_291 = tpu.memref_slice %arg3[%dma_start3A_287, %dma_start3A_290] : memref<32x10240xi32, #tpu.memory_space<hbm>> -> memref<1x1024xi32, #tpu.memory_space<hbm>>
    %dma_start3A_292 = tpu.memref_squeeze %dma_start3A_291 : memref<1x1024xi32, #tpu.memory_space<hbm>> -> memref<1024xi32, #tpu.memory_space<hbm>>
    %dma_start3A_293 = arith.constant 23552 : i32
    %dma_start3A_294 = tpu.memref_slice %arg6[%dma_start3A_293] : memref<65536xi32, #tpu.memory_space<vmem>> -> memref<1024xi32, #tpu.memory_space<vmem>>
    %dma_start3A_295 = arith.constant 0 : i32
    %dma_start3A_296 = tpu.memref_slice %arg3[%dma_start3A_287, %dma_start3A_295] : memref<32x10240xi32, #tpu.memory_space<hbm>> -> memref<1x1024xi32, #tpu.memory_space<hbm>>
    %dma_start3A_297 = tpu.memref_squeeze %dma_start3A_296 : memref<1x1024xi32, #tpu.memory_space<hbm>> -> memref<1024xi32, #tpu.memory_space<hbm>>
    tpu.enqueue_dma source(%dma_start3A_297 : memref<1024xi32, #tpu.memory_space<hbm>>) target(%dma_start3A_294 : memref<1024xi32, #tpu.memory_space<vmem>>) target_semaphore(%arg9 : memref<!tpu.dma_semaphore, #tpu.memory_space<semaphore_mem>>)
    %dma_start3A_298 = arith.constant 24 : i32
    %dma_start3A_299 = arith.constant 24576 : i32
    %dma_start3A_300 = tpu.memref_slice %arg6[%dma_start3A_299] : memref<65536xi32, #tpu.memory_space<vmem>> -> memref<1024xi32, #tpu.memory_space<vmem>>
    %dma_start3A_301 = arith.constant 0 : i32
    %dma_start3A_302 = tpu.memref_slice %arg3[%dma_start3A_298, %dma_start3A_301] : memref<32x10240xi32, #tpu.memory_space<hbm>> -> memref<1x1024xi32, #tpu.memory_space<hbm>>
    %dma_start3A_303 = tpu.memref_squeeze %dma_start3A_302 : memref<1x1024xi32, #tpu.memory_space<hbm>> -> memref<1024xi32, #tpu.memory_space<hbm>>
    %dma_start3A_304 = arith.constant 24576 : i32
    %dma_start3A_305 = tpu.memref_slice %arg6[%dma_start3A_304] : memref<65536xi32, #tpu.memory_space<vmem>> -> memref<1024xi32, #tpu.memory_space<vmem>>
    %dma_start3A_306 = arith.constant 0 : i32
    %dma_start3A_307 = tpu.memref_slice %arg3[%dma_start3A_298, %dma_start3A_306] : memref<32x10240xi32, #tpu.memory_space<hbm>> -> memref<1x1024xi32, #tpu.memory_space<hbm>>
    %dma_start3A_308 = tpu.memref_squeeze %dma_start3A_307 : memref<1x1024xi32, #tpu.memory_space<hbm>> -> memref<1024xi32, #tpu.memory_space<hbm>>
    tpu.enqueue_dma source(%dma_start3A_308 : memref<1024xi32, #tpu.memory_space<hbm>>) target(%dma_start3A_305 : memref<1024xi32, #tpu.memory_space<vmem>>) target_semaphore(%arg9 : memref<!tpu.dma_semaphore, #tpu.memory_space<semaphore_mem>>)
    %dma_start3A_309 = arith.constant 25 : i32
    %dma_start3A_310 = arith.constant 25600 : i32
    %dma_start3A_311 = tpu.memref_slice %arg6[%dma_start3A_310] : memref<65536xi32, #tpu.memory_space<vmem>> -> memref<1024xi32, #tpu.memory_space<vmem>>
    %dma_start3A_312 = arith.constant 0 : i32
    %dma_start3A_313 = tpu.memref_slice %arg3[%dma_start3A_309, %dma_start3A_312] : memref<32x10240xi32, #tpu.memory_space<hbm>> -> memref<1x1024xi32, #tpu.memory_space<hbm>>
    %dma_start3A_314 = tpu.memref_squeeze %dma_start3A_313 : memref<1x1024xi32, #tpu.memory_space<hbm>> -> memref<1024xi32, #tpu.memory_space<hbm>>
    %dma_start3A_315 = arith.constant 25600 : i32
    %dma_start3A_316 = tpu.memref_slice %arg6[%dma_start3A_315] : memref<65536xi32, #tpu.memory_space<vmem>> -> memref<1024xi32, #tpu.memory_space<vmem>>
    %dma_start3A_317 = arith.constant 0 : i32
    %dma_start3A_318 = tpu.memref_slice %arg3[%dma_start3A_309, %dma_start3A_317] : memref<32x10240xi32, #tpu.memory_space<hbm>> -> memref<1x1024xi32, #tpu.memory_space<hbm>>
    %dma_start3A_319 = tpu.memref_squeeze %dma_start3A_318 : memref<1x1024xi32, #tpu.memory_space<hbm>> -> memref<1024xi32, #tpu.memory_space<hbm>>
    tpu.enqueue_dma source(%dma_start3A_319 : memref<1024xi32, #tpu.memory_space<hbm>>) target(%dma_start3A_316 : memref<1024xi32, #tpu.memory_space<vmem>>) target_semaphore(%arg9 : memref<!tpu.dma_semaphore, #tpu.memory_space<semaphore_mem>>)
    %dma_start3A_320 = arith.constant 26 : i32
    %dma_start3A_321 = arith.constant 26624 : i32
    %dma_start3A_322 = tpu.memref_slice %arg6[%dma_start3A_321] : memref<65536xi32, #tpu.memory_space<vmem>> -> memref<1024xi32, #tpu.memory_space<vmem>>
    %dma_start3A_323 = arith.constant 0 : i32
    %dma_start3A_324 = tpu.memref_slice %arg3[%dma_start3A_320, %dma_start3A_323] : memref<32x10240xi32, #tpu.memory_space<hbm>> -> memref<1x1024xi32, #tpu.memory_space<hbm>>
    %dma_start3A_325 = tpu.memref_squeeze %dma_start3A_324 : memref<1x1024xi32, #tpu.memory_space<hbm>> -> memref<1024xi32, #tpu.memory_space<hbm>>
    %dma_start3A_326 = arith.constant 26624 : i32
    %dma_start3A_327 = tpu.memref_slice %arg6[%dma_start3A_326] : memref<65536xi32, #tpu.memory_space<vmem>> -> memref<1024xi32, #tpu.memory_space<vmem>>
    %dma_start3A_328 = arith.constant 0 : i32
    %dma_start3A_329 = tpu.memref_slice %arg3[%dma_start3A_320, %dma_start3A_328] : memref<32x10240xi32, #tpu.memory_space<hbm>> -> memref<1x1024xi32, #tpu.memory_space<hbm>>
    %dma_start3A_330 = tpu.memref_squeeze %dma_start3A_329 : memref<1x1024xi32, #tpu.memory_space<hbm>> -> memref<1024xi32, #tpu.memory_space<hbm>>
    tpu.enqueue_dma source(%dma_start3A_330 : memref<1024xi32, #tpu.memory_space<hbm>>) target(%dma_start3A_327 : memref<1024xi32, #tpu.memory_space<vmem>>) target_semaphore(%arg9 : memref<!tpu.dma_semaphore, #tpu.memory_space<semaphore_mem>>)
    %dma_start3A_331 = arith.constant 27 : i32
    %dma_start3A_332 = arith.constant 27648 : i32
    %dma_start3A_333 = tpu.memref_slice %arg6[%dma_start3A_332] : memref<65536xi32, #tpu.memory_space<vmem>> -> memref<1024xi32, #tpu.memory_space<vmem>>
    %dma_start3A_334 = arith.constant 0 : i32
    %dma_start3A_335 = tpu.memref_slice %arg3[%dma_start3A_331, %dma_start3A_334] : memref<32x10240xi32, #tpu.memory_space<hbm>> -> memref<1x1024xi32, #tpu.memory_space<hbm>>
    %dma_start3A_336 = tpu.memref_squeeze %dma_start3A_335 : memref<1x1024xi32, #tpu.memory_space<hbm>> -> memref<1024xi32, #tpu.memory_space<hbm>>
    %dma_start3A_337 = arith.constant 27648 : i32
    %dma_start3A_338 = tpu.memref_slice %arg6[%dma_start3A_337] : memref<65536xi32, #tpu.memory_space<vmem>> -> memref<1024xi32, #tpu.memory_space<vmem>>
    %dma_start3A_339 = arith.constant 0 : i32
    %dma_start3A_340 = tpu.memref_slice %arg3[%dma_start3A_331, %dma_start3A_339] : memref<32x10240xi32, #tpu.memory_space<hbm>> -> memref<1x1024xi32, #tpu.memory_space<hbm>>
    %dma_start3A_341 = tpu.memref_squeeze %dma_start3A_340 : memref<1x1024xi32, #tpu.memory_space<hbm>> -> memref<1024xi32, #tpu.memory_space<hbm>>
    tpu.enqueue_dma source(%dma_start3A_341 : memref<1024xi32, #tpu.memory_space<hbm>>) target(%dma_start3A_338 : memref<1024xi32, #tpu.memory_space<vmem>>) target_semaphore(%arg9 : memref<!tpu.dma_semaphore, #tpu.memory_space<semaphore_mem>>)
    %dma_start3A_342 = arith.constant 28 : i32
    %dma_start3A_343 = arith.constant 28672 : i32
    %dma_start3A_344 = tpu.memref_slice %arg6[%dma_start3A_343] : memref<65536xi32, #tpu.memory_space<vmem>> -> memref<1024xi32, #tpu.memory_space<vmem>>
    %dma_start3A_345 = arith.constant 0 : i32
    %dma_start3A_346 = tpu.memref_slice %arg3[%dma_start3A_342, %dma_start3A_345] : memref<32x10240xi32, #tpu.memory_space<hbm>> -> memref<1x1024xi32, #tpu.memory_space<hbm>>
    %dma_start3A_347 = tpu.memref_squeeze %dma_start3A_346 : memref<1x1024xi32, #tpu.memory_space<hbm>> -> memref<1024xi32, #tpu.memory_space<hbm>>
    %dma_start3A_348 = arith.constant 28672 : i32
    %dma_start3A_349 = tpu.memref_slice %arg6[%dma_start3A_348] : memref<65536xi32, #tpu.memory_space<vmem>> -> memref<1024xi32, #tpu.memory_space<vmem>>
    %dma_start3A_350 = arith.constant 0 : i32
    %dma_start3A_351 = tpu.memref_slice %arg3[%dma_start3A_342, %dma_start3A_350] : memref<32x10240xi32, #tpu.memory_space<hbm>> -> memref<1x1024xi32, #tpu.memory_space<hbm>>
    %dma_start3A_352 = tpu.memref_squeeze %dma_start3A_351 : memref<1x1024xi32, #tpu.memory_space<hbm>> -> memref<1024xi32, #tpu.memory_space<hbm>>
    tpu.enqueue_dma source(%dma_start3A_352 : memref<1024xi32, #tpu.memory_space<hbm>>) target(%dma_start3A_349 : memref<1024xi32, #tpu.memory_space<vmem>>) target_semaphore(%arg9 : memref<!tpu.dma_semaphore, #tpu.memory_space<semaphore_mem>>)
    %dma_start3A_353 = arith.constant 29 : i32
    %dma_start3A_354 = arith.constant 29696 : i32
    %dma_start3A_355 = tpu.memref_slice %arg6[%dma_start3A_354] : memref<65536xi32, #tpu.memory_space<vmem>> -> memref<1024xi32, #tpu.memory_space<vmem>>
    %dma_start3A_356 = arith.constant 0 : i32
    %dma_start3A_357 = tpu.memref_slice %arg3[%dma_start3A_353, %dma_start3A_356] : memref<32x10240xi32, #tpu.memory_space<hbm>> -> memref<1x1024xi32, #tpu.memory_space<hbm>>
    %dma_start3A_358 = tpu.memref_squeeze %dma_start3A_357 : memref<1x1024xi32, #tpu.memory_space<hbm>> -> memref<1024xi32, #tpu.memory_space<hbm>>
    %dma_start3A_359 = arith.constant 29696 : i32
    %dma_start3A_360 = tpu.memref_slice %arg6[%dma_start3A_359] : memref<65536xi32, #tpu.memory_space<vmem>> -> memref<1024xi32, #tpu.memory_space<vmem>>
    %dma_start3A_361 = arith.constant 0 : i32
    %dma_start3A_362 = tpu.memref_slice %arg3[%dma_start3A_353, %dma_start3A_361] : memref<32x10240xi32, #tpu.memory_space<hbm>> -> memref<1x1024xi32, #tpu.memory_space<hbm>>
    %dma_start3A_363 = tpu.memref_squeeze %dma_start3A_362 : memref<1x1024xi32, #tpu.memory_space<hbm>> -> memref<1024xi32, #tpu.memory_space<hbm>>
    tpu.enqueue_dma source(%dma_start3A_363 : memref<1024xi32, #tpu.memory_space<hbm>>) target(%dma_start3A_360 : memref<1024xi32, #tpu.memory_space<vmem>>) target_semaphore(%arg9 : memref<!tpu.dma_semaphore, #tpu.memory_space<semaphore_mem>>)
    %dma_start3A_364 = arith.constant 30 : i32
    %dma_start3A_365 = arith.constant 30720 : i32
    %dma_start3A_366 = tpu.memref_slice %arg6[%dma_start3A_365] : memref<65536xi32, #tpu.memory_space<vmem>> -> memref<1024xi32, #tpu.memory_space<vmem>>
    %dma_start3A_367 = arith.constant 0 : i32
    %dma_start3A_368 = tpu.memref_slice %arg3[%dma_start3A_364, %dma_start3A_367] : memref<32x10240xi32, #tpu.memory_space<hbm>> -> memref<1x1024xi32, #tpu.memory_space<hbm>>
    %dma_start3A_369 = tpu.memref_squeeze %dma_start3A_368 : memref<1x1024xi32, #tpu.memory_space<hbm>> -> memref<1024xi32, #tpu.memory_space<hbm>>
    %dma_start3A_370 = arith.constant 30720 : i32
    %dma_start3A_371 = tpu.memref_slice %arg6[%dma_start3A_370] : memref<65536xi32, #tpu.memory_space<vmem>> -> memref<1024xi32, #tpu.memory_space<vmem>>
    %dma_start3A_372 = arith.constant 0 : i32
    %dma_start3A_373 = tpu.memref_slice %arg3[%dma_start3A_364, %dma_start3A_372] : memref<32x10240xi32, #tpu.memory_space<hbm>> -> memref<1x1024xi32, #tpu.memory_space<hbm>>
    %dma_start3A_374 = tpu.memref_squeeze %dma_start3A_373 : memref<1x1024xi32, #tpu.memory_space<hbm>> -> memref<1024xi32, #tpu.memory_space<hbm>>
    tpu.enqueue_dma source(%dma_start3A_374 : memref<1024xi32, #tpu.memory_space<hbm>>) target(%dma_start3A_371 : memref<1024xi32, #tpu.memory_space<vmem>>) target_semaphore(%arg9 : memref<!tpu.dma_semaphore, #tpu.memory_space<semaphore_mem>>)
    %dma_start3A_375 = arith.constant 31 : i32
    %dma_start3A_376 = arith.constant 31744 : i32
    %dma_start3A_377 = tpu.memref_slice %arg6[%dma_start3A_376] : memref<65536xi32, #tpu.memory_space<vmem>> -> memref<1024xi32, #tpu.memory_space<vmem>>
    %dma_start3A_378 = arith.constant 0 : i32
    %dma_start3A_379 = tpu.memref_slice %arg3[%dma_start3A_375, %dma_start3A_378] : memref<32x10240xi32, #tpu.memory_space<hbm>> -> memref<1x1024xi32, #tpu.memory_space<hbm>>
    %dma_start3A_380 = tpu.memref_squeeze %dma_start3A_379 : memref<1x1024xi32, #tpu.memory_space<hbm>> -> memref<1024xi32, #tpu.memory_space<hbm>>
    %dma_start3A_381 = arith.constant 31744 : i32
    %dma_start3A_382 = tpu.memref_slice %arg6[%dma_start3A_381] : memref<65536xi32, #tpu.memory_space<vmem>> -> memref<1024xi32, #tpu.memory_space<vmem>>
    %dma_start3A_383 = arith.constant 0 : i32
    %dma_start3A_384 = tpu.memref_slice %arg3[%dma_start3A_375, %dma_start3A_383] : memref<32x10240xi32, #tpu.memory_space<hbm>> -> memref<1x1024xi32, #tpu.memory_space<hbm>>
    %dma_start3A_385 = tpu.memref_squeeze %dma_start3A_384 : memref<1x1024xi32, #tpu.memory_space<hbm>> -> memref<1024xi32, #tpu.memory_space<hbm>>
    tpu.enqueue_dma source(%dma_start3A_385 : memref<1024xi32, #tpu.memory_space<hbm>>) target(%dma_start3A_382 : memref<1024xi32, #tpu.memory_space<vmem>>) target_semaphore(%arg9 : memref<!tpu.dma_semaphore, #tpu.memory_space<semaphore_mem>>)
    %add3A_386 = arith.constant 0 : i32
    %add3A_387 = arith.addi %mul3A_2, %add3A_386 : i32
    %dma_wait3A = arith.constant 0 : i32
    %dma_wait3A_388 = tpu.memref_slice %arg5[%dma_wait3A] : memref<20480xi32, #tpu.memory_space<vmem>> -> memref<10240xi32, #tpu.memory_space<vmem>>
    %dma_wait3A_389 = arith.constant 0 : i32
    %dma_wait3A_390 = tpu.memref_slice %arg2[%add3A_387, %dma_wait3A_389] : memref<64x10240xi32, #tpu.memory_space<hbm>> -> memref<1x10240xi32, #tpu.memory_space<hbm>>
    %dma_wait3A_391 = tpu.memref_squeeze %dma_wait3A_390 : memref<1x10240xi32, #tpu.memory_space<hbm>> -> memref<10240xi32, #tpu.memory_space<hbm>>
    %dma_wait3A_392 = arith.constant 0 : i32
    %dma_wait3A_393 = tpu.memref_slice %arg5[%dma_wait3A_392] : memref<20480xi32, #tpu.memory_space<vmem>> -> memref<10240xi32, #tpu.memory_space<vmem>>
    %dma_wait3A_394 = arith.constant 0 : i32
    %dma_wait3A_395 = tpu.memref_slice %arg2[%add3A_387, %dma_wait3A_394] : memref<64x10240xi32, #tpu.memory_space<hbm>> -> memref<1x10240xi32, #tpu.memory_space<hbm>>
    %dma_wait3A_396 = tpu.memref_squeeze %dma_wait3A_395 : memref<1x10240xi32, #tpu.memory_space<hbm>> -> memref<10240xi32, #tpu.memory_space<hbm>>
    tpu.wait_dma2 semaphore(%arg8 : memref<!tpu.dma_semaphore, #tpu.memory_space<semaphore_mem>>) src(%dma_wait3A_396 : memref<10240xi32, #tpu.memory_space<hbm>>) dst(%dma_wait3A_393 : memref<10240xi32, #tpu.memory_space<vmem>>)
    %broadcast_in_dim3A = arith.constant 32768 : i32
    %broadcast_in_dim3A_397 = vector.broadcast %broadcast_in_dim3A : i32 to vector<16xi32>
    %swap3A = arith.constant 10000 : index
    %swap3A_398 = tpu.vector_load %arg5[%swap3A] {strides = array<i32>} : memref<20480xi32, #tpu.memory_space<vmem>>, vector<16xi32>,
    tpu.vector_store %arg5[%swap3A], %broadcast_in_dim3A_397 {strides = array<i32>} : memref<20480xi32, #tpu.memory_space<vmem>>, vector<16xi32>,
    %add3A_399 = arith.constant 1 : i32
    %add3A_400 = arith.addi %mul3A_2, %add3A_399 : i32
    %dma_wait3A_401 = arith.constant 10240 : i32
    %dma_wait3A_402 = tpu.memref_slice %arg5[%dma_wait3A_401] : memref<20480xi32, #tpu.memory_space<vmem>> -> memref<10240xi32, #tpu.memory_space<vmem>>
    %dma_wait3A_403 = arith.constant 0 : i32
    %dma_wait3A_404 = tpu.memref_slice %arg2[%add3A_400, %dma_wait3A_403] : memref<64x10240xi32, #tpu.memory_space<hbm>> -> memref<1x10240xi32, #tpu.memory_space<hbm>>
    %dma_wait3A_405 = tpu.memref_squeeze %dma_wait3A_404 : memref<1x10240xi32, #tpu.memory_space<hbm>> -> memref<10240xi32, #tpu.memory_space<hbm>>
    %dma_wait3A_406 = arith.constant 10240 : i32
    %dma_wait3A_407 = tpu.memref_slice %arg5[%dma_wait3A_406] : memref<20480xi32, #tpu.memory_space<vmem>> -> memref<10240xi32, #tpu.memory_space<vmem>>
    %dma_wait3A_408 = arith.constant 0 : i32
    %dma_wait3A_409 = tpu.memref_slice %arg2[%add3A_400, %dma_wait3A_408] : memref<64x10240xi32, #tpu.memory_space<hbm>> -> memref<1x10240xi32, #tpu.memory_space<hbm>>
    %dma_wait3A_410 = tpu.memref_squeeze %dma_wait3A_409 : memref<1x10240xi32, #tpu.memory_space<hbm>> -> memref<10240xi32, #tpu.memory_space<hbm>>
    tpu.wait_dma2 semaphore(%arg8 : memref<!tpu.dma_semaphore, #tpu.memory_space<semaphore_mem>>) src(%dma_wait3A_410 : memref<10240xi32, #tpu.memory_space<hbm>>) dst(%dma_wait3A_407 : memref<10240xi32, #tpu.memory_space<vmem>>)
    %broadcast_in_dim3A_411 = arith.constant 32768 : i32
    %broadcast_in_dim3A_412 = vector.broadcast %broadcast_in_dim3A_411 : i32 to vector<16xi32>
    %swap3A_413 = arith.constant 20240 : index
    %swap3A_414 = tpu.vector_load %arg5[%swap3A_413] {strides = array<i32>} : memref<20480xi32, #tpu.memory_space<vmem>>, vector<16xi32>,
    tpu.vector_store %arg5[%swap3A_413], %broadcast_in_dim3A_412 {strides = array<i32>} : memref<20480xi32, #tpu.memory_space<vmem>>, vector<16xi32>,
    %broadcast_in_dim3A_415 = arith.constant 10240 : i32
    %broadcast_in_dim3A_416 = vector.broadcast %broadcast_in_dim3A_415 : i32 to vector<16xi32>
    %broadcast_in_dim3A_417 = arith.constant 16 : i32
    %broadcast_in_dim3A_418 = vector.broadcast %broadcast_in_dim3A_417 : i32 to vector<16xi32>
    %broadcast_in_dim3A_419 = arith.constant 65535 : i32
    %broadcast_in_dim3A_420 = vector.broadcast %broadcast_in_dim3A_419 : i32 to vector<16xi32>
    %broadcast_in_dim3A_421 = arith.constant 1048576 : i32
    %broadcast_in_dim3A_422 = vector.broadcast %broadcast_in_dim3A_421 : i32 to vector<16xi32>
    %scan3A = arith.constant 0 : i32
    %scan3A_423 = arith.constant 0 : i32
    %scan3A_424 = arith.constant 5 : i32
    %scan3A_425 = arith.addi %scan3A_423, %scan3A_424 : i32
    %scan3A_426 = arith.constant 1 : i32
    scf.for %scan3A_508 = %scan3A_423 to %scan3A_425 step %scan3A_426  : i32 {
      %mul3A_509 = arith.constant 2 : i32
      %mul3A_510 = arith.muli %scan3A_508, %mul3A_509 : i32
      %add3A_511 = arith.constant 0 : i32
      %add3A_512 = arith.addi %mul3A_510, %add3A_511 : i32
      %gt3A = arith.constant 0 : i32
      %gt3A_513 = arith.cmpi sgt, %scan3A_508, %gt3A : i32
      %convert_element_type3A = arith.extui %gt3A_513 : i1 to i32
      %cond3A = arith.constant 0 : i32
      %cond3A_514 = arith.cmpi ne, %convert_element_type3A, %cond3A : i32
      scf.if %cond3A_514 {
        %mul3A_1333 = arith.constant 1024 : i32
        %mul3A_1334 = arith.muli %add3A_512, %mul3A_1333 : i32
        %dma_wait3A_1335 = arith.constant 0 : i32
        %dma_wait3A_1336 = tpu.memref_slice %arg7[%dma_wait3A_1335] : memref<8192xi32, #tpu.memory_space<vmem>> -> memref<1024xi32, #tpu.memory_space<vmem>>
        %dma_wait3A_1337 = tpu.memref_slice %arg4[%mul3A_2, %mul3A_1334] : memref<128x10240xi32, #tpu.memory_space<hbm>> -> memref<1x1024xi32, #tpu.memory_space<hbm>>
        %dma_wait3A_1338 = tpu.memref_squeeze %dma_wait3A_1337 : memref<1x1024xi32, #tpu.memory_space<hbm>> -> memref<1024xi32, #tpu.memory_space<hbm>>
        %dma_wait3A_1339 = tpu.memref_slice %arg4[%mul3A_2, %mul3A_1334] : memref<128x10240xi32, #tpu.memory_space<hbm>> -> memref<1x1024xi32, #tpu.memory_space<hbm>>
        %dma_wait3A_1340 = tpu.memref_squeeze %dma_wait3A_1339 : memref<1x1024xi32, #tpu.memory_space<hbm>> -> memref<1024xi32, #tpu.memory_space<hbm>>
        %dma_wait3A_1341 = arith.constant 0 : i32
        %dma_wait3A_1342 = tpu.memref_slice %arg7[%dma_wait3A_1341] : memref<8192xi32, #tpu.memory_space<vmem>> -> memref<1024xi32, #tpu.memory_space<vmem>>
        tpu.wait_dma2 semaphore(%arg10 : memref<!tpu.dma_semaphore, #tpu.memory_space<semaphore_mem>>) src(%dma_wait3A_1342 : memref<1024xi32, #tpu.memory_space<vmem>>) dst(%dma_wait3A_1340 : memref<1024xi32, #tpu.memory_space<hbm>>)
        %mul3A_1343 = arith.constant 1024 : i32
        %mul3A_1344 = arith.muli %add3A_512, %mul3A_1343 : i32
        %dma_wait3A_1345 = arith.constant 1024 : i32
        %dma_wait3A_1346 = tpu.memref_slice %arg7[%dma_wait3A_1345] : memref<8192xi32, #tpu.memory_space<vmem>> -> memref<1024xi32, #tpu.memory_space<vmem>>
        %dma_wait3A_1347 = tpu.memref_slice %arg4[%add3A_4, %mul3A_1344] : memref<128x10240xi32, #tpu.memory_space<hbm>> -> memref<1x1024xi32, #tpu.memory_space<hbm>>
        %dma_wait3A_1348 = tpu.memref_squeeze %dma_wait3A_1347 : memref<1x1024xi32, #tpu.memory_space<hbm>> -> memref<1024xi32, #tpu.memory_space<hbm>>
        %dma_wait3A_1349 = tpu.memref_slice %arg4[%add3A_4, %mul3A_1344] : memref<128x10240xi32, #tpu.memory_space<hbm>> -> memref<1x1024xi32, #tpu.memory_space<hbm>>
        %dma_wait3A_1350 = tpu.memref_squeeze %dma_wait3A_1349 : memref<1x1024xi32, #tpu.memory_space<hbm>> -> memref<1024xi32, #tpu.memory_space<hbm>>
        %dma_wait3A_1351 = arith.constant 1024 : i32
        %dma_wait3A_1352 = tpu.memref_slice %arg7[%dma_wait3A_1351] : memref<8192xi32, #tpu.memory_space<vmem>> -> memref<1024xi32, #tpu.memory_space<vmem>>
        tpu.wait_dma2 semaphore(%arg10 : memref<!tpu.dma_semaphore, #tpu.memory_space<semaphore_mem>>) src(%dma_wait3A_1352 : memref<1024xi32, #tpu.memory_space<vmem>>) dst(%dma_wait3A_1350 : memref<1024xi32, #tpu.memory_space<hbm>>)
        %mul3A_1353 = arith.constant 1024 : i32
        %mul3A_1354 = arith.muli %add3A_512, %mul3A_1353 : i32
        %dma_wait3A_1355 = arith.constant 2048 : i32
        %dma_wait3A_1356 = tpu.memref_slice %arg7[%dma_wait3A_1355] : memref<8192xi32, #tpu.memory_space<vmem>> -> memref<1024xi32, #tpu.memory_space<vmem>>
        %dma_wait3A_1357 = tpu.memref_slice %arg4[%add3A_6, %mul3A_1354] : memref<128x10240xi32, #tpu.memory_space<hbm>> -> memref<1x1024xi32, #tpu.memory_space<hbm>>
        %dma_wait3A_1358 = tpu.memref_squeeze %dma_wait3A_1357 : memref<1x1024xi32, #tpu.memory_space<hbm>> -> memref<1024xi32, #tpu.memory_space<hbm>>
        %dma_wait3A_1359 = tpu.memref_slice %arg4[%add3A_6, %mul3A_1354] : memref<128x10240xi32, #tpu.memory_space<hbm>> -> memref<1x1024xi32, #tpu.memory_space<hbm>>
        %dma_wait3A_1360 = tpu.memref_squeeze %dma_wait3A_1359 : memref<1x1024xi32, #tpu.memory_space<hbm>> -> memref<1024xi32, #tpu.memory_space<hbm>>
        %dma_wait3A_1361 = arith.constant 2048 : i32
        %dma_wait3A_1362 = tpu.memref_slice %arg7[%dma_wait3A_1361] : memref<8192xi32, #tpu.memory_space<vmem>> -> memref<1024xi32, #tpu.memory_space<vmem>>
        tpu.wait_dma2 semaphore(%arg10 : memref<!tpu.dma_semaphore, #tpu.memory_space<semaphore_mem>>) src(%dma_wait3A_1362 : memref<1024xi32, #tpu.memory_space<vmem>>) dst(%dma_wait3A_1360 : memref<1024xi32, #tpu.memory_space<hbm>>)
        %mul3A_1363 = arith.constant 1024 : i32
        %mul3A_1364 = arith.muli %add3A_512, %mul3A_1363 : i32
        %dma_wait3A_1365 = arith.constant 3072 : i32
        %dma_wait3A_1366 = tpu.memref_slice %arg7[%dma_wait3A_1365] : memref<8192xi32, #tpu.memory_space<vmem>> -> memref<1024xi32, #tpu.memory_space<vmem>>
        %dma_wait3A_1367 = tpu.memref_slice %arg4[%add3A_10, %mul3A_1364] : memref<128x10240xi32, #tpu.memory_space<hbm>> -> memref<1x1024xi32, #tpu.memory_space<hbm>>
        %dma_wait3A_1368 = tpu.memref_squeeze %dma_wait3A_1367 : memref<1x1024xi32, #tpu.memory_space<hbm>> -> memref<1024xi32, #tpu.memory_space<hbm>>
        %dma_wait3A_1369 = tpu.memref_slice %arg4[%add3A_10, %mul3A_1364] : memref<128x10240xi32, #tpu.memory_space<hbm>> -> memref<1x1024xi32, #tpu.memory_space<hbm>>
        %dma_wait3A_1370 = tpu.memref_squeeze %dma_wait3A_1369 : memref<1x1024xi32, #tpu.memory_space<hbm>> -> memref<1024xi32, #tpu.memory_space<hbm>>
        %dma_wait3A_1371 = arith.constant 3072 : i32
        %dma_wait3A_1372 = tpu.memref_slice %arg7[%dma_wait3A_1371] : memref<8192xi32, #tpu.memory_space<vmem>> -> memref<1024xi32, #tpu.memory_space<vmem>>
        tpu.wait_dma2 semaphore(%arg10 : memref<!tpu.dma_semaphore, #tpu.memory_space<semaphore_mem>>) src(%dma_wait3A_1372 : memref<1024xi32, #tpu.memory_space<vmem>>) dst(%dma_wait3A_1370 : memref<1024xi32, #tpu.memory_space<hbm>>)
      } else {
      }
      %mul3A_515 = arith.constant 1024 : i32
      %mul3A_516 = arith.muli %add3A_512, %mul3A_515 : i32
      %dma_wait3A_517 = arith.constant 0 : i32
      %dma_wait3A_518 = arith.constant 0 : i32
      %dma_wait3A_519 = tpu.memref_slice %arg6[%dma_wait3A_518] : memref<65536xi32, #tpu.memory_space<vmem>> -> memref<1024xi32, #tpu.memory_space<vmem>>
      %dma_wait3A_520 = tpu.memref_slice %arg3[%dma_wait3A_517, %mul3A_516] : memref<32x10240xi32, #tpu.memory_space<hbm>> -> memref<1x1024xi32, #tpu.memory_space<hbm>>
      %dma_wait3A_521 = tpu.memref_squeeze %dma_wait3A_520 : memref<1x1024xi32, #tpu.memory_space<hbm>> -> memref<1024xi32, #tpu.memory_space<hbm>>
      %dma_wait3A_522 = arith.constant 0 : i32
      %dma_wait3A_523 = tpu.memref_slice %arg6[%dma_wait3A_522] : memref<65536xi32, #tpu.memory_space<vmem>> -> memref<1024xi32, #tpu.memory_space<vmem>>
      %dma_wait3A_524 = tpu.memref_slice %arg3[%dma_wait3A_517, %mul3A_516] : memref<32x10240xi32, #tpu.memory_space<hbm>> -> memref<1x1024xi32, #tpu.memory_space<hbm>>
      %dma_wait3A_525 = tpu.memref_squeeze %dma_wait3A_524 : memref<1x1024xi32, #tpu.memory_space<hbm>> -> memref<1024xi32, #tpu.memory_space<hbm>>
      tpu.wait_dma2 semaphore(%arg9 : memref<!tpu.dma_semaphore, #tpu.memory_space<semaphore_mem>>) src(%dma_wait3A_525 : memref<1024xi32, #tpu.memory_space<hbm>>) dst(%dma_wait3A_523 : memref<1024xi32, #tpu.memory_space<vmem>>)
      %mul3A_526 = arith.constant 1024 : i32
      %mul3A_527 = arith.muli %add3A_512, %mul3A_526 : i32
      %dma_wait3A_528 = arith.constant 1 : i32
      %dma_wait3A_529 = arith.constant 1024 : i32
      %dma_wait3A_530 = tpu.memref_slice %arg6[%dma_wait3A_529] : memref<65536xi32, #tpu.memory_space<vmem>> -> memref<1024xi32, #tpu.memory_space<vmem>>
      %dma_wait3A_531 = tpu.memref_slice %arg3[%dma_wait3A_528, %mul3A_527] : memref<32x10240xi32, #tpu.memory_space<hbm>> -> memref<1x1024xi32, #tpu.memory_space<hbm>>
      %dma_wait3A_532 = tpu.memref_squeeze %dma_wait3A_531 : memref<1x1024xi32, #tpu.memory_space<hbm>> -> memref<1024xi32, #tpu.memory_space<hbm>>
      %dma_wait3A_533 = arith.constant 1024 : i32
      %dma_wait3A_534 = tpu.memref_slice %arg6[%dma_wait3A_533] : memref<65536xi32, #tpu.memory_space<vmem>> -> memref<1024xi32, #tpu.memory_space<vmem>>
      %dma_wait3A_535 = tpu.memref_slice %arg3[%dma_wait3A_528, %mul3A_527] : memref<32x10240xi32, #tpu.memory_space<hbm>> -> memref<1x1024xi32, #tpu.memory_space<hbm>>
      %dma_wait3A_536 = tpu.memref_squeeze %dma_wait3A_535 : memref<1x1024xi32, #tpu.memory_space<hbm>> -> memref<1024xi32, #tpu.memory_space<hbm>>
      tpu.wait_dma2 semaphore(%arg9 : memref<!tpu.dma_semaphore, #tpu.memory_space<semaphore_mem>>) src(%dma_wait3A_536 : memref<1024xi32, #tpu.memory_space<hbm>>) dst(%dma_wait3A_534 : memref<1024xi32, #tpu.memory_space<vmem>>)
      %mul3A_537 = arith.constant 1024 : i32
      %mul3A_538 = arith.muli %add3A_512, %mul3A_537 : i32
      %dma_wait3A_539 = arith.constant 2 : i32
      %dma_wait3A_540 = arith.constant 2048 : i32
      %dma_wait3A_541 = tpu.memref_slice %arg6[%dma_wait3A_540] : memref<65536xi32, #tpu.memory_space<vmem>> -> memref<1024xi32, #tpu.memory_space<vmem>>
      %dma_wait3A_542 = tpu.memref_slice %arg3[%dma_wait3A_539, %mul3A_538] : memref<32x10240xi32, #tpu.memory_space<hbm>> -> memref<1x1024xi32, #tpu.memory_space<hbm>>
      %dma_wait3A_543 = tpu.memref_squeeze %dma_wait3A_542 : memref<1x1024xi32, #tpu.memory_space<hbm>> -> memref<1024xi32, #tpu.memory_space<hbm>>
      %dma_wait3A_544 = arith.constant 2048 : i32
      %dma_wait3A_545 = tpu.memref_slice %arg6[%dma_wait3A_544] : memref<65536xi32, #tpu.memory_space<vmem>> -> memref<1024xi32, #tpu.memory_space<vmem>>
      %dma_wait3A_546 = tpu.memref_slice %arg3[%dma_wait3A_539, %mul3A_538] : memref<32x10240xi32, #tpu.memory_space<hbm>> -> memref<1x1024xi32, #tpu.memory_space<hbm>>
      %dma_wait3A_547 = tpu.memref_squeeze %dma_wait3A_546 : memref<1x1024xi32, #tpu.memory_space<hbm>> -> memref<1024xi32, #tpu.memory_space<hbm>>
      tpu.wait_dma2 semaphore(%arg9 : memref<!tpu.dma_semaphore, #tpu.memory_space<semaphore_mem>>) src(%dma_wait3A_547 : memref<1024xi32, #tpu.memory_space<hbm>>) dst(%dma_wait3A_545 : memref<1024xi32, #tpu.memory_space<vmem>>)
      %mul3A_548 = arith.constant 1024 : i32
      %mul3A_549 = arith.muli %add3A_512, %mul3A_548 : i32
      %dma_wait3A_550 = arith.constant 3 : i32
      %dma_wait3A_551 = arith.constant 3072 : i32
      %dma_wait3A_552 = tpu.memref_slice %arg6[%dma_wait3A_551] : memref<65536xi32, #tpu.memory_space<vmem>> -> memref<1024xi32, #tpu.memory_space<vmem>>
      %dma_wait3A_553 = tpu.memref_slice %arg3[%dma_wait3A_550, %mul3A_549] : memref<32x10240xi32, #tpu.memory_space<hbm>> -> memref<1x1024xi32, #tpu.memory_space<hbm>>
      %dma_wait3A_554 = tpu.memref_squeeze %dma_wait3A_553 : memref<1x1024xi32, #tpu.memory_space<hbm>> -> memref<1024xi32, #tpu.memory_space<hbm>>
      %dma_wait3A_555 = arith.constant 3072 : i32
      %dma_wait3A_556 = tpu.memref_slice %arg6[%dma_wait3A_555] : memref<65536xi32, #tpu.memory_space<vmem>> -> memref<1024xi32, #tpu.memory_space<vmem>>
      %dma_wait3A_557 = tpu.memref_slice %arg3[%dma_wait3A_550, %mul3A_549] : memref<32x10240xi32, #tpu.memory_space<hbm>> -> memref<1x1024xi32, #tpu.memory_space<hbm>>
      %dma_wait3A_558 = tpu.memref_squeeze %dma_wait3A_557 : memref<1x1024xi32, #tpu.memory_space<hbm>> -> memref<1024xi32, #tpu.memory_space<hbm>>
      tpu.wait_dma2 semaphore(%arg9 : memref<!tpu.dma_semaphore, #tpu.memory_space<semaphore_mem>>) src(%dma_wait3A_558 : memref<1024xi32, #tpu.memory_space<hbm>>) dst(%dma_wait3A_556 : memref<1024xi32, #tpu.memory_space<vmem>>)
      %mul3A_559 = arith.constant 1024 : i32
      %mul3A_560 = arith.muli %add3A_512, %mul3A_559 : i32
      %dma_wait3A_561 = arith.constant 4 : i32
      %dma_wait3A_562 = arith.constant 4096 : i32
      %dma_wait3A_563 = tpu.memref_slice %arg6[%dma_wait3A_562] : memref<65536xi32, #tpu.memory_space<vmem>> -> memref<1024xi32, #tpu.memory_space<vmem>>
      %dma_wait3A_564 = tpu.memref_slice %arg3[%dma_wait3A_561, %mul3A_560] : memref<32x10240xi32, #tpu.memory_space<hbm>> -> memref<1x1024xi32, #tpu.memory_space<hbm>>
      %dma_wait3A_565 = tpu.memref_squeeze %dma_wait3A_564 : memref<1x1024xi32, #tpu.memory_space<hbm>> -> memref<1024xi32, #tpu.memory_space<hbm>>
      %dma_wait3A_566 = arith.constant 4096 : i32
      %dma_wait3A_567 = tpu.memref_slice %arg6[%dma_wait3A_566] : memref<65536xi32, #tpu.memory_space<vmem>> -> memref<1024xi32, #tpu.memory_space<vmem>>
      %dma_wait3A_568 = tpu.memref_slice %arg3[%dma_wait3A_561, %mul3A_560] : memref<32x10240xi32, #tpu.memory_space<hbm>> -> memref<1x1024xi32, #tpu.memory_space<hbm>>
      %dma_wait3A_569 = tpu.memref_squeeze %dma_wait3A_568 : memref<1x1024xi32, #tpu.memory_space<hbm>> -> memref<1024xi32, #tpu.memory_space<hbm>>
      tpu.wait_dma2 semaphore(%arg9 : memref<!tpu.dma_semaphore, #tpu.memory_space<semaphore_mem>>) src(%dma_wait3A_569 : memref<1024xi32, #tpu.memory_space<hbm>>) dst(%dma_wait3A_567 : memref<1024xi32, #tpu.memory_space<vmem>>)
      %mul3A_570 = arith.constant 1024 : i32
      %mul3A_571 = arith.muli %add3A_512, %mul3A_570 : i32
      %dma_wait3A_572 = arith.constant 5 : i32
      %dma_wait3A_573 = arith.constant 5120 : i32
      %dma_wait3A_574 = tpu.memref_slice %arg6[%dma_wait3A_573] : memref<65536xi32, #tpu.memory_space<vmem>> -> memref<1024xi32, #tpu.memory_space<vmem>>
      %dma_wait3A_575 = tpu.memref_slice %arg3[%dma_wait3A_572, %mul3A_571] : memref<32x10240xi32, #tpu.memory_space<hbm>> -> memref<1x1024xi32, #tpu.memory_space<hbm>>
      %dma_wait3A_576 = tpu.memref_squeeze %dma_wait3A_575 : memref<1x1024xi32, #tpu.memory_space<hbm>> -> memref<1024xi32, #tpu.memory_space<hbm>>
      %dma_wait3A_577 = arith.constant 5120 : i32
      %dma_wait3A_578 = tpu.memref_slice %arg6[%dma_wait3A_577] : memref<65536xi32, #tpu.memory_space<vmem>> -> memref<1024xi32, #tpu.memory_space<vmem>>
      %dma_wait3A_579 = tpu.memref_slice %arg3[%dma_wait3A_572, %mul3A_571] : memref<32x10240xi32, #tpu.memory_space<hbm>> -> memref<1x1024xi32, #tpu.memory_space<hbm>>
      %dma_wait3A_580 = tpu.memref_squeeze %dma_wait3A_579 : memref<1x1024xi32, #tpu.memory_space<hbm>> -> memref<1024xi32, #tpu.memory_space<hbm>>
      tpu.wait_dma2 semaphore(%arg9 : memref<!tpu.dma_semaphore, #tpu.memory_space<semaphore_mem>>) src(%dma_wait3A_580 : memref<1024xi32, #tpu.memory_space<hbm>>) dst(%dma_wait3A_578 : memref<1024xi32, #tpu.memory_space<vmem>>)
      %mul3A_581 = arith.constant 1024 : i32
      %mul3A_582 = arith.muli %add3A_512, %mul3A_581 : i32
      %dma_wait3A_583 = arith.constant 6 : i32
      %dma_wait3A_584 = arith.constant 6144 : i32
      %dma_wait3A_585 = tpu.memref_slice %arg6[%dma_wait3A_584] : memref<65536xi32, #tpu.memory_space<vmem>> -> memref<1024xi32, #tpu.memory_space<vmem>>
      %dma_wait3A_586 = tpu.memref_slice %arg3[%dma_wait3A_583, %mul3A_582] : memref<32x10240xi32, #tpu.memory_space<hbm>> -> memref<1x1024xi32, #tpu.memory_space<hbm>>
      %dma_wait3A_587 = tpu.memref_squeeze %dma_wait3A_586 : memref<1x1024xi32, #tpu.memory_space<hbm>> -> memref<1024xi32, #tpu.memory_space<hbm>>
      %dma_wait3A_588 = arith.constant 6144 : i32
      %dma_wait3A_589 = tpu.memref_slice %arg6[%dma_wait3A_588] : memref<65536xi32, #tpu.memory_space<vmem>> -> memref<1024xi32, #tpu.memory_space<vmem>>
      %dma_wait3A_590 = tpu.memref_slice %arg3[%dma_wait3A_583, %mul3A_582] : memref<32x10240xi32, #tpu.memory_space<hbm>> -> memref<1x1024xi32, #tpu.memory_space<hbm>>
      %dma_wait3A_591 = tpu.memref_squeeze %dma_wait3A_590 : memref<1x1024xi32, #tpu.memory_space<hbm>> -> memref<1024xi32, #tpu.memory_space<hbm>>
      tpu.wait_dma2 semaphore(%arg9 : memref<!tpu.dma_semaphore, #tpu.memory_space<semaphore_mem>>) src(%dma_wait3A_591 : memref<1024xi32, #tpu.memory_space<hbm>>) dst(%dma_wait3A_589 : memref<1024xi32, #tpu.memory_space<vmem>>)
      %mul3A_592 = arith.constant 1024 : i32
      %mul3A_593 = arith.muli %add3A_512, %mul3A_592 : i32
      %dma_wait3A_594 = arith.constant 7 : i32
      %dma_wait3A_595 = arith.constant 7168 : i32
      %dma_wait3A_596 = tpu.memref_slice %arg6[%dma_wait3A_595] : memref<65536xi32, #tpu.memory_space<vmem>> -> memref<1024xi32, #tpu.memory_space<vmem>>
      %dma_wait3A_597 = tpu.memref_slice %arg3[%dma_wait3A_594, %mul3A_593] : memref<32x10240xi32, #tpu.memory_space<hbm>> -> memref<1x1024xi32, #tpu.memory_space<hbm>>
      %dma_wait3A_598 = tpu.memref_squeeze %dma_wait3A_597 : memref<1x1024xi32, #tpu.memory_space<hbm>> -> memref<1024xi32, #tpu.memory_space<hbm>>
      %dma_wait3A_599 = arith.constant 7168 : i32
      %dma_wait3A_600 = tpu.memref_slice %arg6[%dma_wait3A_599] : memref<65536xi32, #tpu.memory_space<vmem>> -> memref<1024xi32, #tpu.memory_space<vmem>>
      %dma_wait3A_601 = tpu.memref_slice %arg3[%dma_wait3A_594, %mul3A_593] : memref<32x10240xi32, #tpu.memory_space<hbm>> -> memref<1x1024xi32, #tpu.memory_space<hbm>>
      %dma_wait3A_602 = tpu.memref_squeeze %dma_wait3A_601 : memref<1x1024xi32, #tpu.memory_space<hbm>> -> memref<1024xi32, #tpu.memory_space<hbm>>
      tpu.wait_dma2 semaphore(%arg9 : memref<!tpu.dma_semaphore, #tpu.memory_space<semaphore_mem>>) src(%dma_wait3A_602 : memref<1024xi32, #tpu.memory_space<hbm>>) dst(%dma_wait3A_600 : memref<1024xi32, #tpu.memory_space<vmem>>)
      %mul3A_603 = arith.constant 1024 : i32
      %mul3A_604 = arith.muli %add3A_512, %mul3A_603 : i32
      %dma_wait3A_605 = arith.constant 8 : i32
      %dma_wait3A_606 = arith.constant 8192 : i32
      %dma_wait3A_607 = tpu.memref_slice %arg6[%dma_wait3A_606] : memref<65536xi32, #tpu.memory_space<vmem>> -> memref<1024xi32, #tpu.memory_space<vmem>>
      %dma_wait3A_608 = tpu.memref_slice %arg3[%dma_wait3A_605, %mul3A_604] : memref<32x10240xi32, #tpu.memory_space<hbm>> -> memref<1x1024xi32, #tpu.memory_space<hbm>>
      %dma_wait3A_609 = tpu.memref_squeeze %dma_wait3A_608 : memref<1x1024xi32, #tpu.memory_space<hbm>> -> memref<1024xi32, #tpu.memory_space<hbm>>
      %dma_wait3A_610 = arith.constant 8192 : i32
      %dma_wait3A_611 = tpu.memref_slice %arg6[%dma_wait3A_610] : memref<65536xi32, #tpu.memory_space<vmem>> -> memref<1024xi32, #tpu.memory_space<vmem>>
      %dma_wait3A_612 = tpu.memref_slice %arg3[%dma_wait3A_605, %mul3A_604] : memref<32x10240xi32, #tpu.memory_space<hbm>> -> memref<1x1024xi32, #tpu.memory_space<hbm>>
      %dma_wait3A_613 = tpu.memref_squeeze %dma_wait3A_612 : memref<1x1024xi32, #tpu.memory_space<hbm>> -> memref<1024xi32, #tpu.memory_space<hbm>>
      tpu.wait_dma2 semaphore(%arg9 : memref<!tpu.dma_semaphore, #tpu.memory_space<semaphore_mem>>) src(%dma_wait3A_613 : memref<1024xi32, #tpu.memory_space<hbm>>) dst(%dma_wait3A_611 : memref<1024xi32, #tpu.memory_space<vmem>>)
      %mul3A_614 = arith.constant 1024 : i32
      %mul3A_615 = arith.muli %add3A_512, %mul3A_614 : i32
      %dma_wait3A_616 = arith.constant 9 : i32
      %dma_wait3A_617 = arith.constant 9216 : i32
      %dma_wait3A_618 = tpu.memref_slice %arg6[%dma_wait3A_617] : memref<65536xi32, #tpu.memory_space<vmem>> -> memref<1024xi32, #tpu.memory_space<vmem>>
      %dma_wait3A_619 = tpu.memref_slice %arg3[%dma_wait3A_616, %mul3A_615] : memref<32x10240xi32, #tpu.memory_space<hbm>> -> memref<1x1024xi32, #tpu.memory_space<hbm>>
      %dma_wait3A_620 = tpu.memref_squeeze %dma_wait3A_619 : memref<1x1024xi32, #tpu.memory_space<hbm>> -> memref<1024xi32, #tpu.memory_space<hbm>>
      %dma_wait3A_621 = arith.constant 9216 : i32
      %dma_wait3A_622 = tpu.memref_slice %arg6[%dma_wait3A_621] : memref<65536xi32, #tpu.memory_space<vmem>> -> memref<1024xi32, #tpu.memory_space<vmem>>
      %dma_wait3A_623 = tpu.memref_slice %arg3[%dma_wait3A_616, %mul3A_615] : memref<32x10240xi32, #tpu.memory_space<hbm>> -> memref<1x1024xi32, #tpu.memory_space<hbm>>
      %dma_wait3A_624 = tpu.memref_squeeze %dma_wait3A_623 : memref<1x1024xi32, #tpu.memory_space<hbm>> -> memref<1024xi32, #tpu.memory_space<hbm>>
      tpu.wait_dma2 semaphore(%arg9 : memref<!tpu.dma_semaphore, #tpu.memory_space<semaphore_mem>>) src(%dma_wait3A_624 : memref<1024xi32, #tpu.memory_space<hbm>>) dst(%dma_wait3A_622 : memref<1024xi32, #tpu.memory_space<vmem>>)
      %mul3A_625 = arith.constant 1024 : i32
      %mul3A_626 = arith.muli %add3A_512, %mul3A_625 : i32
      %dma_wait3A_627 = arith.constant 10 : i32
      %dma_wait3A_628 = arith.constant 10240 : i32
      %dma_wait3A_629 = tpu.memref_slice %arg6[%dma_wait3A_628] : memref<65536xi32, #tpu.memory_space<vmem>> -> memref<1024xi32, #tpu.memory_space<vmem>>
      %dma_wait3A_630 = tpu.memref_slice %arg3[%dma_wait3A_627, %mul3A_626] : memref<32x10240xi32, #tpu.memory_space<hbm>> -> memref<1x1024xi32, #tpu.memory_space<hbm>>
      %dma_wait3A_631 = tpu.memref_squeeze %dma_wait3A_630 : memref<1x1024xi32, #tpu.memory_space<hbm>> -> memref<1024xi32, #tpu.memory_space<hbm>>
      %dma_wait3A_632 = arith.constant 10240 : i32
      %dma_wait3A_633 = tpu.memref_slice %arg6[%dma_wait3A_632] : memref<65536xi32, #tpu.memory_space<vmem>> -> memref<1024xi32, #tpu.memory_space<vmem>>
      %dma_wait3A_634 = tpu.memref_slice %arg3[%dma_wait3A_627, %mul3A_626] : memref<32x10240xi32, #tpu.memory_space<hbm>> -> memref<1x1024xi32, #tpu.memory_space<hbm>>
      %dma_wait3A_635 = tpu.memref_squeeze %dma_wait3A_634 : memref<1x1024xi32, #tpu.memory_space<hbm>> -> memref<1024xi32, #tpu.memory_space<hbm>>
      tpu.wait_dma2 semaphore(%arg9 : memref<!tpu.dma_semaphore, #tpu.memory_space<semaphore_mem>>) src(%dma_wait3A_635 : memref<1024xi32, #tpu.memory_space<hbm>>) dst(%dma_wait3A_633 : memref<1024xi32, #tpu.memory_space<vmem>>)
      %mul3A_636 = arith.constant 1024 : i32
      %mul3A_637 = arith.muli %add3A_512, %mul3A_636 : i32
      %dma_wait3A_638 = arith.constant 11 : i32
      %dma_wait3A_639 = arith.constant 11264 : i32
      %dma_wait3A_640 = tpu.memref_slice %arg6[%dma_wait3A_639] : memref<65536xi32, #tpu.memory_space<vmem>> -> memref<1024xi32, #tpu.memory_space<vmem>>
      %dma_wait3A_641 = tpu.memref_slice %arg3[%dma_wait3A_638, %mul3A_637] : memref<32x10240xi32, #tpu.memory_space<hbm>> -> memref<1x1024xi32, #tpu.memory_space<hbm>>
      %dma_wait3A_642 = tpu.memref_squeeze %dma_wait3A_641 : memref<1x1024xi32, #tpu.memory_space<hbm>> -> memref<1024xi32, #tpu.memory_space<hbm>>
      %dma_wait3A_643 = arith.constant 11264 : i32
      %dma_wait3A_644 = tpu.memref_slice %arg6[%dma_wait3A_643] : memref<65536xi32, #tpu.memory_space<vmem>> -> memref<1024xi32, #tpu.memory_space<vmem>>
      %dma_wait3A_645 = tpu.memref_slice %arg3[%dma_wait3A_638, %mul3A_637] : memref<32x10240xi32, #tpu.memory_space<hbm>> -> memref<1x1024xi32, #tpu.memory_space<hbm>>
      %dma_wait3A_646 = tpu.memref_squeeze %dma_wait3A_645 : memref<1x1024xi32, #tpu.memory_space<hbm>> -> memref<1024xi32, #tpu.memory_space<hbm>>
      tpu.wait_dma2 semaphore(%arg9 : memref<!tpu.dma_semaphore, #tpu.memory_space<semaphore_mem>>) src(%dma_wait3A_646 : memref<1024xi32, #tpu.memory_space<hbm>>) dst(%dma_wait3A_644 : memref<1024xi32, #tpu.memory_space<vmem>>)
      %mul3A_647 = arith.constant 1024 : i32
      %mul3A_648 = arith.muli %add3A_512, %mul3A_647 : i32
      %dma_wait3A_649 = arith.constant 12 : i32
      %dma_wait3A_650 = arith.constant 12288 : i32
      %dma_wait3A_651 = tpu.memref_slice %arg6[%dma_wait3A_650] : memref<65536xi32, #tpu.memory_space<vmem>> -> memref<1024xi32, #tpu.memory_space<vmem>>
      %dma_wait3A_652 = tpu.memref_slice %arg3[%dma_wait3A_649, %mul3A_648] : memref<32x10240xi32, #tpu.memory_space<hbm>> -> memref<1x1024xi32, #tpu.memory_space<hbm>>
      %dma_wait3A_653 = tpu.memref_squeeze %dma_wait3A_652 : memref<1x1024xi32, #tpu.memory_space<hbm>> -> memref<1024xi32, #tpu.memory_space<hbm>>
      %dma_wait3A_654 = arith.constant 12288 : i32
      %dma_wait3A_655 = tpu.memref_slice %arg6[%dma_wait3A_654] : memref<65536xi32, #tpu.memory_space<vmem>> -> memref<1024xi32, #tpu.memory_space<vmem>>
      %dma_wait3A_656 = tpu.memref_slice %arg3[%dma_wait3A_649, %mul3A_648] : memref<32x10240xi32, #tpu.memory_space<hbm>> -> memref<1x1024xi32, #tpu.memory_space<hbm>>
      %dma_wait3A_657 = tpu.memref_squeeze %dma_wait3A_656 : memref<1x1024xi32, #tpu.memory_space<hbm>> -> memref<1024xi32, #tpu.memory_space<hbm>>
      tpu.wait_dma2 semaphore(%arg9 : memref<!tpu.dma_semaphore, #tpu.memory_space<semaphore_mem>>) src(%dma_wait3A_657 : memref<1024xi32, #tpu.memory_space<hbm>>) dst(%dma_wait3A_655 : memref<1024xi32, #tpu.memory_space<vmem>>)
      %mul3A_658 = arith.constant 1024 : i32
      %mul3A_659 = arith.muli %add3A_512, %mul3A_658 : i32
      %dma_wait3A_660 = arith.constant 13 : i32
      %dma_wait3A_661 = arith.constant 13312 : i32
      %dma_wait3A_662 = tpu.memref_slice %arg6[%dma_wait3A_661] : memref<65536xi32, #tpu.memory_space<vmem>> -> memref<1024xi32, #tpu.memory_space<vmem>>
      %dma_wait3A_663 = tpu.memref_slice %arg3[%dma_wait3A_660, %mul3A_659] : memref<32x10240xi32, #tpu.memory_space<hbm>> -> memref<1x1024xi32, #tpu.memory_space<hbm>>
      %dma_wait3A_664 = tpu.memref_squeeze %dma_wait3A_663 : memref<1x1024xi32, #tpu.memory_space<hbm>> -> memref<1024xi32, #tpu.memory_space<hbm>>
      %dma_wait3A_665 = arith.constant 13312 : i32
      %dma_wait3A_666 = tpu.memref_slice %arg6[%dma_wait3A_665] : memref<65536xi32, #tpu.memory_space<vmem>> -> memref<1024xi32, #tpu.memory_space<vmem>>
      %dma_wait3A_667 = tpu.memref_slice %arg3[%dma_wait3A_660, %mul3A_659] : memref<32x10240xi32, #tpu.memory_space<hbm>> -> memref<1x1024xi32, #tpu.memory_space<hbm>>
      %dma_wait3A_668 = tpu.memref_squeeze %dma_wait3A_667 : memref<1x1024xi32, #tpu.memory_space<hbm>> -> memref<1024xi32, #tpu.memory_space<hbm>>
      tpu.wait_dma2 semaphore(%arg9 : memref<!tpu.dma_semaphore, #tpu.memory_space<semaphore_mem>>) src(%dma_wait3A_668 : memref<1024xi32, #tpu.memory_space<hbm>>) dst(%dma_wait3A_666 : memref<1024xi32, #tpu.memory_space<vmem>>)
      %mul3A_669 = arith.constant 1024 : i32
      %mul3A_670 = arith.muli %add3A_512, %mul3A_669 : i32
      %dma_wait3A_671 = arith.constant 14 : i32
      %dma_wait3A_672 = arith.constant 14336 : i32
      %dma_wait3A_673 = tpu.memref_slice %arg6[%dma_wait3A_672] : memref<65536xi32, #tpu.memory_space<vmem>> -> memref<1024xi32, #tpu.memory_space<vmem>>
      %dma_wait3A_674 = tpu.memref_slice %arg3[%dma_wait3A_671, %mul3A_670] : memref<32x10240xi32, #tpu.memory_space<hbm>> -> memref<1x1024xi32, #tpu.memory_space<hbm>>
      %dma_wait3A_675 = tpu.memref_squeeze %dma_wait3A_674 : memref<1x1024xi32, #tpu.memory_space<hbm>> -> memref<1024xi32, #tpu.memory_space<hbm>>
      %dma_wait3A_676 = arith.constant 14336 : i32
      %dma_wait3A_677 = tpu.memref_slice %arg6[%dma_wait3A_676] : memref<65536xi32, #tpu.memory_space<vmem>> -> memref<1024xi32, #tpu.memory_space<vmem>>
      %dma_wait3A_678 = tpu.memref_slice %arg3[%dma_wait3A_671, %mul3A_670] : memref<32x10240xi32, #tpu.memory_space<hbm>> -> memref<1x1024xi32, #tpu.memory_space<hbm>>
      %dma_wait3A_679 = tpu.memref_squeeze %dma_wait3A_678 : memref<1x1024xi32, #tpu.memory_space<hbm>> -> memref<1024xi32, #tpu.memory_space<hbm>>
      tpu.wait_dma2 semaphore(%arg9 : memref<!tpu.dma_semaphore, #tpu.memory_space<semaphore_mem>>) src(%dma_wait3A_679 : memref<1024xi32, #tpu.memory_space<hbm>>) dst(%dma_wait3A_677 : memref<1024xi32, #tpu.memory_space<vmem>>)
      %mul3A_680 = arith.constant 1024 : i32
      %mul3A_681 = arith.muli %add3A_512, %mul3A_680 : i32
      %dma_wait3A_682 = arith.constant 15 : i32
      %dma_wait3A_683 = arith.constant 15360 : i32
      %dma_wait3A_684 = tpu.memref_slice %arg6[%dma_wait3A_683] : memref<65536xi32, #tpu.memory_space<vmem>> -> memref<1024xi32, #tpu.memory_space<vmem>>
      %dma_wait3A_685 = tpu.memref_slice %arg3[%dma_wait3A_682, %mul3A_681] : memref<32x10240xi32, #tpu.memory_space<hbm>> -> memref<1x1024xi32, #tpu.memory_space<hbm>>
      %dma_wait3A_686 = tpu.memref_squeeze %dma_wait3A_685 : memref<1x1024xi32, #tpu.memory_space<hbm>> -> memref<1024xi32, #tpu.memory_space<hbm>>
      %dma_wait3A_687 = arith.constant 15360 : i32
      %dma_wait3A_688 = tpu.memref_slice %arg6[%dma_wait3A_687] : memref<65536xi32, #tpu.memory_space<vmem>> -> memref<1024xi32, #tpu.memory_space<vmem>>
      %dma_wait3A_689 = tpu.memref_slice %arg3[%dma_wait3A_682, %mul3A_681] : memref<32x10240xi32, #tpu.memory_space<hbm>> -> memref<1x1024xi32, #tpu.memory_space<hbm>>
      %dma_wait3A_690 = tpu.memref_squeeze %dma_wait3A_689 : memref<1x1024xi32, #tpu.memory_space<hbm>> -> memref<1024xi32, #tpu.memory_space<hbm>>
      tpu.wait_dma2 semaphore(%arg9 : memref<!tpu.dma_semaphore, #tpu.memory_space<semaphore_mem>>) src(%dma_wait3A_690 : memref<1024xi32, #tpu.memory_space<hbm>>) dst(%dma_wait3A_688 : memref<1024xi32, #tpu.memory_space<vmem>>)
      %mul3A_691 = arith.constant 1024 : i32
      %mul3A_692 = arith.muli %add3A_512, %mul3A_691 : i32
      %dma_wait3A_693 = arith.constant 16 : i32
      %dma_wait3A_694 = arith.constant 16384 : i32
      %dma_wait3A_695 = tpu.memref_slice %arg6[%dma_wait3A_694] : memref<65536xi32, #tpu.memory_space<vmem>> -> memref<1024xi32, #tpu.memory_space<vmem>>
      %dma_wait3A_696 = tpu.memref_slice %arg3[%dma_wait3A_693, %mul3A_692] : memref<32x10240xi32, #tpu.memory_space<hbm>> -> memref<1x1024xi32, #tpu.memory_space<hbm>>
      %dma_wait3A_697 = tpu.memref_squeeze %dma_wait3A_696 : memref<1x1024xi32, #tpu.memory_space<hbm>> -> memref<1024xi32, #tpu.memory_space<hbm>>
      %dma_wait3A_698 = arith.constant 16384 : i32
      %dma_wait3A_699 = tpu.memref_slice %arg6[%dma_wait3A_698] : memref<65536xi32, #tpu.memory_space<vmem>> -> memref<1024xi32, #tpu.memory_space<vmem>>
      %dma_wait3A_700 = tpu.memref_slice %arg3[%dma_wait3A_693, %mul3A_692] : memref<32x10240xi32, #tpu.memory_space<hbm>> -> memref<1x1024xi32, #tpu.memory_space<hbm>>
      %dma_wait3A_701 = tpu.memref_squeeze %dma_wait3A_700 : memref<1x1024xi32, #tpu.memory_space<hbm>> -> memref<1024xi32, #tpu.memory_space<hbm>>
      tpu.wait_dma2 semaphore(%arg9 : memref<!tpu.dma_semaphore, #tpu.memory_space<semaphore_mem>>) src(%dma_wait3A_701 : memref<1024xi32, #tpu.memory_space<hbm>>) dst(%dma_wait3A_699 : memref<1024xi32, #tpu.memory_space<vmem>>)
      %mul3A_702 = arith.constant 1024 : i32
      %mul3A_703 = arith.muli %add3A_512, %mul3A_702 : i32
      %dma_wait3A_704 = arith.constant 17 : i32
      %dma_wait3A_705 = arith.constant 17408 : i32
      %dma_wait3A_706 = tpu.memref_slice %arg6[%dma_wait3A_705] : memref<65536xi32, #tpu.memory_space<vmem>> -> memref<1024xi32, #tpu.memory_space<vmem>>
      %dma_wait3A_707 = tpu.memref_slice %arg3[%dma_wait3A_704, %mul3A_703] : memref<32x10240xi32, #tpu.memory_space<hbm>> -> memref<1x1024xi32, #tpu.memory_space<hbm>>
      %dma_wait3A_708 = tpu.memref_squeeze %dma_wait3A_707 : memref<1x1024xi32, #tpu.memory_space<hbm>> -> memref<1024xi32, #tpu.memory_space<hbm>>
      %dma_wait3A_709 = arith.constant 17408 : i32
      %dma_wait3A_710 = tpu.memref_slice %arg6[%dma_wait3A_709] : memref<65536xi32, #tpu.memory_space<vmem>> -> memref<1024xi32, #tpu.memory_space<vmem>>
      %dma_wait3A_711 = tpu.memref_slice %arg3[%dma_wait3A_704, %mul3A_703] : memref<32x10240xi32, #tpu.memory_space<hbm>> -> memref<1x1024xi32, #tpu.memory_space<hbm>>
      %dma_wait3A_712 = tpu.memref_squeeze %dma_wait3A_711 : memref<1x1024xi32, #tpu.memory_space<hbm>> -> memref<1024xi32, #tpu.memory_space<hbm>>
      tpu.wait_dma2 semaphore(%arg9 : memref<!tpu.dma_semaphore, #tpu.memory_space<semaphore_mem>>) src(%dma_wait3A_712 : memref<1024xi32, #tpu.memory_space<hbm>>) dst(%dma_wait3A_710 : memref<1024xi32, #tpu.memory_space<vmem>>)
      %mul3A_713 = arith.constant 1024 : i32
      %mul3A_714 = arith.muli %add3A_512, %mul3A_713 : i32
      %dma_wait3A_715 = arith.constant 18 : i32
      %dma_wait3A_716 = arith.constant 18432 : i32
      %dma_wait3A_717 = tpu.memref_slice %arg6[%dma_wait3A_716] : memref<65536xi32, #tpu.memory_space<vmem>> -> memref<1024xi32, #tpu.memory_space<vmem>>
      %dma_wait3A_718 = tpu.memref_slice %arg3[%dma_wait3A_715, %mul3A_714] : memref<32x10240xi32, #tpu.memory_space<hbm>> -> memref<1x1024xi32, #tpu.memory_space<hbm>>
      %dma_wait3A_719 = tpu.memref_squeeze %dma_wait3A_718 : memref<1x1024xi32, #tpu.memory_space<hbm>> -> memref<1024xi32, #tpu.memory_space<hbm>>
      %dma_wait3A_720 = arith.constant 18432 : i32
      %dma_wait3A_721 = tpu.memref_slice %arg6[%dma_wait3A_720] : memref<65536xi32, #tpu.memory_space<vmem>> -> memref<1024xi32, #tpu.memory_space<vmem>>
      %dma_wait3A_722 = tpu.memref_slice %arg3[%dma_wait3A_715, %mul3A_714] : memref<32x10240xi32, #tpu.memory_space<hbm>> -> memref<1x1024xi32, #tpu.memory_space<hbm>>
      %dma_wait3A_723 = tpu.memref_squeeze %dma_wait3A_722 : memref<1x1024xi32, #tpu.memory_space<hbm>> -> memref<1024xi32, #tpu.memory_space<hbm>>
      tpu.wait_dma2 semaphore(%arg9 : memref<!tpu.dma_semaphore, #tpu.memory_space<semaphore_mem>>) src(%dma_wait3A_723 : memref<1024xi32, #tpu.memory_space<hbm>>) dst(%dma_wait3A_721 : memref<1024xi32, #tpu.memory_space<vmem>>)
      %mul3A_724 = arith.constant 1024 : i32
      %mul3A_725 = arith.muli %add3A_512, %mul3A_724 : i32
      %dma_wait3A_726 = arith.constant 19 : i32
      %dma_wait3A_727 = arith.constant 19456 : i32
      %dma_wait3A_728 = tpu.memref_slice %arg6[%dma_wait3A_727] : memref<65536xi32, #tpu.memory_space<vmem>> -> memref<1024xi32, #tpu.memory_space<vmem>>
      %dma_wait3A_729 = tpu.memref_slice %arg3[%dma_wait3A_726, %mul3A_725] : memref<32x10240xi32, #tpu.memory_space<hbm>> -> memref<1x1024xi32, #tpu.memory_space<hbm>>
      %dma_wait3A_730 = tpu.memref_squeeze %dma_wait3A_729 : memref<1x1024xi32, #tpu.memory_space<hbm>> -> memref<1024xi32, #tpu.memory_space<hbm>>
      %dma_wait3A_731 = arith.constant 19456 : i32
      %dma_wait3A_732 = tpu.memref_slice %arg6[%dma_wait3A_731] : memref<65536xi32, #tpu.memory_space<vmem>> -> memref<1024xi32, #tpu.memory_space<vmem>>
      %dma_wait3A_733 = tpu.memref_slice %arg3[%dma_wait3A_726, %mul3A_725] : memref<32x10240xi32, #tpu.memory_space<hbm>> -> memref<1x1024xi32, #tpu.memory_space<hbm>>
      %dma_wait3A_734 = tpu.memref_squeeze %dma_wait3A_733 : memref<1x1024xi32, #tpu.memory_space<hbm>> -> memref<1024xi32, #tpu.memory_space<hbm>>
      tpu.wait_dma2 semaphore(%arg9 : memref<!tpu.dma_semaphore, #tpu.memory_space<semaphore_mem>>) src(%dma_wait3A_734 : memref<1024xi32, #tpu.memory_space<hbm>>) dst(%dma_wait3A_732 : memref<1024xi32, #tpu.memory_space<vmem>>)
      %mul3A_735 = arith.constant 1024 : i32
      %mul3A_736 = arith.muli %add3A_512, %mul3A_735 : i32
      %dma_wait3A_737 = arith.constant 20 : i32
      %dma_wait3A_738 = arith.constant 20480 : i32
      %dma_wait3A_739 = tpu.memref_slice %arg6[%dma_wait3A_738] : memref<65536xi32, #tpu.memory_space<vmem>> -> memref<1024xi32, #tpu.memory_space<vmem>>
      %dma_wait3A_740 = tpu.memref_slice %arg3[%dma_wait3A_737, %mul3A_736] : memref<32x10240xi32, #tpu.memory_space<hbm>> -> memref<1x1024xi32, #tpu.memory_space<hbm>>
      %dma_wait3A_741 = tpu.memref_squeeze %dma_wait3A_740 : memref<1x1024xi32, #tpu.memory_space<hbm>> -> memref<1024xi32, #tpu.memory_space<hbm>>
      %dma_wait3A_742 = arith.constant 20480 : i32
      %dma_wait3A_743 = tpu.memref_slice %arg6[%dma_wait3A_742] : memref<65536xi32, #tpu.memory_space<vmem>> -> memref<1024xi32, #tpu.memory_space<vmem>>
      %dma_wait3A_744 = tpu.memref_slice %arg3[%dma_wait3A_737, %mul3A_736] : memref<32x10240xi32, #tpu.memory_space<hbm>> -> memref<1x1024xi32, #tpu.memory_space<hbm>>
      %dma_wait3A_745 = tpu.memref_squeeze %dma_wait3A_744 : memref<1x1024xi32, #tpu.memory_space<hbm>> -> memref<1024xi32, #tpu.memory_space<hbm>>
      tpu.wait_dma2 semaphore(%arg9 : memref<!tpu.dma_semaphore, #tpu.memory_space<semaphore_mem>>) src(%dma_wait3A_745 : memref<1024xi32, #tpu.memory_space<hbm>>) dst(%dma_wait3A_743 : memref<1024xi32, #tpu.memory_space<vmem>>)
      %mul3A_746 = arith.constant 1024 : i32
      %mul3A_747 = arith.muli %add3A_512, %mul3A_746 : i32
      %dma_wait3A_748 = arith.constant 21 : i32
      %dma_wait3A_749 = arith.constant 21504 : i32
      %dma_wait3A_750 = tpu.memref_slice %arg6[%dma_wait3A_749] : memref<65536xi32, #tpu.memory_space<vmem>> -> memref<1024xi32, #tpu.memory_space<vmem>>
      %dma_wait3A_751 = tpu.memref_slice %arg3[%dma_wait3A_748, %mul3A_747] : memref<32x10240xi32, #tpu.memory_space<hbm>> -> memref<1x1024xi32, #tpu.memory_space<hbm>>
      %dma_wait3A_752 = tpu.memref_squeeze %dma_wait3A_751 : memref<1x1024xi32, #tpu.memory_space<hbm>> -> memref<1024xi32, #tpu.memory_space<hbm>>
      %dma_wait3A_753 = arith.constant 21504 : i32
      %dma_wait3A_754 = tpu.memref_slice %arg6[%dma_wait3A_753] : memref<65536xi32, #tpu.memory_space<vmem>> -> memref<1024xi32, #tpu.memory_space<vmem>>
      %dma_wait3A_755 = tpu.memref_slice %arg3[%dma_wait3A_748, %mul3A_747] : memref<32x10240xi32, #tpu.memory_space<hbm>> -> memref<1x1024xi32, #tpu.memory_space<hbm>>
      %dma_wait3A_756 = tpu.memref_squeeze %dma_wait3A_755 : memref<1x1024xi32, #tpu.memory_space<hbm>> -> memref<1024xi32, #tpu.memory_space<hbm>>
      tpu.wait_dma2 semaphore(%arg9 : memref<!tpu.dma_semaphore, #tpu.memory_space<semaphore_mem>>) src(%dma_wait3A_756 : memref<1024xi32, #tpu.memory_space<hbm>>) dst(%dma_wait3A_754 : memref<1024xi32, #tpu.memory_space<vmem>>)
      %mul3A_757 = arith.constant 1024 : i32
      %mul3A_758 = arith.muli %add3A_512, %mul3A_757 : i32
      %dma_wait3A_759 = arith.constant 22 : i32
      %dma_wait3A_760 = arith.constant 22528 : i32
      %dma_wait3A_761 = tpu.memref_slice %arg6[%dma_wait3A_760] : memref<65536xi32, #tpu.memory_space<vmem>> -> memref<1024xi32, #tpu.memory_space<vmem>>
      %dma_wait3A_762 = tpu.memref_slice %arg3[%dma_wait3A_759, %mul3A_758] : memref<32x10240xi32, #tpu.memory_space<hbm>> -> memref<1x1024xi32, #tpu.memory_space<hbm>>
      %dma_wait3A_763 = tpu.memref_squeeze %dma_wait3A_762 : memref<1x1024xi32, #tpu.memory_space<hbm>> -> memref<1024xi32, #tpu.memory_space<hbm>>
      %dma_wait3A_764 = arith.constant 22528 : i32
      %dma_wait3A_765 = tpu.memref_slice %arg6[%dma_wait3A_764] : memref<65536xi32, #tpu.memory_space<vmem>> -> memref<1024xi32, #tpu.memory_space<vmem>>
      %dma_wait3A_766 = tpu.memref_slice %arg3[%dma_wait3A_759, %mul3A_758] : memref<32x10240xi32, #tpu.memory_space<hbm>> -> memref<1x1024xi32, #tpu.memory_space<hbm>>
      %dma_wait3A_767 = tpu.memref_squeeze %dma_wait3A_766 : memref<1x1024xi32, #tpu.memory_space<hbm>> -> memref<1024xi32, #tpu.memory_space<hbm>>
      tpu.wait_dma2 semaphore(%arg9 : memref<!tpu.dma_semaphore, #tpu.memory_space<semaphore_mem>>) src(%dma_wait3A_767 : memref<1024xi32, #tpu.memory_space<hbm>>) dst(%dma_wait3A_765 : memref<1024xi32, #tpu.memory_space<vmem>>)
      %mul3A_768 = arith.constant 1024 : i32
      %mul3A_769 = arith.muli %add3A_512, %mul3A_768 : i32
      %dma_wait3A_770 = arith.constant 23 : i32
      %dma_wait3A_771 = arith.constant 23552 : i32
      %dma_wait3A_772 = tpu.memref_slice %arg6[%dma_wait3A_771] : memref<65536xi32, #tpu.memory_space<vmem>> -> memref<1024xi32, #tpu.memory_space<vmem>>
      %dma_wait3A_773 = tpu.memref_slice %arg3[%dma_wait3A_770, %mul3A_769] : memref<32x10240xi32, #tpu.memory_space<hbm>> -> memref<1x1024xi32, #tpu.memory_space<hbm>>
      %dma_wait3A_774 = tpu.memref_squeeze %dma_wait3A_773 : memref<1x1024xi32, #tpu.memory_space<hbm>> -> memref<1024xi32, #tpu.memory_space<hbm>>
      %dma_wait3A_775 = arith.constant 23552 : i32
      %dma_wait3A_776 = tpu.memref_slice %arg6[%dma_wait3A_775] : memref<65536xi32, #tpu.memory_space<vmem>> -> memref<1024xi32, #tpu.memory_space<vmem>>
      %dma_wait3A_777 = tpu.memref_slice %arg3[%dma_wait3A_770, %mul3A_769] : memref<32x10240xi32, #tpu.memory_space<hbm>> -> memref<1x1024xi32, #tpu.memory_space<hbm>>
      %dma_wait3A_778 = tpu.memref_squeeze %dma_wait3A_777 : memref<1x1024xi32, #tpu.memory_space<hbm>> -> memref<1024xi32, #tpu.memory_space<hbm>>
      tpu.wait_dma2 semaphore(%arg9 : memref<!tpu.dma_semaphore, #tpu.memory_space<semaphore_mem>>) src(%dma_wait3A_778 : memref<1024xi32, #tpu.memory_space<hbm>>) dst(%dma_wait3A_776 : memref<1024xi32, #tpu.memory_space<vmem>>)
      %mul3A_779 = arith.constant 1024 : i32
      %mul3A_780 = arith.muli %add3A_512, %mul3A_779 : i32
      %dma_wait3A_781 = arith.constant 24 : i32
      %dma_wait3A_782 = arith.constant 24576 : i32
      %dma_wait3A_783 = tpu.memref_slice %arg6[%dma_wait3A_782] : memref<65536xi32, #tpu.memory_space<vmem>> -> memref<1024xi32, #tpu.memory_space<vmem>>
      %dma_wait3A_784 = tpu.memref_slice %arg3[%dma_wait3A_781, %mul3A_780] : memref<32x10240xi32, #tpu.memory_space<hbm>> -> memref<1x1024xi32, #tpu.memory_space<hbm>>
      %dma_wait3A_785 = tpu.memref_squeeze %dma_wait3A_784 : memref<1x1024xi32, #tpu.memory_space<hbm>> -> memref<1024xi32, #tpu.memory_space<hbm>>
      %dma_wait3A_786 = arith.constant 24576 : i32
      %dma_wait3A_787 = tpu.memref_slice %arg6[%dma_wait3A_786] : memref<65536xi32, #tpu.memory_space<vmem>> -> memref<1024xi32, #tpu.memory_space<vmem>>
      %dma_wait3A_788 = tpu.memref_slice %arg3[%dma_wait3A_781, %mul3A_780] : memref<32x10240xi32, #tpu.memory_space<hbm>> -> memref<1x1024xi32, #tpu.memory_space<hbm>>
      %dma_wait3A_789 = tpu.memref_squeeze %dma_wait3A_788 : memref<1x1024xi32, #tpu.memory_space<hbm>> -> memref<1024xi32, #tpu.memory_space<hbm>>
      tpu.wait_dma2 semaphore(%arg9 : memref<!tpu.dma_semaphore, #tpu.memory_space<semaphore_mem>>) src(%dma_wait3A_789 : memref<1024xi32, #tpu.memory_space<hbm>>) dst(%dma_wait3A_787 : memref<1024xi32, #tpu.memory_space<vmem>>)
      %mul3A_790 = arith.constant 1024 : i32
      %mul3A_791 = arith.muli %add3A_512, %mul3A_790 : i32
      %dma_wait3A_792 = arith.constant 25 : i32
      %dma_wait3A_793 = arith.constant 25600 : i32
      %dma_wait3A_794 = tpu.memref_slice %arg6[%dma_wait3A_793] : memref<65536xi32, #tpu.memory_space<vmem>> -> memref<1024xi32, #tpu.memory_space<vmem>>
      %dma_wait3A_795 = tpu.memref_slice %arg3[%dma_wait3A_792, %mul3A_791] : memref<32x10240xi32, #tpu.memory_space<hbm>> -> memref<1x1024xi32, #tpu.memory_space<hbm>>
      %dma_wait3A_796 = tpu.memref_squeeze %dma_wait3A_795 : memref<1x1024xi32, #tpu.memory_space<hbm>> -> memref<1024xi32, #tpu.memory_space<hbm>>
      %dma_wait3A_797 = arith.constant 25600 : i32
      %dma_wait3A_798 = tpu.memref_slice %arg6[%dma_wait3A_797] : memref<65536xi32, #tpu.memory_space<vmem>> -> memref<1024xi32, #tpu.memory_space<vmem>>
      %dma_wait3A_799 = tpu.memref_slice %arg3[%dma_wait3A_792, %mul3A_791] : memref<32x10240xi32, #tpu.memory_space<hbm>> -> memref<1x1024xi32, #tpu.memory_space<hbm>>
      %dma_wait3A_800 = tpu.memref_squeeze %dma_wait3A_799 : memref<1x1024xi32, #tpu.memory_space<hbm>> -> memref<1024xi32, #tpu.memory_space<hbm>>
      tpu.wait_dma2 semaphore(%arg9 : memref<!tpu.dma_semaphore, #tpu.memory_space<semaphore_mem>>) src(%dma_wait3A_800 : memref<1024xi32, #tpu.memory_space<hbm>>) dst(%dma_wait3A_798 : memref<1024xi32, #tpu.memory_space<vmem>>)
      %mul3A_801 = arith.constant 1024 : i32
      %mul3A_802 = arith.muli %add3A_512, %mul3A_801 : i32
      %dma_wait3A_803 = arith.constant 26 : i32
      %dma_wait3A_804 = arith.constant 26624 : i32
      %dma_wait3A_805 = tpu.memref_slice %arg6[%dma_wait3A_804] : memref<65536xi32, #tpu.memory_space<vmem>> -> memref<1024xi32, #tpu.memory_space<vmem>>
      %dma_wait3A_806 = tpu.memref_slice %arg3[%dma_wait3A_803, %mul3A_802] : memref<32x10240xi32, #tpu.memory_space<hbm>> -> memref<1x1024xi32, #tpu.memory_space<hbm>>
      %dma_wait3A_807 = tpu.memref_squeeze %dma_wait3A_806 : memref<1x1024xi32, #tpu.memory_space<hbm>> -> memref<1024xi32, #tpu.memory_space<hbm>>
      %dma_wait3A_808 = arith.constant 26624 : i32
      %dma_wait3A_809 = tpu.memref_slice %arg6[%dma_wait3A_808] : memref<65536xi32, #tpu.memory_space<vmem>> -> memref<1024xi32, #tpu.memory_space<vmem>>
      %dma_wait3A_810 = tpu.memref_slice %arg3[%dma_wait3A_803, %mul3A_802] : memref<32x10240xi32, #tpu.memory_space<hbm>> -> memref<1x1024xi32, #tpu.memory_space<hbm>>
      %dma_wait3A_811 = tpu.memref_squeeze %dma_wait3A_810 : memref<1x1024xi32, #tpu.memory_space<hbm>> -> memref<1024xi32, #tpu.memory_space<hbm>>
      tpu.wait_dma2 semaphore(%arg9 : memref<!tpu.dma_semaphore, #tpu.memory_space<semaphore_mem>>) src(%dma_wait3A_811 : memref<1024xi32, #tpu.memory_space<hbm>>) dst(%dma_wait3A_809 : memref<1024xi32, #tpu.memory_space<vmem>>)
      %mul3A_812 = arith.constant 1024 : i32
      %mul3A_813 = arith.muli %add3A_512, %mul3A_812 : i32
      %dma_wait3A_814 = arith.constant 27 : i32
      %dma_wait3A_815 = arith.constant 27648 : i32
      %dma_wait3A_816 = tpu.memref_slice %arg6[%dma_wait3A_815] : memref<65536xi32, #tpu.memory_space<vmem>> -> memref<1024xi32, #tpu.memory_space<vmem>>
      %dma_wait3A_817 = tpu.memref_slice %arg3[%dma_wait3A_814, %mul3A_813] : memref<32x10240xi32, #tpu.memory_space<hbm>> -> memref<1x1024xi32, #tpu.memory_space<hbm>>
      %dma_wait3A_818 = tpu.memref_squeeze %dma_wait3A_817 : memref<1x1024xi32, #tpu.memory_space<hbm>> -> memref<1024xi32, #tpu.memory_space<hbm>>
      %dma_wait3A_819 = arith.constant 27648 : i32
      %dma_wait3A_820 = tpu.memref_slice %arg6[%dma_wait3A_819] : memref<65536xi32, #tpu.memory_space<vmem>> -> memref<1024xi32, #tpu.memory_space<vmem>>
      %dma_wait3A_821 = tpu.memref_slice %arg3[%dma_wait3A_814, %mul3A_813] : memref<32x10240xi32, #tpu.memory_space<hbm>> -> memref<1x1024xi32, #tpu.memory_space<hbm>>
      %dma_wait3A_822 = tpu.memref_squeeze %dma_wait3A_821 : memref<1x1024xi32, #tpu.memory_space<hbm>> -> memref<1024xi32, #tpu.memory_space<hbm>>
      tpu.wait_dma2 semaphore(%arg9 : memref<!tpu.dma_semaphore, #tpu.memory_space<semaphore_mem>>) src(%dma_wait3A_822 : memref<1024xi32, #tpu.memory_space<hbm>>) dst(%dma_wait3A_820 : memref<1024xi32, #tpu.memory_space<vmem>>)
      %mul3A_823 = arith.constant 1024 : i32
      %mul3A_824 = arith.muli %add3A_512, %mul3A_823 : i32
      %dma_wait3A_825 = arith.constant 28 : i32
      %dma_wait3A_826 = arith.constant 28672 : i32
      %dma_wait3A_827 = tpu.memref_slice %arg6[%dma_wait3A_826] : memref<65536xi32, #tpu.memory_space<vmem>> -> memref<1024xi32, #tpu.memory_space<vmem>>
      %dma_wait3A_828 = tpu.memref_slice %arg3[%dma_wait3A_825, %mul3A_824] : memref<32x10240xi32, #tpu.memory_space<hbm>> -> memref<1x1024xi32, #tpu.memory_space<hbm>>
      %dma_wait3A_829 = tpu.memref_squeeze %dma_wait3A_828 : memref<1x1024xi32, #tpu.memory_space<hbm>> -> memref<1024xi32, #tpu.memory_space<hbm>>
      %dma_wait3A_830 = arith.constant 28672 : i32
      %dma_wait3A_831 = tpu.memref_slice %arg6[%dma_wait3A_830] : memref<65536xi32, #tpu.memory_space<vmem>> -> memref<1024xi32, #tpu.memory_space<vmem>>
      %dma_wait3A_832 = tpu.memref_slice %arg3[%dma_wait3A_825, %mul3A_824] : memref<32x10240xi32, #tpu.memory_space<hbm>> -> memref<1x1024xi32, #tpu.memory_space<hbm>>
      %dma_wait3A_833 = tpu.memref_squeeze %dma_wait3A_832 : memref<1x1024xi32, #tpu.memory_space<hbm>> -> memref<1024xi32, #tpu.memory_space<hbm>>
      tpu.wait_dma2 semaphore(%arg9 : memref<!tpu.dma_semaphore, #tpu.memory_space<semaphore_mem>>) src(%dma_wait3A_833 : memref<1024xi32, #tpu.memory_space<hbm>>) dst(%dma_wait3A_831 : memref<1024xi32, #tpu.memory_space<vmem>>)
      %mul3A_834 = arith.constant 1024 : i32
      %mul3A_835 = arith.muli %add3A_512, %mul3A_834 : i32
      %dma_wait3A_836 = arith.constant 29 : i32
      %dma_wait3A_837 = arith.constant 29696 : i32
      %dma_wait3A_838 = tpu.memref_slice %arg6[%dma_wait3A_837] : memref<65536xi32, #tpu.memory_space<vmem>> -> memref<1024xi32, #tpu.memory_space<vmem>>
      %dma_wait3A_839 = tpu.memref_slice %arg3[%dma_wait3A_836, %mul3A_835] : memref<32x10240xi32, #tpu.memory_space<hbm>> -> memref<1x1024xi32, #tpu.memory_space<hbm>>
      %dma_wait3A_840 = tpu.memref_squeeze %dma_wait3A_839 : memref<1x1024xi32, #tpu.memory_space<hbm>> -> memref<1024xi32, #tpu.memory_space<hbm>>
      %dma_wait3A_841 = arith.constant 29696 : i32
      %dma_wait3A_842 = tpu.memref_slice %arg6[%dma_wait3A_841] : memref<65536xi32, #tpu.memory_space<vmem>> -> memref<1024xi32, #tpu.memory_space<vmem>>
      %dma_wait3A_843 = tpu.memref_slice %arg3[%dma_wait3A_836, %mul3A_835] : memref<32x10240xi32, #tpu.memory_space<hbm>> -> memref<1x1024xi32, #tpu.memory_space<hbm>>
      %dma_wait3A_844 = tpu.memref_squeeze %dma_wait3A_843 : memref<1x1024xi32, #tpu.memory_space<hbm>> -> memref<1024xi32, #tpu.memory_space<hbm>>
      tpu.wait_dma2 semaphore(%arg9 : memref<!tpu.dma_semaphore, #tpu.memory_space<semaphore_mem>>) src(%dma_wait3A_844 : memref<1024xi32, #tpu.memory_space<hbm>>) dst(%dma_wait3A_842 : memref<1024xi32, #tpu.memory_space<vmem>>)
      %mul3A_845 = arith.constant 1024 : i32
      %mul3A_846 = arith.muli %add3A_512, %mul3A_845 : i32
      %dma_wait3A_847 = arith.constant 30 : i32
      %dma_wait3A_848 = arith.constant 30720 : i32
      %dma_wait3A_849 = tpu.memref_slice %arg6[%dma_wait3A_848] : memref<65536xi32, #tpu.memory_space<vmem>> -> memref<1024xi32, #tpu.memory_space<vmem>>
      %dma_wait3A_850 = tpu.memref_slice %arg3[%dma_wait3A_847, %mul3A_846] : memref<32x10240xi32, #tpu.memory_space<hbm>> -> memref<1x1024xi32, #tpu.memory_space<hbm>>
      %dma_wait3A_851 = tpu.memref_squeeze %dma_wait3A_850 : memref<1x1024xi32, #tpu.memory_space<hbm>> -> memref<1024xi32, #tpu.memory_space<hbm>>
      %dma_wait3A_852 = arith.constant 30720 : i32
      %dma_wait3A_853 = tpu.memref_slice %arg6[%dma_wait3A_852] : memref<65536xi32, #tpu.memory_space<vmem>> -> memref<1024xi32, #tpu.memory_space<vmem>>
      %dma_wait3A_854 = tpu.memref_slice %arg3[%dma_wait3A_847, %mul3A_846] : memref<32x10240xi32, #tpu.memory_space<hbm>> -> memref<1x1024xi32, #tpu.memory_space<hbm>>
      %dma_wait3A_855 = tpu.memref_squeeze %dma_wait3A_854 : memref<1x1024xi32, #tpu.memory_space<hbm>> -> memref<1024xi32, #tpu.memory_space<hbm>>
      tpu.wait_dma2 semaphore(%arg9 : memref<!tpu.dma_semaphore, #tpu.memory_space<semaphore_mem>>) src(%dma_wait3A_855 : memref<1024xi32, #tpu.memory_space<hbm>>) dst(%dma_wait3A_853 : memref<1024xi32, #tpu.memory_space<vmem>>)
      %mul3A_856 = arith.constant 1024 : i32
      %mul3A_857 = arith.muli %add3A_512, %mul3A_856 : i32
      %dma_wait3A_858 = arith.constant 31 : i32
      %dma_wait3A_859 = arith.constant 31744 : i32
      %dma_wait3A_860 = tpu.memref_slice %arg6[%dma_wait3A_859] : memref<65536xi32, #tpu.memory_space<vmem>> -> memref<1024xi32, #tpu.memory_space<vmem>>
      %dma_wait3A_861 = tpu.memref_slice %arg3[%dma_wait3A_858, %mul3A_857] : memref<32x10240xi32, #tpu.memory_space<hbm>> -> memref<1x1024xi32, #tpu.memory_space<hbm>>
      %dma_wait3A_862 = tpu.memref_squeeze %dma_wait3A_861 : memref<1x1024xi32, #tpu.memory_space<hbm>> -> memref<1024xi32, #tpu.memory_space<hbm>>
      %dma_wait3A_863 = arith.constant 31744 : i32
      %dma_wait3A_864 = tpu.memref_slice %arg6[%dma_wait3A_863] : memref<65536xi32, #tpu.memory_space<vmem>> -> memref<1024xi32, #tpu.memory_space<vmem>>
      %dma_wait3A_865 = tpu.memref_slice %arg3[%dma_wait3A_858, %mul3A_857] : memref<32x10240xi32, #tpu.memory_space<hbm>> -> memref<1x1024xi32, #tpu.memory_space<hbm>>
      %dma_wait3A_866 = tpu.memref_squeeze %dma_wait3A_865 : memref<1x1024xi32, #tpu.memory_space<hbm>> -> memref<1024xi32, #tpu.memory_space<hbm>>
      tpu.wait_dma2 semaphore(%arg9 : memref<!tpu.dma_semaphore, #tpu.memory_space<semaphore_mem>>) src(%dma_wait3A_866 : memref<1024xi32, #tpu.memory_space<hbm>>) dst(%dma_wait3A_864 : memref<1024xi32, #tpu.memory_space<vmem>>)
      %add3A_867 = arith.constant 1 : i32
      %add3A_868 = arith.addi %add3A_512, %add3A_867 : i32
      %lt3A = arith.constant 10 : i32
      %lt3A_869 = arith.cmpi slt, %add3A_868, %lt3A : i32
      %convert_element_type3A_870 = arith.extui %lt3A_869 : i1 to i32
      %cond3A_871 = arith.constant 0 : i32
      %cond3A_872 = arith.cmpi ne, %convert_element_type3A_870, %cond3A_871 : i32
      scf.if %cond3A_872 {
        %add3A_1333 = arith.constant 1 : i32
        %add3A_1334 = arith.addi %add3A_512, %add3A_1333 : i32
        %mul3A_1335 = arith.constant 1024 : i32
        %mul3A_1336 = arith.muli %add3A_1334, %mul3A_1335 : i32
        %dma_start3A_1337 = arith.constant 0 : i32
        %dma_start3A_1338 = arith.constant 32768 : i32
        %dma_start3A_1339 = tpu.memref_slice %arg6[%dma_start3A_1338] : memref<65536xi32, #tpu.memory_space<vmem>> -> memref<1024xi32, #tpu.memory_space<vmem>>
        %dma_start3A_1340 = tpu.memref_slice %arg3[%dma_start3A_1337, %mul3A_1336] : memref<32x10240xi32, #tpu.memory_space<hbm>> -> memref<1x1024xi32, #tpu.memory_space<hbm>>
        %dma_start3A_1341 = tpu.memref_squeeze %dma_start3A_1340 : memref<1x1024xi32, #tpu.memory_space<hbm>> -> memref<1024xi32, #tpu.memory_space<hbm>>
        %dma_start3A_1342 = arith.constant 32768 : i32
        %dma_start3A_1343 = tpu.memref_slice %arg6[%dma_start3A_1342] : memref<65536xi32, #tpu.memory_space<vmem>> -> memref<1024xi32, #tpu.memory_space<vmem>>
        %dma_start3A_1344 = tpu.memref_slice %arg3[%dma_start3A_1337, %mul3A_1336] : memref<32x10240xi32, #tpu.memory_space<hbm>> -> memref<1x1024xi32, #tpu.memory_space<hbm>>
        %dma_start3A_1345 = tpu.memref_squeeze %dma_start3A_1344 : memref<1x1024xi32, #tpu.memory_space<hbm>> -> memref<1024xi32, #tpu.memory_space<hbm>>
        tpu.enqueue_dma source(%dma_start3A_1345 : memref<1024xi32, #tpu.memory_space<hbm>>) target(%dma_start3A_1343 : memref<1024xi32, #tpu.memory_space<vmem>>) target_semaphore(%arg9 : memref<!tpu.dma_semaphore, #tpu.memory_space<semaphore_mem>>)
        %mul3A_1346 = arith.constant 1024 : i32
        %mul3A_1347 = arith.muli %add3A_1334, %mul3A_1346 : i32
        %dma_start3A_1348 = arith.constant 1 : i32
        %dma_start3A_1349 = arith.constant 33792 : i32
        %dma_start3A_1350 = tpu.memref_slice %arg6[%dma_start3A_1349] : memref<65536xi32, #tpu.memory_space<vmem>> -> memref<1024xi32, #tpu.memory_space<vmem>>
        %dma_start3A_1351 = tpu.memref_slice %arg3[%dma_start3A_1348, %mul3A_1347] : memref<32x10240xi32, #tpu.memory_space<hbm>> -> memref<1x1024xi32, #tpu.memory_space<hbm>>
        %dma_start3A_1352 = tpu.memref_squeeze %dma_start3A_1351 : memref<1x1024xi32, #tpu.memory_space<hbm>> -> memref<1024xi32, #tpu.memory_space<hbm>>
        %dma_start3A_1353 = arith.constant 33792 : i32
        %dma_start3A_1354 = tpu.memref_slice %arg6[%dma_start3A_1353] : memref<65536xi32, #tpu.memory_space<vmem>> -> memref<1024xi32, #tpu.memory_space<vmem>>
        %dma_start3A_1355 = tpu.memref_slice %arg3[%dma_start3A_1348, %mul3A_1347] : memref<32x10240xi32, #tpu.memory_space<hbm>> -> memref<1x1024xi32, #tpu.memory_space<hbm>>
        %dma_start3A_1356 = tpu.memref_squeeze %dma_start3A_1355 : memref<1x1024xi32, #tpu.memory_space<hbm>> -> memref<1024xi32, #tpu.memory_space<hbm>>
        tpu.enqueue_dma source(%dma_start3A_1356 : memref<1024xi32, #tpu.memory_space<hbm>>) target(%dma_start3A_1354 : memref<1024xi32, #tpu.memory_space<vmem>>) target_semaphore(%arg9 : memref<!tpu.dma_semaphore, #tpu.memory_space<semaphore_mem>>)
        %mul3A_1357 = arith.constant 1024 : i32
        %mul3A_1358 = arith.muli %add3A_1334, %mul3A_1357 : i32
        %dma_start3A_1359 = arith.constant 2 : i32
        %dma_start3A_1360 = arith.constant 34816 : i32
        %dma_start3A_1361 = tpu.memref_slice %arg6[%dma_start3A_1360] : memref<65536xi32, #tpu.memory_space<vmem>> -> memref<1024xi32, #tpu.memory_space<vmem>>
        %dma_start3A_1362 = tpu.memref_slice %arg3[%dma_start3A_1359, %mul3A_1358] : memref<32x10240xi32, #tpu.memory_space<hbm>> -> memref<1x1024xi32, #tpu.memory_space<hbm>>
        %dma_start3A_1363 = tpu.memref_squeeze %dma_start3A_1362 : memref<1x1024xi32, #tpu.memory_space<hbm>> -> memref<1024xi32, #tpu.memory_space<hbm>>
        %dma_start3A_1364 = arith.constant 34816 : i32
        %dma_start3A_1365 = tpu.memref_slice %arg6[%dma_start3A_1364] : memref<65536xi32, #tpu.memory_space<vmem>> -> memref<1024xi32, #tpu.memory_space<vmem>>
        %dma_start3A_1366 = tpu.memref_slice %arg3[%dma_start3A_1359, %mul3A_1358] : memref<32x10240xi32, #tpu.memory_space<hbm>> -> memref<1x1024xi32, #tpu.memory_space<hbm>>
        %dma_start3A_1367 = tpu.memref_squeeze %dma_start3A_1366 : memref<1x1024xi32, #tpu.memory_space<hbm>> -> memref<1024xi32, #tpu.memory_space<hbm>>
        tpu.enqueue_dma source(%dma_start3A_1367 : memref<1024xi32, #tpu.memory_space<hbm>>) target(%dma_start3A_1365 : memref<1024xi32, #tpu.memory_space<vmem>>) target_semaphore(%arg9 : memref<!tpu.dma_semaphore, #tpu.memory_space<semaphore_mem>>)
        %mul3A_1368 = arith.constant 1024 : i32
        %mul3A_1369 = arith.muli %add3A_1334, %mul3A_1368 : i32
        %dma_start3A_1370 = arith.constant 3 : i32
        %dma_start3A_1371 = arith.constant 35840 : i32
        %dma_start3A_1372 = tpu.memref_slice %arg6[%dma_start3A_1371] : memref<65536xi32, #tpu.memory_space<vmem>> -> memref<1024xi32, #tpu.memory_space<vmem>>
        %dma_start3A_1373 = tpu.memref_slice %arg3[%dma_start3A_1370, %mul3A_1369] : memref<32x10240xi32, #tpu.memory_space<hbm>> -> memref<1x1024xi32, #tpu.memory_space<hbm>>
        %dma_start3A_1374 = tpu.memref_squeeze %dma_start3A_1373 : memref<1x1024xi32, #tpu.memory_space<hbm>> -> memref<1024xi32, #tpu.memory_space<hbm>>
        %dma_start3A_1375 = arith.constant 35840 : i32
        %dma_start3A_1376 = tpu.memref_slice %arg6[%dma_start3A_1375] : memref<65536xi32, #tpu.memory_space<vmem>> -> memref<1024xi32, #tpu.memory_space<vmem>>
        %dma_start3A_1377 = tpu.memref_slice %arg3[%dma_start3A_1370, %mul3A_1369] : memref<32x10240xi32, #tpu.memory_space<hbm>> -> memref<1x1024xi32, #tpu.memory_space<hbm>>
        %dma_start3A_1378 = tpu.memref_squeeze %dma_start3A_1377 : memref<1x1024xi32, #tpu.memory_space<hbm>> -> memref<1024xi32, #tpu.memory_space<hbm>>
        tpu.enqueue_dma source(%dma_start3A_1378 : memref<1024xi32, #tpu.memory_space<hbm>>) target(%dma_start3A_1376 : memref<1024xi32, #tpu.memory_space<vmem>>) target_semaphore(%arg9 : memref<!tpu.dma_semaphore, #tpu.memory_space<semaphore_mem>>)
        %mul3A_1379 = arith.constant 1024 : i32
        %mul3A_1380 = arith.muli %add3A_1334, %mul3A_1379 : i32
        %dma_start3A_1381 = arith.constant 4 : i32
        %dma_start3A_1382 = arith.constant 36864 : i32
        %dma_start3A_1383 = tpu.memref_slice %arg6[%dma_start3A_1382] : memref<65536xi32, #tpu.memory_space<vmem>> -> memref<1024xi32, #tpu.memory_space<vmem>>
        %dma_start3A_1384 = tpu.memref_slice %arg3[%dma_start3A_1381, %mul3A_1380] : memref<32x10240xi32, #tpu.memory_space<hbm>> -> memref<1x1024xi32, #tpu.memory_space<hbm>>
        %dma_start3A_1385 = tpu.memref_squeeze %dma_start3A_1384 : memref<1x1024xi32, #tpu.memory_space<hbm>> -> memref<1024xi32, #tpu.memory_space<hbm>>
        %dma_start3A_1386 = arith.constant 36864 : i32
        %dma_start3A_1387 = tpu.memref_slice %arg6[%dma_start3A_1386] : memref<65536xi32, #tpu.memory_space<vmem>> -> memref<1024xi32, #tpu.memory_space<vmem>>
        %dma_start3A_1388 = tpu.memref_slice %arg3[%dma_start3A_1381, %mul3A_1380] : memref<32x10240xi32, #tpu.memory_space<hbm>> -> memref<1x1024xi32, #tpu.memory_space<hbm>>
        %dma_start3A_1389 = tpu.memref_squeeze %dma_start3A_1388 : memref<1x1024xi32, #tpu.memory_space<hbm>> -> memref<1024xi32, #tpu.memory_space<hbm>>
        tpu.enqueue_dma source(%dma_start3A_1389 : memref<1024xi32, #tpu.memory_space<hbm>>) target(%dma_start3A_1387 : memref<1024xi32, #tpu.memory_space<vmem>>) target_semaphore(%arg9 : memref<!tpu.dma_semaphore, #tpu.memory_space<semaphore_mem>>)
        %mul3A_1390 = arith.constant 1024 : i32
        %mul3A_1391 = arith.muli %add3A_1334, %mul3A_1390 : i32
        %dma_start3A_1392 = arith.constant 5 : i32
        %dma_start3A_1393 = arith.constant 37888 : i32
        %dma_start3A_1394 = tpu.memref_slice %arg6[%dma_start3A_1393] : memref<65536xi32, #tpu.memory_space<vmem>> -> memref<1024xi32, #tpu.memory_space<vmem>>
        %dma_start3A_1395 = tpu.memref_slice %arg3[%dma_start3A_1392, %mul3A_1391] : memref<32x10240xi32, #tpu.memory_space<hbm>> -> memref<1x1024xi32, #tpu.memory_space<hbm>>
        %dma_start3A_1396 = tpu.memref_squeeze %dma_start3A_1395 : memref<1x1024xi32, #tpu.memory_space<hbm>> -> memref<1024xi32, #tpu.memory_space<hbm>>
        %dma_start3A_1397 = arith.constant 37888 : i32
        %dma_start3A_1398 = tpu.memref_slice %arg6[%dma_start3A_1397] : memref<65536xi32, #tpu.memory_space<vmem>> -> memref<1024xi32, #tpu.memory_space<vmem>>
        %dma_start3A_1399 = tpu.memref_slice %arg3[%dma_start3A_1392, %mul3A_1391] : memref<32x10240xi32, #tpu.memory_space<hbm>> -> memref<1x1024xi32, #tpu.memory_space<hbm>>
        %dma_start3A_1400 = tpu.memref_squeeze %dma_start3A_1399 : memref<1x1024xi32, #tpu.memory_space<hbm>> -> memref<1024xi32, #tpu.memory_space<hbm>>
        tpu.enqueue_dma source(%dma_start3A_1400 : memref<1024xi32, #tpu.memory_space<hbm>>) target(%dma_start3A_1398 : memref<1024xi32, #tpu.memory_space<vmem>>) target_semaphore(%arg9 : memref<!tpu.dma_semaphore, #tpu.memory_space<semaphore_mem>>)
        %mul3A_1401 = arith.constant 1024 : i32
        %mul3A_1402 = arith.muli %add3A_1334, %mul3A_1401 : i32
        %dma_start3A_1403 = arith.constant 6 : i32
        %dma_start3A_1404 = arith.constant 38912 : i32
        %dma_start3A_1405 = tpu.memref_slice %arg6[%dma_start3A_1404] : memref<65536xi32, #tpu.memory_space<vmem>> -> memref<1024xi32, #tpu.memory_space<vmem>>
        %dma_start3A_1406 = tpu.memref_slice %arg3[%dma_start3A_1403, %mul3A_1402] : memref<32x10240xi32, #tpu.memory_space<hbm>> -> memref<1x1024xi32, #tpu.memory_space<hbm>>
        %dma_start3A_1407 = tpu.memref_squeeze %dma_start3A_1406 : memref<1x1024xi32, #tpu.memory_space<hbm>> -> memref<1024xi32, #tpu.memory_space<hbm>>
        %dma_start3A_1408 = arith.constant 38912 : i32
        %dma_start3A_1409 = tpu.memref_slice %arg6[%dma_start3A_1408] : memref<65536xi32, #tpu.memory_space<vmem>> -> memref<1024xi32, #tpu.memory_space<vmem>>
        %dma_start3A_1410 = tpu.memref_slice %arg3[%dma_start3A_1403, %mul3A_1402] : memref<32x10240xi32, #tpu.memory_space<hbm>> -> memref<1x1024xi32, #tpu.memory_space<hbm>>
        %dma_start3A_1411 = tpu.memref_squeeze %dma_start3A_1410 : memref<1x1024xi32, #tpu.memory_space<hbm>> -> memref<1024xi32, #tpu.memory_space<hbm>>
        tpu.enqueue_dma source(%dma_start3A_1411 : memref<1024xi32, #tpu.memory_space<hbm>>) target(%dma_start3A_1409 : memref<1024xi32, #tpu.memory_space<vmem>>) target_semaphore(%arg9 : memref<!tpu.dma_semaphore, #tpu.memory_space<semaphore_mem>>)
        %mul3A_1412 = arith.constant 1024 : i32
        %mul3A_1413 = arith.muli %add3A_1334, %mul3A_1412 : i32
        %dma_start3A_1414 = arith.constant 7 : i32
        %dma_start3A_1415 = arith.constant 39936 : i32
        %dma_start3A_1416 = tpu.memref_slice %arg6[%dma_start3A_1415] : memref<65536xi32, #tpu.memory_space<vmem>> -> memref<1024xi32, #tpu.memory_space<vmem>>
        %dma_start3A_1417 = tpu.memref_slice %arg3[%dma_start3A_1414, %mul3A_1413] : memref<32x10240xi32, #tpu.memory_space<hbm>> -> memref<1x1024xi32, #tpu.memory_space<hbm>>
        %dma_start3A_1418 = tpu.memref_squeeze %dma_start3A_1417 : memref<1x1024xi32, #tpu.memory_space<hbm>> -> memref<1024xi32, #tpu.memory_space<hbm>>
        %dma_start3A_1419 = arith.constant 39936 : i32
        %dma_start3A_1420 = tpu.memref_slice %arg6[%dma_start3A_1419] : memref<65536xi32, #tpu.memory_space<vmem>> -> memref<1024xi32, #tpu.memory_space<vmem>>
        %dma_start3A_1421 = tpu.memref_slice %arg3[%dma_start3A_1414, %mul3A_1413] : memref<32x10240xi32, #tpu.memory_space<hbm>> -> memref<1x1024xi32, #tpu.memory_space<hbm>>
        %dma_start3A_1422 = tpu.memref_squeeze %dma_start3A_1421 : memref<1x1024xi32, #tpu.memory_space<hbm>> -> memref<1024xi32, #tpu.memory_space<hbm>>
        tpu.enqueue_dma source(%dma_start3A_1422 : memref<1024xi32, #tpu.memory_space<hbm>>) target(%dma_start3A_1420 : memref<1024xi32, #tpu.memory_space<vmem>>) target_semaphore(%arg9 : memref<!tpu.dma_semaphore, #tpu.memory_space<semaphore_mem>>)
        %mul3A_1423 = arith.constant 1024 : i32
        %mul3A_1424 = arith.muli %add3A_1334, %mul3A_1423 : i32
        %dma_start3A_1425 = arith.constant 8 : i32
        %dma_start3A_1426 = arith.constant 40960 : i32
        %dma_start3A_1427 = tpu.memref_slice %arg6[%dma_start3A_1426] : memref<65536xi32, #tpu.memory_space<vmem>> -> memref<1024xi32, #tpu.memory_space<vmem>>
        %dma_start3A_1428 = tpu.memref_slice %arg3[%dma_start3A_1425, %mul3A_1424] : memref<32x10240xi32, #tpu.memory_space<hbm>> -> memref<1x1024xi32, #tpu.memory_space<hbm>>
        %dma_start3A_1429 = tpu.memref_squeeze %dma_start3A_1428 : memref<1x1024xi32, #tpu.memory_space<hbm>> -> memref<1024xi32, #tpu.memory_space<hbm>>
        %dma_start3A_1430 = arith.constant 40960 : i32
        %dma_start3A_1431 = tpu.memref_slice %arg6[%dma_start3A_1430] : memref<65536xi32, #tpu.memory_space<vmem>> -> memref<1024xi32, #tpu.memory_space<vmem>>
        %dma_start3A_1432 = tpu.memref_slice %arg3[%dma_start3A_1425, %mul3A_1424] : memref<32x10240xi32, #tpu.memory_space<hbm>> -> memref<1x1024xi32, #tpu.memory_space<hbm>>
        %dma_start3A_1433 = tpu.memref_squeeze %dma_start3A_1432 : memref<1x1024xi32, #tpu.memory_space<hbm>> -> memref<1024xi32, #tpu.memory_space<hbm>>
        tpu.enqueue_dma source(%dma_start3A_1433 : memref<1024xi32, #tpu.memory_space<hbm>>) target(%dma_start3A_1431 : memref<1024xi32, #tpu.memory_space<vmem>>) target_semaphore(%arg9 : memref<!tpu.dma_semaphore, #tpu.memory_space<semaphore_mem>>)
        %mul3A_1434 = arith.constant 1024 : i32
        %mul3A_1435 = arith.muli %add3A_1334, %mul3A_1434 : i32
        %dma_start3A_1436 = arith.constant 9 : i32
        %dma_start3A_1437 = arith.constant 41984 : i32
        %dma_start3A_1438 = tpu.memref_slice %arg6[%dma_start3A_1437] : memref<65536xi32, #tpu.memory_space<vmem>> -> memref<1024xi32, #tpu.memory_space<vmem>>
        %dma_start3A_1439 = tpu.memref_slice %arg3[%dma_start3A_1436, %mul3A_1435] : memref<32x10240xi32, #tpu.memory_space<hbm>> -> memref<1x1024xi32, #tpu.memory_space<hbm>>
        %dma_start3A_1440 = tpu.memref_squeeze %dma_start3A_1439 : memref<1x1024xi32, #tpu.memory_space<hbm>> -> memref<1024xi32, #tpu.memory_space<hbm>>
        %dma_start3A_1441 = arith.constant 41984 : i32
        %dma_start3A_1442 = tpu.memref_slice %arg6[%dma_start3A_1441] : memref<65536xi32, #tpu.memory_space<vmem>> -> memref<1024xi32, #tpu.memory_space<vmem>>
        %dma_start3A_1443 = tpu.memref_slice %arg3[%dma_start3A_1436, %mul3A_1435] : memref<32x10240xi32, #tpu.memory_space<hbm>> -> memref<1x1024xi32, #tpu.memory_space<hbm>>
        %dma_start3A_1444 = tpu.memref_squeeze %dma_start3A_1443 : memref<1x1024xi32, #tpu.memory_space<hbm>> -> memref<1024xi32, #tpu.memory_space<hbm>>
        tpu.enqueue_dma source(%dma_start3A_1444 : memref<1024xi32, #tpu.memory_space<hbm>>) target(%dma_start3A_1442 : memref<1024xi32, #tpu.memory_space<vmem>>) target_semaphore(%arg9 : memref<!tpu.dma_semaphore, #tpu.memory_space<semaphore_mem>>)
        %mul3A_1445 = arith.constant 1024 : i32
        %mul3A_1446 = arith.muli %add3A_1334, %mul3A_1445 : i32
        %dma_start3A_1447 = arith.constant 10 : i32
        %dma_start3A_1448 = arith.constant 43008 : i32
        %dma_start3A_1449 = tpu.memref_slice %arg6[%dma_start3A_1448] : memref<65536xi32, #tpu.memory_space<vmem>> -> memref<1024xi32, #tpu.memory_space<vmem>>
        %dma_start3A_1450 = tpu.memref_slice %arg3[%dma_start3A_1447, %mul3A_1446] : memref<32x10240xi32, #tpu.memory_space<hbm>> -> memref<1x1024xi32, #tpu.memory_space<hbm>>
        %dma_start3A_1451 = tpu.memref_squeeze %dma_start3A_1450 : memref<1x1024xi32, #tpu.memory_space<hbm>> -> memref<1024xi32, #tpu.memory_space<hbm>>
        %dma_start3A_1452 = arith.constant 43008 : i32
        %dma_start3A_1453 = tpu.memref_slice %arg6[%dma_start3A_1452] : memref<65536xi32, #tpu.memory_space<vmem>> -> memref<1024xi32, #tpu.memory_space<vmem>>
        %dma_start3A_1454 = tpu.memref_slice %arg3[%dma_start3A_1447, %mul3A_1446] : memref<32x10240xi32, #tpu.memory_space<hbm>> -> memref<1x1024xi32, #tpu.memory_space<hbm>>
        %dma_start3A_1455 = tpu.memref_squeeze %dma_start3A_1454 : memref<1x1024xi32, #tpu.memory_space<hbm>> -> memref<1024xi32, #tpu.memory_space<hbm>>
        tpu.enqueue_dma source(%dma_start3A_1455 : memref<1024xi32, #tpu.memory_space<hbm>>) target(%dma_start3A_1453 : memref<1024xi32, #tpu.memory_space<vmem>>) target_semaphore(%arg9 : memref<!tpu.dma_semaphore, #tpu.memory_space<semaphore_mem>>)
        %mul3A_1456 = arith.constant 1024 : i32
        %mul3A_1457 = arith.muli %add3A_1334, %mul3A_1456 : i32
        %dma_start3A_1458 = arith.constant 11 : i32
        %dma_start3A_1459 = arith.constant 44032 : i32
        %dma_start3A_1460 = tpu.memref_slice %arg6[%dma_start3A_1459] : memref<65536xi32, #tpu.memory_space<vmem>> -> memref<1024xi32, #tpu.memory_space<vmem>>
        %dma_start3A_1461 = tpu.memref_slice %arg3[%dma_start3A_1458, %mul3A_1457] : memref<32x10240xi32, #tpu.memory_space<hbm>> -> memref<1x1024xi32, #tpu.memory_space<hbm>>
        %dma_start3A_1462 = tpu.memref_squeeze %dma_start3A_1461 : memref<1x1024xi32, #tpu.memory_space<hbm>> -> memref<1024xi32, #tpu.memory_space<hbm>>
        %dma_start3A_1463 = arith.constant 44032 : i32
        %dma_start3A_1464 = tpu.memref_slice %arg6[%dma_start3A_1463] : memref<65536xi32, #tpu.memory_space<vmem>> -> memref<1024xi32, #tpu.memory_space<vmem>>
        %dma_start3A_1465 = tpu.memref_slice %arg3[%dma_start3A_1458, %mul3A_1457] : memref<32x10240xi32, #tpu.memory_space<hbm>> -> memref<1x1024xi32, #tpu.memory_space<hbm>>
        %dma_start3A_1466 = tpu.memref_squeeze %dma_start3A_1465 : memref<1x1024xi32, #tpu.memory_space<hbm>> -> memref<1024xi32, #tpu.memory_space<hbm>>
        tpu.enqueue_dma source(%dma_start3A_1466 : memref<1024xi32, #tpu.memory_space<hbm>>) target(%dma_start3A_1464 : memref<1024xi32, #tpu.memory_space<vmem>>) target_semaphore(%arg9 : memref<!tpu.dma_semaphore, #tpu.memory_space<semaphore_mem>>)
        %mul3A_1467 = arith.constant 1024 : i32
        %mul3A_1468 = arith.muli %add3A_1334, %mul3A_1467 : i32
        %dma_start3A_1469 = arith.constant 12 : i32
        %dma_start3A_1470 = arith.constant 45056 : i32
        %dma_start3A_1471 = tpu.memref_slice %arg6[%dma_start3A_1470] : memref<65536xi32, #tpu.memory_space<vmem>> -> memref<1024xi32, #tpu.memory_space<vmem>>
        %dma_start3A_1472 = tpu.memref_slice %arg3[%dma_start3A_1469, %mul3A_1468] : memref<32x10240xi32, #tpu.memory_space<hbm>> -> memref<1x1024xi32, #tpu.memory_space<hbm>>
        %dma_start3A_1473 = tpu.memref_squeeze %dma_start3A_1472 : memref<1x1024xi32, #tpu.memory_space<hbm>> -> memref<1024xi32, #tpu.memory_space<hbm>>
        %dma_start3A_1474 = arith.constant 45056 : i32
        %dma_start3A_1475 = tpu.memref_slice %arg6[%dma_start3A_1474] : memref<65536xi32, #tpu.memory_space<vmem>> -> memref<1024xi32, #tpu.memory_space<vmem>>
        %dma_start3A_1476 = tpu.memref_slice %arg3[%dma_start3A_1469, %mul3A_1468] : memref<32x10240xi32, #tpu.memory_space<hbm>> -> memref<1x1024xi32, #tpu.memory_space<hbm>>
        %dma_start3A_1477 = tpu.memref_squeeze %dma_start3A_1476 : memref<1x1024xi32, #tpu.memory_space<hbm>> -> memref<1024xi32, #tpu.memory_space<hbm>>
        tpu.enqueue_dma source(%dma_start3A_1477 : memref<1024xi32, #tpu.memory_space<hbm>>) target(%dma_start3A_1475 : memref<1024xi32, #tpu.memory_space<vmem>>) target_semaphore(%arg9 : memref<!tpu.dma_semaphore, #tpu.memory_space<semaphore_mem>>)
        %mul3A_1478 = arith.constant 1024 : i32
        %mul3A_1479 = arith.muli %add3A_1334, %mul3A_1478 : i32
        %dma_start3A_1480 = arith.constant 13 : i32
        %dma_start3A_1481 = arith.constant 46080 : i32
        %dma_start3A_1482 = tpu.memref_slice %arg6[%dma_start3A_1481] : memref<65536xi32, #tpu.memory_space<vmem>> -> memref<1024xi32, #tpu.memory_space<vmem>>
        %dma_start3A_1483 = tpu.memref_slice %arg3[%dma_start3A_1480, %mul3A_1479] : memref<32x10240xi32, #tpu.memory_space<hbm>> -> memref<1x1024xi32, #tpu.memory_space<hbm>>
        %dma_start3A_1484 = tpu.memref_squeeze %dma_start3A_1483 : memref<1x1024xi32, #tpu.memory_space<hbm>> -> memref<1024xi32, #tpu.memory_space<hbm>>
        %dma_start3A_1485 = arith.constant 46080 : i32
        %dma_start3A_1486 = tpu.memref_slice %arg6[%dma_start3A_1485] : memref<65536xi32, #tpu.memory_space<vmem>> -> memref<1024xi32, #tpu.memory_space<vmem>>
        %dma_start3A_1487 = tpu.memref_slice %arg3[%dma_start3A_1480, %mul3A_1479] : memref<32x10240xi32, #tpu.memory_space<hbm>> -> memref<1x1024xi32, #tpu.memory_space<hbm>>
        %dma_start3A_1488 = tpu.memref_squeeze %dma_start3A_1487 : memref<1x1024xi32, #tpu.memory_space<hbm>> -> memref<1024xi32, #tpu.memory_space<hbm>>
        tpu.enqueue_dma source(%dma_start3A_1488 : memref<1024xi32, #tpu.memory_space<hbm>>) target(%dma_start3A_1486 : memref<1024xi32, #tpu.memory_space<vmem>>) target_semaphore(%arg9 : memref<!tpu.dma_semaphore, #tpu.memory_space<semaphore_mem>>)
        %mul3A_1489 = arith.constant 1024 : i32
        %mul3A_1490 = arith.muli %add3A_1334, %mul3A_1489 : i32
        %dma_start3A_1491 = arith.constant 14 : i32
        %dma_start3A_1492 = arith.constant 47104 : i32
        %dma_start3A_1493 = tpu.memref_slice %arg6[%dma_start3A_1492] : memref<65536xi32, #tpu.memory_space<vmem>> -> memref<1024xi32, #tpu.memory_space<vmem>>
        %dma_start3A_1494 = tpu.memref_slice %arg3[%dma_start3A_1491, %mul3A_1490] : memref<32x10240xi32, #tpu.memory_space<hbm>> -> memref<1x1024xi32, #tpu.memory_space<hbm>>
        %dma_start3A_1495 = tpu.memref_squeeze %dma_start3A_1494 : memref<1x1024xi32, #tpu.memory_space<hbm>> -> memref<1024xi32, #tpu.memory_space<hbm>>
        %dma_start3A_1496 = arith.constant 47104 : i32
        %dma_start3A_1497 = tpu.memref_slice %arg6[%dma_start3A_1496] : memref<65536xi32, #tpu.memory_space<vmem>> -> memref<1024xi32, #tpu.memory_space<vmem>>
        %dma_start3A_1498 = tpu.memref_slice %arg3[%dma_start3A_1491, %mul3A_1490] : memref<32x10240xi32, #tpu.memory_space<hbm>> -> memref<1x1024xi32, #tpu.memory_space<hbm>>
        %dma_start3A_1499 = tpu.memref_squeeze %dma_start3A_1498 : memref<1x1024xi32, #tpu.memory_space<hbm>> -> memref<1024xi32, #tpu.memory_space<hbm>>
        tpu.enqueue_dma source(%dma_start3A_1499 : memref<1024xi32, #tpu.memory_space<hbm>>) target(%dma_start3A_1497 : memref<1024xi32, #tpu.memory_space<vmem>>) target_semaphore(%arg9 : memref<!tpu.dma_semaphore, #tpu.memory_space<semaphore_mem>>)
        %mul3A_1500 = arith.constant 1024 : i32
        %mul3A_1501 = arith.muli %add3A_1334, %mul3A_1500 : i32
        %dma_start3A_1502 = arith.constant 15 : i32
        %dma_start3A_1503 = arith.constant 48128 : i32
        %dma_start3A_1504 = tpu.memref_slice %arg6[%dma_start3A_1503] : memref<65536xi32, #tpu.memory_space<vmem>> -> memref<1024xi32, #tpu.memory_space<vmem>>
        %dma_start3A_1505 = tpu.memref_slice %arg3[%dma_start3A_1502, %mul3A_1501] : memref<32x10240xi32, #tpu.memory_space<hbm>> -> memref<1x1024xi32, #tpu.memory_space<hbm>>
        %dma_start3A_1506 = tpu.memref_squeeze %dma_start3A_1505 : memref<1x1024xi32, #tpu.memory_space<hbm>> -> memref<1024xi32, #tpu.memory_space<hbm>>
        %dma_start3A_1507 = arith.constant 48128 : i32
        %dma_start3A_1508 = tpu.memref_slice %arg6[%dma_start3A_1507] : memref<65536xi32, #tpu.memory_space<vmem>> -> memref<1024xi32, #tpu.memory_space<vmem>>
        %dma_start3A_1509 = tpu.memref_slice %arg3[%dma_start3A_1502, %mul3A_1501] : memref<32x10240xi32, #tpu.memory_space<hbm>> -> memref<1x1024xi32, #tpu.memory_space<hbm>>
        %dma_start3A_1510 = tpu.memref_squeeze %dma_start3A_1509 : memref<1x1024xi32, #tpu.memory_space<hbm>> -> memref<1024xi32, #tpu.memory_space<hbm>>
        tpu.enqueue_dma source(%dma_start3A_1510 : memref<1024xi32, #tpu.memory_space<hbm>>) target(%dma_start3A_1508 : memref<1024xi32, #tpu.memory_space<vmem>>) target_semaphore(%arg9 : memref<!tpu.dma_semaphore, #tpu.memory_space<semaphore_mem>>)
        %mul3A_1511 = arith.constant 1024 : i32
        %mul3A_1512 = arith.muli %add3A_1334, %mul3A_1511 : i32
        %dma_start3A_1513 = arith.constant 16 : i32
        %dma_start3A_1514 = arith.constant 49152 : i32
        %dma_start3A_1515 = tpu.memref_slice %arg6[%dma_start3A_1514] : memref<65536xi32, #tpu.memory_space<vmem>> -> memref<1024xi32, #tpu.memory_space<vmem>>
        %dma_start3A_1516 = tpu.memref_slice %arg3[%dma_start3A_1513, %mul3A_1512] : memref<32x10240xi32, #tpu.memory_space<hbm>> -> memref<1x1024xi32, #tpu.memory_space<hbm>>
        %dma_start3A_1517 = tpu.memref_squeeze %dma_start3A_1516 : memref<1x1024xi32, #tpu.memory_space<hbm>> -> memref<1024xi32, #tpu.memory_space<hbm>>
        %dma_start3A_1518 = arith.constant 49152 : i32
        %dma_start3A_1519 = tpu.memref_slice %arg6[%dma_start3A_1518] : memref<65536xi32, #tpu.memory_space<vmem>> -> memref<1024xi32, #tpu.memory_space<vmem>>
        %dma_start3A_1520 = tpu.memref_slice %arg3[%dma_start3A_1513, %mul3A_1512] : memref<32x10240xi32, #tpu.memory_space<hbm>> -> memref<1x1024xi32, #tpu.memory_space<hbm>>
        %dma_start3A_1521 = tpu.memref_squeeze %dma_start3A_1520 : memref<1x1024xi32, #tpu.memory_space<hbm>> -> memref<1024xi32, #tpu.memory_space<hbm>>
        tpu.enqueue_dma source(%dma_start3A_1521 : memref<1024xi32, #tpu.memory_space<hbm>>) target(%dma_start3A_1519 : memref<1024xi32, #tpu.memory_space<vmem>>) target_semaphore(%arg9 : memref<!tpu.dma_semaphore, #tpu.memory_space<semaphore_mem>>)
        %mul3A_1522 = arith.constant 1024 : i32
        %mul3A_1523 = arith.muli %add3A_1334, %mul3A_1522 : i32
        %dma_start3A_1524 = arith.constant 17 : i32
        %dma_start3A_1525 = arith.constant 50176 : i32
        %dma_start3A_1526 = tpu.memref_slice %arg6[%dma_start3A_1525] : memref<65536xi32, #tpu.memory_space<vmem>> -> memref<1024xi32, #tpu.memory_space<vmem>>
        %dma_start3A_1527 = tpu.memref_slice %arg3[%dma_start3A_1524, %mul3A_1523] : memref<32x10240xi32, #tpu.memory_space<hbm>> -> memref<1x1024xi32, #tpu.memory_space<hbm>>
        %dma_start3A_1528 = tpu.memref_squeeze %dma_start3A_1527 : memref<1x1024xi32, #tpu.memory_space<hbm>> -> memref<1024xi32, #tpu.memory_space<hbm>>
        %dma_start3A_1529 = arith.constant 50176 : i32
        %dma_start3A_1530 = tpu.memref_slice %arg6[%dma_start3A_1529] : memref<65536xi32, #tpu.memory_space<vmem>> -> memref<1024xi32, #tpu.memory_space<vmem>>
        %dma_start3A_1531 = tpu.memref_slice %arg3[%dma_start3A_1524, %mul3A_1523] : memref<32x10240xi32, #tpu.memory_space<hbm>> -> memref<1x1024xi32, #tpu.memory_space<hbm>>
        %dma_start3A_1532 = tpu.memref_squeeze %dma_start3A_1531 : memref<1x1024xi32, #tpu.memory_space<hbm>> -> memref<1024xi32, #tpu.memory_space<hbm>>
        tpu.enqueue_dma source(%dma_start3A_1532 : memref<1024xi32, #tpu.memory_space<hbm>>) target(%dma_start3A_1530 : memref<1024xi32, #tpu.memory_space<vmem>>) target_semaphore(%arg9 : memref<!tpu.dma_semaphore, #tpu.memory_space<semaphore_mem>>)
        %mul3A_1533 = arith.constant 1024 : i32
        %mul3A_1534 = arith.muli %add3A_1334, %mul3A_1533 : i32
        %dma_start3A_1535 = arith.constant 18 : i32
        %dma_start3A_1536 = arith.constant 51200 : i32
        %dma_start3A_1537 = tpu.memref_slice %arg6[%dma_start3A_1536] : memref<65536xi32, #tpu.memory_space<vmem>> -> memref<1024xi32, #tpu.memory_space<vmem>>
        %dma_start3A_1538 = tpu.memref_slice %arg3[%dma_start3A_1535, %mul3A_1534] : memref<32x10240xi32, #tpu.memory_space<hbm>> -> memref<1x1024xi32, #tpu.memory_space<hbm>>
        %dma_start3A_1539 = tpu.memref_squeeze %dma_start3A_1538 : memref<1x1024xi32, #tpu.memory_space<hbm>> -> memref<1024xi32, #tpu.memory_space<hbm>>
        %dma_start3A_1540 = arith.constant 51200 : i32
        %dma_start3A_1541 = tpu.memref_slice %arg6[%dma_start3A_1540] : memref<65536xi32, #tpu.memory_space<vmem>> -> memref<1024xi32, #tpu.memory_space<vmem>>
        %dma_start3A_1542 = tpu.memref_slice %arg3[%dma_start3A_1535, %mul3A_1534] : memref<32x10240xi32, #tpu.memory_space<hbm>> -> memref<1x1024xi32, #tpu.memory_space<hbm>>
        %dma_start3A_1543 = tpu.memref_squeeze %dma_start3A_1542 : memref<1x1024xi32, #tpu.memory_space<hbm>> -> memref<1024xi32, #tpu.memory_space<hbm>>
        tpu.enqueue_dma source(%dma_start3A_1543 : memref<1024xi32, #tpu.memory_space<hbm>>) target(%dma_start3A_1541 : memref<1024xi32, #tpu.memory_space<vmem>>) target_semaphore(%arg9 : memref<!tpu.dma_semaphore, #tpu.memory_space<semaphore_mem>>)
        %mul3A_1544 = arith.constant 1024 : i32
        %mul3A_1545 = arith.muli %add3A_1334, %mul3A_1544 : i32
        %dma_start3A_1546 = arith.constant 19 : i32
        %dma_start3A_1547 = arith.constant 52224 : i32
        %dma_start3A_1548 = tpu.memref_slice %arg6[%dma_start3A_1547] : memref<65536xi32, #tpu.memory_space<vmem>> -> memref<1024xi32, #tpu.memory_space<vmem>>
        %dma_start3A_1549 = tpu.memref_slice %arg3[%dma_start3A_1546, %mul3A_1545] : memref<32x10240xi32, #tpu.memory_space<hbm>> -> memref<1x1024xi32, #tpu.memory_space<hbm>>
        %dma_start3A_1550 = tpu.memref_squeeze %dma_start3A_1549 : memref<1x1024xi32, #tpu.memory_space<hbm>> -> memref<1024xi32, #tpu.memory_space<hbm>>
        %dma_start3A_1551 = arith.constant 52224 : i32
        %dma_start3A_1552 = tpu.memref_slice %arg6[%dma_start3A_1551] : memref<65536xi32, #tpu.memory_space<vmem>> -> memref<1024xi32, #tpu.memory_space<vmem>>
        %dma_start3A_1553 = tpu.memref_slice %arg3[%dma_start3A_1546, %mul3A_1545] : memref<32x10240xi32, #tpu.memory_space<hbm>> -> memref<1x1024xi32, #tpu.memory_space<hbm>>
        %dma_start3A_1554 = tpu.memref_squeeze %dma_start3A_1553 : memref<1x1024xi32, #tpu.memory_space<hbm>> -> memref<1024xi32, #tpu.memory_space<hbm>>
        tpu.enqueue_dma source(%dma_start3A_1554 : memref<1024xi32, #tpu.memory_space<hbm>>) target(%dma_start3A_1552 : memref<1024xi32, #tpu.memory_space<vmem>>) target_semaphore(%arg9 : memref<!tpu.dma_semaphore, #tpu.memory_space<semaphore_mem>>)
        %mul3A_1555 = arith.constant 1024 : i32
        %mul3A_1556 = arith.muli %add3A_1334, %mul3A_1555 : i32
        %dma_start3A_1557 = arith.constant 20 : i32
        %dma_start3A_1558 = arith.constant 53248 : i32
        %dma_start3A_1559 = tpu.memref_slice %arg6[%dma_start3A_1558] : memref<65536xi32, #tpu.memory_space<vmem>> -> memref<1024xi32, #tpu.memory_space<vmem>>
        %dma_start3A_1560 = tpu.memref_slice %arg3[%dma_start3A_1557, %mul3A_1556] : memref<32x10240xi32, #tpu.memory_space<hbm>> -> memref<1x1024xi32, #tpu.memory_space<hbm>>
        %dma_start3A_1561 = tpu.memref_squeeze %dma_start3A_1560 : memref<1x1024xi32, #tpu.memory_space<hbm>> -> memref<1024xi32, #tpu.memory_space<hbm>>
        %dma_start3A_1562 = arith.constant 53248 : i32
        %dma_start3A_1563 = tpu.memref_slice %arg6[%dma_start3A_1562] : memref<65536xi32, #tpu.memory_space<vmem>> -> memref<1024xi32, #tpu.memory_space<vmem>>
        %dma_start3A_1564 = tpu.memref_slice %arg3[%dma_start3A_1557, %mul3A_1556] : memref<32x10240xi32, #tpu.memory_space<hbm>> -> memref<1x1024xi32, #tpu.memory_space<hbm>>
        %dma_start3A_1565 = tpu.memref_squeeze %dma_start3A_1564 : memref<1x1024xi32, #tpu.memory_space<hbm>> -> memref<1024xi32, #tpu.memory_space<hbm>>
        tpu.enqueue_dma source(%dma_start3A_1565 : memref<1024xi32, #tpu.memory_space<hbm>>) target(%dma_start3A_1563 : memref<1024xi32, #tpu.memory_space<vmem>>) target_semaphore(%arg9 : memref<!tpu.dma_semaphore, #tpu.memory_space<semaphore_mem>>)
        %mul3A_1566 = arith.constant 1024 : i32
        %mul3A_1567 = arith.muli %add3A_1334, %mul3A_1566 : i32
        %dma_start3A_1568 = arith.constant 21 : i32
        %dma_start3A_1569 = arith.constant 54272 : i32
        %dma_start3A_1570 = tpu.memref_slice %arg6[%dma_start3A_1569] : memref<65536xi32, #tpu.memory_space<vmem>> -> memref<1024xi32, #tpu.memory_space<vmem>>
        %dma_start3A_1571 = tpu.memref_slice %arg3[%dma_start3A_1568, %mul3A_1567] : memref<32x10240xi32, #tpu.memory_space<hbm>> -> memref<1x1024xi32, #tpu.memory_space<hbm>>
        %dma_start3A_1572 = tpu.memref_squeeze %dma_start3A_1571 : memref<1x1024xi32, #tpu.memory_space<hbm>> -> memref<1024xi32, #tpu.memory_space<hbm>>
        %dma_start3A_1573 = arith.constant 54272 : i32
        %dma_start3A_1574 = tpu.memref_slice %arg6[%dma_start3A_1573] : memref<65536xi32, #tpu.memory_space<vmem>> -> memref<1024xi32, #tpu.memory_space<vmem>>
        %dma_start3A_1575 = tpu.memref_slice %arg3[%dma_start3A_1568, %mul3A_1567] : memref<32x10240xi32, #tpu.memory_space<hbm>> -> memref<1x1024xi32, #tpu.memory_space<hbm>>
        %dma_start3A_1576 = tpu.memref_squeeze %dma_start3A_1575 : memref<1x1024xi32, #tpu.memory_space<hbm>> -> memref<1024xi32, #tpu.memory_space<hbm>>
        tpu.enqueue_dma source(%dma_start3A_1576 : memref<1024xi32, #tpu.memory_space<hbm>>) target(%dma_start3A_1574 : memref<1024xi32, #tpu.memory_space<vmem>>) target_semaphore(%arg9 : memref<!tpu.dma_semaphore, #tpu.memory_space<semaphore_mem>>)
        %mul3A_1577 = arith.constant 1024 : i32
        %mul3A_1578 = arith.muli %add3A_1334, %mul3A_1577 : i32
        %dma_start3A_1579 = arith.constant 22 : i32
        %dma_start3A_1580 = arith.constant 55296 : i32
        %dma_start3A_1581 = tpu.memref_slice %arg6[%dma_start3A_1580] : memref<65536xi32, #tpu.memory_space<vmem>> -> memref<1024xi32, #tpu.memory_space<vmem>>
        %dma_start3A_1582 = tpu.memref_slice %arg3[%dma_start3A_1579, %mul3A_1578] : memref<32x10240xi32, #tpu.memory_space<hbm>> -> memref<1x1024xi32, #tpu.memory_space<hbm>>
        %dma_start3A_1583 = tpu.memref_squeeze %dma_start3A_1582 : memref<1x1024xi32, #tpu.memory_space<hbm>> -> memref<1024xi32, #tpu.memory_space<hbm>>
        %dma_start3A_1584 = arith.constant 55296 : i32
        %dma_start3A_1585 = tpu.memref_slice %arg6[%dma_start3A_1584] : memref<65536xi32, #tpu.memory_space<vmem>> -> memref<1024xi32, #tpu.memory_space<vmem>>
        %dma_start3A_1586 = tpu.memref_slice %arg3[%dma_start3A_1579, %mul3A_1578] : memref<32x10240xi32, #tpu.memory_space<hbm>> -> memref<1x1024xi32, #tpu.memory_space<hbm>>
        %dma_start3A_1587 = tpu.memref_squeeze %dma_start3A_1586 : memref<1x1024xi32, #tpu.memory_space<hbm>> -> memref<1024xi32, #tpu.memory_space<hbm>>
        tpu.enqueue_dma source(%dma_start3A_1587 : memref<1024xi32, #tpu.memory_space<hbm>>) target(%dma_start3A_1585 : memref<1024xi32, #tpu.memory_space<vmem>>) target_semaphore(%arg9 : memref<!tpu.dma_semaphore, #tpu.memory_space<semaphore_mem>>)
        %mul3A_1588 = arith.constant 1024 : i32
        %mul3A_1589 = arith.muli %add3A_1334, %mul3A_1588 : i32
        %dma_start3A_1590 = arith.constant 23 : i32
        %dma_start3A_1591 = arith.constant 56320 : i32
        %dma_start3A_1592 = tpu.memref_slice %arg6[%dma_start3A_1591] : memref<65536xi32, #tpu.memory_space<vmem>> -> memref<1024xi32, #tpu.memory_space<vmem>>
        %dma_start3A_1593 = tpu.memref_slice %arg3[%dma_start3A_1590, %mul3A_1589] : memref<32x10240xi32, #tpu.memory_space<hbm>> -> memref<1x1024xi32, #tpu.memory_space<hbm>>
        %dma_start3A_1594 = tpu.memref_squeeze %dma_start3A_1593 : memref<1x1024xi32, #tpu.memory_space<hbm>> -> memref<1024xi32, #tpu.memory_space<hbm>>
        %dma_start3A_1595 = arith.constant 56320 : i32
        %dma_start3A_1596 = tpu.memref_slice %arg6[%dma_start3A_1595] : memref<65536xi32, #tpu.memory_space<vmem>> -> memref<1024xi32, #tpu.memory_space<vmem>>
        %dma_start3A_1597 = tpu.memref_slice %arg3[%dma_start3A_1590, %mul3A_1589] : memref<32x10240xi32, #tpu.memory_space<hbm>> -> memref<1x1024xi32, #tpu.memory_space<hbm>>
        %dma_start3A_1598 = tpu.memref_squeeze %dma_start3A_1597 : memref<1x1024xi32, #tpu.memory_space<hbm>> -> memref<1024xi32, #tpu.memory_space<hbm>>
        tpu.enqueue_dma source(%dma_start3A_1598 : memref<1024xi32, #tpu.memory_space<hbm>>) target(%dma_start3A_1596 : memref<1024xi32, #tpu.memory_space<vmem>>) target_semaphore(%arg9 : memref<!tpu.dma_semaphore, #tpu.memory_space<semaphore_mem>>)
        %mul3A_1599 = arith.constant 1024 : i32
        %mul3A_1600 = arith.muli %add3A_1334, %mul3A_1599 : i32
        %dma_start3A_1601 = arith.constant 24 : i32
        %dma_start3A_1602 = arith.constant 57344 : i32
        %dma_start3A_1603 = tpu.memref_slice %arg6[%dma_start3A_1602] : memref<65536xi32, #tpu.memory_space<vmem>> -> memref<1024xi32, #tpu.memory_space<vmem>>
        %dma_start3A_1604 = tpu.memref_slice %arg3[%dma_start3A_1601, %mul3A_1600] : memref<32x10240xi32, #tpu.memory_space<hbm>> -> memref<1x1024xi32, #tpu.memory_space<hbm>>
        %dma_start3A_1605 = tpu.memref_squeeze %dma_start3A_1604 : memref<1x1024xi32, #tpu.memory_space<hbm>> -> memref<1024xi32, #tpu.memory_space<hbm>>
        %dma_start3A_1606 = arith.constant 57344 : i32
        %dma_start3A_1607 = tpu.memref_slice %arg6[%dma_start3A_1606] : memref<65536xi32, #tpu.memory_space<vmem>> -> memref<1024xi32, #tpu.memory_space<vmem>>
        %dma_start3A_1608 = tpu.memref_slice %arg3[%dma_start3A_1601, %mul3A_1600] : memref<32x10240xi32, #tpu.memory_space<hbm>> -> memref<1x1024xi32, #tpu.memory_space<hbm>>
        %dma_start3A_1609 = tpu.memref_squeeze %dma_start3A_1608 : memref<1x1024xi32, #tpu.memory_space<hbm>> -> memref<1024xi32, #tpu.memory_space<hbm>>
        tpu.enqueue_dma source(%dma_start3A_1609 : memref<1024xi32, #tpu.memory_space<hbm>>) target(%dma_start3A_1607 : memref<1024xi32, #tpu.memory_space<vmem>>) target_semaphore(%arg9 : memref<!tpu.dma_semaphore, #tpu.memory_space<semaphore_mem>>)
        %mul3A_1610 = arith.constant 1024 : i32
        %mul3A_1611 = arith.muli %add3A_1334, %mul3A_1610 : i32
        %dma_start3A_1612 = arith.constant 25 : i32
        %dma_start3A_1613 = arith.constant 58368 : i32
        %dma_start3A_1614 = tpu.memref_slice %arg6[%dma_start3A_1613] : memref<65536xi32, #tpu.memory_space<vmem>> -> memref<1024xi32, #tpu.memory_space<vmem>>
        %dma_start3A_1615 = tpu.memref_slice %arg3[%dma_start3A_1612, %mul3A_1611] : memref<32x10240xi32, #tpu.memory_space<hbm>> -> memref<1x1024xi32, #tpu.memory_space<hbm>>
        %dma_start3A_1616 = tpu.memref_squeeze %dma_start3A_1615 : memref<1x1024xi32, #tpu.memory_space<hbm>> -> memref<1024xi32, #tpu.memory_space<hbm>>
        %dma_start3A_1617 = arith.constant 58368 : i32
        %dma_start3A_1618 = tpu.memref_slice %arg6[%dma_start3A_1617] : memref<65536xi32, #tpu.memory_space<vmem>> -> memref<1024xi32, #tpu.memory_space<vmem>>
        %dma_start3A_1619 = tpu.memref_slice %arg3[%dma_start3A_1612, %mul3A_1611] : memref<32x10240xi32, #tpu.memory_space<hbm>> -> memref<1x1024xi32, #tpu.memory_space<hbm>>
        %dma_start3A_1620 = tpu.memref_squeeze %dma_start3A_1619 : memref<1x1024xi32, #tpu.memory_space<hbm>> -> memref<1024xi32, #tpu.memory_space<hbm>>
        tpu.enqueue_dma source(%dma_start3A_1620 : memref<1024xi32, #tpu.memory_space<hbm>>) target(%dma_start3A_1618 : memref<1024xi32, #tpu.memory_space<vmem>>) target_semaphore(%arg9 : memref<!tpu.dma_semaphore, #tpu.memory_space<semaphore_mem>>)
        %mul3A_1621 = arith.constant 1024 : i32
        %mul3A_1622 = arith.muli %add3A_1334, %mul3A_1621 : i32
        %dma_start3A_1623 = arith.constant 26 : i32
        %dma_start3A_1624 = arith.constant 59392 : i32
        %dma_start3A_1625 = tpu.memref_slice %arg6[%dma_start3A_1624] : memref<65536xi32, #tpu.memory_space<vmem>> -> memref<1024xi32, #tpu.memory_space<vmem>>
        %dma_start3A_1626 = tpu.memref_slice %arg3[%dma_start3A_1623, %mul3A_1622] : memref<32x10240xi32, #tpu.memory_space<hbm>> -> memref<1x1024xi32, #tpu.memory_space<hbm>>
        %dma_start3A_1627 = tpu.memref_squeeze %dma_start3A_1626 : memref<1x1024xi32, #tpu.memory_space<hbm>> -> memref<1024xi32, #tpu.memory_space<hbm>>
        %dma_start3A_1628 = arith.constant 59392 : i32
        %dma_start3A_1629 = tpu.memref_slice %arg6[%dma_start3A_1628] : memref<65536xi32, #tpu.memory_space<vmem>> -> memref<1024xi32, #tpu.memory_space<vmem>>
        %dma_start3A_1630 = tpu.memref_slice %arg3[%dma_start3A_1623, %mul3A_1622] : memref<32x10240xi32, #tpu.memory_space<hbm>> -> memref<1x1024xi32, #tpu.memory_space<hbm>>
        %dma_start3A_1631 = tpu.memref_squeeze %dma_start3A_1630 : memref<1x1024xi32, #tpu.memory_space<hbm>> -> memref<1024xi32, #tpu.memory_space<hbm>>
        tpu.enqueue_dma source(%dma_start3A_1631 : memref<1024xi32, #tpu.memory_space<hbm>>) target(%dma_start3A_1629 : memref<1024xi32, #tpu.memory_space<vmem>>) target_semaphore(%arg9 : memref<!tpu.dma_semaphore, #tpu.memory_space<semaphore_mem>>)
        %mul3A_1632 = arith.constant 1024 : i32
        %mul3A_1633 = arith.muli %add3A_1334, %mul3A_1632 : i32
        %dma_start3A_1634 = arith.constant 27 : i32
        %dma_start3A_1635 = arith.constant 60416 : i32
        %dma_start3A_1636 = tpu.memref_slice %arg6[%dma_start3A_1635] : memref<65536xi32, #tpu.memory_space<vmem>> -> memref<1024xi32, #tpu.memory_space<vmem>>
        %dma_start3A_1637 = tpu.memref_slice %arg3[%dma_start3A_1634, %mul3A_1633] : memref<32x10240xi32, #tpu.memory_space<hbm>> -> memref<1x1024xi32, #tpu.memory_space<hbm>>
        %dma_start3A_1638 = tpu.memref_squeeze %dma_start3A_1637 : memref<1x1024xi32, #tpu.memory_space<hbm>> -> memref<1024xi32, #tpu.memory_space<hbm>>
        %dma_start3A_1639 = arith.constant 60416 : i32
        %dma_start3A_1640 = tpu.memref_slice %arg6[%dma_start3A_1639] : memref<65536xi32, #tpu.memory_space<vmem>> -> memref<1024xi32, #tpu.memory_space<vmem>>
        %dma_start3A_1641 = tpu.memref_slice %arg3[%dma_start3A_1634, %mul3A_1633] : memref<32x10240xi32, #tpu.memory_space<hbm>> -> memref<1x1024xi32, #tpu.memory_space<hbm>>
        %dma_start3A_1642 = tpu.memref_squeeze %dma_start3A_1641 : memref<1x1024xi32, #tpu.memory_space<hbm>> -> memref<1024xi32, #tpu.memory_space<hbm>>
        tpu.enqueue_dma source(%dma_start3A_1642 : memref<1024xi32, #tpu.memory_space<hbm>>) target(%dma_start3A_1640 : memref<1024xi32, #tpu.memory_space<vmem>>) target_semaphore(%arg9 : memref<!tpu.dma_semaphore, #tpu.memory_space<semaphore_mem>>)
        %mul3A_1643 = arith.constant 1024 : i32
        %mul3A_1644 = arith.muli %add3A_1334, %mul3A_1643 : i32
        %dma_start3A_1645 = arith.constant 28 : i32
        %dma_start3A_1646 = arith.constant 61440 : i32
        %dma_start3A_1647 = tpu.memref_slice %arg6[%dma_start3A_1646] : memref<65536xi32, #tpu.memory_space<vmem>> -> memref<1024xi32, #tpu.memory_space<vmem>>
        %dma_start3A_1648 = tpu.memref_slice %arg3[%dma_start3A_1645, %mul3A_1644] : memref<32x10240xi32, #tpu.memory_space<hbm>> -> memref<1x1024xi32, #tpu.memory_space<hbm>>
        %dma_start3A_1649 = tpu.memref_squeeze %dma_start3A_1648 : memref<1x1024xi32, #tpu.memory_space<hbm>> -> memref<1024xi32, #tpu.memory_space<hbm>>
        %dma_start3A_1650 = arith.constant 61440 : i32
        %dma_start3A_1651 = tpu.memref_slice %arg6[%dma_start3A_1650] : memref<65536xi32, #tpu.memory_space<vmem>> -> memref<1024xi32, #tpu.memory_space<vmem>>
        %dma_start3A_1652 = tpu.memref_slice %arg3[%dma_start3A_1645, %mul3A_1644] : memref<32x10240xi32, #tpu.memory_space<hbm>> -> memref<1x1024xi32, #tpu.memory_space<hbm>>
        %dma_start3A_1653 = tpu.memref_squeeze %dma_start3A_1652 : memref<1x1024xi32, #tpu.memory_space<hbm>> -> memref<1024xi32, #tpu.memory_space<hbm>>
        tpu.enqueue_dma source(%dma_start3A_1653 : memref<1024xi32, #tpu.memory_space<hbm>>) target(%dma_start3A_1651 : memref<1024xi32, #tpu.memory_space<vmem>>) target_semaphore(%arg9 : memref<!tpu.dma_semaphore, #tpu.memory_space<semaphore_mem>>)
        %mul3A_1654 = arith.constant 1024 : i32
        %mul3A_1655 = arith.muli %add3A_1334, %mul3A_1654 : i32
        %dma_start3A_1656 = arith.constant 29 : i32
        %dma_start3A_1657 = arith.constant 62464 : i32
        %dma_start3A_1658 = tpu.memref_slice %arg6[%dma_start3A_1657] : memref<65536xi32, #tpu.memory_space<vmem>> -> memref<1024xi32, #tpu.memory_space<vmem>>
        %dma_start3A_1659 = tpu.memref_slice %arg3[%dma_start3A_1656, %mul3A_1655] : memref<32x10240xi32, #tpu.memory_space<hbm>> -> memref<1x1024xi32, #tpu.memory_space<hbm>>
        %dma_start3A_1660 = tpu.memref_squeeze %dma_start3A_1659 : memref<1x1024xi32, #tpu.memory_space<hbm>> -> memref<1024xi32, #tpu.memory_space<hbm>>
        %dma_start3A_1661 = arith.constant 62464 : i32
        %dma_start3A_1662 = tpu.memref_slice %arg6[%dma_start3A_1661] : memref<65536xi32, #tpu.memory_space<vmem>> -> memref<1024xi32, #tpu.memory_space<vmem>>
        %dma_start3A_1663 = tpu.memref_slice %arg3[%dma_start3A_1656, %mul3A_1655] : memref<32x10240xi32, #tpu.memory_space<hbm>> -> memref<1x1024xi32, #tpu.memory_space<hbm>>
        %dma_start3A_1664 = tpu.memref_squeeze %dma_start3A_1663 : memref<1x1024xi32, #tpu.memory_space<hbm>> -> memref<1024xi32, #tpu.memory_space<hbm>>
        tpu.enqueue_dma source(%dma_start3A_1664 : memref<1024xi32, #tpu.memory_space<hbm>>) target(%dma_start3A_1662 : memref<1024xi32, #tpu.memory_space<vmem>>) target_semaphore(%arg9 : memref<!tpu.dma_semaphore, #tpu.memory_space<semaphore_mem>>)
        %mul3A_1665 = arith.constant 1024 : i32
        %mul3A_1666 = arith.muli %add3A_1334, %mul3A_1665 : i32
        %dma_start3A_1667 = arith.constant 30 : i32
        %dma_start3A_1668 = arith.constant 63488 : i32
        %dma_start3A_1669 = tpu.memref_slice %arg6[%dma_start3A_1668] : memref<65536xi32, #tpu.memory_space<vmem>> -> memref<1024xi32, #tpu.memory_space<vmem>>
        %dma_start3A_1670 = tpu.memref_slice %arg3[%dma_start3A_1667, %mul3A_1666] : memref<32x10240xi32, #tpu.memory_space<hbm>> -> memref<1x1024xi32, #tpu.memory_space<hbm>>
        %dma_start3A_1671 = tpu.memref_squeeze %dma_start3A_1670 : memref<1x1024xi32, #tpu.memory_space<hbm>> -> memref<1024xi32, #tpu.memory_space<hbm>>
        %dma_start3A_1672 = arith.constant 63488 : i32
        %dma_start3A_1673 = tpu.memref_slice %arg6[%dma_start3A_1672] : memref<65536xi32, #tpu.memory_space<vmem>> -> memref<1024xi32, #tpu.memory_space<vmem>>
        %dma_start3A_1674 = tpu.memref_slice %arg3[%dma_start3A_1667, %mul3A_1666] : memref<32x10240xi32, #tpu.memory_space<hbm>> -> memref<1x1024xi32, #tpu.memory_space<hbm>>
        %dma_start3A_1675 = tpu.memref_squeeze %dma_start3A_1674 : memref<1x1024xi32, #tpu.memory_space<hbm>> -> memref<1024xi32, #tpu.memory_space<hbm>>
        tpu.enqueue_dma source(%dma_start3A_1675 : memref<1024xi32, #tpu.memory_space<hbm>>) target(%dma_start3A_1673 : memref<1024xi32, #tpu.memory_space<vmem>>) target_semaphore(%arg9 : memref<!tpu.dma_semaphore, #tpu.memory_space<semaphore_mem>>)
        %mul3A_1676 = arith.constant 1024 : i32
        %mul3A_1677 = arith.muli %add3A_1334, %mul3A_1676 : i32
        %dma_start3A_1678 = arith.constant 31 : i32
        %dma_start3A_1679 = arith.constant 64512 : i32
        %dma_start3A_1680 = tpu.memref_slice %arg6[%dma_start3A_1679] : memref<65536xi32, #tpu.memory_space<vmem>> -> memref<1024xi32, #tpu.memory_space<vmem>>
        %dma_start3A_1681 = tpu.memref_slice %arg3[%dma_start3A_1678, %mul3A_1677] : memref<32x10240xi32, #tpu.memory_space<hbm>> -> memref<1x1024xi32, #tpu.memory_space<hbm>>
        %dma_start3A_1682 = tpu.memref_squeeze %dma_start3A_1681 : memref<1x1024xi32, #tpu.memory_space<hbm>> -> memref<1024xi32, #tpu.memory_space<hbm>>
        %dma_start3A_1683 = arith.constant 64512 : i32
        %dma_start3A_1684 = tpu.memref_slice %arg6[%dma_start3A_1683] : memref<65536xi32, #tpu.memory_space<vmem>> -> memref<1024xi32, #tpu.memory_space<vmem>>
        %dma_start3A_1685 = tpu.memref_slice %arg3[%dma_start3A_1678, %mul3A_1677] : memref<32x10240xi32, #tpu.memory_space<hbm>> -> memref<1x1024xi32, #tpu.memory_space<hbm>>
        %dma_start3A_1686 = tpu.memref_squeeze %dma_start3A_1685 : memref<1x1024xi32, #tpu.memory_space<hbm>> -> memref<1024xi32, #tpu.memory_space<hbm>>
        tpu.enqueue_dma source(%dma_start3A_1686 : memref<1024xi32, #tpu.memory_space<hbm>>) target(%dma_start3A_1684 : memref<1024xi32, #tpu.memory_space<vmem>>) target_semaphore(%arg9 : memref<!tpu.dma_semaphore, #tpu.memory_space<semaphore_mem>>)
      } else {
      }
      %scan3A_873 = arith.constant 0 : i32
      %scan3A_874 = arith.constant 0 : i32
      %scan3A_875 = arith.constant 64 : i32
      %scan3A_876 = arith.addi %scan3A_874, %scan3A_875 : i32
      %scan3A_877 = arith.constant 1 : i32
      scf.for %scan3A_1333 = %scan3A_874 to %scan3A_876 step %scan3A_877  : i32 {
        %mul3A_1334 = arith.constant 16 : i32
        %mul3A_1335 = arith.muli %scan3A_1333, %mul3A_1334 : i32
        %add3A_1336 = arith.constant 0 : i32
        %add3A_1337 = arith.addi %add3A_1336, %mul3A_1335 : i32
        %mul3A_1338 = arith.constant 16 : i32
        %mul3A_1339 = arith.muli %scan3A_1333, %mul3A_1338 : i32
        %add3A_1340 = arith.constant 0 : i32
        %add3A_1341 = arith.addi %add3A_1340, %mul3A_1339 : i32
        %broadcast_in_dim3A_1342 = arith.constant 0 : i32
        %broadcast_in_dim3A_1343 = vector.broadcast %broadcast_in_dim3A_1342 : i32 to vector<16xi32>
        %broadcast_in_dim3A_1344 = arith.constant 0 : i32
        %broadcast_in_dim3A_1345 = vector.broadcast %broadcast_in_dim3A_1344 : i32 to vector<16xi32>
        %broadcast_in_dim3A_1346 = arith.constant 0 : i32
        %broadcast_in_dim3A_1347 = vector.broadcast %broadcast_in_dim3A_1346 : i32 to vector<16xi32>
        %broadcast_in_dim3A_1348 = arith.constant 0 : i32
        %broadcast_in_dim3A_1349 = vector.broadcast %broadcast_in_dim3A_1348 : i32 to vector<16xi32>
        %add3A_1350 = arith.constant 0 : i32
        %add3A_1351 = arith.addi %add3A_1337, %add3A_1350 : i32
        %get3A = arith.index_cast %add3A_1351 : i32 to index
        %get3A_1352 = tpu.vector_load %arg6[%get3A] {strides = array<i32>} : memref<65536xi32, #tpu.memory_space<vmem>>, vector<16xi32>,
        %gather3A = tpu.vector_load_idx %arg5[%get3A_1352] : memref<20480xi32, #tpu.memory_space<vmem>>[vector<16xi32>], vector<16xi32>,
        %shift_right_arithmetic3A = arith.shrsi %gather3A, %broadcast_in_dim3A_418 : vector<16xi32>
        %add3A_1353 = arith.addi %broadcast_in_dim3A_1343, %shift_right_arithmetic3A : vector<16xi32>
        %and3A = arith.andi %gather3A, %broadcast_in_dim3A_420 : vector<16xi32>
        %add3A_1354 = arith.addi %broadcast_in_dim3A_1345, %and3A : vector<16xi32>
        %add3A_1355 = arith.addi %get3A_1352, %broadcast_in_dim3A_416 : vector<16xi32>
        %gather3A_1356 = tpu.vector_load_idx %arg5[%add3A_1355] : memref<20480xi32, #tpu.memory_space<vmem>>[vector<16xi32>], vector<16xi32>,
        %shift_right_arithmetic3A_1357 = arith.shrsi %gather3A_1356, %broadcast_in_dim3A_418 : vector<16xi32>
        %add3A_1358 = arith.addi %broadcast_in_dim3A_1347, %shift_right_arithmetic3A_1357 : vector<16xi32>
        %and3A_1359 = arith.andi %gather3A_1356, %broadcast_in_dim3A_420 : vector<16xi32>
        %add3A_1360 = arith.addi %broadcast_in_dim3A_1349, %and3A_1359 : vector<16xi32>
        %add3A_1361 = arith.constant 1024 : i32
        %add3A_1362 = arith.addi %add3A_1337, %add3A_1361 : i32
        %get3A_1363 = arith.index_cast %add3A_1362 : i32 to index
        %get3A_1364 = tpu.vector_load %arg6[%get3A_1363] {strides = array<i32>} : memref<65536xi32, #tpu.memory_space<vmem>>, vector<16xi32>,
        %gather3A_1365 = tpu.vector_load_idx %arg5[%get3A_1364] : memref<20480xi32, #tpu.memory_space<vmem>>[vector<16xi32>], vector<16xi32>,
        %shift_right_arithmetic3A_1366 = arith.shrsi %gather3A_1365, %broadcast_in_dim3A_418 : vector<16xi32>
        %add3A_1367 = arith.addi %add3A_1353, %shift_right_arithmetic3A_1366 : vector<16xi32>
        %and3A_1368 = arith.andi %gather3A_1365, %broadcast_in_dim3A_420 : vector<16xi32>
        %add3A_1369 = arith.addi %add3A_1354, %and3A_1368 : vector<16xi32>
        %add3A_1370 = arith.addi %get3A_1364, %broadcast_in_dim3A_416 : vector<16xi32>
        %gather3A_1371 = tpu.vector_load_idx %arg5[%add3A_1370] : memref<20480xi32, #tpu.memory_space<vmem>>[vector<16xi32>], vector<16xi32>,
        %shift_right_arithmetic3A_1372 = arith.shrsi %gather3A_1371, %broadcast_in_dim3A_418 : vector<16xi32>
        %add3A_1373 = arith.addi %add3A_1358, %shift_right_arithmetic3A_1372 : vector<16xi32>
        %and3A_1374 = arith.andi %gather3A_1371, %broadcast_in_dim3A_420 : vector<16xi32>
        %add3A_1375 = arith.addi %add3A_1360, %and3A_1374 : vector<16xi32>
        %add3A_1376 = arith.constant 2048 : i32
        %add3A_1377 = arith.addi %add3A_1337, %add3A_1376 : i32
        %get3A_1378 = arith.index_cast %add3A_1377 : i32 to index
        %get3A_1379 = tpu.vector_load %arg6[%get3A_1378] {strides = array<i32>} : memref<65536xi32, #tpu.memory_space<vmem>>, vector<16xi32>,
        %gather3A_1380 = tpu.vector_load_idx %arg5[%get3A_1379] : memref<20480xi32, #tpu.memory_space<vmem>>[vector<16xi32>], vector<16xi32>,
        %shift_right_arithmetic3A_1381 = arith.shrsi %gather3A_1380, %broadcast_in_dim3A_418 : vector<16xi32>
        %add3A_1382 = arith.addi %add3A_1367, %shift_right_arithmetic3A_1381 : vector<16xi32>
        %and3A_1383 = arith.andi %gather3A_1380, %broadcast_in_dim3A_420 : vector<16xi32>
        %add3A_1384 = arith.addi %add3A_1369, %and3A_1383 : vector<16xi32>
        %add3A_1385 = arith.addi %get3A_1379, %broadcast_in_dim3A_416 : vector<16xi32>
        %gather3A_1386 = tpu.vector_load_idx %arg5[%add3A_1385] : memref<20480xi32, #tpu.memory_space<vmem>>[vector<16xi32>], vector<16xi32>,
        %shift_right_arithmetic3A_1387 = arith.shrsi %gather3A_1386, %broadcast_in_dim3A_418 : vector<16xi32>
        %add3A_1388 = arith.addi %add3A_1373, %shift_right_arithmetic3A_1387 : vector<16xi32>
        %and3A_1389 = arith.andi %gather3A_1386, %broadcast_in_dim3A_420 : vector<16xi32>
        %add3A_1390 = arith.addi %add3A_1375, %and3A_1389 : vector<16xi32>
        %add3A_1391 = arith.constant 3072 : i32
        %add3A_1392 = arith.addi %add3A_1337, %add3A_1391 : i32
        %get3A_1393 = arith.index_cast %add3A_1392 : i32 to index
        %get3A_1394 = tpu.vector_load %arg6[%get3A_1393] {strides = array<i32>} : memref<65536xi32, #tpu.memory_space<vmem>>, vector<16xi32>,
        %gather3A_1395 = tpu.vector_load_idx %arg5[%get3A_1394] : memref<20480xi32, #tpu.memory_space<vmem>>[vector<16xi32>], vector<16xi32>,
        %shift_right_arithmetic3A_1396 = arith.shrsi %gather3A_1395, %broadcast_in_dim3A_418 : vector<16xi32>
        %add3A_1397 = arith.addi %add3A_1382, %shift_right_arithmetic3A_1396 : vector<16xi32>
        %and3A_1398 = arith.andi %gather3A_1395, %broadcast_in_dim3A_420 : vector<16xi32>
        %add3A_1399 = arith.addi %add3A_1384, %and3A_1398 : vector<16xi32>
        %add3A_1400 = arith.addi %get3A_1394, %broadcast_in_dim3A_416 : vector<16xi32>
        %gather3A_1401 = tpu.vector_load_idx %arg5[%add3A_1400] : memref<20480xi32, #tpu.memory_space<vmem>>[vector<16xi32>], vector<16xi32>,
        %shift_right_arithmetic3A_1402 = arith.shrsi %gather3A_1401, %broadcast_in_dim3A_418 : vector<16xi32>
        %add3A_1403 = arith.addi %add3A_1388, %shift_right_arithmetic3A_1402 : vector<16xi32>
        %and3A_1404 = arith.andi %gather3A_1401, %broadcast_in_dim3A_420 : vector<16xi32>
        %add3A_1405 = arith.addi %add3A_1390, %and3A_1404 : vector<16xi32>
        %add3A_1406 = arith.constant 4096 : i32
        %add3A_1407 = arith.addi %add3A_1337, %add3A_1406 : i32
        %get3A_1408 = arith.index_cast %add3A_1407 : i32 to index
        %get3A_1409 = tpu.vector_load %arg6[%get3A_1408] {strides = array<i32>} : memref<65536xi32, #tpu.memory_space<vmem>>, vector<16xi32>,
        %gather3A_1410 = tpu.vector_load_idx %arg5[%get3A_1409] : memref<20480xi32, #tpu.memory_space<vmem>>[vector<16xi32>], vector<16xi32>,
        %shift_right_arithmetic3A_1411 = arith.shrsi %gather3A_1410, %broadcast_in_dim3A_418 : vector<16xi32>
        %add3A_1412 = arith.addi %add3A_1397, %shift_right_arithmetic3A_1411 : vector<16xi32>
        %and3A_1413 = arith.andi %gather3A_1410, %broadcast_in_dim3A_420 : vector<16xi32>
        %add3A_1414 = arith.addi %add3A_1399, %and3A_1413 : vector<16xi32>
        %add3A_1415 = arith.addi %get3A_1409, %broadcast_in_dim3A_416 : vector<16xi32>
        %gather3A_1416 = tpu.vector_load_idx %arg5[%add3A_1415] : memref<20480xi32, #tpu.memory_space<vmem>>[vector<16xi32>], vector<16xi32>,
        %shift_right_arithmetic3A_1417 = arith.shrsi %gather3A_1416, %broadcast_in_dim3A_418 : vector<16xi32>
        %add3A_1418 = arith.addi %add3A_1403, %shift_right_arithmetic3A_1417 : vector<16xi32>
        %and3A_1419 = arith.andi %gather3A_1416, %broadcast_in_dim3A_420 : vector<16xi32>
        %add3A_1420 = arith.addi %add3A_1405, %and3A_1419 : vector<16xi32>
        %add3A_1421 = arith.constant 5120 : i32
        %add3A_1422 = arith.addi %add3A_1337, %add3A_1421 : i32
        %get3A_1423 = arith.index_cast %add3A_1422 : i32 to index
        %get3A_1424 = tpu.vector_load %arg6[%get3A_1423] {strides = array<i32>} : memref<65536xi32, #tpu.memory_space<vmem>>, vector<16xi32>,
        %gather3A_1425 = tpu.vector_load_idx %arg5[%get3A_1424] : memref<20480xi32, #tpu.memory_space<vmem>>[vector<16xi32>], vector<16xi32>,
        %shift_right_arithmetic3A_1426 = arith.shrsi %gather3A_1425, %broadcast_in_dim3A_418 : vector<16xi32>
        %add3A_1427 = arith.addi %add3A_1412, %shift_right_arithmetic3A_1426 : vector<16xi32>
        %and3A_1428 = arith.andi %gather3A_1425, %broadcast_in_dim3A_420 : vector<16xi32>
        %add3A_1429 = arith.addi %add3A_1414, %and3A_1428 : vector<16xi32>
        %add3A_1430 = arith.addi %get3A_1424, %broadcast_in_dim3A_416 : vector<16xi32>
        %gather3A_1431 = tpu.vector_load_idx %arg5[%add3A_1430] : memref<20480xi32, #tpu.memory_space<vmem>>[vector<16xi32>], vector<16xi32>,
        %shift_right_arithmetic3A_1432 = arith.shrsi %gather3A_1431, %broadcast_in_dim3A_418 : vector<16xi32>
        %add3A_1433 = arith.addi %add3A_1418, %shift_right_arithmetic3A_1432 : vector<16xi32>
        %and3A_1434 = arith.andi %gather3A_1431, %broadcast_in_dim3A_420 : vector<16xi32>
        %add3A_1435 = arith.addi %add3A_1420, %and3A_1434 : vector<16xi32>
        %add3A_1436 = arith.constant 6144 : i32
        %add3A_1437 = arith.addi %add3A_1337, %add3A_1436 : i32
        %get3A_1438 = arith.index_cast %add3A_1437 : i32 to index
        %get3A_1439 = tpu.vector_load %arg6[%get3A_1438] {strides = array<i32>} : memref<65536xi32, #tpu.memory_space<vmem>>, vector<16xi32>,
        %gather3A_1440 = tpu.vector_load_idx %arg5[%get3A_1439] : memref<20480xi32, #tpu.memory_space<vmem>>[vector<16xi32>], vector<16xi32>,
        %shift_right_arithmetic3A_1441 = arith.shrsi %gather3A_1440, %broadcast_in_dim3A_418 : vector<16xi32>
        %add3A_1442 = arith.addi %add3A_1427, %shift_right_arithmetic3A_1441 : vector<16xi32>
        %and3A_1443 = arith.andi %gather3A_1440, %broadcast_in_dim3A_420 : vector<16xi32>
        %add3A_1444 = arith.addi %add3A_1429, %and3A_1443 : vector<16xi32>
        %add3A_1445 = arith.addi %get3A_1439, %broadcast_in_dim3A_416 : vector<16xi32>
        %gather3A_1446 = tpu.vector_load_idx %arg5[%add3A_1445] : memref<20480xi32, #tpu.memory_space<vmem>>[vector<16xi32>], vector<16xi32>,
        %shift_right_arithmetic3A_1447 = arith.shrsi %gather3A_1446, %broadcast_in_dim3A_418 : vector<16xi32>
        %add3A_1448 = arith.addi %add3A_1433, %shift_right_arithmetic3A_1447 : vector<16xi32>
        %and3A_1449 = arith.andi %gather3A_1446, %broadcast_in_dim3A_420 : vector<16xi32>
        %add3A_1450 = arith.addi %add3A_1435, %and3A_1449 : vector<16xi32>
        %add3A_1451 = arith.constant 7168 : i32
        %add3A_1452 = arith.addi %add3A_1337, %add3A_1451 : i32
        %get3A_1453 = arith.index_cast %add3A_1452 : i32 to index
        %get3A_1454 = tpu.vector_load %arg6[%get3A_1453] {strides = array<i32>} : memref<65536xi32, #tpu.memory_space<vmem>>, vector<16xi32>,
        %gather3A_1455 = tpu.vector_load_idx %arg5[%get3A_1454] : memref<20480xi32, #tpu.memory_space<vmem>>[vector<16xi32>], vector<16xi32>,
        %shift_right_arithmetic3A_1456 = arith.shrsi %gather3A_1455, %broadcast_in_dim3A_418 : vector<16xi32>
        %add3A_1457 = arith.addi %add3A_1442, %shift_right_arithmetic3A_1456 : vector<16xi32>
        %and3A_1458 = arith.andi %gather3A_1455, %broadcast_in_dim3A_420 : vector<16xi32>
        %add3A_1459 = arith.addi %add3A_1444, %and3A_1458 : vector<16xi32>
        %add3A_1460 = arith.addi %get3A_1454, %broadcast_in_dim3A_416 : vector<16xi32>
        %gather3A_1461 = tpu.vector_load_idx %arg5[%add3A_1460] : memref<20480xi32, #tpu.memory_space<vmem>>[vector<16xi32>], vector<16xi32>,
        %shift_right_arithmetic3A_1462 = arith.shrsi %gather3A_1461, %broadcast_in_dim3A_418 : vector<16xi32>
        %add3A_1463 = arith.addi %add3A_1448, %shift_right_arithmetic3A_1462 : vector<16xi32>
        %and3A_1464 = arith.andi %gather3A_1461, %broadcast_in_dim3A_420 : vector<16xi32>
        %add3A_1465 = arith.addi %add3A_1450, %and3A_1464 : vector<16xi32>
        %add3A_1466 = arith.constant 8192 : i32
        %add3A_1467 = arith.addi %add3A_1337, %add3A_1466 : i32
        %get3A_1468 = arith.index_cast %add3A_1467 : i32 to index
        %get3A_1469 = tpu.vector_load %arg6[%get3A_1468] {strides = array<i32>} : memref<65536xi32, #tpu.memory_space<vmem>>, vector<16xi32>,
        %gather3A_1470 = tpu.vector_load_idx %arg5[%get3A_1469] : memref<20480xi32, #tpu.memory_space<vmem>>[vector<16xi32>], vector<16xi32>,
        %shift_right_arithmetic3A_1471 = arith.shrsi %gather3A_1470, %broadcast_in_dim3A_418 : vector<16xi32>
        %add3A_1472 = arith.addi %add3A_1457, %shift_right_arithmetic3A_1471 : vector<16xi32>
        %and3A_1473 = arith.andi %gather3A_1470, %broadcast_in_dim3A_420 : vector<16xi32>
        %add3A_1474 = arith.addi %add3A_1459, %and3A_1473 : vector<16xi32>
        %add3A_1475 = arith.addi %get3A_1469, %broadcast_in_dim3A_416 : vector<16xi32>
        %gather3A_1476 = tpu.vector_load_idx %arg5[%add3A_1475] : memref<20480xi32, #tpu.memory_space<vmem>>[vector<16xi32>], vector<16xi32>,
        %shift_right_arithmetic3A_1477 = arith.shrsi %gather3A_1476, %broadcast_in_dim3A_418 : vector<16xi32>
        %add3A_1478 = arith.addi %add3A_1463, %shift_right_arithmetic3A_1477 : vector<16xi32>
        %and3A_1479 = arith.andi %gather3A_1476, %broadcast_in_dim3A_420 : vector<16xi32>
        %add3A_1480 = arith.addi %add3A_1465, %and3A_1479 : vector<16xi32>
        %add3A_1481 = arith.constant 9216 : i32
        %add3A_1482 = arith.addi %add3A_1337, %add3A_1481 : i32
        %get3A_1483 = arith.index_cast %add3A_1482 : i32 to index
        %get3A_1484 = tpu.vector_load %arg6[%get3A_1483] {strides = array<i32>} : memref<65536xi32, #tpu.memory_space<vmem>>, vector<16xi32>,
        %gather3A_1485 = tpu.vector_load_idx %arg5[%get3A_1484] : memref<20480xi32, #tpu.memory_space<vmem>>[vector<16xi32>], vector<16xi32>,
        %shift_right_arithmetic3A_1486 = arith.shrsi %gather3A_1485, %broadcast_in_dim3A_418 : vector<16xi32>
        %add3A_1487 = arith.addi %add3A_1472, %shift_right_arithmetic3A_1486 : vector<16xi32>
        %and3A_1488 = arith.andi %gather3A_1485, %broadcast_in_dim3A_420 : vector<16xi32>
        %add3A_1489 = arith.addi %add3A_1474, %and3A_1488 : vector<16xi32>
        %add3A_1490 = arith.addi %get3A_1484, %broadcast_in_dim3A_416 : vector<16xi32>
        %gather3A_1491 = tpu.vector_load_idx %arg5[%add3A_1490] : memref<20480xi32, #tpu.memory_space<vmem>>[vector<16xi32>], vector<16xi32>,
        %shift_right_arithmetic3A_1492 = arith.shrsi %gather3A_1491, %broadcast_in_dim3A_418 : vector<16xi32>
        %add3A_1493 = arith.addi %add3A_1478, %shift_right_arithmetic3A_1492 : vector<16xi32>
        %and3A_1494 = arith.andi %gather3A_1491, %broadcast_in_dim3A_420 : vector<16xi32>
        %add3A_1495 = arith.addi %add3A_1480, %and3A_1494 : vector<16xi32>
        %add3A_1496 = arith.constant 10240 : i32
        %add3A_1497 = arith.addi %add3A_1337, %add3A_1496 : i32
        %get3A_1498 = arith.index_cast %add3A_1497 : i32 to index
        %get3A_1499 = tpu.vector_load %arg6[%get3A_1498] {strides = array<i32>} : memref<65536xi32, #tpu.memory_space<vmem>>, vector<16xi32>,
        %gather3A_1500 = tpu.vector_load_idx %arg5[%get3A_1499] : memref<20480xi32, #tpu.memory_space<vmem>>[vector<16xi32>], vector<16xi32>,
        %shift_right_arithmetic3A_1501 = arith.shrsi %gather3A_1500, %broadcast_in_dim3A_418 : vector<16xi32>
        %add3A_1502 = arith.addi %add3A_1487, %shift_right_arithmetic3A_1501 : vector<16xi32>
        %and3A_1503 = arith.andi %gather3A_1500, %broadcast_in_dim3A_420 : vector<16xi32>
        %add3A_1504 = arith.addi %add3A_1489, %and3A_1503 : vector<16xi32>
        %add3A_1505 = arith.addi %get3A_1499, %broadcast_in_dim3A_416 : vector<16xi32>
        %gather3A_1506 = tpu.vector_load_idx %arg5[%add3A_1505] : memref<20480xi32, #tpu.memory_space<vmem>>[vector<16xi32>], vector<16xi32>,
        %shift_right_arithmetic3A_1507 = arith.shrsi %gather3A_1506, %broadcast_in_dim3A_418 : vector<16xi32>
        %add3A_1508 = arith.addi %add3A_1493, %shift_right_arithmetic3A_1507 : vector<16xi32>
        %and3A_1509 = arith.andi %gather3A_1506, %broadcast_in_dim3A_420 : vector<16xi32>
        %add3A_1510 = arith.addi %add3A_1495, %and3A_1509 : vector<16xi32>
        %add3A_1511 = arith.constant 11264 : i32
        %add3A_1512 = arith.addi %add3A_1337, %add3A_1511 : i32
        %get3A_1513 = arith.index_cast %add3A_1512 : i32 to index
        %get3A_1514 = tpu.vector_load %arg6[%get3A_1513] {strides = array<i32>} : memref<65536xi32, #tpu.memory_space<vmem>>, vector<16xi32>,
        %gather3A_1515 = tpu.vector_load_idx %arg5[%get3A_1514] : memref<20480xi32, #tpu.memory_space<vmem>>[vector<16xi32>], vector<16xi32>,
        %shift_right_arithmetic3A_1516 = arith.shrsi %gather3A_1515, %broadcast_in_dim3A_418 : vector<16xi32>
        %add3A_1517 = arith.addi %add3A_1502, %shift_right_arithmetic3A_1516 : vector<16xi32>
        %and3A_1518 = arith.andi %gather3A_1515, %broadcast_in_dim3A_420 : vector<16xi32>
        %add3A_1519 = arith.addi %add3A_1504, %and3A_1518 : vector<16xi32>
        %add3A_1520 = arith.addi %get3A_1514, %broadcast_in_dim3A_416 : vector<16xi32>
        %gather3A_1521 = tpu.vector_load_idx %arg5[%add3A_1520] : memref<20480xi32, #tpu.memory_space<vmem>>[vector<16xi32>], vector<16xi32>,
        %shift_right_arithmetic3A_1522 = arith.shrsi %gather3A_1521, %broadcast_in_dim3A_418 : vector<16xi32>
        %add3A_1523 = arith.addi %add3A_1508, %shift_right_arithmetic3A_1522 : vector<16xi32>
        %and3A_1524 = arith.andi %gather3A_1521, %broadcast_in_dim3A_420 : vector<16xi32>
        %add3A_1525 = arith.addi %add3A_1510, %and3A_1524 : vector<16xi32>
        %add3A_1526 = arith.constant 12288 : i32
        %add3A_1527 = arith.addi %add3A_1337, %add3A_1526 : i32
        %get3A_1528 = arith.index_cast %add3A_1527 : i32 to index
        %get3A_1529 = tpu.vector_load %arg6[%get3A_1528] {strides = array<i32>} : memref<65536xi32, #tpu.memory_space<vmem>>, vector<16xi32>,
        %gather3A_1530 = tpu.vector_load_idx %arg5[%get3A_1529] : memref<20480xi32, #tpu.memory_space<vmem>>[vector<16xi32>], vector<16xi32>,
        %shift_right_arithmetic3A_1531 = arith.shrsi %gather3A_1530, %broadcast_in_dim3A_418 : vector<16xi32>
        %add3A_1532 = arith.addi %add3A_1517, %shift_right_arithmetic3A_1531 : vector<16xi32>
        %and3A_1533 = arith.andi %gather3A_1530, %broadcast_in_dim3A_420 : vector<16xi32>
        %add3A_1534 = arith.addi %add3A_1519, %and3A_1533 : vector<16xi32>
        %add3A_1535 = arith.addi %get3A_1529, %broadcast_in_dim3A_416 : vector<16xi32>
        %gather3A_1536 = tpu.vector_load_idx %arg5[%add3A_1535] : memref<20480xi32, #tpu.memory_space<vmem>>[vector<16xi32>], vector<16xi32>,
        %shift_right_arithmetic3A_1537 = arith.shrsi %gather3A_1536, %broadcast_in_dim3A_418 : vector<16xi32>
        %add3A_1538 = arith.addi %add3A_1523, %shift_right_arithmetic3A_1537 : vector<16xi32>
        %and3A_1539 = arith.andi %gather3A_1536, %broadcast_in_dim3A_420 : vector<16xi32>
        %add3A_1540 = arith.addi %add3A_1525, %and3A_1539 : vector<16xi32>
        %add3A_1541 = arith.constant 13312 : i32
        %add3A_1542 = arith.addi %add3A_1337, %add3A_1541 : i32
        %get3A_1543 = arith.index_cast %add3A_1542 : i32 to index
        %get3A_1544 = tpu.vector_load %arg6[%get3A_1543] {strides = array<i32>} : memref<65536xi32, #tpu.memory_space<vmem>>, vector<16xi32>,
        %gather3A_1545 = tpu.vector_load_idx %arg5[%get3A_1544] : memref<20480xi32, #tpu.memory_space<vmem>>[vector<16xi32>], vector<16xi32>,
        %shift_right_arithmetic3A_1546 = arith.shrsi %gather3A_1545, %broadcast_in_dim3A_418 : vector<16xi32>
        %add3A_1547 = arith.addi %add3A_1532, %shift_right_arithmetic3A_1546 : vector<16xi32>
        %and3A_1548 = arith.andi %gather3A_1545, %broadcast_in_dim3A_420 : vector<16xi32>
        %add3A_1549 = arith.addi %add3A_1534, %and3A_1548 : vector<16xi32>
        %add3A_1550 = arith.addi %get3A_1544, %broadcast_in_dim3A_416 : vector<16xi32>
        %gather3A_1551 = tpu.vector_load_idx %arg5[%add3A_1550] : memref<20480xi32, #tpu.memory_space<vmem>>[vector<16xi32>], vector<16xi32>,
        %shift_right_arithmetic3A_1552 = arith.shrsi %gather3A_1551, %broadcast_in_dim3A_418 : vector<16xi32>
        %add3A_1553 = arith.addi %add3A_1538, %shift_right_arithmetic3A_1552 : vector<16xi32>
        %and3A_1554 = arith.andi %gather3A_1551, %broadcast_in_dim3A_420 : vector<16xi32>
        %add3A_1555 = arith.addi %add3A_1540, %and3A_1554 : vector<16xi32>
        %add3A_1556 = arith.constant 14336 : i32
        %add3A_1557 = arith.addi %add3A_1337, %add3A_1556 : i32
        %get3A_1558 = arith.index_cast %add3A_1557 : i32 to index
        %get3A_1559 = tpu.vector_load %arg6[%get3A_1558] {strides = array<i32>} : memref<65536xi32, #tpu.memory_space<vmem>>, vector<16xi32>,
        %gather3A_1560 = tpu.vector_load_idx %arg5[%get3A_1559] : memref<20480xi32, #tpu.memory_space<vmem>>[vector<16xi32>], vector<16xi32>,
        %shift_right_arithmetic3A_1561 = arith.shrsi %gather3A_1560, %broadcast_in_dim3A_418 : vector<16xi32>
        %add3A_1562 = arith.addi %add3A_1547, %shift_right_arithmetic3A_1561 : vector<16xi32>
        %and3A_1563 = arith.andi %gather3A_1560, %broadcast_in_dim3A_420 : vector<16xi32>
        %add3A_1564 = arith.addi %add3A_1549, %and3A_1563 : vector<16xi32>
        %add3A_1565 = arith.addi %get3A_1559, %broadcast_in_dim3A_416 : vector<16xi32>
        %gather3A_1566 = tpu.vector_load_idx %arg5[%add3A_1565] : memref<20480xi32, #tpu.memory_space<vmem>>[vector<16xi32>], vector<16xi32>,
        %shift_right_arithmetic3A_1567 = arith.shrsi %gather3A_1566, %broadcast_in_dim3A_418 : vector<16xi32>
        %add3A_1568 = arith.addi %add3A_1553, %shift_right_arithmetic3A_1567 : vector<16xi32>
        %and3A_1569 = arith.andi %gather3A_1566, %broadcast_in_dim3A_420 : vector<16xi32>
        %add3A_1570 = arith.addi %add3A_1555, %and3A_1569 : vector<16xi32>
        %add3A_1571 = arith.constant 15360 : i32
        %add3A_1572 = arith.addi %add3A_1337, %add3A_1571 : i32
        %get3A_1573 = arith.index_cast %add3A_1572 : i32 to index
        %get3A_1574 = tpu.vector_load %arg6[%get3A_1573] {strides = array<i32>} : memref<65536xi32, #tpu.memory_space<vmem>>, vector<16xi32>,
        %gather3A_1575 = tpu.vector_load_idx %arg5[%get3A_1574] : memref<20480xi32, #tpu.memory_space<vmem>>[vector<16xi32>], vector<16xi32>,
        %shift_right_arithmetic3A_1576 = arith.shrsi %gather3A_1575, %broadcast_in_dim3A_418 : vector<16xi32>
        %add3A_1577 = arith.addi %add3A_1562, %shift_right_arithmetic3A_1576 : vector<16xi32>
        %and3A_1578 = arith.andi %gather3A_1575, %broadcast_in_dim3A_420 : vector<16xi32>
        %add3A_1579 = arith.addi %add3A_1564, %and3A_1578 : vector<16xi32>
        %add3A_1580 = arith.addi %get3A_1574, %broadcast_in_dim3A_416 : vector<16xi32>
        %gather3A_1581 = tpu.vector_load_idx %arg5[%add3A_1580] : memref<20480xi32, #tpu.memory_space<vmem>>[vector<16xi32>], vector<16xi32>,
        %shift_right_arithmetic3A_1582 = arith.shrsi %gather3A_1581, %broadcast_in_dim3A_418 : vector<16xi32>
        %add3A_1583 = arith.addi %add3A_1568, %shift_right_arithmetic3A_1582 : vector<16xi32>
        %and3A_1584 = arith.andi %gather3A_1581, %broadcast_in_dim3A_420 : vector<16xi32>
        %add3A_1585 = arith.addi %add3A_1570, %and3A_1584 : vector<16xi32>
        %add3A_1586 = arith.constant 16384 : i32
        %add3A_1587 = arith.addi %add3A_1337, %add3A_1586 : i32
        %get3A_1588 = arith.index_cast %add3A_1587 : i32 to index
        %get3A_1589 = tpu.vector_load %arg6[%get3A_1588] {strides = array<i32>} : memref<65536xi32, #tpu.memory_space<vmem>>, vector<16xi32>,
        %gather3A_1590 = tpu.vector_load_idx %arg5[%get3A_1589] : memref<20480xi32, #tpu.memory_space<vmem>>[vector<16xi32>], vector<16xi32>,
        %shift_right_arithmetic3A_1591 = arith.shrsi %gather3A_1590, %broadcast_in_dim3A_418 : vector<16xi32>
        %add3A_1592 = arith.addi %add3A_1577, %shift_right_arithmetic3A_1591 : vector<16xi32>
        %and3A_1593 = arith.andi %gather3A_1590, %broadcast_in_dim3A_420 : vector<16xi32>
        %add3A_1594 = arith.addi %add3A_1579, %and3A_1593 : vector<16xi32>
        %add3A_1595 = arith.addi %get3A_1589, %broadcast_in_dim3A_416 : vector<16xi32>
        %gather3A_1596 = tpu.vector_load_idx %arg5[%add3A_1595] : memref<20480xi32, #tpu.memory_space<vmem>>[vector<16xi32>], vector<16xi32>,
        %shift_right_arithmetic3A_1597 = arith.shrsi %gather3A_1596, %broadcast_in_dim3A_418 : vector<16xi32>
        %add3A_1598 = arith.addi %add3A_1583, %shift_right_arithmetic3A_1597 : vector<16xi32>
        %and3A_1599 = arith.andi %gather3A_1596, %broadcast_in_dim3A_420 : vector<16xi32>
        %add3A_1600 = arith.addi %add3A_1585, %and3A_1599 : vector<16xi32>
        %add3A_1601 = arith.constant 17408 : i32
        %add3A_1602 = arith.addi %add3A_1337, %add3A_1601 : i32
        %get3A_1603 = arith.index_cast %add3A_1602 : i32 to index
        %get3A_1604 = tpu.vector_load %arg6[%get3A_1603] {strides = array<i32>} : memref<65536xi32, #tpu.memory_space<vmem>>, vector<16xi32>,
        %gather3A_1605 = tpu.vector_load_idx %arg5[%get3A_1604] : memref<20480xi32, #tpu.memory_space<vmem>>[vector<16xi32>], vector<16xi32>,
        %shift_right_arithmetic3A_1606 = arith.shrsi %gather3A_1605, %broadcast_in_dim3A_418 : vector<16xi32>
        %add3A_1607 = arith.addi %add3A_1592, %shift_right_arithmetic3A_1606 : vector<16xi32>
        %and3A_1608 = arith.andi %gather3A_1605, %broadcast_in_dim3A_420 : vector<16xi32>
        %add3A_1609 = arith.addi %add3A_1594, %and3A_1608 : vector<16xi32>
        %add3A_1610 = arith.addi %get3A_1604, %broadcast_in_dim3A_416 : vector<16xi32>
        %gather3A_1611 = tpu.vector_load_idx %arg5[%add3A_1610] : memref<20480xi32, #tpu.memory_space<vmem>>[vector<16xi32>], vector<16xi32>,
        %shift_right_arithmetic3A_1612 = arith.shrsi %gather3A_1611, %broadcast_in_dim3A_418 : vector<16xi32>
        %add3A_1613 = arith.addi %add3A_1598, %shift_right_arithmetic3A_1612 : vector<16xi32>
        %and3A_1614 = arith.andi %gather3A_1611, %broadcast_in_dim3A_420 : vector<16xi32>
        %add3A_1615 = arith.addi %add3A_1600, %and3A_1614 : vector<16xi32>
        %add3A_1616 = arith.constant 18432 : i32
        %add3A_1617 = arith.addi %add3A_1337, %add3A_1616 : i32
        %get3A_1618 = arith.index_cast %add3A_1617 : i32 to index
        %get3A_1619 = tpu.vector_load %arg6[%get3A_1618] {strides = array<i32>} : memref<65536xi32, #tpu.memory_space<vmem>>, vector<16xi32>,
        %gather3A_1620 = tpu.vector_load_idx %arg5[%get3A_1619] : memref<20480xi32, #tpu.memory_space<vmem>>[vector<16xi32>], vector<16xi32>,
        %shift_right_arithmetic3A_1621 = arith.shrsi %gather3A_1620, %broadcast_in_dim3A_418 : vector<16xi32>
        %add3A_1622 = arith.addi %add3A_1607, %shift_right_arithmetic3A_1621 : vector<16xi32>
        %and3A_1623 = arith.andi %gather3A_1620, %broadcast_in_dim3A_420 : vector<16xi32>
        %add3A_1624 = arith.addi %add3A_1609, %and3A_1623 : vector<16xi32>
        %add3A_1625 = arith.addi %get3A_1619, %broadcast_in_dim3A_416 : vector<16xi32>
        %gather3A_1626 = tpu.vector_load_idx %arg5[%add3A_1625] : memref<20480xi32, #tpu.memory_space<vmem>>[vector<16xi32>], vector<16xi32>,
        %shift_right_arithmetic3A_1627 = arith.shrsi %gather3A_1626, %broadcast_in_dim3A_418 : vector<16xi32>
        %add3A_1628 = arith.addi %add3A_1613, %shift_right_arithmetic3A_1627 : vector<16xi32>
        %and3A_1629 = arith.andi %gather3A_1626, %broadcast_in_dim3A_420 : vector<16xi32>
        %add3A_1630 = arith.addi %add3A_1615, %and3A_1629 : vector<16xi32>
        %add3A_1631 = arith.constant 19456 : i32
        %add3A_1632 = arith.addi %add3A_1337, %add3A_1631 : i32
        %get3A_1633 = arith.index_cast %add3A_1632 : i32 to index
        %get3A_1634 = tpu.vector_load %arg6[%get3A_1633] {strides = array<i32>} : memref<65536xi32, #tpu.memory_space<vmem>>, vector<16xi32>,
        %gather3A_1635 = tpu.vector_load_idx %arg5[%get3A_1634] : memref<20480xi32, #tpu.memory_space<vmem>>[vector<16xi32>], vector<16xi32>,
        %shift_right_arithmetic3A_1636 = arith.shrsi %gather3A_1635, %broadcast_in_dim3A_418 : vector<16xi32>
        %add3A_1637 = arith.addi %add3A_1622, %shift_right_arithmetic3A_1636 : vector<16xi32>
        %and3A_1638 = arith.andi %gather3A_1635, %broadcast_in_dim3A_420 : vector<16xi32>
        %add3A_1639 = arith.addi %add3A_1624, %and3A_1638 : vector<16xi32>
        %add3A_1640 = arith.addi %get3A_1634, %broadcast_in_dim3A_416 : vector<16xi32>
        %gather3A_1641 = tpu.vector_load_idx %arg5[%add3A_1640] : memref<20480xi32, #tpu.memory_space<vmem>>[vector<16xi32>], vector<16xi32>,
        %shift_right_arithmetic3A_1642 = arith.shrsi %gather3A_1641, %broadcast_in_dim3A_418 : vector<16xi32>
        %add3A_1643 = arith.addi %add3A_1628, %shift_right_arithmetic3A_1642 : vector<16xi32>
        %and3A_1644 = arith.andi %gather3A_1641, %broadcast_in_dim3A_420 : vector<16xi32>
        %add3A_1645 = arith.addi %add3A_1630, %and3A_1644 : vector<16xi32>
        %add3A_1646 = arith.constant 20480 : i32
        %add3A_1647 = arith.addi %add3A_1337, %add3A_1646 : i32
        %get3A_1648 = arith.index_cast %add3A_1647 : i32 to index
        %get3A_1649 = tpu.vector_load %arg6[%get3A_1648] {strides = array<i32>} : memref<65536xi32, #tpu.memory_space<vmem>>, vector<16xi32>,
        %gather3A_1650 = tpu.vector_load_idx %arg5[%get3A_1649] : memref<20480xi32, #tpu.memory_space<vmem>>[vector<16xi32>], vector<16xi32>,
        %shift_right_arithmetic3A_1651 = arith.shrsi %gather3A_1650, %broadcast_in_dim3A_418 : vector<16xi32>
        %add3A_1652 = arith.addi %add3A_1637, %shift_right_arithmetic3A_1651 : vector<16xi32>
        %and3A_1653 = arith.andi %gather3A_1650, %broadcast_in_dim3A_420 : vector<16xi32>
        %add3A_1654 = arith.addi %add3A_1639, %and3A_1653 : vector<16xi32>
        %add3A_1655 = arith.addi %get3A_1649, %broadcast_in_dim3A_416 : vector<16xi32>
        %gather3A_1656 = tpu.vector_load_idx %arg5[%add3A_1655] : memref<20480xi32, #tpu.memory_space<vmem>>[vector<16xi32>], vector<16xi32>,
        %shift_right_arithmetic3A_1657 = arith.shrsi %gather3A_1656, %broadcast_in_dim3A_418 : vector<16xi32>
        %add3A_1658 = arith.addi %add3A_1643, %shift_right_arithmetic3A_1657 : vector<16xi32>
        %and3A_1659 = arith.andi %gather3A_1656, %broadcast_in_dim3A_420 : vector<16xi32>
        %add3A_1660 = arith.addi %add3A_1645, %and3A_1659 : vector<16xi32>
        %add3A_1661 = arith.constant 21504 : i32
        %add3A_1662 = arith.addi %add3A_1337, %add3A_1661 : i32
        %get3A_1663 = arith.index_cast %add3A_1662 : i32 to index
        %get3A_1664 = tpu.vector_load %arg6[%get3A_1663] {strides = array<i32>} : memref<65536xi32, #tpu.memory_space<vmem>>, vector<16xi32>,
        %gather3A_1665 = tpu.vector_load_idx %arg5[%get3A_1664] : memref<20480xi32, #tpu.memory_space<vmem>>[vector<16xi32>], vector<16xi32>,
        %shift_right_arithmetic3A_1666 = arith.shrsi %gather3A_1665, %broadcast_in_dim3A_418 : vector<16xi32>
        %add3A_1667 = arith.addi %add3A_1652, %shift_right_arithmetic3A_1666 : vector<16xi32>
        %and3A_1668 = arith.andi %gather3A_1665, %broadcast_in_dim3A_420 : vector<16xi32>
        %add3A_1669 = arith.addi %add3A_1654, %and3A_1668 : vector<16xi32>
        %add3A_1670 = arith.addi %get3A_1664, %broadcast_in_dim3A_416 : vector<16xi32>
        %gather3A_1671 = tpu.vector_load_idx %arg5[%add3A_1670] : memref<20480xi32, #tpu.memory_space<vmem>>[vector<16xi32>], vector<16xi32>,
        %shift_right_arithmetic3A_1672 = arith.shrsi %gather3A_1671, %broadcast_in_dim3A_418 : vector<16xi32>
        %add3A_1673 = arith.addi %add3A_1658, %shift_right_arithmetic3A_1672 : vector<16xi32>
        %and3A_1674 = arith.andi %gather3A_1671, %broadcast_in_dim3A_420 : vector<16xi32>
        %add3A_1675 = arith.addi %add3A_1660, %and3A_1674 : vector<16xi32>
        %add3A_1676 = arith.constant 22528 : i32
        %add3A_1677 = arith.addi %add3A_1337, %add3A_1676 : i32
        %get3A_1678 = arith.index_cast %add3A_1677 : i32 to index
        %get3A_1679 = tpu.vector_load %arg6[%get3A_1678] {strides = array<i32>} : memref<65536xi32, #tpu.memory_space<vmem>>, vector<16xi32>,
        %gather3A_1680 = tpu.vector_load_idx %arg5[%get3A_1679] : memref<20480xi32, #tpu.memory_space<vmem>>[vector<16xi32>], vector<16xi32>,
        %shift_right_arithmetic3A_1681 = arith.shrsi %gather3A_1680, %broadcast_in_dim3A_418 : vector<16xi32>
        %add3A_1682 = arith.addi %add3A_1667, %shift_right_arithmetic3A_1681 : vector<16xi32>
        %and3A_1683 = arith.andi %gather3A_1680, %broadcast_in_dim3A_420 : vector<16xi32>
        %add3A_1684 = arith.addi %add3A_1669, %and3A_1683 : vector<16xi32>
        %add3A_1685 = arith.addi %get3A_1679, %broadcast_in_dim3A_416 : vector<16xi32>
        %gather3A_1686 = tpu.vector_load_idx %arg5[%add3A_1685] : memref<20480xi32, #tpu.memory_space<vmem>>[vector<16xi32>], vector<16xi32>,
        %shift_right_arithmetic3A_1687 = arith.shrsi %gather3A_1686, %broadcast_in_dim3A_418 : vector<16xi32>
        %add3A_1688 = arith.addi %add3A_1673, %shift_right_arithmetic3A_1687 : vector<16xi32>
        %and3A_1689 = arith.andi %gather3A_1686, %broadcast_in_dim3A_420 : vector<16xi32>
        %add3A_1690 = arith.addi %add3A_1675, %and3A_1689 : vector<16xi32>
        %add3A_1691 = arith.constant 23552 : i32
        %add3A_1692 = arith.addi %add3A_1337, %add3A_1691 : i32
        %get3A_1693 = arith.index_cast %add3A_1692 : i32 to index
        %get3A_1694 = tpu.vector_load %arg6[%get3A_1693] {strides = array<i32>} : memref<65536xi32, #tpu.memory_space<vmem>>, vector<16xi32>,
        %gather3A_1695 = tpu.vector_load_idx %arg5[%get3A_1694] : memref<20480xi32, #tpu.memory_space<vmem>>[vector<16xi32>], vector<16xi32>,
        %shift_right_arithmetic3A_1696 = arith.shrsi %gather3A_1695, %broadcast_in_dim3A_418 : vector<16xi32>
        %add3A_1697 = arith.addi %add3A_1682, %shift_right_arithmetic3A_1696 : vector<16xi32>
        %and3A_1698 = arith.andi %gather3A_1695, %broadcast_in_dim3A_420 : vector<16xi32>
        %add3A_1699 = arith.addi %add3A_1684, %and3A_1698 : vector<16xi32>
        %add3A_1700 = arith.addi %get3A_1694, %broadcast_in_dim3A_416 : vector<16xi32>
        %gather3A_1701 = tpu.vector_load_idx %arg5[%add3A_1700] : memref<20480xi32, #tpu.memory_space<vmem>>[vector<16xi32>], vector<16xi32>,
        %shift_right_arithmetic3A_1702 = arith.shrsi %gather3A_1701, %broadcast_in_dim3A_418 : vector<16xi32>
        %add3A_1703 = arith.addi %add3A_1688, %shift_right_arithmetic3A_1702 : vector<16xi32>
        %and3A_1704 = arith.andi %gather3A_1701, %broadcast_in_dim3A_420 : vector<16xi32>
        %add3A_1705 = arith.addi %add3A_1690, %and3A_1704 : vector<16xi32>
        %add3A_1706 = arith.constant 24576 : i32
        %add3A_1707 = arith.addi %add3A_1337, %add3A_1706 : i32
        %get3A_1708 = arith.index_cast %add3A_1707 : i32 to index
        %get3A_1709 = tpu.vector_load %arg6[%get3A_1708] {strides = array<i32>} : memref<65536xi32, #tpu.memory_space<vmem>>, vector<16xi32>,
        %gather3A_1710 = tpu.vector_load_idx %arg5[%get3A_1709] : memref<20480xi32, #tpu.memory_space<vmem>>[vector<16xi32>], vector<16xi32>,
        %shift_right_arithmetic3A_1711 = arith.shrsi %gather3A_1710, %broadcast_in_dim3A_418 : vector<16xi32>
        %add3A_1712 = arith.addi %add3A_1697, %shift_right_arithmetic3A_1711 : vector<16xi32>
        %and3A_1713 = arith.andi %gather3A_1710, %broadcast_in_dim3A_420 : vector<16xi32>
        %add3A_1714 = arith.addi %add3A_1699, %and3A_1713 : vector<16xi32>
        %add3A_1715 = arith.addi %get3A_1709, %broadcast_in_dim3A_416 : vector<16xi32>
        %gather3A_1716 = tpu.vector_load_idx %arg5[%add3A_1715] : memref<20480xi32, #tpu.memory_space<vmem>>[vector<16xi32>], vector<16xi32>,
        %shift_right_arithmetic3A_1717 = arith.shrsi %gather3A_1716, %broadcast_in_dim3A_418 : vector<16xi32>
        %add3A_1718 = arith.addi %add3A_1703, %shift_right_arithmetic3A_1717 : vector<16xi32>
        %and3A_1719 = arith.andi %gather3A_1716, %broadcast_in_dim3A_420 : vector<16xi32>
        %add3A_1720 = arith.addi %add3A_1705, %and3A_1719 : vector<16xi32>
        %add3A_1721 = arith.constant 25600 : i32
        %add3A_1722 = arith.addi %add3A_1337, %add3A_1721 : i32
        %get3A_1723 = arith.index_cast %add3A_1722 : i32 to index
        %get3A_1724 = tpu.vector_load %arg6[%get3A_1723] {strides = array<i32>} : memref<65536xi32, #tpu.memory_space<vmem>>, vector<16xi32>,
        %gather3A_1725 = tpu.vector_load_idx %arg5[%get3A_1724] : memref<20480xi32, #tpu.memory_space<vmem>>[vector<16xi32>], vector<16xi32>,
        %shift_right_arithmetic3A_1726 = arith.shrsi %gather3A_1725, %broadcast_in_dim3A_418 : vector<16xi32>
        %add3A_1727 = arith.addi %add3A_1712, %shift_right_arithmetic3A_1726 : vector<16xi32>
        %and3A_1728 = arith.andi %gather3A_1725, %broadcast_in_dim3A_420 : vector<16xi32>
        %add3A_1729 = arith.addi %add3A_1714, %and3A_1728 : vector<16xi32>
        %add3A_1730 = arith.addi %get3A_1724, %broadcast_in_dim3A_416 : vector<16xi32>
        %gather3A_1731 = tpu.vector_load_idx %arg5[%add3A_1730] : memref<20480xi32, #tpu.memory_space<vmem>>[vector<16xi32>], vector<16xi32>,
        %shift_right_arithmetic3A_1732 = arith.shrsi %gather3A_1731, %broadcast_in_dim3A_418 : vector<16xi32>
        %add3A_1733 = arith.addi %add3A_1718, %shift_right_arithmetic3A_1732 : vector<16xi32>
        %and3A_1734 = arith.andi %gather3A_1731, %broadcast_in_dim3A_420 : vector<16xi32>
        %add3A_1735 = arith.addi %add3A_1720, %and3A_1734 : vector<16xi32>
        %add3A_1736 = arith.constant 26624 : i32
        %add3A_1737 = arith.addi %add3A_1337, %add3A_1736 : i32
        %get3A_1738 = arith.index_cast %add3A_1737 : i32 to index
        %get3A_1739 = tpu.vector_load %arg6[%get3A_1738] {strides = array<i32>} : memref<65536xi32, #tpu.memory_space<vmem>>, vector<16xi32>,
        %gather3A_1740 = tpu.vector_load_idx %arg5[%get3A_1739] : memref<20480xi32, #tpu.memory_space<vmem>>[vector<16xi32>], vector<16xi32>,
        %shift_right_arithmetic3A_1741 = arith.shrsi %gather3A_1740, %broadcast_in_dim3A_418 : vector<16xi32>
        %add3A_1742 = arith.addi %add3A_1727, %shift_right_arithmetic3A_1741 : vector<16xi32>
        %and3A_1743 = arith.andi %gather3A_1740, %broadcast_in_dim3A_420 : vector<16xi32>
        %add3A_1744 = arith.addi %add3A_1729, %and3A_1743 : vector<16xi32>
        %add3A_1745 = arith.addi %get3A_1739, %broadcast_in_dim3A_416 : vector<16xi32>
        %gather3A_1746 = tpu.vector_load_idx %arg5[%add3A_1745] : memref<20480xi32, #tpu.memory_space<vmem>>[vector<16xi32>], vector<16xi32>,
        %shift_right_arithmetic3A_1747 = arith.shrsi %gather3A_1746, %broadcast_in_dim3A_418 : vector<16xi32>
        %add3A_1748 = arith.addi %add3A_1733, %shift_right_arithmetic3A_1747 : vector<16xi32>
        %and3A_1749 = arith.andi %gather3A_1746, %broadcast_in_dim3A_420 : vector<16xi32>
        %add3A_1750 = arith.addi %add3A_1735, %and3A_1749 : vector<16xi32>
        %add3A_1751 = arith.constant 27648 : i32
        %add3A_1752 = arith.addi %add3A_1337, %add3A_1751 : i32
        %get3A_1753 = arith.index_cast %add3A_1752 : i32 to index
        %get3A_1754 = tpu.vector_load %arg6[%get3A_1753] {strides = array<i32>} : memref<65536xi32, #tpu.memory_space<vmem>>, vector<16xi32>,
        %gather3A_1755 = tpu.vector_load_idx %arg5[%get3A_1754] : memref<20480xi32, #tpu.memory_space<vmem>>[vector<16xi32>], vector<16xi32>,
        %shift_right_arithmetic3A_1756 = arith.shrsi %gather3A_1755, %broadcast_in_dim3A_418 : vector<16xi32>
        %add3A_1757 = arith.addi %add3A_1742, %shift_right_arithmetic3A_1756 : vector<16xi32>
        %and3A_1758 = arith.andi %gather3A_1755, %broadcast_in_dim3A_420 : vector<16xi32>
        %add3A_1759 = arith.addi %add3A_1744, %and3A_1758 : vector<16xi32>
        %add3A_1760 = arith.addi %get3A_1754, %broadcast_in_dim3A_416 : vector<16xi32>
        %gather3A_1761 = tpu.vector_load_idx %arg5[%add3A_1760] : memref<20480xi32, #tpu.memory_space<vmem>>[vector<16xi32>], vector<16xi32>,
        %shift_right_arithmetic3A_1762 = arith.shrsi %gather3A_1761, %broadcast_in_dim3A_418 : vector<16xi32>
        %add3A_1763 = arith.addi %add3A_1748, %shift_right_arithmetic3A_1762 : vector<16xi32>
        %and3A_1764 = arith.andi %gather3A_1761, %broadcast_in_dim3A_420 : vector<16xi32>
        %add3A_1765 = arith.addi %add3A_1750, %and3A_1764 : vector<16xi32>
        %add3A_1766 = arith.constant 28672 : i32
        %add3A_1767 = arith.addi %add3A_1337, %add3A_1766 : i32
        %get3A_1768 = arith.index_cast %add3A_1767 : i32 to index
        %get3A_1769 = tpu.vector_load %arg6[%get3A_1768] {strides = array<i32>} : memref<65536xi32, #tpu.memory_space<vmem>>, vector<16xi32>,
        %gather3A_1770 = tpu.vector_load_idx %arg5[%get3A_1769] : memref<20480xi32, #tpu.memory_space<vmem>>[vector<16xi32>], vector<16xi32>,
        %shift_right_arithmetic3A_1771 = arith.shrsi %gather3A_1770, %broadcast_in_dim3A_418 : vector<16xi32>
        %add3A_1772 = arith.addi %add3A_1757, %shift_right_arithmetic3A_1771 : vector<16xi32>
        %and3A_1773 = arith.andi %gather3A_1770, %broadcast_in_dim3A_420 : vector<16xi32>
        %add3A_1774 = arith.addi %add3A_1759, %and3A_1773 : vector<16xi32>
        %add3A_1775 = arith.addi %get3A_1769, %broadcast_in_dim3A_416 : vector<16xi32>
        %gather3A_1776 = tpu.vector_load_idx %arg5[%add3A_1775] : memref<20480xi32, #tpu.memory_space<vmem>>[vector<16xi32>], vector<16xi32>,
        %shift_right_arithmetic3A_1777 = arith.shrsi %gather3A_1776, %broadcast_in_dim3A_418 : vector<16xi32>
        %add3A_1778 = arith.addi %add3A_1763, %shift_right_arithmetic3A_1777 : vector<16xi32>
        %and3A_1779 = arith.andi %gather3A_1776, %broadcast_in_dim3A_420 : vector<16xi32>
        %add3A_1780 = arith.addi %add3A_1765, %and3A_1779 : vector<16xi32>
        %add3A_1781 = arith.constant 29696 : i32
        %add3A_1782 = arith.addi %add3A_1337, %add3A_1781 : i32
        %get3A_1783 = arith.index_cast %add3A_1782 : i32 to index
        %get3A_1784 = tpu.vector_load %arg6[%get3A_1783] {strides = array<i32>} : memref<65536xi32, #tpu.memory_space<vmem>>, vector<16xi32>,
        %gather3A_1785 = tpu.vector_load_idx %arg5[%get3A_1784] : memref<20480xi32, #tpu.memory_space<vmem>>[vector<16xi32>], vector<16xi32>,
        %shift_right_arithmetic3A_1786 = arith.shrsi %gather3A_1785, %broadcast_in_dim3A_418 : vector<16xi32>
        %add3A_1787 = arith.addi %add3A_1772, %shift_right_arithmetic3A_1786 : vector<16xi32>
        %and3A_1788 = arith.andi %gather3A_1785, %broadcast_in_dim3A_420 : vector<16xi32>
        %add3A_1789 = arith.addi %add3A_1774, %and3A_1788 : vector<16xi32>
        %add3A_1790 = arith.addi %get3A_1784, %broadcast_in_dim3A_416 : vector<16xi32>
        %gather3A_1791 = tpu.vector_load_idx %arg5[%add3A_1790] : memref<20480xi32, #tpu.memory_space<vmem>>[vector<16xi32>], vector<16xi32>,
        %shift_right_arithmetic3A_1792 = arith.shrsi %gather3A_1791, %broadcast_in_dim3A_418 : vector<16xi32>
        %add3A_1793 = arith.addi %add3A_1778, %shift_right_arithmetic3A_1792 : vector<16xi32>
        %and3A_1794 = arith.andi %gather3A_1791, %broadcast_in_dim3A_420 : vector<16xi32>
        %add3A_1795 = arith.addi %add3A_1780, %and3A_1794 : vector<16xi32>
        %add3A_1796 = arith.constant 30720 : i32
        %add3A_1797 = arith.addi %add3A_1337, %add3A_1796 : i32
        %get3A_1798 = arith.index_cast %add3A_1797 : i32 to index
        %get3A_1799 = tpu.vector_load %arg6[%get3A_1798] {strides = array<i32>} : memref<65536xi32, #tpu.memory_space<vmem>>, vector<16xi32>,
        %gather3A_1800 = tpu.vector_load_idx %arg5[%get3A_1799] : memref<20480xi32, #tpu.memory_space<vmem>>[vector<16xi32>], vector<16xi32>,
        %shift_right_arithmetic3A_1801 = arith.shrsi %gather3A_1800, %broadcast_in_dim3A_418 : vector<16xi32>
        %add3A_1802 = arith.addi %add3A_1787, %shift_right_arithmetic3A_1801 : vector<16xi32>
        %and3A_1803 = arith.andi %gather3A_1800, %broadcast_in_dim3A_420 : vector<16xi32>
        %add3A_1804 = arith.addi %add3A_1789, %and3A_1803 : vector<16xi32>
        %add3A_1805 = arith.addi %get3A_1799, %broadcast_in_dim3A_416 : vector<16xi32>
        %gather3A_1806 = tpu.vector_load_idx %arg5[%add3A_1805] : memref<20480xi32, #tpu.memory_space<vmem>>[vector<16xi32>], vector<16xi32>,
        %shift_right_arithmetic3A_1807 = arith.shrsi %gather3A_1806, %broadcast_in_dim3A_418 : vector<16xi32>
        %add3A_1808 = arith.addi %add3A_1793, %shift_right_arithmetic3A_1807 : vector<16xi32>
        %and3A_1809 = arith.andi %gather3A_1806, %broadcast_in_dim3A_420 : vector<16xi32>
        %add3A_1810 = arith.addi %add3A_1795, %and3A_1809 : vector<16xi32>
        %add3A_1811 = arith.constant 31744 : i32
        %add3A_1812 = arith.addi %add3A_1337, %add3A_1811 : i32
        %get3A_1813 = arith.index_cast %add3A_1812 : i32 to index
        %get3A_1814 = tpu.vector_load %arg6[%get3A_1813] {strides = array<i32>} : memref<65536xi32, #tpu.memory_space<vmem>>, vector<16xi32>,
        %gather3A_1815 = tpu.vector_load_idx %arg5[%get3A_1814] : memref<20480xi32, #tpu.memory_space<vmem>>[vector<16xi32>], vector<16xi32>,
        %shift_right_arithmetic3A_1816 = arith.shrsi %gather3A_1815, %broadcast_in_dim3A_418 : vector<16xi32>
        %add3A_1817 = arith.addi %add3A_1802, %shift_right_arithmetic3A_1816 : vector<16xi32>
        %and3A_1818 = arith.andi %gather3A_1815, %broadcast_in_dim3A_420 : vector<16xi32>
        %add3A_1819 = arith.addi %add3A_1804, %and3A_1818 : vector<16xi32>
        %add3A_1820 = arith.addi %get3A_1814, %broadcast_in_dim3A_416 : vector<16xi32>
        %gather3A_1821 = tpu.vector_load_idx %arg5[%add3A_1820] : memref<20480xi32, #tpu.memory_space<vmem>>[vector<16xi32>], vector<16xi32>,
        %shift_right_arithmetic3A_1822 = arith.shrsi %gather3A_1821, %broadcast_in_dim3A_418 : vector<16xi32>
        %add3A_1823 = arith.addi %add3A_1808, %shift_right_arithmetic3A_1822 : vector<16xi32>
        %and3A_1824 = arith.andi %gather3A_1821, %broadcast_in_dim3A_420 : vector<16xi32>
        %add3A_1825 = arith.addi %add3A_1810, %and3A_1824 : vector<16xi32>
        %add3A_1826 = arith.constant 0 : i32
        %add3A_1827 = arith.addi %add3A_1341, %add3A_1826 : i32
        %swap3A_1828 = arith.index_cast %add3A_1827 : i32 to index
        %swap3A_1829 = tpu.vector_load %arg7[%swap3A_1828] {strides = array<i32>} : memref<8192xi32, #tpu.memory_space<vmem>>, vector<16xi32>,
        tpu.vector_store %arg7[%swap3A_1828], %add3A_1817 {strides = array<i32>} : memref<8192xi32, #tpu.memory_space<vmem>>, vector<16xi32>,
        %sub3A = arith.subi %add3A_1819, %broadcast_in_dim3A_422 : vector<16xi32>
        %add3A_1830 = arith.constant 1024 : i32
        %add3A_1831 = arith.addi %add3A_1341, %add3A_1830 : i32
        %swap3A_1832 = arith.index_cast %add3A_1831 : i32 to index
        %swap3A_1833 = tpu.vector_load %arg7[%swap3A_1832] {strides = array<i32>} : memref<8192xi32, #tpu.memory_space<vmem>>, vector<16xi32>,
        tpu.vector_store %arg7[%swap3A_1832], %sub3A {strides = array<i32>} : memref<8192xi32, #tpu.memory_space<vmem>>, vector<16xi32>,
        %add3A_1834 = arith.constant 2048 : i32
        %add3A_1835 = arith.addi %add3A_1341, %add3A_1834 : i32
        %swap3A_1836 = arith.index_cast %add3A_1835 : i32 to index
        %swap3A_1837 = tpu.vector_load %arg7[%swap3A_1836] {strides = array<i32>} : memref<8192xi32, #tpu.memory_space<vmem>>, vector<16xi32>,
        tpu.vector_store %arg7[%swap3A_1836], %add3A_1823 {strides = array<i32>} : memref<8192xi32, #tpu.memory_space<vmem>>, vector<16xi32>,
        %sub3A_1838 = arith.subi %add3A_1825, %broadcast_in_dim3A_422 : vector<16xi32>
        %add3A_1839 = arith.constant 3072 : i32
        %add3A_1840 = arith.addi %add3A_1341, %add3A_1839 : i32
        %swap3A_1841 = arith.index_cast %add3A_1840 : i32 to index
        %swap3A_1842 = tpu.vector_load %arg7[%swap3A_1841] {strides = array<i32>} : memref<8192xi32, #tpu.memory_space<vmem>>, vector<16xi32>,
        tpu.vector_store %arg7[%swap3A_1841], %sub3A_1838 {strides = array<i32>} : memref<8192xi32, #tpu.memory_space<vmem>>, vector<16xi32>,
      }
      %scan3A_878 = arith.constant 64 : i32
      %mul3A_879 = arith.constant 1024 : i32
      %mul3A_880 = arith.muli %add3A_512, %mul3A_879 : i32
      %dma_start3A_881 = arith.constant 0 : i32
      %dma_start3A_882 = tpu.memref_slice %arg7[%dma_start3A_881] : memref<8192xi32, #tpu.memory_space<vmem>> -> memref<1024xi32, #tpu.memory_space<vmem>>
      %dma_start3A_883 = tpu.memref_slice %arg4[%mul3A_2, %mul3A_880] : memref<128x10240xi32, #tpu.memory_space<hbm>> -> memref<1x1024xi32, #tpu.memory_space<hbm>>
      %dma_start3A_884 = tpu.memref_squeeze %dma_start3A_883 : memref<1x1024xi32, #tpu.memory_space<hbm>> -> memref<1024xi32, #tpu.memory_space<hbm>>
      %dma_start3A_885 = tpu.memref_slice %arg4[%mul3A_2, %mul3A_880] : memref<128x10240xi32, #tpu.memory_space<hbm>> -> memref<1x1024xi32, #tpu.memory_space<hbm>>
      %dma_start3A_886 = tpu.memref_squeeze %dma_start3A_885 : memref<1x1024xi32, #tpu.memory_space<hbm>> -> memref<1024xi32, #tpu.memory_space<hbm>>
      %dma_start3A_887 = arith.constant 0 : i32
      %dma_start3A_888 = tpu.memref_slice %arg7[%dma_start3A_887] : memref<8192xi32, #tpu.memory_space<vmem>> -> memref<1024xi32, #tpu.memory_space<vmem>>
      tpu.enqueue_dma source(%dma_start3A_888 : memref<1024xi32, #tpu.memory_space<vmem>>) target(%dma_start3A_886 : memref<1024xi32, #tpu.memory_space<hbm>>) target_semaphore(%arg10 : memref<!tpu.dma_semaphore, #tpu.memory_space<semaphore_mem>>)
      %mul3A_889 = arith.constant 1024 : i32
      %mul3A_890 = arith.muli %add3A_512, %mul3A_889 : i32
      %dma_start3A_891 = arith.constant 1024 : i32
      %dma_start3A_892 = tpu.memref_slice %arg7[%dma_start3A_891] : memref<8192xi32, #tpu.memory_space<vmem>> -> memref<1024xi32, #tpu.memory_space<vmem>>
      %dma_start3A_893 = tpu.memref_slice %arg4[%add3A_4, %mul3A_890] : memref<128x10240xi32, #tpu.memory_space<hbm>> -> memref<1x1024xi32, #tpu.memory_space<hbm>>
      %dma_start3A_894 = tpu.memref_squeeze %dma_start3A_893 : memref<1x1024xi32, #tpu.memory_space<hbm>> -> memref<1024xi32, #tpu.memory_space<hbm>>
      %dma_start3A_895 = tpu.memref_slice %arg4[%add3A_4, %mul3A_890] : memref<128x10240xi32, #tpu.memory_space<hbm>> -> memref<1x1024xi32, #tpu.memory_space<hbm>>
      %dma_start3A_896 = tpu.memref_squeeze %dma_start3A_895 : memref<1x1024xi32, #tpu.memory_space<hbm>> -> memref<1024xi32, #tpu.memory_space<hbm>>
      %dma_start3A_897 = arith.constant 1024 : i32
      %dma_start3A_898 = tpu.memref_slice %arg7[%dma_start3A_897] : memref<8192xi32, #tpu.memory_space<vmem>> -> memref<1024xi32, #tpu.memory_space<vmem>>
      tpu.enqueue_dma source(%dma_start3A_898 : memref<1024xi32, #tpu.memory_space<vmem>>) target(%dma_start3A_896 : memref<1024xi32, #tpu.memory_space<hbm>>) target_semaphore(%arg10 : memref<!tpu.dma_semaphore, #tpu.memory_space<semaphore_mem>>)
      %mul3A_899 = arith.constant 1024 : i32
      %mul3A_900 = arith.muli %add3A_512, %mul3A_899 : i32
      %dma_start3A_901 = arith.constant 2048 : i32
      %dma_start3A_902 = tpu.memref_slice %arg7[%dma_start3A_901] : memref<8192xi32, #tpu.memory_space<vmem>> -> memref<1024xi32, #tpu.memory_space<vmem>>
      %dma_start3A_903 = tpu.memref_slice %arg4[%add3A_6, %mul3A_900] : memref<128x10240xi32, #tpu.memory_space<hbm>> -> memref<1x1024xi32, #tpu.memory_space<hbm>>
      %dma_start3A_904 = tpu.memref_squeeze %dma_start3A_903 : memref<1x1024xi32, #tpu.memory_space<hbm>> -> memref<1024xi32, #tpu.memory_space<hbm>>
      %dma_start3A_905 = tpu.memref_slice %arg4[%add3A_6, %mul3A_900] : memref<128x10240xi32, #tpu.memory_space<hbm>> -> memref<1x1024xi32, #tpu.memory_space<hbm>>
      %dma_start3A_906 = tpu.memref_squeeze %dma_start3A_905 : memref<1x1024xi32, #tpu.memory_space<hbm>> -> memref<1024xi32, #tpu.memory_space<hbm>>
      %dma_start3A_907 = arith.constant 2048 : i32
      %dma_start3A_908 = tpu.memref_slice %arg7[%dma_start3A_907] : memref<8192xi32, #tpu.memory_space<vmem>> -> memref<1024xi32, #tpu.memory_space<vmem>>
      tpu.enqueue_dma source(%dma_start3A_908 : memref<1024xi32, #tpu.memory_space<vmem>>) target(%dma_start3A_906 : memref<1024xi32, #tpu.memory_space<hbm>>) target_semaphore(%arg10 : memref<!tpu.dma_semaphore, #tpu.memory_space<semaphore_mem>>)
      %mul3A_909 = arith.constant 1024 : i32
      %mul3A_910 = arith.muli %add3A_512, %mul3A_909 : i32
      %dma_start3A_911 = arith.constant 3072 : i32
      %dma_start3A_912 = tpu.memref_slice %arg7[%dma_start3A_911] : memref<8192xi32, #tpu.memory_space<vmem>> -> memref<1024xi32, #tpu.memory_space<vmem>>
      %dma_start3A_913 = tpu.memref_slice %arg4[%add3A_10, %mul3A_910] : memref<128x10240xi32, #tpu.memory_space<hbm>> -> memref<1x1024xi32, #tpu.memory_space<hbm>>
      %dma_start3A_914 = tpu.memref_squeeze %dma_start3A_913 : memref<1x1024xi32, #tpu.memory_space<hbm>> -> memref<1024xi32, #tpu.memory_space<hbm>>
      %dma_start3A_915 = tpu.memref_slice %arg4[%add3A_10, %mul3A_910] : memref<128x10240xi32, #tpu.memory_space<hbm>> -> memref<1x1024xi32, #tpu.memory_space<hbm>>
      %dma_start3A_916 = tpu.memref_squeeze %dma_start3A_915 : memref<1x1024xi32, #tpu.memory_space<hbm>> -> memref<1024xi32, #tpu.memory_space<hbm>>
      %dma_start3A_917 = arith.constant 3072 : i32
      %dma_start3A_918 = tpu.memref_slice %arg7[%dma_start3A_917] : memref<8192xi32, #tpu.memory_space<vmem>> -> memref<1024xi32, #tpu.memory_space<vmem>>
      tpu.enqueue_dma source(%dma_start3A_918 : memref<1024xi32, #tpu.memory_space<vmem>>) target(%dma_start3A_916 : memref<1024xi32, #tpu.memory_space<hbm>>) target_semaphore(%arg10 : memref<!tpu.dma_semaphore, #tpu.memory_space<semaphore_mem>>)
      %mul3A_919 = arith.constant 2 : i32
      %mul3A_920 = arith.muli %scan3A_508, %mul3A_919 : i32
      %add3A_921 = arith.constant 1 : i32
      %add3A_922 = arith.addi %mul3A_920, %add3A_921 : i32
      %gt3A_923 = arith.constant 0 : i32
      %gt3A_924 = arith.cmpi sgt, %scan3A_508, %gt3A_923 : i32
      %convert_element_type3A_925 = arith.extui %gt3A_924 : i1 to i32
      %cond3A_926 = arith.constant 0 : i32
      %cond3A_927 = arith.cmpi ne, %convert_element_type3A_925, %cond3A_926 : i32
      scf.if %cond3A_927 {
        %mul3A_1333 = arith.constant 1024 : i32
        %mul3A_1334 = arith.muli %add3A_922, %mul3A_1333 : i32
        %dma_wait3A_1335 = arith.constant 4096 : i32
        %dma_wait3A_1336 = tpu.memref_slice %arg7[%dma_wait3A_1335] : memref<8192xi32, #tpu.memory_space<vmem>> -> memref<1024xi32, #tpu.memory_space<vmem>>
        %dma_wait3A_1337 = tpu.memref_slice %arg4[%mul3A_2, %mul3A_1334] : memref<128x10240xi32, #tpu.memory_space<hbm>> -> memref<1x1024xi32, #tpu.memory_space<hbm>>
        %dma_wait3A_1338 = tpu.memref_squeeze %dma_wait3A_1337 : memref<1x1024xi32, #tpu.memory_space<hbm>> -> memref<1024xi32, #tpu.memory_space<hbm>>
        %dma_wait3A_1339 = tpu.memref_slice %arg4[%mul3A_2, %mul3A_1334] : memref<128x10240xi32, #tpu.memory_space<hbm>> -> memref<1x1024xi32, #tpu.memory_space<hbm>>
        %dma_wait3A_1340 = tpu.memref_squeeze %dma_wait3A_1339 : memref<1x1024xi32, #tpu.memory_space<hbm>> -> memref<1024xi32, #tpu.memory_space<hbm>>
        %dma_wait3A_1341 = arith.constant 4096 : i32
        %dma_wait3A_1342 = tpu.memref_slice %arg7[%dma_wait3A_1341] : memref<8192xi32, #tpu.memory_space<vmem>> -> memref<1024xi32, #tpu.memory_space<vmem>>
        tpu.wait_dma2 semaphore(%arg10 : memref<!tpu.dma_semaphore, #tpu.memory_space<semaphore_mem>>) src(%dma_wait3A_1342 : memref<1024xi32, #tpu.memory_space<vmem>>) dst(%dma_wait3A_1340 : memref<1024xi32, #tpu.memory_space<hbm>>)
        %mul3A_1343 = arith.constant 1024 : i32
        %mul3A_1344 = arith.muli %add3A_922, %mul3A_1343 : i32
        %dma_wait3A_1345 = arith.constant 5120 : i32
        %dma_wait3A_1346 = tpu.memref_slice %arg7[%dma_wait3A_1345] : memref<8192xi32, #tpu.memory_space<vmem>> -> memref<1024xi32, #tpu.memory_space<vmem>>
        %dma_wait3A_1347 = tpu.memref_slice %arg4[%add3A_4, %mul3A_1344] : memref<128x10240xi32, #tpu.memory_space<hbm>> -> memref<1x1024xi32, #tpu.memory_space<hbm>>
        %dma_wait3A_1348 = tpu.memref_squeeze %dma_wait3A_1347 : memref<1x1024xi32, #tpu.memory_space<hbm>> -> memref<1024xi32, #tpu.memory_space<hbm>>
        %dma_wait3A_1349 = tpu.memref_slice %arg4[%add3A_4, %mul3A_1344] : memref<128x10240xi32, #tpu.memory_space<hbm>> -> memref<1x1024xi32, #tpu.memory_space<hbm>>
        %dma_wait3A_1350 = tpu.memref_squeeze %dma_wait3A_1349 : memref<1x1024xi32, #tpu.memory_space<hbm>> -> memref<1024xi32, #tpu.memory_space<hbm>>
        %dma_wait3A_1351 = arith.constant 5120 : i32
        %dma_wait3A_1352 = tpu.memref_slice %arg7[%dma_wait3A_1351] : memref<8192xi32, #tpu.memory_space<vmem>> -> memref<1024xi32, #tpu.memory_space<vmem>>
        tpu.wait_dma2 semaphore(%arg10 : memref<!tpu.dma_semaphore, #tpu.memory_space<semaphore_mem>>) src(%dma_wait3A_1352 : memref<1024xi32, #tpu.memory_space<vmem>>) dst(%dma_wait3A_1350 : memref<1024xi32, #tpu.memory_space<hbm>>)
        %mul3A_1353 = arith.constant 1024 : i32
        %mul3A_1354 = arith.muli %add3A_922, %mul3A_1353 : i32
        %dma_wait3A_1355 = arith.constant 6144 : i32
        %dma_wait3A_1356 = tpu.memref_slice %arg7[%dma_wait3A_1355] : memref<8192xi32, #tpu.memory_space<vmem>> -> memref<1024xi32, #tpu.memory_space<vmem>>
        %dma_wait3A_1357 = tpu.memref_slice %arg4[%add3A_6, %mul3A_1354] : memref<128x10240xi32, #tpu.memory_space<hbm>> -> memref<1x1024xi32, #tpu.memory_space<hbm>>
        %dma_wait3A_1358 = tpu.memref_squeeze %dma_wait3A_1357 : memref<1x1024xi32, #tpu.memory_space<hbm>> -> memref<1024xi32, #tpu.memory_space<hbm>>
        %dma_wait3A_1359 = tpu.memref_slice %arg4[%add3A_6, %mul3A_1354] : memref<128x10240xi32, #tpu.memory_space<hbm>> -> memref<1x1024xi32, #tpu.memory_space<hbm>>
        %dma_wait3A_1360 = tpu.memref_squeeze %dma_wait3A_1359 : memref<1x1024xi32, #tpu.memory_space<hbm>> -> memref<1024xi32, #tpu.memory_space<hbm>>
        %dma_wait3A_1361 = arith.constant 6144 : i32
        %dma_wait3A_1362 = tpu.memref_slice %arg7[%dma_wait3A_1361] : memref<8192xi32, #tpu.memory_space<vmem>> -> memref<1024xi32, #tpu.memory_space<vmem>>
        tpu.wait_dma2 semaphore(%arg10 : memref<!tpu.dma_semaphore, #tpu.memory_space<semaphore_mem>>) src(%dma_wait3A_1362 : memref<1024xi32, #tpu.memory_space<vmem>>) dst(%dma_wait3A_1360 : memref<1024xi32, #tpu.memory_space<hbm>>)
        %mul3A_1363 = arith.constant 1024 : i32
        %mul3A_1364 = arith.muli %add3A_922, %mul3A_1363 : i32
        %dma_wait3A_1365 = arith.constant 7168 : i32
        %dma_wait3A_1366 = tpu.memref_slice %arg7[%dma_wait3A_1365] : memref<8192xi32, #tpu.memory_space<vmem>> -> memref<1024xi32, #tpu.memory_space<vmem>>
        %dma_wait3A_1367 = tpu.memref_slice %arg4[%add3A_10, %mul3A_1364] : memref<128x10240xi32, #tpu.memory_space<hbm>> -> memref<1x1024xi32, #tpu.memory_space<hbm>>
        %dma_wait3A_1368 = tpu.memref_squeeze %dma_wait3A_1367 : memref<1x1024xi32, #tpu.memory_space<hbm>> -> memref<1024xi32, #tpu.memory_space<hbm>>
        %dma_wait3A_1369 = tpu.memref_slice %arg4[%add3A_10, %mul3A_1364] : memref<128x10240xi32, #tpu.memory_space<hbm>> -> memref<1x1024xi32, #tpu.memory_space<hbm>>
        %dma_wait3A_1370 = tpu.memref_squeeze %dma_wait3A_1369 : memref<1x1024xi32, #tpu.memory_space<hbm>> -> memref<1024xi32, #tpu.memory_space<hbm>>
        %dma_wait3A_1371 = arith.constant 7168 : i32
        %dma_wait3A_1372 = tpu.memref_slice %arg7[%dma_wait3A_1371] : memref<8192xi32, #tpu.memory_space<vmem>> -> memref<1024xi32, #tpu.memory_space<vmem>>
        tpu.wait_dma2 semaphore(%arg10 : memref<!tpu.dma_semaphore, #tpu.memory_space<semaphore_mem>>) src(%dma_wait3A_1372 : memref<1024xi32, #tpu.memory_space<vmem>>) dst(%dma_wait3A_1370 : memref<1024xi32, #tpu.memory_space<hbm>>)
      } else {
      }
      %mul3A_928 = arith.constant 1024 : i32
      %mul3A_929 = arith.muli %add3A_922, %mul3A_928 : i32
      %dma_wait3A_930 = arith.constant 0 : i32
      %dma_wait3A_931 = arith.constant 32768 : i32
      %dma_wait3A_932 = tpu.memref_slice %arg6[%dma_wait3A_931] : memref<65536xi32, #tpu.memory_space<vmem>> -> memref<1024xi32, #tpu.memory_space<vmem>>
      %dma_wait3A_933 = tpu.memref_slice %arg3[%dma_wait3A_930, %mul3A_929] : memref<32x10240xi32, #tpu.memory_space<hbm>> -> memref<1x1024xi32, #tpu.memory_space<hbm>>
      %dma_wait3A_934 = tpu.memref_squeeze %dma_wait3A_933 : memref<1x1024xi32, #tpu.memory_space<hbm>> -> memref<1024xi32, #tpu.memory_space<hbm>>
      %dma_wait3A_935 = arith.constant 32768 : i32
      %dma_wait3A_936 = tpu.memref_slice %arg6[%dma_wait3A_935] : memref<65536xi32, #tpu.memory_space<vmem>> -> memref<1024xi32, #tpu.memory_space<vmem>>
      %dma_wait3A_937 = tpu.memref_slice %arg3[%dma_wait3A_930, %mul3A_929] : memref<32x10240xi32, #tpu.memory_space<hbm>> -> memref<1x1024xi32, #tpu.memory_space<hbm>>
      %dma_wait3A_938 = tpu.memref_squeeze %dma_wait3A_937 : memref<1x1024xi32, #tpu.memory_space<hbm>> -> memref<1024xi32, #tpu.memory_space<hbm>>
      tpu.wait_dma2 semaphore(%arg9 : memref<!tpu.dma_semaphore, #tpu.memory_space<semaphore_mem>>) src(%dma_wait3A_938 : memref<1024xi32, #tpu.memory_space<hbm>>) dst(%dma_wait3A_936 : memref<1024xi32, #tpu.memory_space<vmem>>)
      %mul3A_939 = arith.constant 1024 : i32
      %mul3A_940 = arith.muli %add3A_922, %mul3A_939 : i32
      %dma_wait3A_941 = arith.constant 1 : i32
      %dma_wait3A_942 = arith.constant 33792 : i32
      %dma_wait3A_943 = tpu.memref_slice %arg6[%dma_wait3A_942] : memref<65536xi32, #tpu.memory_space<vmem>> -> memref<1024xi32, #tpu.memory_space<vmem>>
      %dma_wait3A_944 = tpu.memref_slice %arg3[%dma_wait3A_941, %mul3A_940] : memref<32x10240xi32, #tpu.memory_space<hbm>> -> memref<1x1024xi32, #tpu.memory_space<hbm>>
      %dma_wait3A_945 = tpu.memref_squeeze %dma_wait3A_944 : memref<1x1024xi32, #tpu.memory_space<hbm>> -> memref<1024xi32, #tpu.memory_space<hbm>>
      %dma_wait3A_946 = arith.constant 33792 : i32
      %dma_wait3A_947 = tpu.memref_slice %arg6[%dma_wait3A_946] : memref<65536xi32, #tpu.memory_space<vmem>> -> memref<1024xi32, #tpu.memory_space<vmem>>
      %dma_wait3A_948 = tpu.memref_slice %arg3[%dma_wait3A_941, %mul3A_940] : memref<32x10240xi32, #tpu.memory_space<hbm>> -> memref<1x1024xi32, #tpu.memory_space<hbm>>
      %dma_wait3A_949 = tpu.memref_squeeze %dma_wait3A_948 : memref<1x1024xi32, #tpu.memory_space<hbm>> -> memref<1024xi32, #tpu.memory_space<hbm>>
      tpu.wait_dma2 semaphore(%arg9 : memref<!tpu.dma_semaphore, #tpu.memory_space<semaphore_mem>>) src(%dma_wait3A_949 : memref<1024xi32, #tpu.memory_space<hbm>>) dst(%dma_wait3A_947 : memref<1024xi32, #tpu.memory_space<vmem>>)
      %mul3A_950 = arith.constant 1024 : i32
      %mul3A_951 = arith.muli %add3A_922, %mul3A_950 : i32
      %dma_wait3A_952 = arith.constant 2 : i32
      %dma_wait3A_953 = arith.constant 34816 : i32
      %dma_wait3A_954 = tpu.memref_slice %arg6[%dma_wait3A_953] : memref<65536xi32, #tpu.memory_space<vmem>> -> memref<1024xi32, #tpu.memory_space<vmem>>
      %dma_wait3A_955 = tpu.memref_slice %arg3[%dma_wait3A_952, %mul3A_951] : memref<32x10240xi32, #tpu.memory_space<hbm>> -> memref<1x1024xi32, #tpu.memory_space<hbm>>
      %dma_wait3A_956 = tpu.memref_squeeze %dma_wait3A_955 : memref<1x1024xi32, #tpu.memory_space<hbm>> -> memref<1024xi32, #tpu.memory_space<hbm>>
      %dma_wait3A_957 = arith.constant 34816 : i32
      %dma_wait3A_958 = tpu.memref_slice %arg6[%dma_wait3A_957] : memref<65536xi32, #tpu.memory_space<vmem>> -> memref<1024xi32, #tpu.memory_space<vmem>>
      %dma_wait3A_959 = tpu.memref_slice %arg3[%dma_wait3A_952, %mul3A_951] : memref<32x10240xi32, #tpu.memory_space<hbm>> -> memref<1x1024xi32, #tpu.memory_space<hbm>>
      %dma_wait3A_960 = tpu.memref_squeeze %dma_wait3A_959 : memref<1x1024xi32, #tpu.memory_space<hbm>> -> memref<1024xi32, #tpu.memory_space<hbm>>
      tpu.wait_dma2 semaphore(%arg9 : memref<!tpu.dma_semaphore, #tpu.memory_space<semaphore_mem>>) src(%dma_wait3A_960 : memref<1024xi32, #tpu.memory_space<hbm>>) dst(%dma_wait3A_958 : memref<1024xi32, #tpu.memory_space<vmem>>)
      %mul3A_961 = arith.constant 1024 : i32
      %mul3A_962 = arith.muli %add3A_922, %mul3A_961 : i32
      %dma_wait3A_963 = arith.constant 3 : i32
      %dma_wait3A_964 = arith.constant 35840 : i32
      %dma_wait3A_965 = tpu.memref_slice %arg6[%dma_wait3A_964] : memref<65536xi32, #tpu.memory_space<vmem>> -> memref<1024xi32, #tpu.memory_space<vmem>>
      %dma_wait3A_966 = tpu.memref_slice %arg3[%dma_wait3A_963, %mul3A_962] : memref<32x10240xi32, #tpu.memory_space<hbm>> -> memref<1x1024xi32, #tpu.memory_space<hbm>>
      %dma_wait3A_967 = tpu.memref_squeeze %dma_wait3A_966 : memref<1x1024xi32, #tpu.memory_space<hbm>> -> memref<1024xi32, #tpu.memory_space<hbm>>
      %dma_wait3A_968 = arith.constant 35840 : i32
      %dma_wait3A_969 = tpu.memref_slice %arg6[%dma_wait3A_968] : memref<65536xi32, #tpu.memory_space<vmem>> -> memref<1024xi32, #tpu.memory_space<vmem>>
      %dma_wait3A_970 = tpu.memref_slice %arg3[%dma_wait3A_963, %mul3A_962] : memref<32x10240xi32, #tpu.memory_space<hbm>> -> memref<1x1024xi32, #tpu.memory_space<hbm>>
      %dma_wait3A_971 = tpu.memref_squeeze %dma_wait3A_970 : memref<1x1024xi32, #tpu.memory_space<hbm>> -> memref<1024xi32, #tpu.memory_space<hbm>>
      tpu.wait_dma2 semaphore(%arg9 : memref<!tpu.dma_semaphore, #tpu.memory_space<semaphore_mem>>) src(%dma_wait3A_971 : memref<1024xi32, #tpu.memory_space<hbm>>) dst(%dma_wait3A_969 : memref<1024xi32, #tpu.memory_space<vmem>>)
      %mul3A_972 = arith.constant 1024 : i32
      %mul3A_973 = arith.muli %add3A_922, %mul3A_972 : i32
      %dma_wait3A_974 = arith.constant 4 : i32
      %dma_wait3A_975 = arith.constant 36864 : i32
      %dma_wait3A_976 = tpu.memref_slice %arg6[%dma_wait3A_975] : memref<65536xi32, #tpu.memory_space<vmem>> -> memref<1024xi32, #tpu.memory_space<vmem>>
      %dma_wait3A_977 = tpu.memref_slice %arg3[%dma_wait3A_974, %mul3A_973] : memref<32x10240xi32, #tpu.memory_space<hbm>> -> memref<1x1024xi32, #tpu.memory_space<hbm>>
      %dma_wait3A_978 = tpu.memref_squeeze %dma_wait3A_977 : memref<1x1024xi32, #tpu.memory_space<hbm>> -> memref<1024xi32, #tpu.memory_space<hbm>>
      %dma_wait3A_979 = arith.constant 36864 : i32
      %dma_wait3A_980 = tpu.memref_slice %arg6[%dma_wait3A_979] : memref<65536xi32, #tpu.memory_space<vmem>> -> memref<1024xi32, #tpu.memory_space<vmem>>
      %dma_wait3A_981 = tpu.memref_slice %arg3[%dma_wait3A_974, %mul3A_973] : memref<32x10240xi32, #tpu.memory_space<hbm>> -> memref<1x1024xi32, #tpu.memory_space<hbm>>
      %dma_wait3A_982 = tpu.memref_squeeze %dma_wait3A_981 : memref<1x1024xi32, #tpu.memory_space<hbm>> -> memref<1024xi32, #tpu.memory_space<hbm>>
      tpu.wait_dma2 semaphore(%arg9 : memref<!tpu.dma_semaphore, #tpu.memory_space<semaphore_mem>>) src(%dma_wait3A_982 : memref<1024xi32, #tpu.memory_space<hbm>>) dst(%dma_wait3A_980 : memref<1024xi32, #tpu.memory_space<vmem>>)
      %mul3A_983 = arith.constant 1024 : i32
      %mul3A_984 = arith.muli %add3A_922, %mul3A_983 : i32
      %dma_wait3A_985 = arith.constant 5 : i32
      %dma_wait3A_986 = arith.constant 37888 : i32
      %dma_wait3A_987 = tpu.memref_slice %arg6[%dma_wait3A_986] : memref<65536xi32, #tpu.memory_space<vmem>> -> memref<1024xi32, #tpu.memory_space<vmem>>
      %dma_wait3A_988 = tpu.memref_slice %arg3[%dma_wait3A_985, %mul3A_984] : memref<32x10240xi32, #tpu.memory_space<hbm>> -> memref<1x1024xi32, #tpu.memory_space<hbm>>
      %dma_wait3A_989 = tpu.memref_squeeze %dma_wait3A_988 : memref<1x1024xi32, #tpu.memory_space<hbm>> -> memref<1024xi32, #tpu.memory_space<hbm>>
      %dma_wait3A_990 = arith.constant 37888 : i32
      %dma_wait3A_991 = tpu.memref_slice %arg6[%dma_wait3A_990] : memref<65536xi32, #tpu.memory_space<vmem>> -> memref<1024xi32, #tpu.memory_space<vmem>>
      %dma_wait3A_992 = tpu.memref_slice %arg3[%dma_wait3A_985, %mul3A_984] : memref<32x10240xi32, #tpu.memory_space<hbm>> -> memref<1x1024xi32, #tpu.memory_space<hbm>>
      %dma_wait3A_993 = tpu.memref_squeeze %dma_wait3A_992 : memref<1x1024xi32, #tpu.memory_space<hbm>> -> memref<1024xi32, #tpu.memory_space<hbm>>
      tpu.wait_dma2 semaphore(%arg9 : memref<!tpu.dma_semaphore, #tpu.memory_space<semaphore_mem>>) src(%dma_wait3A_993 : memref<1024xi32, #tpu.memory_space<hbm>>) dst(%dma_wait3A_991 : memref<1024xi32, #tpu.memory_space<vmem>>)
      %mul3A_994 = arith.constant 1024 : i32
      %mul3A_995 = arith.muli %add3A_922, %mul3A_994 : i32
      %dma_wait3A_996 = arith.constant 6 : i32
      %dma_wait3A_997 = arith.constant 38912 : i32
      %dma_wait3A_998 = tpu.memref_slice %arg6[%dma_wait3A_997] : memref<65536xi32, #tpu.memory_space<vmem>> -> memref<1024xi32, #tpu.memory_space<vmem>>
      %dma_wait3A_999 = tpu.memref_slice %arg3[%dma_wait3A_996, %mul3A_995] : memref<32x10240xi32, #tpu.memory_space<hbm>> -> memref<1x1024xi32, #tpu.memory_space<hbm>>
      %dma_wait3A_1000 = tpu.memref_squeeze %dma_wait3A_999 : memref<1x1024xi32, #tpu.memory_space<hbm>> -> memref<1024xi32, #tpu.memory_space<hbm>>
      %dma_wait3A_1001 = arith.constant 38912 : i32
      %dma_wait3A_1002 = tpu.memref_slice %arg6[%dma_wait3A_1001] : memref<65536xi32, #tpu.memory_space<vmem>> -> memref<1024xi32, #tpu.memory_space<vmem>>
      %dma_wait3A_1003 = tpu.memref_slice %arg3[%dma_wait3A_996, %mul3A_995] : memref<32x10240xi32, #tpu.memory_space<hbm>> -> memref<1x1024xi32, #tpu.memory_space<hbm>>
      %dma_wait3A_1004 = tpu.memref_squeeze %dma_wait3A_1003 : memref<1x1024xi32, #tpu.memory_space<hbm>> -> memref<1024xi32, #tpu.memory_space<hbm>>
      tpu.wait_dma2 semaphore(%arg9 : memref<!tpu.dma_semaphore, #tpu.memory_space<semaphore_mem>>) src(%dma_wait3A_1004 : memref<1024xi32, #tpu.memory_space<hbm>>) dst(%dma_wait3A_1002 : memref<1024xi32, #tpu.memory_space<vmem>>)
      %mul3A_1005 = arith.constant 1024 : i32
      %mul3A_1006 = arith.muli %add3A_922, %mul3A_1005 : i32
      %dma_wait3A_1007 = arith.constant 7 : i32
      %dma_wait3A_1008 = arith.constant 39936 : i32
      %dma_wait3A_1009 = tpu.memref_slice %arg6[%dma_wait3A_1008] : memref<65536xi32, #tpu.memory_space<vmem>> -> memref<1024xi32, #tpu.memory_space<vmem>>
      %dma_wait3A_1010 = tpu.memref_slice %arg3[%dma_wait3A_1007, %mul3A_1006] : memref<32x10240xi32, #tpu.memory_space<hbm>> -> memref<1x1024xi32, #tpu.memory_space<hbm>>
      %dma_wait3A_1011 = tpu.memref_squeeze %dma_wait3A_1010 : memref<1x1024xi32, #tpu.memory_space<hbm>> -> memref<1024xi32, #tpu.memory_space<hbm>>
      %dma_wait3A_1012 = arith.constant 39936 : i32
      %dma_wait3A_1013 = tpu.memref_slice %arg6[%dma_wait3A_1012] : memref<65536xi32, #tpu.memory_space<vmem>> -> memref<1024xi32, #tpu.memory_space<vmem>>
      %dma_wait3A_1014 = tpu.memref_slice %arg3[%dma_wait3A_1007, %mul3A_1006] : memref<32x10240xi32, #tpu.memory_space<hbm>> -> memref<1x1024xi32, #tpu.memory_space<hbm>>
      %dma_wait3A_1015 = tpu.memref_squeeze %dma_wait3A_1014 : memref<1x1024xi32, #tpu.memory_space<hbm>> -> memref<1024xi32, #tpu.memory_space<hbm>>
      tpu.wait_dma2 semaphore(%arg9 : memref<!tpu.dma_semaphore, #tpu.memory_space<semaphore_mem>>) src(%dma_wait3A_1015 : memref<1024xi32, #tpu.memory_space<hbm>>) dst(%dma_wait3A_1013 : memref<1024xi32, #tpu.memory_space<vmem>>)
      %mul3A_1016 = arith.constant 1024 : i32
      %mul3A_1017 = arith.muli %add3A_922, %mul3A_1016 : i32
      %dma_wait3A_1018 = arith.constant 8 : i32
      %dma_wait3A_1019 = arith.constant 40960 : i32
      %dma_wait3A_1020 = tpu.memref_slice %arg6[%dma_wait3A_1019] : memref<65536xi32, #tpu.memory_space<vmem>> -> memref<1024xi32, #tpu.memory_space<vmem>>
      %dma_wait3A_1021 = tpu.memref_slice %arg3[%dma_wait3A_1018, %mul3A_1017] : memref<32x10240xi32, #tpu.memory_space<hbm>> -> memref<1x1024xi32, #tpu.memory_space<hbm>>
      %dma_wait3A_1022 = tpu.memref_squeeze %dma_wait3A_1021 : memref<1x1024xi32, #tpu.memory_space<hbm>> -> memref<1024xi32, #tpu.memory_space<hbm>>
      %dma_wait3A_1023 = arith.constant 40960 : i32
      %dma_wait3A_1024 = tpu.memref_slice %arg6[%dma_wait3A_1023] : memref<65536xi32, #tpu.memory_space<vmem>> -> memref<1024xi32, #tpu.memory_space<vmem>>
      %dma_wait3A_1025 = tpu.memref_slice %arg3[%dma_wait3A_1018, %mul3A_1017] : memref<32x10240xi32, #tpu.memory_space<hbm>> -> memref<1x1024xi32, #tpu.memory_space<hbm>>
      %dma_wait3A_1026 = tpu.memref_squeeze %dma_wait3A_1025 : memref<1x1024xi32, #tpu.memory_space<hbm>> -> memref<1024xi32, #tpu.memory_space<hbm>>
      tpu.wait_dma2 semaphore(%arg9 : memref<!tpu.dma_semaphore, #tpu.memory_space<semaphore_mem>>) src(%dma_wait3A_1026 : memref<1024xi32, #tpu.memory_space<hbm>>) dst(%dma_wait3A_1024 : memref<1024xi32, #tpu.memory_space<vmem>>)
      %mul3A_1027 = arith.constant 1024 : i32
      %mul3A_1028 = arith.muli %add3A_922, %mul3A_1027 : i32
      %dma_wait3A_1029 = arith.constant 9 : i32
      %dma_wait3A_1030 = arith.constant 41984 : i32
      %dma_wait3A_1031 = tpu.memref_slice %arg6[%dma_wait3A_1030] : memref<65536xi32, #tpu.memory_space<vmem>> -> memref<1024xi32, #tpu.memory_space<vmem>>
      %dma_wait3A_1032 = tpu.memref_slice %arg3[%dma_wait3A_1029, %mul3A_1028] : memref<32x10240xi32, #tpu.memory_space<hbm>> -> memref<1x1024xi32, #tpu.memory_space<hbm>>
      %dma_wait3A_1033 = tpu.memref_squeeze %dma_wait3A_1032 : memref<1x1024xi32, #tpu.memory_space<hbm>> -> memref<1024xi32, #tpu.memory_space<hbm>>
      %dma_wait3A_1034 = arith.constant 41984 : i32
      %dma_wait3A_1035 = tpu.memref_slice %arg6[%dma_wait3A_1034] : memref<65536xi32, #tpu.memory_space<vmem>> -> memref<1024xi32, #tpu.memory_space<vmem>>
      %dma_wait3A_1036 = tpu.memref_slice %arg3[%dma_wait3A_1029, %mul3A_1028] : memref<32x10240xi32, #tpu.memory_space<hbm>> -> memref<1x1024xi32, #tpu.memory_space<hbm>>
      %dma_wait3A_1037 = tpu.memref_squeeze %dma_wait3A_1036 : memref<1x1024xi32, #tpu.memory_space<hbm>> -> memref<1024xi32, #tpu.memory_space<hbm>>
      tpu.wait_dma2 semaphore(%arg9 : memref<!tpu.dma_semaphore, #tpu.memory_space<semaphore_mem>>) src(%dma_wait3A_1037 : memref<1024xi32, #tpu.memory_space<hbm>>) dst(%dma_wait3A_1035 : memref<1024xi32, #tpu.memory_space<vmem>>)
      %mul3A_1038 = arith.constant 1024 : i32
      %mul3A_1039 = arith.muli %add3A_922, %mul3A_1038 : i32
      %dma_wait3A_1040 = arith.constant 10 : i32
      %dma_wait3A_1041 = arith.constant 43008 : i32
      %dma_wait3A_1042 = tpu.memref_slice %arg6[%dma_wait3A_1041] : memref<65536xi32, #tpu.memory_space<vmem>> -> memref<1024xi32, #tpu.memory_space<vmem>>
      %dma_wait3A_1043 = tpu.memref_slice %arg3[%dma_wait3A_1040, %mul3A_1039] : memref<32x10240xi32, #tpu.memory_space<hbm>> -> memref<1x1024xi32, #tpu.memory_space<hbm>>
      %dma_wait3A_1044 = tpu.memref_squeeze %dma_wait3A_1043 : memref<1x1024xi32, #tpu.memory_space<hbm>> -> memref<1024xi32, #tpu.memory_space<hbm>>
      %dma_wait3A_1045 = arith.constant 43008 : i32
      %dma_wait3A_1046 = tpu.memref_slice %arg6[%dma_wait3A_1045] : memref<65536xi32, #tpu.memory_space<vmem>> -> memref<1024xi32, #tpu.memory_space<vmem>>
      %dma_wait3A_1047 = tpu.memref_slice %arg3[%dma_wait3A_1040, %mul3A_1039] : memref<32x10240xi32, #tpu.memory_space<hbm>> -> memref<1x1024xi32, #tpu.memory_space<hbm>>
      %dma_wait3A_1048 = tpu.memref_squeeze %dma_wait3A_1047 : memref<1x1024xi32, #tpu.memory_space<hbm>> -> memref<1024xi32, #tpu.memory_space<hbm>>
      tpu.wait_dma2 semaphore(%arg9 : memref<!tpu.dma_semaphore, #tpu.memory_space<semaphore_mem>>) src(%dma_wait3A_1048 : memref<1024xi32, #tpu.memory_space<hbm>>) dst(%dma_wait3A_1046 : memref<1024xi32, #tpu.memory_space<vmem>>)
      %mul3A_1049 = arith.constant 1024 : i32
      %mul3A_1050 = arith.muli %add3A_922, %mul3A_1049 : i32
      %dma_wait3A_1051 = arith.constant 11 : i32
      %dma_wait3A_1052 = arith.constant 44032 : i32
      %dma_wait3A_1053 = tpu.memref_slice %arg6[%dma_wait3A_1052] : memref<65536xi32, #tpu.memory_space<vmem>> -> memref<1024xi32, #tpu.memory_space<vmem>>
      %dma_wait3A_1054 = tpu.memref_slice %arg3[%dma_wait3A_1051, %mul3A_1050] : memref<32x10240xi32, #tpu.memory_space<hbm>> -> memref<1x1024xi32, #tpu.memory_space<hbm>>
      %dma_wait3A_1055 = tpu.memref_squeeze %dma_wait3A_1054 : memref<1x1024xi32, #tpu.memory_space<hbm>> -> memref<1024xi32, #tpu.memory_space<hbm>>
      %dma_wait3A_1056 = arith.constant 44032 : i32
      %dma_wait3A_1057 = tpu.memref_slice %arg6[%dma_wait3A_1056] : memref<65536xi32, #tpu.memory_space<vmem>> -> memref<1024xi32, #tpu.memory_space<vmem>>
      %dma_wait3A_1058 = tpu.memref_slice %arg3[%dma_wait3A_1051, %mul3A_1050] : memref<32x10240xi32, #tpu.memory_space<hbm>> -> memref<1x1024xi32, #tpu.memory_space<hbm>>
      %dma_wait3A_1059 = tpu.memref_squeeze %dma_wait3A_1058 : memref<1x1024xi32, #tpu.memory_space<hbm>> -> memref<1024xi32, #tpu.memory_space<hbm>>
      tpu.wait_dma2 semaphore(%arg9 : memref<!tpu.dma_semaphore, #tpu.memory_space<semaphore_mem>>) src(%dma_wait3A_1059 : memref<1024xi32, #tpu.memory_space<hbm>>) dst(%dma_wait3A_1057 : memref<1024xi32, #tpu.memory_space<vmem>>)
      %mul3A_1060 = arith.constant 1024 : i32
      %mul3A_1061 = arith.muli %add3A_922, %mul3A_1060 : i32
      %dma_wait3A_1062 = arith.constant 12 : i32
      %dma_wait3A_1063 = arith.constant 45056 : i32
      %dma_wait3A_1064 = tpu.memref_slice %arg6[%dma_wait3A_1063] : memref<65536xi32, #tpu.memory_space<vmem>> -> memref<1024xi32, #tpu.memory_space<vmem>>
      %dma_wait3A_1065 = tpu.memref_slice %arg3[%dma_wait3A_1062, %mul3A_1061] : memref<32x10240xi32, #tpu.memory_space<hbm>> -> memref<1x1024xi32, #tpu.memory_space<hbm>>
      %dma_wait3A_1066 = tpu.memref_squeeze %dma_wait3A_1065 : memref<1x1024xi32, #tpu.memory_space<hbm>> -> memref<1024xi32, #tpu.memory_space<hbm>>
      %dma_wait3A_1067 = arith.constant 45056 : i32
      %dma_wait3A_1068 = tpu.memref_slice %arg6[%dma_wait3A_1067] : memref<65536xi32, #tpu.memory_space<vmem>> -> memref<1024xi32, #tpu.memory_space<vmem>>
      %dma_wait3A_1069 = tpu.memref_slice %arg3[%dma_wait3A_1062, %mul3A_1061] : memref<32x10240xi32, #tpu.memory_space<hbm>> -> memref<1x1024xi32, #tpu.memory_space<hbm>>
      %dma_wait3A_1070 = tpu.memref_squeeze %dma_wait3A_1069 : memref<1x1024xi32, #tpu.memory_space<hbm>> -> memref<1024xi32, #tpu.memory_space<hbm>>
      tpu.wait_dma2 semaphore(%arg9 : memref<!tpu.dma_semaphore, #tpu.memory_space<semaphore_mem>>) src(%dma_wait3A_1070 : memref<1024xi32, #tpu.memory_space<hbm>>) dst(%dma_wait3A_1068 : memref<1024xi32, #tpu.memory_space<vmem>>)
      %mul3A_1071 = arith.constant 1024 : i32
      %mul3A_1072 = arith.muli %add3A_922, %mul3A_1071 : i32
      %dma_wait3A_1073 = arith.constant 13 : i32
      %dma_wait3A_1074 = arith.constant 46080 : i32
      %dma_wait3A_1075 = tpu.memref_slice %arg6[%dma_wait3A_1074] : memref<65536xi32, #tpu.memory_space<vmem>> -> memref<1024xi32, #tpu.memory_space<vmem>>
      %dma_wait3A_1076 = tpu.memref_slice %arg3[%dma_wait3A_1073, %mul3A_1072] : memref<32x10240xi32, #tpu.memory_space<hbm>> -> memref<1x1024xi32, #tpu.memory_space<hbm>>
      %dma_wait3A_1077 = tpu.memref_squeeze %dma_wait3A_1076 : memref<1x1024xi32, #tpu.memory_space<hbm>> -> memref<1024xi32, #tpu.memory_space<hbm>>
      %dma_wait3A_1078 = arith.constant 46080 : i32
      %dma_wait3A_1079 = tpu.memref_slice %arg6[%dma_wait3A_1078] : memref<65536xi32, #tpu.memory_space<vmem>> -> memref<1024xi32, #tpu.memory_space<vmem>>
      %dma_wait3A_1080 = tpu.memref_slice %arg3[%dma_wait3A_1073, %mul3A_1072] : memref<32x10240xi32, #tpu.memory_space<hbm>> -> memref<1x1024xi32, #tpu.memory_space<hbm>>
      %dma_wait3A_1081 = tpu.memref_squeeze %dma_wait3A_1080 : memref<1x1024xi32, #tpu.memory_space<hbm>> -> memref<1024xi32, #tpu.memory_space<hbm>>
      tpu.wait_dma2 semaphore(%arg9 : memref<!tpu.dma_semaphore, #tpu.memory_space<semaphore_mem>>) src(%dma_wait3A_1081 : memref<1024xi32, #tpu.memory_space<hbm>>) dst(%dma_wait3A_1079 : memref<1024xi32, #tpu.memory_space<vmem>>)
      %mul3A_1082 = arith.constant 1024 : i32
      %mul3A_1083 = arith.muli %add3A_922, %mul3A_1082 : i32
      %dma_wait3A_1084 = arith.constant 14 : i32
      %dma_wait3A_1085 = arith.constant 47104 : i32
      %dma_wait3A_1086 = tpu.memref_slice %arg6[%dma_wait3A_1085] : memref<65536xi32, #tpu.memory_space<vmem>> -> memref<1024xi32, #tpu.memory_space<vmem>>
      %dma_wait3A_1087 = tpu.memref_slice %arg3[%dma_wait3A_1084, %mul3A_1083] : memref<32x10240xi32, #tpu.memory_space<hbm>> -> memref<1x1024xi32, #tpu.memory_space<hbm>>
      %dma_wait3A_1088 = tpu.memref_squeeze %dma_wait3A_1087 : memref<1x1024xi32, #tpu.memory_space<hbm>> -> memref<1024xi32, #tpu.memory_space<hbm>>
      %dma_wait3A_1089 = arith.constant 47104 : i32
      %dma_wait3A_1090 = tpu.memref_slice %arg6[%dma_wait3A_1089] : memref<65536xi32, #tpu.memory_space<vmem>> -> memref<1024xi32, #tpu.memory_space<vmem>>
      %dma_wait3A_1091 = tpu.memref_slice %arg3[%dma_wait3A_1084, %mul3A_1083] : memref<32x10240xi32, #tpu.memory_space<hbm>> -> memref<1x1024xi32, #tpu.memory_space<hbm>>
      %dma_wait3A_1092 = tpu.memref_squeeze %dma_wait3A_1091 : memref<1x1024xi32, #tpu.memory_space<hbm>> -> memref<1024xi32, #tpu.memory_space<hbm>>
      tpu.wait_dma2 semaphore(%arg9 : memref<!tpu.dma_semaphore, #tpu.memory_space<semaphore_mem>>) src(%dma_wait3A_1092 : memref<1024xi32, #tpu.memory_space<hbm>>) dst(%dma_wait3A_1090 : memref<1024xi32, #tpu.memory_space<vmem>>)
      %mul3A_1093 = arith.constant 1024 : i32
      %mul3A_1094 = arith.muli %add3A_922, %mul3A_1093 : i32
      %dma_wait3A_1095 = arith.constant 15 : i32
      %dma_wait3A_1096 = arith.constant 48128 : i32
      %dma_wait3A_1097 = tpu.memref_slice %arg6[%dma_wait3A_1096] : memref<65536xi32, #tpu.memory_space<vmem>> -> memref<1024xi32, #tpu.memory_space<vmem>>
      %dma_wait3A_1098 = tpu.memref_slice %arg3[%dma_wait3A_1095, %mul3A_1094] : memref<32x10240xi32, #tpu.memory_space<hbm>> -> memref<1x1024xi32, #tpu.memory_space<hbm>>
      %dma_wait3A_1099 = tpu.memref_squeeze %dma_wait3A_1098 : memref<1x1024xi32, #tpu.memory_space<hbm>> -> memref<1024xi32, #tpu.memory_space<hbm>>
      %dma_wait3A_1100 = arith.constant 48128 : i32
      %dma_wait3A_1101 = tpu.memref_slice %arg6[%dma_wait3A_1100] : memref<65536xi32, #tpu.memory_space<vmem>> -> memref<1024xi32, #tpu.memory_space<vmem>>
      %dma_wait3A_1102 = tpu.memref_slice %arg3[%dma_wait3A_1095, %mul3A_1094] : memref<32x10240xi32, #tpu.memory_space<hbm>> -> memref<1x1024xi32, #tpu.memory_space<hbm>>
      %dma_wait3A_1103 = tpu.memref_squeeze %dma_wait3A_1102 : memref<1x1024xi32, #tpu.memory_space<hbm>> -> memref<1024xi32, #tpu.memory_space<hbm>>
      tpu.wait_dma2 semaphore(%arg9 : memref<!tpu.dma_semaphore, #tpu.memory_space<semaphore_mem>>) src(%dma_wait3A_1103 : memref<1024xi32, #tpu.memory_space<hbm>>) dst(%dma_wait3A_1101 : memref<1024xi32, #tpu.memory_space<vmem>>)
      %mul3A_1104 = arith.constant 1024 : i32
      %mul3A_1105 = arith.muli %add3A_922, %mul3A_1104 : i32
      %dma_wait3A_1106 = arith.constant 16 : i32
      %dma_wait3A_1107 = arith.constant 49152 : i32
      %dma_wait3A_1108 = tpu.memref_slice %arg6[%dma_wait3A_1107] : memref<65536xi32, #tpu.memory_space<vmem>> -> memref<1024xi32, #tpu.memory_space<vmem>>
      %dma_wait3A_1109 = tpu.memref_slice %arg3[%dma_wait3A_1106, %mul3A_1105] : memref<32x10240xi32, #tpu.memory_space<hbm>> -> memref<1x1024xi32, #tpu.memory_space<hbm>>
      %dma_wait3A_1110 = tpu.memref_squeeze %dma_wait3A_1109 : memref<1x1024xi32, #tpu.memory_space<hbm>> -> memref<1024xi32, #tpu.memory_space<hbm>>
      %dma_wait3A_1111 = arith.constant 49152 : i32
      %dma_wait3A_1112 = tpu.memref_slice %arg6[%dma_wait3A_1111] : memref<65536xi32, #tpu.memory_space<vmem>> -> memref<1024xi32, #tpu.memory_space<vmem>>
      %dma_wait3A_1113 = tpu.memref_slice %arg3[%dma_wait3A_1106, %mul3A_1105] : memref<32x10240xi32, #tpu.memory_space<hbm>> -> memref<1x1024xi32, #tpu.memory_space<hbm>>
      %dma_wait3A_1114 = tpu.memref_squeeze %dma_wait3A_1113 : memref<1x1024xi32, #tpu.memory_space<hbm>> -> memref<1024xi32, #tpu.memory_space<hbm>>
      tpu.wait_dma2 semaphore(%arg9 : memref<!tpu.dma_semaphore, #tpu.memory_space<semaphore_mem>>) src(%dma_wait3A_1114 : memref<1024xi32, #tpu.memory_space<hbm>>) dst(%dma_wait3A_1112 : memref<1024xi32, #tpu.memory_space<vmem>>)
      %mul3A_1115 = arith.constant 1024 : i32
      %mul3A_1116 = arith.muli %add3A_922, %mul3A_1115 : i32
      %dma_wait3A_1117 = arith.constant 17 : i32
      %dma_wait3A_1118 = arith.constant 50176 : i32
      %dma_wait3A_1119 = tpu.memref_slice %arg6[%dma_wait3A_1118] : memref<65536xi32, #tpu.memory_space<vmem>> -> memref<1024xi32, #tpu.memory_space<vmem>>
      %dma_wait3A_1120 = tpu.memref_slice %arg3[%dma_wait3A_1117, %mul3A_1116] : memref<32x10240xi32, #tpu.memory_space<hbm>> -> memref<1x1024xi32, #tpu.memory_space<hbm>>
      %dma_wait3A_1121 = tpu.memref_squeeze %dma_wait3A_1120 : memref<1x1024xi32, #tpu.memory_space<hbm>> -> memref<1024xi32, #tpu.memory_space<hbm>>
      %dma_wait3A_1122 = arith.constant 50176 : i32
      %dma_wait3A_1123 = tpu.memref_slice %arg6[%dma_wait3A_1122] : memref<65536xi32, #tpu.memory_space<vmem>> -> memref<1024xi32, #tpu.memory_space<vmem>>
      %dma_wait3A_1124 = tpu.memref_slice %arg3[%dma_wait3A_1117, %mul3A_1116] : memref<32x10240xi32, #tpu.memory_space<hbm>> -> memref<1x1024xi32, #tpu.memory_space<hbm>>
      %dma_wait3A_1125 = tpu.memref_squeeze %dma_wait3A_1124 : memref<1x1024xi32, #tpu.memory_space<hbm>> -> memref<1024xi32, #tpu.memory_space<hbm>>
      tpu.wait_dma2 semaphore(%arg9 : memref<!tpu.dma_semaphore, #tpu.memory_space<semaphore_mem>>) src(%dma_wait3A_1125 : memref<1024xi32, #tpu.memory_space<hbm>>) dst(%dma_wait3A_1123 : memref<1024xi32, #tpu.memory_space<vmem>>)
      %mul3A_1126 = arith.constant 1024 : i32
      %mul3A_1127 = arith.muli %add3A_922, %mul3A_1126 : i32
      %dma_wait3A_1128 = arith.constant 18 : i32
      %dma_wait3A_1129 = arith.constant 51200 : i32
      %dma_wait3A_1130 = tpu.memref_slice %arg6[%dma_wait3A_1129] : memref<65536xi32, #tpu.memory_space<vmem>> -> memref<1024xi32, #tpu.memory_space<vmem>>
      %dma_wait3A_1131 = tpu.memref_slice %arg3[%dma_wait3A_1128, %mul3A_1127] : memref<32x10240xi32, #tpu.memory_space<hbm>> -> memref<1x1024xi32, #tpu.memory_space<hbm>>
      %dma_wait3A_1132 = tpu.memref_squeeze %dma_wait3A_1131 : memref<1x1024xi32, #tpu.memory_space<hbm>> -> memref<1024xi32, #tpu.memory_space<hbm>>
      %dma_wait3A_1133 = arith.constant 51200 : i32
      %dma_wait3A_1134 = tpu.memref_slice %arg6[%dma_wait3A_1133] : memref<65536xi32, #tpu.memory_space<vmem>> -> memref<1024xi32, #tpu.memory_space<vmem>>
      %dma_wait3A_1135 = tpu.memref_slice %arg3[%dma_wait3A_1128, %mul3A_1127] : memref<32x10240xi32, #tpu.memory_space<hbm>> -> memref<1x1024xi32, #tpu.memory_space<hbm>>
      %dma_wait3A_1136 = tpu.memref_squeeze %dma_wait3A_1135 : memref<1x1024xi32, #tpu.memory_space<hbm>> -> memref<1024xi32, #tpu.memory_space<hbm>>
      tpu.wait_dma2 semaphore(%arg9 : memref<!tpu.dma_semaphore, #tpu.memory_space<semaphore_mem>>) src(%dma_wait3A_1136 : memref<1024xi32, #tpu.memory_space<hbm>>) dst(%dma_wait3A_1134 : memref<1024xi32, #tpu.memory_space<vmem>>)
      %mul3A_1137 = arith.constant 1024 : i32
      %mul3A_1138 = arith.muli %add3A_922, %mul3A_1137 : i32
      %dma_wait3A_1139 = arith.constant 19 : i32
      %dma_wait3A_1140 = arith.constant 52224 : i32
      %dma_wait3A_1141 = tpu.memref_slice %arg6[%dma_wait3A_1140] : memref<65536xi32, #tpu.memory_space<vmem>> -> memref<1024xi32, #tpu.memory_space<vmem>>
      %dma_wait3A_1142 = tpu.memref_slice %arg3[%dma_wait3A_1139, %mul3A_1138] : memref<32x10240xi32, #tpu.memory_space<hbm>> -> memref<1x1024xi32, #tpu.memory_space<hbm>>
      %dma_wait3A_1143 = tpu.memref_squeeze %dma_wait3A_1142 : memref<1x1024xi32, #tpu.memory_space<hbm>> -> memref<1024xi32, #tpu.memory_space<hbm>>
      %dma_wait3A_1144 = arith.constant 52224 : i32
      %dma_wait3A_1145 = tpu.memref_slice %arg6[%dma_wait3A_1144] : memref<65536xi32, #tpu.memory_space<vmem>> -> memref<1024xi32, #tpu.memory_space<vmem>>
      %dma_wait3A_1146 = tpu.memref_slice %arg3[%dma_wait3A_1139, %mul3A_1138] : memref<32x10240xi32, #tpu.memory_space<hbm>> -> memref<1x1024xi32, #tpu.memory_space<hbm>>
      %dma_wait3A_1147 = tpu.memref_squeeze %dma_wait3A_1146 : memref<1x1024xi32, #tpu.memory_space<hbm>> -> memref<1024xi32, #tpu.memory_space<hbm>>
      tpu.wait_dma2 semaphore(%arg9 : memref<!tpu.dma_semaphore, #tpu.memory_space<semaphore_mem>>) src(%dma_wait3A_1147 : memref<1024xi32, #tpu.memory_space<hbm>>) dst(%dma_wait3A_1145 : memref<1024xi32, #tpu.memory_space<vmem>>)
      %mul3A_1148 = arith.constant 1024 : i32
      %mul3A_1149 = arith.muli %add3A_922, %mul3A_1148 : i32
      %dma_wait3A_1150 = arith.constant 20 : i32
      %dma_wait3A_1151 = arith.constant 53248 : i32
      %dma_wait3A_1152 = tpu.memref_slice %arg6[%dma_wait3A_1151] : memref<65536xi32, #tpu.memory_space<vmem>> -> memref<1024xi32, #tpu.memory_space<vmem>>
      %dma_wait3A_1153 = tpu.memref_slice %arg3[%dma_wait3A_1150, %mul3A_1149] : memref<32x10240xi32, #tpu.memory_space<hbm>> -> memref<1x1024xi32, #tpu.memory_space<hbm>>
      %dma_wait3A_1154 = tpu.memref_squeeze %dma_wait3A_1153 : memref<1x1024xi32, #tpu.memory_space<hbm>> -> memref<1024xi32, #tpu.memory_space<hbm>>
      %dma_wait3A_1155 = arith.constant 53248 : i32
      %dma_wait3A_1156 = tpu.memref_slice %arg6[%dma_wait3A_1155] : memref<65536xi32, #tpu.memory_space<vmem>> -> memref<1024xi32, #tpu.memory_space<vmem>>
      %dma_wait3A_1157 = tpu.memref_slice %arg3[%dma_wait3A_1150, %mul3A_1149] : memref<32x10240xi32, #tpu.memory_space<hbm>> -> memref<1x1024xi32, #tpu.memory_space<hbm>>
      %dma_wait3A_1158 = tpu.memref_squeeze %dma_wait3A_1157 : memref<1x1024xi32, #tpu.memory_space<hbm>> -> memref<1024xi32, #tpu.memory_space<hbm>>
      tpu.wait_dma2 semaphore(%arg9 : memref<!tpu.dma_semaphore, #tpu.memory_space<semaphore_mem>>) src(%dma_wait3A_1158 : memref<1024xi32, #tpu.memory_space<hbm>>) dst(%dma_wait3A_1156 : memref<1024xi32, #tpu.memory_space<vmem>>)
      %mul3A_1159 = arith.constant 1024 : i32
      %mul3A_1160 = arith.muli %add3A_922, %mul3A_1159 : i32
      %dma_wait3A_1161 = arith.constant 21 : i32
      %dma_wait3A_1162 = arith.constant 54272 : i32
      %dma_wait3A_1163 = tpu.memref_slice %arg6[%dma_wait3A_1162] : memref<65536xi32, #tpu.memory_space<vmem>> -> memref<1024xi32, #tpu.memory_space<vmem>>
      %dma_wait3A_1164 = tpu.memref_slice %arg3[%dma_wait3A_1161, %mul3A_1160] : memref<32x10240xi32, #tpu.memory_space<hbm>> -> memref<1x1024xi32, #tpu.memory_space<hbm>>
      %dma_wait3A_1165 = tpu.memref_squeeze %dma_wait3A_1164 : memref<1x1024xi32, #tpu.memory_space<hbm>> -> memref<1024xi32, #tpu.memory_space<hbm>>
      %dma_wait3A_1166 = arith.constant 54272 : i32
      %dma_wait3A_1167 = tpu.memref_slice %arg6[%dma_wait3A_1166] : memref<65536xi32, #tpu.memory_space<vmem>> -> memref<1024xi32, #tpu.memory_space<vmem>>
      %dma_wait3A_1168 = tpu.memref_slice %arg3[%dma_wait3A_1161, %mul3A_1160] : memref<32x10240xi32, #tpu.memory_space<hbm>> -> memref<1x1024xi32, #tpu.memory_space<hbm>>
      %dma_wait3A_1169 = tpu.memref_squeeze %dma_wait3A_1168 : memref<1x1024xi32, #tpu.memory_space<hbm>> -> memref<1024xi32, #tpu.memory_space<hbm>>
      tpu.wait_dma2 semaphore(%arg9 : memref<!tpu.dma_semaphore, #tpu.memory_space<semaphore_mem>>) src(%dma_wait3A_1169 : memref<1024xi32, #tpu.memory_space<hbm>>) dst(%dma_wait3A_1167 : memref<1024xi32, #tpu.memory_space<vmem>>)
      %mul3A_1170 = arith.constant 1024 : i32
      %mul3A_1171 = arith.muli %add3A_922, %mul3A_1170 : i32
      %dma_wait3A_1172 = arith.constant 22 : i32
      %dma_wait3A_1173 = arith.constant 55296 : i32
      %dma_wait3A_1174 = tpu.memref_slice %arg6[%dma_wait3A_1173] : memref<65536xi32, #tpu.memory_space<vmem>> -> memref<1024xi32, #tpu.memory_space<vmem>>
      %dma_wait3A_1175 = tpu.memref_slice %arg3[%dma_wait3A_1172, %mul3A_1171] : memref<32x10240xi32, #tpu.memory_space<hbm>> -> memref<1x1024xi32, #tpu.memory_space<hbm>>
      %dma_wait3A_1176 = tpu.memref_squeeze %dma_wait3A_1175 : memref<1x1024xi32, #tpu.memory_space<hbm>> -> memref<1024xi32, #tpu.memory_space<hbm>>
      %dma_wait3A_1177 = arith.constant 55296 : i32
      %dma_wait3A_1178 = tpu.memref_slice %arg6[%dma_wait3A_1177] : memref<65536xi32, #tpu.memory_space<vmem>> -> memref<1024xi32, #tpu.memory_space<vmem>>
      %dma_wait3A_1179 = tpu.memref_slice %arg3[%dma_wait3A_1172, %mul3A_1171] : memref<32x10240xi32, #tpu.memory_space<hbm>> -> memref<1x1024xi32, #tpu.memory_space<hbm>>
      %dma_wait3A_1180 = tpu.memref_squeeze %dma_wait3A_1179 : memref<1x1024xi32, #tpu.memory_space<hbm>> -> memref<1024xi32, #tpu.memory_space<hbm>>
      tpu.wait_dma2 semaphore(%arg9 : memref<!tpu.dma_semaphore, #tpu.memory_space<semaphore_mem>>) src(%dma_wait3A_1180 : memref<1024xi32, #tpu.memory_space<hbm>>) dst(%dma_wait3A_1178 : memref<1024xi32, #tpu.memory_space<vmem>>)
      %mul3A_1181 = arith.constant 1024 : i32
      %mul3A_1182 = arith.muli %add3A_922, %mul3A_1181 : i32
      %dma_wait3A_1183 = arith.constant 23 : i32
      %dma_wait3A_1184 = arith.constant 56320 : i32
      %dma_wait3A_1185 = tpu.memref_slice %arg6[%dma_wait3A_1184] : memref<65536xi32, #tpu.memory_space<vmem>> -> memref<1024xi32, #tpu.memory_space<vmem>>
      %dma_wait3A_1186 = tpu.memref_slice %arg3[%dma_wait3A_1183, %mul3A_1182] : memref<32x10240xi32, #tpu.memory_space<hbm>> -> memref<1x1024xi32, #tpu.memory_space<hbm>>
      %dma_wait3A_1187 = tpu.memref_squeeze %dma_wait3A_1186 : memref<1x1024xi32, #tpu.memory_space<hbm>> -> memref<1024xi32, #tpu.memory_space<hbm>>
      %dma_wait3A_1188 = arith.constant 56320 : i32
      %dma_wait3A_1189 = tpu.memref_slice %arg6[%dma_wait3A_1188] : memref<65536xi32, #tpu.memory_space<vmem>> -> memref<1024xi32, #tpu.memory_space<vmem>>
      %dma_wait3A_1190 = tpu.memref_slice %arg3[%dma_wait3A_1183, %mul3A_1182] : memref<32x10240xi32, #tpu.memory_space<hbm>> -> memref<1x1024xi32, #tpu.memory_space<hbm>>
      %dma_wait3A_1191 = tpu.memref_squeeze %dma_wait3A_1190 : memref<1x1024xi32, #tpu.memory_space<hbm>> -> memref<1024xi32, #tpu.memory_space<hbm>>
      tpu.wait_dma2 semaphore(%arg9 : memref<!tpu.dma_semaphore, #tpu.memory_space<semaphore_mem>>) src(%dma_wait3A_1191 : memref<1024xi32, #tpu.memory_space<hbm>>) dst(%dma_wait3A_1189 : memref<1024xi32, #tpu.memory_space<vmem>>)
      %mul3A_1192 = arith.constant 1024 : i32
      %mul3A_1193 = arith.muli %add3A_922, %mul3A_1192 : i32
      %dma_wait3A_1194 = arith.constant 24 : i32
      %dma_wait3A_1195 = arith.constant 57344 : i32
      %dma_wait3A_1196 = tpu.memref_slice %arg6[%dma_wait3A_1195] : memref<65536xi32, #tpu.memory_space<vmem>> -> memref<1024xi32, #tpu.memory_space<vmem>>
      %dma_wait3A_1197 = tpu.memref_slice %arg3[%dma_wait3A_1194, %mul3A_1193] : memref<32x10240xi32, #tpu.memory_space<hbm>> -> memref<1x1024xi32, #tpu.memory_space<hbm>>
      %dma_wait3A_1198 = tpu.memref_squeeze %dma_wait3A_1197 : memref<1x1024xi32, #tpu.memory_space<hbm>> -> memref<1024xi32, #tpu.memory_space<hbm>>
      %dma_wait3A_1199 = arith.constant 57344 : i32
      %dma_wait3A_1200 = tpu.memref_slice %arg6[%dma_wait3A_1199] : memref<65536xi32, #tpu.memory_space<vmem>> -> memref<1024xi32, #tpu.memory_space<vmem>>
      %dma_wait3A_1201 = tpu.memref_slice %arg3[%dma_wait3A_1194, %mul3A_1193] : memref<32x10240xi32, #tpu.memory_space<hbm>> -> memref<1x1024xi32, #tpu.memory_space<hbm>>
      %dma_wait3A_1202 = tpu.memref_squeeze %dma_wait3A_1201 : memref<1x1024xi32, #tpu.memory_space<hbm>> -> memref<1024xi32, #tpu.memory_space<hbm>>
      tpu.wait_dma2 semaphore(%arg9 : memref<!tpu.dma_semaphore, #tpu.memory_space<semaphore_mem>>) src(%dma_wait3A_1202 : memref<1024xi32, #tpu.memory_space<hbm>>) dst(%dma_wait3A_1200 : memref<1024xi32, #tpu.memory_space<vmem>>)
      %mul3A_1203 = arith.constant 1024 : i32
      %mul3A_1204 = arith.muli %add3A_922, %mul3A_1203 : i32
      %dma_wait3A_1205 = arith.constant 25 : i32
      %dma_wait3A_1206 = arith.constant 58368 : i32
      %dma_wait3A_1207 = tpu.memref_slice %arg6[%dma_wait3A_1206] : memref<65536xi32, #tpu.memory_space<vmem>> -> memref<1024xi32, #tpu.memory_space<vmem>>
      %dma_wait3A_1208 = tpu.memref_slice %arg3[%dma_wait3A_1205, %mul3A_1204] : memref<32x10240xi32, #tpu.memory_space<hbm>> -> memref<1x1024xi32, #tpu.memory_space<hbm>>
      %dma_wait3A_1209 = tpu.memref_squeeze %dma_wait3A_1208 : memref<1x1024xi32, #tpu.memory_space<hbm>> -> memref<1024xi32, #tpu.memory_space<hbm>>
      %dma_wait3A_1210 = arith.constant 58368 : i32
      %dma_wait3A_1211 = tpu.memref_slice %arg6[%dma_wait3A_1210] : memref<65536xi32, #tpu.memory_space<vmem>> -> memref<1024xi32, #tpu.memory_space<vmem>>
      %dma_wait3A_1212 = tpu.memref_slice %arg3[%dma_wait3A_1205, %mul3A_1204] : memref<32x10240xi32, #tpu.memory_space<hbm>> -> memref<1x1024xi32, #tpu.memory_space<hbm>>
      %dma_wait3A_1213 = tpu.memref_squeeze %dma_wait3A_1212 : memref<1x1024xi32, #tpu.memory_space<hbm>> -> memref<1024xi32, #tpu.memory_space<hbm>>
      tpu.wait_dma2 semaphore(%arg9 : memref<!tpu.dma_semaphore, #tpu.memory_space<semaphore_mem>>) src(%dma_wait3A_1213 : memref<1024xi32, #tpu.memory_space<hbm>>) dst(%dma_wait3A_1211 : memref<1024xi32, #tpu.memory_space<vmem>>)
      %mul3A_1214 = arith.constant 1024 : i32
      %mul3A_1215 = arith.muli %add3A_922, %mul3A_1214 : i32
      %dma_wait3A_1216 = arith.constant 26 : i32
      %dma_wait3A_1217 = arith.constant 59392 : i32
      %dma_wait3A_1218 = tpu.memref_slice %arg6[%dma_wait3A_1217] : memref<65536xi32, #tpu.memory_space<vmem>> -> memref<1024xi32, #tpu.memory_space<vmem>>
      %dma_wait3A_1219 = tpu.memref_slice %arg3[%dma_wait3A_1216, %mul3A_1215] : memref<32x10240xi32, #tpu.memory_space<hbm>> -> memref<1x1024xi32, #tpu.memory_space<hbm>>
      %dma_wait3A_1220 = tpu.memref_squeeze %dma_wait3A_1219 : memref<1x1024xi32, #tpu.memory_space<hbm>> -> memref<1024xi32, #tpu.memory_space<hbm>>
      %dma_wait3A_1221 = arith.constant 59392 : i32
      %dma_wait3A_1222 = tpu.memref_slice %arg6[%dma_wait3A_1221] : memref<65536xi32, #tpu.memory_space<vmem>> -> memref<1024xi32, #tpu.memory_space<vmem>>
      %dma_wait3A_1223 = tpu.memref_slice %arg3[%dma_wait3A_1216, %mul3A_1215] : memref<32x10240xi32, #tpu.memory_space<hbm>> -> memref<1x1024xi32, #tpu.memory_space<hbm>>
      %dma_wait3A_1224 = tpu.memref_squeeze %dma_wait3A_1223 : memref<1x1024xi32, #tpu.memory_space<hbm>> -> memref<1024xi32, #tpu.memory_space<hbm>>
      tpu.wait_dma2 semaphore(%arg9 : memref<!tpu.dma_semaphore, #tpu.memory_space<semaphore_mem>>) src(%dma_wait3A_1224 : memref<1024xi32, #tpu.memory_space<hbm>>) dst(%dma_wait3A_1222 : memref<1024xi32, #tpu.memory_space<vmem>>)
      %mul3A_1225 = arith.constant 1024 : i32
      %mul3A_1226 = arith.muli %add3A_922, %mul3A_1225 : i32
      %dma_wait3A_1227 = arith.constant 27 : i32
      %dma_wait3A_1228 = arith.constant 60416 : i32
      %dma_wait3A_1229 = tpu.memref_slice %arg6[%dma_wait3A_1228] : memref<65536xi32, #tpu.memory_space<vmem>> -> memref<1024xi32, #tpu.memory_space<vmem>>
      %dma_wait3A_1230 = tpu.memref_slice %arg3[%dma_wait3A_1227, %mul3A_1226] : memref<32x10240xi32, #tpu.memory_space<hbm>> -> memref<1x1024xi32, #tpu.memory_space<hbm>>
      %dma_wait3A_1231 = tpu.memref_squeeze %dma_wait3A_1230 : memref<1x1024xi32, #tpu.memory_space<hbm>> -> memref<1024xi32, #tpu.memory_space<hbm>>
      %dma_wait3A_1232 = arith.constant 60416 : i32
      %dma_wait3A_1233 = tpu.memref_slice %arg6[%dma_wait3A_1232] : memref<65536xi32, #tpu.memory_space<vmem>> -> memref<1024xi32, #tpu.memory_space<vmem>>
      %dma_wait3A_1234 = tpu.memref_slice %arg3[%dma_wait3A_1227, %mul3A_1226] : memref<32x10240xi32, #tpu.memory_space<hbm>> -> memref<1x1024xi32, #tpu.memory_space<hbm>>
      %dma_wait3A_1235 = tpu.memref_squeeze %dma_wait3A_1234 : memref<1x1024xi32, #tpu.memory_space<hbm>> -> memref<1024xi32, #tpu.memory_space<hbm>>
      tpu.wait_dma2 semaphore(%arg9 : memref<!tpu.dma_semaphore, #tpu.memory_space<semaphore_mem>>) src(%dma_wait3A_1235 : memref<1024xi32, #tpu.memory_space<hbm>>) dst(%dma_wait3A_1233 : memref<1024xi32, #tpu.memory_space<vmem>>)
      %mul3A_1236 = arith.constant 1024 : i32
      %mul3A_1237 = arith.muli %add3A_922, %mul3A_1236 : i32
      %dma_wait3A_1238 = arith.constant 28 : i32
      %dma_wait3A_1239 = arith.constant 61440 : i32
      %dma_wait3A_1240 = tpu.memref_slice %arg6[%dma_wait3A_1239] : memref<65536xi32, #tpu.memory_space<vmem>> -> memref<1024xi32, #tpu.memory_space<vmem>>
      %dma_wait3A_1241 = tpu.memref_slice %arg3[%dma_wait3A_1238, %mul3A_1237] : memref<32x10240xi32, #tpu.memory_space<hbm>> -> memref<1x1024xi32, #tpu.memory_space<hbm>>
      %dma_wait3A_1242 = tpu.memref_squeeze %dma_wait3A_1241 : memref<1x1024xi32, #tpu.memory_space<hbm>> -> memref<1024xi32, #tpu.memory_space<hbm>>
      %dma_wait3A_1243 = arith.constant 61440 : i32
      %dma_wait3A_1244 = tpu.memref_slice %arg6[%dma_wait3A_1243] : memref<65536xi32, #tpu.memory_space<vmem>> -> memref<1024xi32, #tpu.memory_space<vmem>>
      %dma_wait3A_1245 = tpu.memref_slice %arg3[%dma_wait3A_1238, %mul3A_1237] : memref<32x10240xi32, #tpu.memory_space<hbm>> -> memref<1x1024xi32, #tpu.memory_space<hbm>>
      %dma_wait3A_1246 = tpu.memref_squeeze %dma_wait3A_1245 : memref<1x1024xi32, #tpu.memory_space<hbm>> -> memref<1024xi32, #tpu.memory_space<hbm>>
      tpu.wait_dma2 semaphore(%arg9 : memref<!tpu.dma_semaphore, #tpu.memory_space<semaphore_mem>>) src(%dma_wait3A_1246 : memref<1024xi32, #tpu.memory_space<hbm>>) dst(%dma_wait3A_1244 : memref<1024xi32, #tpu.memory_space<vmem>>)
      %mul3A_1247 = arith.constant 1024 : i32
      %mul3A_1248 = arith.muli %add3A_922, %mul3A_1247 : i32
      %dma_wait3A_1249 = arith.constant 29 : i32
      %dma_wait3A_1250 = arith.constant 62464 : i32
      %dma_wait3A_1251 = tpu.memref_slice %arg6[%dma_wait3A_1250] : memref<65536xi32, #tpu.memory_space<vmem>> -> memref<1024xi32, #tpu.memory_space<vmem>>
      %dma_wait3A_1252 = tpu.memref_slice %arg3[%dma_wait3A_1249, %mul3A_1248] : memref<32x10240xi32, #tpu.memory_space<hbm>> -> memref<1x1024xi32, #tpu.memory_space<hbm>>
      %dma_wait3A_1253 = tpu.memref_squeeze %dma_wait3A_1252 : memref<1x1024xi32, #tpu.memory_space<hbm>> -> memref<1024xi32, #tpu.memory_space<hbm>>
      %dma_wait3A_1254 = arith.constant 62464 : i32
      %dma_wait3A_1255 = tpu.memref_slice %arg6[%dma_wait3A_1254] : memref<65536xi32, #tpu.memory_space<vmem>> -> memref<1024xi32, #tpu.memory_space<vmem>>
      %dma_wait3A_1256 = tpu.memref_slice %arg3[%dma_wait3A_1249, %mul3A_1248] : memref<32x10240xi32, #tpu.memory_space<hbm>> -> memref<1x1024xi32, #tpu.memory_space<hbm>>
      %dma_wait3A_1257 = tpu.memref_squeeze %dma_wait3A_1256 : memref<1x1024xi32, #tpu.memory_space<hbm>> -> memref<1024xi32, #tpu.memory_space<hbm>>
      tpu.wait_dma2 semaphore(%arg9 : memref<!tpu.dma_semaphore, #tpu.memory_space<semaphore_mem>>) src(%dma_wait3A_1257 : memref<1024xi32, #tpu.memory_space<hbm>>) dst(%dma_wait3A_1255 : memref<1024xi32, #tpu.memory_space<vmem>>)
      %mul3A_1258 = arith.constant 1024 : i32
      %mul3A_1259 = arith.muli %add3A_922, %mul3A_1258 : i32
      %dma_wait3A_1260 = arith.constant 30 : i32
      %dma_wait3A_1261 = arith.constant 63488 : i32
      %dma_wait3A_1262 = tpu.memref_slice %arg6[%dma_wait3A_1261] : memref<65536xi32, #tpu.memory_space<vmem>> -> memref<1024xi32, #tpu.memory_space<vmem>>
      %dma_wait3A_1263 = tpu.memref_slice %arg3[%dma_wait3A_1260, %mul3A_1259] : memref<32x10240xi32, #tpu.memory_space<hbm>> -> memref<1x1024xi32, #tpu.memory_space<hbm>>
      %dma_wait3A_1264 = tpu.memref_squeeze %dma_wait3A_1263 : memref<1x1024xi32, #tpu.memory_space<hbm>> -> memref<1024xi32, #tpu.memory_space<hbm>>
      %dma_wait3A_1265 = arith.constant 63488 : i32
      %dma_wait3A_1266 = tpu.memref_slice %arg6[%dma_wait3A_1265] : memref<65536xi32, #tpu.memory_space<vmem>> -> memref<1024xi32, #tpu.memory_space<vmem>>
      %dma_wait3A_1267 = tpu.memref_slice %arg3[%dma_wait3A_1260, %mul3A_1259] : memref<32x10240xi32, #tpu.memory_space<hbm>> -> memref<1x1024xi32, #tpu.memory_space<hbm>>
      %dma_wait3A_1268 = tpu.memref_squeeze %dma_wait3A_1267 : memref<1x1024xi32, #tpu.memory_space<hbm>> -> memref<1024xi32, #tpu.memory_space<hbm>>
      tpu.wait_dma2 semaphore(%arg9 : memref<!tpu.dma_semaphore, #tpu.memory_space<semaphore_mem>>) src(%dma_wait3A_1268 : memref<1024xi32, #tpu.memory_space<hbm>>) dst(%dma_wait3A_1266 : memref<1024xi32, #tpu.memory_space<vmem>>)
      %mul3A_1269 = arith.constant 1024 : i32
      %mul3A_1270 = arith.muli %add3A_922, %mul3A_1269 : i32
      %dma_wait3A_1271 = arith.constant 31 : i32
      %dma_wait3A_1272 = arith.constant 64512 : i32
      %dma_wait3A_1273 = tpu.memref_slice %arg6[%dma_wait3A_1272] : memref<65536xi32, #tpu.memory_space<vmem>> -> memref<1024xi32, #tpu.memory_space<vmem>>
      %dma_wait3A_1274 = tpu.memref_slice %arg3[%dma_wait3A_1271, %mul3A_1270] : memref<32x10240xi32, #tpu.memory_space<hbm>> -> memref<1x1024xi32, #tpu.memory_space<hbm>>
      %dma_wait3A_1275 = tpu.memref_squeeze %dma_wait3A_1274 : memref<1x1024xi32, #tpu.memory_space<hbm>> -> memref<1024xi32, #tpu.memory_space<hbm>>
      %dma_wait3A_1276 = arith.constant 64512 : i32
      %dma_wait3A_1277 = tpu.memref_slice %arg6[%dma_wait3A_1276] : memref<65536xi32, #tpu.memory_space<vmem>> -> memref<1024xi32, #tpu.memory_space<vmem>>
      %dma_wait3A_1278 = tpu.memref_slice %arg3[%dma_wait3A_1271, %mul3A_1270] : memref<32x10240xi32, #tpu.memory_space<hbm>> -> memref<1x1024xi32, #tpu.memory_space<hbm>>
      %dma_wait3A_1279 = tpu.memref_squeeze %dma_wait3A_1278 : memref<1x1024xi32, #tpu.memory_space<hbm>> -> memref<1024xi32, #tpu.memory_space<hbm>>
      tpu.wait_dma2 semaphore(%arg9 : memref<!tpu.dma_semaphore, #tpu.memory_space<semaphore_mem>>) src(%dma_wait3A_1279 : memref<1024xi32, #tpu.memory_space<hbm>>) dst(%dma_wait3A_1277 : memref<1024xi32, #tpu.memory_space<vmem>>)
      %add3A_1280 = arith.constant 1 : i32
      %add3A_1281 = arith.addi %add3A_922, %add3A_1280 : i32
      %lt3A_1282 = arith.constant 10 : i32
      %lt3A_1283 = arith.cmpi slt, %add3A_1281, %lt3A_1282 : i32
      %convert_element_type3A_1284 = arith.extui %lt3A_1283 : i1 to i32
      %cond3A_1285 = arith.constant 0 : i32
      %cond3A_1286 = arith.cmpi ne, %convert_element_type3A_1284, %cond3A_1285 : i32
      scf.if %cond3A_1286 {
        %add3A_1333 = arith.constant 1 : i32
        %add3A_1334 = arith.addi %add3A_922, %add3A_1333 : i32
        %mul3A_1335 = arith.constant 1024 : i32
        %mul3A_1336 = arith.muli %add3A_1334, %mul3A_1335 : i32
        %dma_start3A_1337 = arith.constant 0 : i32
        %dma_start3A_1338 = arith.constant 0 : i32
        %dma_start3A_1339 = tpu.memref_slice %arg6[%dma_start3A_1338] : memref<65536xi32, #tpu.memory_space<vmem>> -> memref<1024xi32, #tpu.memory_space<vmem>>
        %dma_start3A_1340 = tpu.memref_slice %arg3[%dma_start3A_1337, %mul3A_1336] : memref<32x10240xi32, #tpu.memory_space<hbm>> -> memref<1x1024xi32, #tpu.memory_space<hbm>>
        %dma_start3A_1341 = tpu.memref_squeeze %dma_start3A_1340 : memref<1x1024xi32, #tpu.memory_space<hbm>> -> memref<1024xi32, #tpu.memory_space<hbm>>
        %dma_start3A_1342 = arith.constant 0 : i32
        %dma_start3A_1343 = tpu.memref_slice %arg6[%dma_start3A_1342] : memref<65536xi32, #tpu.memory_space<vmem>> -> memref<1024xi32, #tpu.memory_space<vmem>>
        %dma_start3A_1344 = tpu.memref_slice %arg3[%dma_start3A_1337, %mul3A_1336] : memref<32x10240xi32, #tpu.memory_space<hbm>> -> memref<1x1024xi32, #tpu.memory_space<hbm>>
        %dma_start3A_1345 = tpu.memref_squeeze %dma_start3A_1344 : memref<1x1024xi32, #tpu.memory_space<hbm>> -> memref<1024xi32, #tpu.memory_space<hbm>>
        tpu.enqueue_dma source(%dma_start3A_1345 : memref<1024xi32, #tpu.memory_space<hbm>>) target(%dma_start3A_1343 : memref<1024xi32, #tpu.memory_space<vmem>>) target_semaphore(%arg9 : memref<!tpu.dma_semaphore, #tpu.memory_space<semaphore_mem>>)
        %mul3A_1346 = arith.constant 1024 : i32
        %mul3A_1347 = arith.muli %add3A_1334, %mul3A_1346 : i32
        %dma_start3A_1348 = arith.constant 1 : i32
        %dma_start3A_1349 = arith.constant 1024 : i32
        %dma_start3A_1350 = tpu.memref_slice %arg6[%dma_start3A_1349] : memref<65536xi32, #tpu.memory_space<vmem>> -> memref<1024xi32, #tpu.memory_space<vmem>>
        %dma_start3A_1351 = tpu.memref_slice %arg3[%dma_start3A_1348, %mul3A_1347] : memref<32x10240xi32, #tpu.memory_space<hbm>> -> memref<1x1024xi32, #tpu.memory_space<hbm>>
        %dma_start3A_1352 = tpu.memref_squeeze %dma_start3A_1351 : memref<1x1024xi32, #tpu.memory_space<hbm>> -> memref<1024xi32, #tpu.memory_space<hbm>>
        %dma_start3A_1353 = arith.constant 1024 : i32
        %dma_start3A_1354 = tpu.memref_slice %arg6[%dma_start3A_1353] : memref<65536xi32, #tpu.memory_space<vmem>> -> memref<1024xi32, #tpu.memory_space<vmem>>
        %dma_start3A_1355 = tpu.memref_slice %arg3[%dma_start3A_1348, %mul3A_1347] : memref<32x10240xi32, #tpu.memory_space<hbm>> -> memref<1x1024xi32, #tpu.memory_space<hbm>>
        %dma_start3A_1356 = tpu.memref_squeeze %dma_start3A_1355 : memref<1x1024xi32, #tpu.memory_space<hbm>> -> memref<1024xi32, #tpu.memory_space<hbm>>
        tpu.enqueue_dma source(%dma_start3A_1356 : memref<1024xi32, #tpu.memory_space<hbm>>) target(%dma_start3A_1354 : memref<1024xi32, #tpu.memory_space<vmem>>) target_semaphore(%arg9 : memref<!tpu.dma_semaphore, #tpu.memory_space<semaphore_mem>>)
        %mul3A_1357 = arith.constant 1024 : i32
        %mul3A_1358 = arith.muli %add3A_1334, %mul3A_1357 : i32
        %dma_start3A_1359 = arith.constant 2 : i32
        %dma_start3A_1360 = arith.constant 2048 : i32
        %dma_start3A_1361 = tpu.memref_slice %arg6[%dma_start3A_1360] : memref<65536xi32, #tpu.memory_space<vmem>> -> memref<1024xi32, #tpu.memory_space<vmem>>
        %dma_start3A_1362 = tpu.memref_slice %arg3[%dma_start3A_1359, %mul3A_1358] : memref<32x10240xi32, #tpu.memory_space<hbm>> -> memref<1x1024xi32, #tpu.memory_space<hbm>>
        %dma_start3A_1363 = tpu.memref_squeeze %dma_start3A_1362 : memref<1x1024xi32, #tpu.memory_space<hbm>> -> memref<1024xi32, #tpu.memory_space<hbm>>
        %dma_start3A_1364 = arith.constant 2048 : i32
        %dma_start3A_1365 = tpu.memref_slice %arg6[%dma_start3A_1364] : memref<65536xi32, #tpu.memory_space<vmem>> -> memref<1024xi32, #tpu.memory_space<vmem>>
        %dma_start3A_1366 = tpu.memref_slice %arg3[%dma_start3A_1359, %mul3A_1358] : memref<32x10240xi32, #tpu.memory_space<hbm>> -> memref<1x1024xi32, #tpu.memory_space<hbm>>
        %dma_start3A_1367 = tpu.memref_squeeze %dma_start3A_1366 : memref<1x1024xi32, #tpu.memory_space<hbm>> -> memref<1024xi32, #tpu.memory_space<hbm>>
        tpu.enqueue_dma source(%dma_start3A_1367 : memref<1024xi32, #tpu.memory_space<hbm>>) target(%dma_start3A_1365 : memref<1024xi32, #tpu.memory_space<vmem>>) target_semaphore(%arg9 : memref<!tpu.dma_semaphore, #tpu.memory_space<semaphore_mem>>)
        %mul3A_1368 = arith.constant 1024 : i32
        %mul3A_1369 = arith.muli %add3A_1334, %mul3A_1368 : i32
        %dma_start3A_1370 = arith.constant 3 : i32
        %dma_start3A_1371 = arith.constant 3072 : i32
        %dma_start3A_1372 = tpu.memref_slice %arg6[%dma_start3A_1371] : memref<65536xi32, #tpu.memory_space<vmem>> -> memref<1024xi32, #tpu.memory_space<vmem>>
        %dma_start3A_1373 = tpu.memref_slice %arg3[%dma_start3A_1370, %mul3A_1369] : memref<32x10240xi32, #tpu.memory_space<hbm>> -> memref<1x1024xi32, #tpu.memory_space<hbm>>
        %dma_start3A_1374 = tpu.memref_squeeze %dma_start3A_1373 : memref<1x1024xi32, #tpu.memory_space<hbm>> -> memref<1024xi32, #tpu.memory_space<hbm>>
        %dma_start3A_1375 = arith.constant 3072 : i32
        %dma_start3A_1376 = tpu.memref_slice %arg6[%dma_start3A_1375] : memref<65536xi32, #tpu.memory_space<vmem>> -> memref<1024xi32, #tpu.memory_space<vmem>>
        %dma_start3A_1377 = tpu.memref_slice %arg3[%dma_start3A_1370, %mul3A_1369] : memref<32x10240xi32, #tpu.memory_space<hbm>> -> memref<1x1024xi32, #tpu.memory_space<hbm>>
        %dma_start3A_1378 = tpu.memref_squeeze %dma_start3A_1377 : memref<1x1024xi32, #tpu.memory_space<hbm>> -> memref<1024xi32, #tpu.memory_space<hbm>>
        tpu.enqueue_dma source(%dma_start3A_1378 : memref<1024xi32, #tpu.memory_space<hbm>>) target(%dma_start3A_1376 : memref<1024xi32, #tpu.memory_space<vmem>>) target_semaphore(%arg9 : memref<!tpu.dma_semaphore, #tpu.memory_space<semaphore_mem>>)
        %mul3A_1379 = arith.constant 1024 : i32
        %mul3A_1380 = arith.muli %add3A_1334, %mul3A_1379 : i32
        %dma_start3A_1381 = arith.constant 4 : i32
        %dma_start3A_1382 = arith.constant 4096 : i32
        %dma_start3A_1383 = tpu.memref_slice %arg6[%dma_start3A_1382] : memref<65536xi32, #tpu.memory_space<vmem>> -> memref<1024xi32, #tpu.memory_space<vmem>>
        %dma_start3A_1384 = tpu.memref_slice %arg3[%dma_start3A_1381, %mul3A_1380] : memref<32x10240xi32, #tpu.memory_space<hbm>> -> memref<1x1024xi32, #tpu.memory_space<hbm>>
        %dma_start3A_1385 = tpu.memref_squeeze %dma_start3A_1384 : memref<1x1024xi32, #tpu.memory_space<hbm>> -> memref<1024xi32, #tpu.memory_space<hbm>>
        %dma_start3A_1386 = arith.constant 4096 : i32
        %dma_start3A_1387 = tpu.memref_slice %arg6[%dma_start3A_1386] : memref<65536xi32, #tpu.memory_space<vmem>> -> memref<1024xi32, #tpu.memory_space<vmem>>
        %dma_start3A_1388 = tpu.memref_slice %arg3[%dma_start3A_1381, %mul3A_1380] : memref<32x10240xi32, #tpu.memory_space<hbm>> -> memref<1x1024xi32, #tpu.memory_space<hbm>>
        %dma_start3A_1389 = tpu.memref_squeeze %dma_start3A_1388 : memref<1x1024xi32, #tpu.memory_space<hbm>> -> memref<1024xi32, #tpu.memory_space<hbm>>
        tpu.enqueue_dma source(%dma_start3A_1389 : memref<1024xi32, #tpu.memory_space<hbm>>) target(%dma_start3A_1387 : memref<1024xi32, #tpu.memory_space<vmem>>) target_semaphore(%arg9 : memref<!tpu.dma_semaphore, #tpu.memory_space<semaphore_mem>>)
        %mul3A_1390 = arith.constant 1024 : i32
        %mul3A_1391 = arith.muli %add3A_1334, %mul3A_1390 : i32
        %dma_start3A_1392 = arith.constant 5 : i32
        %dma_start3A_1393 = arith.constant 5120 : i32
        %dma_start3A_1394 = tpu.memref_slice %arg6[%dma_start3A_1393] : memref<65536xi32, #tpu.memory_space<vmem>> -> memref<1024xi32, #tpu.memory_space<vmem>>
        %dma_start3A_1395 = tpu.memref_slice %arg3[%dma_start3A_1392, %mul3A_1391] : memref<32x10240xi32, #tpu.memory_space<hbm>> -> memref<1x1024xi32, #tpu.memory_space<hbm>>
        %dma_start3A_1396 = tpu.memref_squeeze %dma_start3A_1395 : memref<1x1024xi32, #tpu.memory_space<hbm>> -> memref<1024xi32, #tpu.memory_space<hbm>>
        %dma_start3A_1397 = arith.constant 5120 : i32
        %dma_start3A_1398 = tpu.memref_slice %arg6[%dma_start3A_1397] : memref<65536xi32, #tpu.memory_space<vmem>> -> memref<1024xi32, #tpu.memory_space<vmem>>
        %dma_start3A_1399 = tpu.memref_slice %arg3[%dma_start3A_1392, %mul3A_1391] : memref<32x10240xi32, #tpu.memory_space<hbm>> -> memref<1x1024xi32, #tpu.memory_space<hbm>>
        %dma_start3A_1400 = tpu.memref_squeeze %dma_start3A_1399 : memref<1x1024xi32, #tpu.memory_space<hbm>> -> memref<1024xi32, #tpu.memory_space<hbm>>
        tpu.enqueue_dma source(%dma_start3A_1400 : memref<1024xi32, #tpu.memory_space<hbm>>) target(%dma_start3A_1398 : memref<1024xi32, #tpu.memory_space<vmem>>) target_semaphore(%arg9 : memref<!tpu.dma_semaphore, #tpu.memory_space<semaphore_mem>>)
        %mul3A_1401 = arith.constant 1024 : i32
        %mul3A_1402 = arith.muli %add3A_1334, %mul3A_1401 : i32
        %dma_start3A_1403 = arith.constant 6 : i32
        %dma_start3A_1404 = arith.constant 6144 : i32
        %dma_start3A_1405 = tpu.memref_slice %arg6[%dma_start3A_1404] : memref<65536xi32, #tpu.memory_space<vmem>> -> memref<1024xi32, #tpu.memory_space<vmem>>
        %dma_start3A_1406 = tpu.memref_slice %arg3[%dma_start3A_1403, %mul3A_1402] : memref<32x10240xi32, #tpu.memory_space<hbm>> -> memref<1x1024xi32, #tpu.memory_space<hbm>>
        %dma_start3A_1407 = tpu.memref_squeeze %dma_start3A_1406 : memref<1x1024xi32, #tpu.memory_space<hbm>> -> memref<1024xi32, #tpu.memory_space<hbm>>
        %dma_start3A_1408 = arith.constant 6144 : i32
        %dma_start3A_1409 = tpu.memref_slice %arg6[%dma_start3A_1408] : memref<65536xi32, #tpu.memory_space<vmem>> -> memref<1024xi32, #tpu.memory_space<vmem>>
        %dma_start3A_1410 = tpu.memref_slice %arg3[%dma_start3A_1403, %mul3A_1402] : memref<32x10240xi32, #tpu.memory_space<hbm>> -> memref<1x1024xi32, #tpu.memory_space<hbm>>
        %dma_start3A_1411 = tpu.memref_squeeze %dma_start3A_1410 : memref<1x1024xi32, #tpu.memory_space<hbm>> -> memref<1024xi32, #tpu.memory_space<hbm>>
        tpu.enqueue_dma source(%dma_start3A_1411 : memref<1024xi32, #tpu.memory_space<hbm>>) target(%dma_start3A_1409 : memref<1024xi32, #tpu.memory_space<vmem>>) target_semaphore(%arg9 : memref<!tpu.dma_semaphore, #tpu.memory_space<semaphore_mem>>)
        %mul3A_1412 = arith.constant 1024 : i32
        %mul3A_1413 = arith.muli %add3A_1334, %mul3A_1412 : i32
        %dma_start3A_1414 = arith.constant 7 : i32
        %dma_start3A_1415 = arith.constant 7168 : i32
        %dma_start3A_1416 = tpu.memref_slice %arg6[%dma_start3A_1415] : memref<65536xi32, #tpu.memory_space<vmem>> -> memref<1024xi32, #tpu.memory_space<vmem>>
        %dma_start3A_1417 = tpu.memref_slice %arg3[%dma_start3A_1414, %mul3A_1413] : memref<32x10240xi32, #tpu.memory_space<hbm>> -> memref<1x1024xi32, #tpu.memory_space<hbm>>
        %dma_start3A_1418 = tpu.memref_squeeze %dma_start3A_1417 : memref<1x1024xi32, #tpu.memory_space<hbm>> -> memref<1024xi32, #tpu.memory_space<hbm>>
        %dma_start3A_1419 = arith.constant 7168 : i32
        %dma_start3A_1420 = tpu.memref_slice %arg6[%dma_start3A_1419] : memref<65536xi32, #tpu.memory_space<vmem>> -> memref<1024xi32, #tpu.memory_space<vmem>>
        %dma_start3A_1421 = tpu.memref_slice %arg3[%dma_start3A_1414, %mul3A_1413] : memref<32x10240xi32, #tpu.memory_space<hbm>> -> memref<1x1024xi32, #tpu.memory_space<hbm>>
        %dma_start3A_1422 = tpu.memref_squeeze %dma_start3A_1421 : memref<1x1024xi32, #tpu.memory_space<hbm>> -> memref<1024xi32, #tpu.memory_space<hbm>>
        tpu.enqueue_dma source(%dma_start3A_1422 : memref<1024xi32, #tpu.memory_space<hbm>>) target(%dma_start3A_1420 : memref<1024xi32, #tpu.memory_space<vmem>>) target_semaphore(%arg9 : memref<!tpu.dma_semaphore, #tpu.memory_space<semaphore_mem>>)
        %mul3A_1423 = arith.constant 1024 : i32
        %mul3A_1424 = arith.muli %add3A_1334, %mul3A_1423 : i32
        %dma_start3A_1425 = arith.constant 8 : i32
        %dma_start3A_1426 = arith.constant 8192 : i32
        %dma_start3A_1427 = tpu.memref_slice %arg6[%dma_start3A_1426] : memref<65536xi32, #tpu.memory_space<vmem>> -> memref<1024xi32, #tpu.memory_space<vmem>>
        %dma_start3A_1428 = tpu.memref_slice %arg3[%dma_start3A_1425, %mul3A_1424] : memref<32x10240xi32, #tpu.memory_space<hbm>> -> memref<1x1024xi32, #tpu.memory_space<hbm>>
        %dma_start3A_1429 = tpu.memref_squeeze %dma_start3A_1428 : memref<1x1024xi32, #tpu.memory_space<hbm>> -> memref<1024xi32, #tpu.memory_space<hbm>>
        %dma_start3A_1430 = arith.constant 8192 : i32
        %dma_start3A_1431 = tpu.memref_slice %arg6[%dma_start3A_1430] : memref<65536xi32, #tpu.memory_space<vmem>> -> memref<1024xi32, #tpu.memory_space<vmem>>
        %dma_start3A_1432 = tpu.memref_slice %arg3[%dma_start3A_1425, %mul3A_1424] : memref<32x10240xi32, #tpu.memory_space<hbm>> -> memref<1x1024xi32, #tpu.memory_space<hbm>>
        %dma_start3A_1433 = tpu.memref_squeeze %dma_start3A_1432 : memref<1x1024xi32, #tpu.memory_space<hbm>> -> memref<1024xi32, #tpu.memory_space<hbm>>
        tpu.enqueue_dma source(%dma_start3A_1433 : memref<1024xi32, #tpu.memory_space<hbm>>) target(%dma_start3A_1431 : memref<1024xi32, #tpu.memory_space<vmem>>) target_semaphore(%arg9 : memref<!tpu.dma_semaphore, #tpu.memory_space<semaphore_mem>>)
        %mul3A_1434 = arith.constant 1024 : i32
        %mul3A_1435 = arith.muli %add3A_1334, %mul3A_1434 : i32
        %dma_start3A_1436 = arith.constant 9 : i32
        %dma_start3A_1437 = arith.constant 9216 : i32
        %dma_start3A_1438 = tpu.memref_slice %arg6[%dma_start3A_1437] : memref<65536xi32, #tpu.memory_space<vmem>> -> memref<1024xi32, #tpu.memory_space<vmem>>
        %dma_start3A_1439 = tpu.memref_slice %arg3[%dma_start3A_1436, %mul3A_1435] : memref<32x10240xi32, #tpu.memory_space<hbm>> -> memref<1x1024xi32, #tpu.memory_space<hbm>>
        %dma_start3A_1440 = tpu.memref_squeeze %dma_start3A_1439 : memref<1x1024xi32, #tpu.memory_space<hbm>> -> memref<1024xi32, #tpu.memory_space<hbm>>
        %dma_start3A_1441 = arith.constant 9216 : i32
        %dma_start3A_1442 = tpu.memref_slice %arg6[%dma_start3A_1441] : memref<65536xi32, #tpu.memory_space<vmem>> -> memref<1024xi32, #tpu.memory_space<vmem>>
        %dma_start3A_1443 = tpu.memref_slice %arg3[%dma_start3A_1436, %mul3A_1435] : memref<32x10240xi32, #tpu.memory_space<hbm>> -> memref<1x1024xi32, #tpu.memory_space<hbm>>
        %dma_start3A_1444 = tpu.memref_squeeze %dma_start3A_1443 : memref<1x1024xi32, #tpu.memory_space<hbm>> -> memref<1024xi32, #tpu.memory_space<hbm>>
        tpu.enqueue_dma source(%dma_start3A_1444 : memref<1024xi32, #tpu.memory_space<hbm>>) target(%dma_start3A_1442 : memref<1024xi32, #tpu.memory_space<vmem>>) target_semaphore(%arg9 : memref<!tpu.dma_semaphore, #tpu.memory_space<semaphore_mem>>)
        %mul3A_1445 = arith.constant 1024 : i32
        %mul3A_1446 = arith.muli %add3A_1334, %mul3A_1445 : i32
        %dma_start3A_1447 = arith.constant 10 : i32
        %dma_start3A_1448 = arith.constant 10240 : i32
        %dma_start3A_1449 = tpu.memref_slice %arg6[%dma_start3A_1448] : memref<65536xi32, #tpu.memory_space<vmem>> -> memref<1024xi32, #tpu.memory_space<vmem>>
        %dma_start3A_1450 = tpu.memref_slice %arg3[%dma_start3A_1447, %mul3A_1446] : memref<32x10240xi32, #tpu.memory_space<hbm>> -> memref<1x1024xi32, #tpu.memory_space<hbm>>
        %dma_start3A_1451 = tpu.memref_squeeze %dma_start3A_1450 : memref<1x1024xi32, #tpu.memory_space<hbm>> -> memref<1024xi32, #tpu.memory_space<hbm>>
        %dma_start3A_1452 = arith.constant 10240 : i32
        %dma_start3A_1453 = tpu.memref_slice %arg6[%dma_start3A_1452] : memref<65536xi32, #tpu.memory_space<vmem>> -> memref<1024xi32, #tpu.memory_space<vmem>>
        %dma_start3A_1454 = tpu.memref_slice %arg3[%dma_start3A_1447, %mul3A_1446] : memref<32x10240xi32, #tpu.memory_space<hbm>> -> memref<1x1024xi32, #tpu.memory_space<hbm>>
        %dma_start3A_1455 = tpu.memref_squeeze %dma_start3A_1454 : memref<1x1024xi32, #tpu.memory_space<hbm>> -> memref<1024xi32, #tpu.memory_space<hbm>>
        tpu.enqueue_dma source(%dma_start3A_1455 : memref<1024xi32, #tpu.memory_space<hbm>>) target(%dma_start3A_1453 : memref<1024xi32, #tpu.memory_space<vmem>>) target_semaphore(%arg9 : memref<!tpu.dma_semaphore, #tpu.memory_space<semaphore_mem>>)
        %mul3A_1456 = arith.constant 1024 : i32
        %mul3A_1457 = arith.muli %add3A_1334, %mul3A_1456 : i32
        %dma_start3A_1458 = arith.constant 11 : i32
        %dma_start3A_1459 = arith.constant 11264 : i32
        %dma_start3A_1460 = tpu.memref_slice %arg6[%dma_start3A_1459] : memref<65536xi32, #tpu.memory_space<vmem>> -> memref<1024xi32, #tpu.memory_space<vmem>>
        %dma_start3A_1461 = tpu.memref_slice %arg3[%dma_start3A_1458, %mul3A_1457] : memref<32x10240xi32, #tpu.memory_space<hbm>> -> memref<1x1024xi32, #tpu.memory_space<hbm>>
        %dma_start3A_1462 = tpu.memref_squeeze %dma_start3A_1461 : memref<1x1024xi32, #tpu.memory_space<hbm>> -> memref<1024xi32, #tpu.memory_space<hbm>>
        %dma_start3A_1463 = arith.constant 11264 : i32
        %dma_start3A_1464 = tpu.memref_slice %arg6[%dma_start3A_1463] : memref<65536xi32, #tpu.memory_space<vmem>> -> memref<1024xi32, #tpu.memory_space<vmem>>
        %dma_start3A_1465 = tpu.memref_slice %arg3[%dma_start3A_1458, %mul3A_1457] : memref<32x10240xi32, #tpu.memory_space<hbm>> -> memref<1x1024xi32, #tpu.memory_space<hbm>>
        %dma_start3A_1466 = tpu.memref_squeeze %dma_start3A_1465 : memref<1x1024xi32, #tpu.memory_space<hbm>> -> memref<1024xi32, #tpu.memory_space<hbm>>
        tpu.enqueue_dma source(%dma_start3A_1466 : memref<1024xi32, #tpu.memory_space<hbm>>) target(%dma_start3A_1464 : memref<1024xi32, #tpu.memory_space<vmem>>) target_semaphore(%arg9 : memref<!tpu.dma_semaphore, #tpu.memory_space<semaphore_mem>>)
        %mul3A_1467 = arith.constant 1024 : i32
        %mul3A_1468 = arith.muli %add3A_1334, %mul3A_1467 : i32
        %dma_start3A_1469 = arith.constant 12 : i32
        %dma_start3A_1470 = arith.constant 12288 : i32
        %dma_start3A_1471 = tpu.memref_slice %arg6[%dma_start3A_1470] : memref<65536xi32, #tpu.memory_space<vmem>> -> memref<1024xi32, #tpu.memory_space<vmem>>
        %dma_start3A_1472 = tpu.memref_slice %arg3[%dma_start3A_1469, %mul3A_1468] : memref<32x10240xi32, #tpu.memory_space<hbm>> -> memref<1x1024xi32, #tpu.memory_space<hbm>>
        %dma_start3A_1473 = tpu.memref_squeeze %dma_start3A_1472 : memref<1x1024xi32, #tpu.memory_space<hbm>> -> memref<1024xi32, #tpu.memory_space<hbm>>
        %dma_start3A_1474 = arith.constant 12288 : i32
        %dma_start3A_1475 = tpu.memref_slice %arg6[%dma_start3A_1474] : memref<65536xi32, #tpu.memory_space<vmem>> -> memref<1024xi32, #tpu.memory_space<vmem>>
        %dma_start3A_1476 = tpu.memref_slice %arg3[%dma_start3A_1469, %mul3A_1468] : memref<32x10240xi32, #tpu.memory_space<hbm>> -> memref<1x1024xi32, #tpu.memory_space<hbm>>
        %dma_start3A_1477 = tpu.memref_squeeze %dma_start3A_1476 : memref<1x1024xi32, #tpu.memory_space<hbm>> -> memref<1024xi32, #tpu.memory_space<hbm>>
        tpu.enqueue_dma source(%dma_start3A_1477 : memref<1024xi32, #tpu.memory_space<hbm>>) target(%dma_start3A_1475 : memref<1024xi32, #tpu.memory_space<vmem>>) target_semaphore(%arg9 : memref<!tpu.dma_semaphore, #tpu.memory_space<semaphore_mem>>)
        %mul3A_1478 = arith.constant 1024 : i32
        %mul3A_1479 = arith.muli %add3A_1334, %mul3A_1478 : i32
        %dma_start3A_1480 = arith.constant 13 : i32
        %dma_start3A_1481 = arith.constant 13312 : i32
        %dma_start3A_1482 = tpu.memref_slice %arg6[%dma_start3A_1481] : memref<65536xi32, #tpu.memory_space<vmem>> -> memref<1024xi32, #tpu.memory_space<vmem>>
        %dma_start3A_1483 = tpu.memref_slice %arg3[%dma_start3A_1480, %mul3A_1479] : memref<32x10240xi32, #tpu.memory_space<hbm>> -> memref<1x1024xi32, #tpu.memory_space<hbm>>
        %dma_start3A_1484 = tpu.memref_squeeze %dma_start3A_1483 : memref<1x1024xi32, #tpu.memory_space<hbm>> -> memref<1024xi32, #tpu.memory_space<hbm>>
        %dma_start3A_1485 = arith.constant 13312 : i32
        %dma_start3A_1486 = tpu.memref_slice %arg6[%dma_start3A_1485] : memref<65536xi32, #tpu.memory_space<vmem>> -> memref<1024xi32, #tpu.memory_space<vmem>>
        %dma_start3A_1487 = tpu.memref_slice %arg3[%dma_start3A_1480, %mul3A_1479] : memref<32x10240xi32, #tpu.memory_space<hbm>> -> memref<1x1024xi32, #tpu.memory_space<hbm>>
        %dma_start3A_1488 = tpu.memref_squeeze %dma_start3A_1487 : memref<1x1024xi32, #tpu.memory_space<hbm>> -> memref<1024xi32, #tpu.memory_space<hbm>>
        tpu.enqueue_dma source(%dma_start3A_1488 : memref<1024xi32, #tpu.memory_space<hbm>>) target(%dma_start3A_1486 : memref<1024xi32, #tpu.memory_space<vmem>>) target_semaphore(%arg9 : memref<!tpu.dma_semaphore, #tpu.memory_space<semaphore_mem>>)
        %mul3A_1489 = arith.constant 1024 : i32
        %mul3A_1490 = arith.muli %add3A_1334, %mul3A_1489 : i32
        %dma_start3A_1491 = arith.constant 14 : i32
        %dma_start3A_1492 = arith.constant 14336 : i32
        %dma_start3A_1493 = tpu.memref_slice %arg6[%dma_start3A_1492] : memref<65536xi32, #tpu.memory_space<vmem>> -> memref<1024xi32, #tpu.memory_space<vmem>>
        %dma_start3A_1494 = tpu.memref_slice %arg3[%dma_start3A_1491, %mul3A_1490] : memref<32x10240xi32, #tpu.memory_space<hbm>> -> memref<1x1024xi32, #tpu.memory_space<hbm>>
        %dma_start3A_1495 = tpu.memref_squeeze %dma_start3A_1494 : memref<1x1024xi32, #tpu.memory_space<hbm>> -> memref<1024xi32, #tpu.memory_space<hbm>>
        %dma_start3A_1496 = arith.constant 14336 : i32
        %dma_start3A_1497 = tpu.memref_slice %arg6[%dma_start3A_1496] : memref<65536xi32, #tpu.memory_space<vmem>> -> memref<1024xi32, #tpu.memory_space<vmem>>
        %dma_start3A_1498 = tpu.memref_slice %arg3[%dma_start3A_1491, %mul3A_1490] : memref<32x10240xi32, #tpu.memory_space<hbm>> -> memref<1x1024xi32, #tpu.memory_space<hbm>>
        %dma_start3A_1499 = tpu.memref_squeeze %dma_start3A_1498 : memref<1x1024xi32, #tpu.memory_space<hbm>> -> memref<1024xi32, #tpu.memory_space<hbm>>
        tpu.enqueue_dma source(%dma_start3A_1499 : memref<1024xi32, #tpu.memory_space<hbm>>) target(%dma_start3A_1497 : memref<1024xi32, #tpu.memory_space<vmem>>) target_semaphore(%arg9 : memref<!tpu.dma_semaphore, #tpu.memory_space<semaphore_mem>>)
        %mul3A_1500 = arith.constant 1024 : i32
        %mul3A_1501 = arith.muli %add3A_1334, %mul3A_1500 : i32
        %dma_start3A_1502 = arith.constant 15 : i32
        %dma_start3A_1503 = arith.constant 15360 : i32
        %dma_start3A_1504 = tpu.memref_slice %arg6[%dma_start3A_1503] : memref<65536xi32, #tpu.memory_space<vmem>> -> memref<1024xi32, #tpu.memory_space<vmem>>
        %dma_start3A_1505 = tpu.memref_slice %arg3[%dma_start3A_1502, %mul3A_1501] : memref<32x10240xi32, #tpu.memory_space<hbm>> -> memref<1x1024xi32, #tpu.memory_space<hbm>>
        %dma_start3A_1506 = tpu.memref_squeeze %dma_start3A_1505 : memref<1x1024xi32, #tpu.memory_space<hbm>> -> memref<1024xi32, #tpu.memory_space<hbm>>
        %dma_start3A_1507 = arith.constant 15360 : i32
        %dma_start3A_1508 = tpu.memref_slice %arg6[%dma_start3A_1507] : memref<65536xi32, #tpu.memory_space<vmem>> -> memref<1024xi32, #tpu.memory_space<vmem>>
        %dma_start3A_1509 = tpu.memref_slice %arg3[%dma_start3A_1502, %mul3A_1501] : memref<32x10240xi32, #tpu.memory_space<hbm>> -> memref<1x1024xi32, #tpu.memory_space<hbm>>
        %dma_start3A_1510 = tpu.memref_squeeze %dma_start3A_1509 : memref<1x1024xi32, #tpu.memory_space<hbm>> -> memref<1024xi32, #tpu.memory_space<hbm>>
        tpu.enqueue_dma source(%dma_start3A_1510 : memref<1024xi32, #tpu.memory_space<hbm>>) target(%dma_start3A_1508 : memref<1024xi32, #tpu.memory_space<vmem>>) target_semaphore(%arg9 : memref<!tpu.dma_semaphore, #tpu.memory_space<semaphore_mem>>)
        %mul3A_1511 = arith.constant 1024 : i32
        %mul3A_1512 = arith.muli %add3A_1334, %mul3A_1511 : i32
        %dma_start3A_1513 = arith.constant 16 : i32
        %dma_start3A_1514 = arith.constant 16384 : i32
        %dma_start3A_1515 = tpu.memref_slice %arg6[%dma_start3A_1514] : memref<65536xi32, #tpu.memory_space<vmem>> -> memref<1024xi32, #tpu.memory_space<vmem>>
        %dma_start3A_1516 = tpu.memref_slice %arg3[%dma_start3A_1513, %mul3A_1512] : memref<32x10240xi32, #tpu.memory_space<hbm>> -> memref<1x1024xi32, #tpu.memory_space<hbm>>
        %dma_start3A_1517 = tpu.memref_squeeze %dma_start3A_1516 : memref<1x1024xi32, #tpu.memory_space<hbm>> -> memref<1024xi32, #tpu.memory_space<hbm>>
        %dma_start3A_1518 = arith.constant 16384 : i32
        %dma_start3A_1519 = tpu.memref_slice %arg6[%dma_start3A_1518] : memref<65536xi32, #tpu.memory_space<vmem>> -> memref<1024xi32, #tpu.memory_space<vmem>>
        %dma_start3A_1520 = tpu.memref_slice %arg3[%dma_start3A_1513, %mul3A_1512] : memref<32x10240xi32, #tpu.memory_space<hbm>> -> memref<1x1024xi32, #tpu.memory_space<hbm>>
        %dma_start3A_1521 = tpu.memref_squeeze %dma_start3A_1520 : memref<1x1024xi32, #tpu.memory_space<hbm>> -> memref<1024xi32, #tpu.memory_space<hbm>>
        tpu.enqueue_dma source(%dma_start3A_1521 : memref<1024xi32, #tpu.memory_space<hbm>>) target(%dma_start3A_1519 : memref<1024xi32, #tpu.memory_space<vmem>>) target_semaphore(%arg9 : memref<!tpu.dma_semaphore, #tpu.memory_space<semaphore_mem>>)
        %mul3A_1522 = arith.constant 1024 : i32
        %mul3A_1523 = arith.muli %add3A_1334, %mul3A_1522 : i32
        %dma_start3A_1524 = arith.constant 17 : i32
        %dma_start3A_1525 = arith.constant 17408 : i32
        %dma_start3A_1526 = tpu.memref_slice %arg6[%dma_start3A_1525] : memref<65536xi32, #tpu.memory_space<vmem>> -> memref<1024xi32, #tpu.memory_space<vmem>>
        %dma_start3A_1527 = tpu.memref_slice %arg3[%dma_start3A_1524, %mul3A_1523] : memref<32x10240xi32, #tpu.memory_space<hbm>> -> memref<1x1024xi32, #tpu.memory_space<hbm>>
        %dma_start3A_1528 = tpu.memref_squeeze %dma_start3A_1527 : memref<1x1024xi32, #tpu.memory_space<hbm>> -> memref<1024xi32, #tpu.memory_space<hbm>>
        %dma_start3A_1529 = arith.constant 17408 : i32
        %dma_start3A_1530 = tpu.memref_slice %arg6[%dma_start3A_1529] : memref<65536xi32, #tpu.memory_space<vmem>> -> memref<1024xi32, #tpu.memory_space<vmem>>
        %dma_start3A_1531 = tpu.memref_slice %arg3[%dma_start3A_1524, %mul3A_1523] : memref<32x10240xi32, #tpu.memory_space<hbm>> -> memref<1x1024xi32, #tpu.memory_space<hbm>>
        %dma_start3A_1532 = tpu.memref_squeeze %dma_start3A_1531 : memref<1x1024xi32, #tpu.memory_space<hbm>> -> memref<1024xi32, #tpu.memory_space<hbm>>
        tpu.enqueue_dma source(%dma_start3A_1532 : memref<1024xi32, #tpu.memory_space<hbm>>) target(%dma_start3A_1530 : memref<1024xi32, #tpu.memory_space<vmem>>) target_semaphore(%arg9 : memref<!tpu.dma_semaphore, #tpu.memory_space<semaphore_mem>>)
        %mul3A_1533 = arith.constant 1024 : i32
        %mul3A_1534 = arith.muli %add3A_1334, %mul3A_1533 : i32
        %dma_start3A_1535 = arith.constant 18 : i32
        %dma_start3A_1536 = arith.constant 18432 : i32
        %dma_start3A_1537 = tpu.memref_slice %arg6[%dma_start3A_1536] : memref<65536xi32, #tpu.memory_space<vmem>> -> memref<1024xi32, #tpu.memory_space<vmem>>
        %dma_start3A_1538 = tpu.memref_slice %arg3[%dma_start3A_1535, %mul3A_1534] : memref<32x10240xi32, #tpu.memory_space<hbm>> -> memref<1x1024xi32, #tpu.memory_space<hbm>>
        %dma_start3A_1539 = tpu.memref_squeeze %dma_start3A_1538 : memref<1x1024xi32, #tpu.memory_space<hbm>> -> memref<1024xi32, #tpu.memory_space<hbm>>
        %dma_start3A_1540 = arith.constant 18432 : i32
        %dma_start3A_1541 = tpu.memref_slice %arg6[%dma_start3A_1540] : memref<65536xi32, #tpu.memory_space<vmem>> -> memref<1024xi32, #tpu.memory_space<vmem>>
        %dma_start3A_1542 = tpu.memref_slice %arg3[%dma_start3A_1535, %mul3A_1534] : memref<32x10240xi32, #tpu.memory_space<hbm>> -> memref<1x1024xi32, #tpu.memory_space<hbm>>
        %dma_start3A_1543 = tpu.memref_squeeze %dma_start3A_1542 : memref<1x1024xi32, #tpu.memory_space<hbm>> -> memref<1024xi32, #tpu.memory_space<hbm>>
        tpu.enqueue_dma source(%dma_start3A_1543 : memref<1024xi32, #tpu.memory_space<hbm>>) target(%dma_start3A_1541 : memref<1024xi32, #tpu.memory_space<vmem>>) target_semaphore(%arg9 : memref<!tpu.dma_semaphore, #tpu.memory_space<semaphore_mem>>)
        %mul3A_1544 = arith.constant 1024 : i32
        %mul3A_1545 = arith.muli %add3A_1334, %mul3A_1544 : i32
        %dma_start3A_1546 = arith.constant 19 : i32
        %dma_start3A_1547 = arith.constant 19456 : i32
        %dma_start3A_1548 = tpu.memref_slice %arg6[%dma_start3A_1547] : memref<65536xi32, #tpu.memory_space<vmem>> -> memref<1024xi32, #tpu.memory_space<vmem>>
        %dma_start3A_1549 = tpu.memref_slice %arg3[%dma_start3A_1546, %mul3A_1545] : memref<32x10240xi32, #tpu.memory_space<hbm>> -> memref<1x1024xi32, #tpu.memory_space<hbm>>
        %dma_start3A_1550 = tpu.memref_squeeze %dma_start3A_1549 : memref<1x1024xi32, #tpu.memory_space<hbm>> -> memref<1024xi32, #tpu.memory_space<hbm>>
        %dma_start3A_1551 = arith.constant 19456 : i32
        %dma_start3A_1552 = tpu.memref_slice %arg6[%dma_start3A_1551] : memref<65536xi32, #tpu.memory_space<vmem>> -> memref<1024xi32, #tpu.memory_space<vmem>>
        %dma_start3A_1553 = tpu.memref_slice %arg3[%dma_start3A_1546, %mul3A_1545] : memref<32x10240xi32, #tpu.memory_space<hbm>> -> memref<1x1024xi32, #tpu.memory_space<hbm>>
        %dma_start3A_1554 = tpu.memref_squeeze %dma_start3A_1553 : memref<1x1024xi32, #tpu.memory_space<hbm>> -> memref<1024xi32, #tpu.memory_space<hbm>>
        tpu.enqueue_dma source(%dma_start3A_1554 : memref<1024xi32, #tpu.memory_space<hbm>>) target(%dma_start3A_1552 : memref<1024xi32, #tpu.memory_space<vmem>>) target_semaphore(%arg9 : memref<!tpu.dma_semaphore, #tpu.memory_space<semaphore_mem>>)
        %mul3A_1555 = arith.constant 1024 : i32
        %mul3A_1556 = arith.muli %add3A_1334, %mul3A_1555 : i32
        %dma_start3A_1557 = arith.constant 20 : i32
        %dma_start3A_1558 = arith.constant 20480 : i32
        %dma_start3A_1559 = tpu.memref_slice %arg6[%dma_start3A_1558] : memref<65536xi32, #tpu.memory_space<vmem>> -> memref<1024xi32, #tpu.memory_space<vmem>>
        %dma_start3A_1560 = tpu.memref_slice %arg3[%dma_start3A_1557, %mul3A_1556] : memref<32x10240xi32, #tpu.memory_space<hbm>> -> memref<1x1024xi32, #tpu.memory_space<hbm>>
        %dma_start3A_1561 = tpu.memref_squeeze %dma_start3A_1560 : memref<1x1024xi32, #tpu.memory_space<hbm>> -> memref<1024xi32, #tpu.memory_space<hbm>>
        %dma_start3A_1562 = arith.constant 20480 : i32
        %dma_start3A_1563 = tpu.memref_slice %arg6[%dma_start3A_1562] : memref<65536xi32, #tpu.memory_space<vmem>> -> memref<1024xi32, #tpu.memory_space<vmem>>
        %dma_start3A_1564 = tpu.memref_slice %arg3[%dma_start3A_1557, %mul3A_1556] : memref<32x10240xi32, #tpu.memory_space<hbm>> -> memref<1x1024xi32, #tpu.memory_space<hbm>>
        %dma_start3A_1565 = tpu.memref_squeeze %dma_start3A_1564 : memref<1x1024xi32, #tpu.memory_space<hbm>> -> memref<1024xi32, #tpu.memory_space<hbm>>
        tpu.enqueue_dma source(%dma_start3A_1565 : memref<1024xi32, #tpu.memory_space<hbm>>) target(%dma_start3A_1563 : memref<1024xi32, #tpu.memory_space<vmem>>) target_semaphore(%arg9 : memref<!tpu.dma_semaphore, #tpu.memory_space<semaphore_mem>>)
        %mul3A_1566 = arith.constant 1024 : i32
        %mul3A_1567 = arith.muli %add3A_1334, %mul3A_1566 : i32
        %dma_start3A_1568 = arith.constant 21 : i32
        %dma_start3A_1569 = arith.constant 21504 : i32
        %dma_start3A_1570 = tpu.memref_slice %arg6[%dma_start3A_1569] : memref<65536xi32, #tpu.memory_space<vmem>> -> memref<1024xi32, #tpu.memory_space<vmem>>
        %dma_start3A_1571 = tpu.memref_slice %arg3[%dma_start3A_1568, %mul3A_1567] : memref<32x10240xi32, #tpu.memory_space<hbm>> -> memref<1x1024xi32, #tpu.memory_space<hbm>>
        %dma_start3A_1572 = tpu.memref_squeeze %dma_start3A_1571 : memref<1x1024xi32, #tpu.memory_space<hbm>> -> memref<1024xi32, #tpu.memory_space<hbm>>
        %dma_start3A_1573 = arith.constant 21504 : i32
        %dma_start3A_1574 = tpu.memref_slice %arg6[%dma_start3A_1573] : memref<65536xi32, #tpu.memory_space<vmem>> -> memref<1024xi32, #tpu.memory_space<vmem>>
        %dma_start3A_1575 = tpu.memref_slice %arg3[%dma_start3A_1568, %mul3A_1567] : memref<32x10240xi32, #tpu.memory_space<hbm>> -> memref<1x1024xi32, #tpu.memory_space<hbm>>
        %dma_start3A_1576 = tpu.memref_squeeze %dma_start3A_1575 : memref<1x1024xi32, #tpu.memory_space<hbm>> -> memref<1024xi32, #tpu.memory_space<hbm>>
        tpu.enqueue_dma source(%dma_start3A_1576 : memref<1024xi32, #tpu.memory_space<hbm>>) target(%dma_start3A_1574 : memref<1024xi32, #tpu.memory_space<vmem>>) target_semaphore(%arg9 : memref<!tpu.dma_semaphore, #tpu.memory_space<semaphore_mem>>)
        %mul3A_1577 = arith.constant 1024 : i32
        %mul3A_1578 = arith.muli %add3A_1334, %mul3A_1577 : i32
        %dma_start3A_1579 = arith.constant 22 : i32
        %dma_start3A_1580 = arith.constant 22528 : i32
        %dma_start3A_1581 = tpu.memref_slice %arg6[%dma_start3A_1580] : memref<65536xi32, #tpu.memory_space<vmem>> -> memref<1024xi32, #tpu.memory_space<vmem>>
        %dma_start3A_1582 = tpu.memref_slice %arg3[%dma_start3A_1579, %mul3A_1578] : memref<32x10240xi32, #tpu.memory_space<hbm>> -> memref<1x1024xi32, #tpu.memory_space<hbm>>
        %dma_start3A_1583 = tpu.memref_squeeze %dma_start3A_1582 : memref<1x1024xi32, #tpu.memory_space<hbm>> -> memref<1024xi32, #tpu.memory_space<hbm>>
        %dma_start3A_1584 = arith.constant 22528 : i32
        %dma_start3A_1585 = tpu.memref_slice %arg6[%dma_start3A_1584] : memref<65536xi32, #tpu.memory_space<vmem>> -> memref<1024xi32, #tpu.memory_space<vmem>>
        %dma_start3A_1586 = tpu.memref_slice %arg3[%dma_start3A_1579, %mul3A_1578] : memref<32x10240xi32, #tpu.memory_space<hbm>> -> memref<1x1024xi32, #tpu.memory_space<hbm>>
        %dma_start3A_1587 = tpu.memref_squeeze %dma_start3A_1586 : memref<1x1024xi32, #tpu.memory_space<hbm>> -> memref<1024xi32, #tpu.memory_space<hbm>>
        tpu.enqueue_dma source(%dma_start3A_1587 : memref<1024xi32, #tpu.memory_space<hbm>>) target(%dma_start3A_1585 : memref<1024xi32, #tpu.memory_space<vmem>>) target_semaphore(%arg9 : memref<!tpu.dma_semaphore, #tpu.memory_space<semaphore_mem>>)
        %mul3A_1588 = arith.constant 1024 : i32
        %mul3A_1589 = arith.muli %add3A_1334, %mul3A_1588 : i32
        %dma_start3A_1590 = arith.constant 23 : i32
        %dma_start3A_1591 = arith.constant 23552 : i32
        %dma_start3A_1592 = tpu.memref_slice %arg6[%dma_start3A_1591] : memref<65536xi32, #tpu.memory_space<vmem>> -> memref<1024xi32, #tpu.memory_space<vmem>>
        %dma_start3A_1593 = tpu.memref_slice %arg3[%dma_start3A_1590, %mul3A_1589] : memref<32x10240xi32, #tpu.memory_space<hbm>> -> memref<1x1024xi32, #tpu.memory_space<hbm>>
        %dma_start3A_1594 = tpu.memref_squeeze %dma_start3A_1593 : memref<1x1024xi32, #tpu.memory_space<hbm>> -> memref<1024xi32, #tpu.memory_space<hbm>>
        %dma_start3A_1595 = arith.constant 23552 : i32
        %dma_start3A_1596 = tpu.memref_slice %arg6[%dma_start3A_1595] : memref<65536xi32, #tpu.memory_space<vmem>> -> memref<1024xi32, #tpu.memory_space<vmem>>
        %dma_start3A_1597 = tpu.memref_slice %arg3[%dma_start3A_1590, %mul3A_1589] : memref<32x10240xi32, #tpu.memory_space<hbm>> -> memref<1x1024xi32, #tpu.memory_space<hbm>>
        %dma_start3A_1598 = tpu.memref_squeeze %dma_start3A_1597 : memref<1x1024xi32, #tpu.memory_space<hbm>> -> memref<1024xi32, #tpu.memory_space<hbm>>
        tpu.enqueue_dma source(%dma_start3A_1598 : memref<1024xi32, #tpu.memory_space<hbm>>) target(%dma_start3A_1596 : memref<1024xi32, #tpu.memory_space<vmem>>) target_semaphore(%arg9 : memref<!tpu.dma_semaphore, #tpu.memory_space<semaphore_mem>>)
        %mul3A_1599 = arith.constant 1024 : i32
        %mul3A_1600 = arith.muli %add3A_1334, %mul3A_1599 : i32
        %dma_start3A_1601 = arith.constant 24 : i32
        %dma_start3A_1602 = arith.constant 24576 : i32
        %dma_start3A_1603 = tpu.memref_slice %arg6[%dma_start3A_1602] : memref<65536xi32, #tpu.memory_space<vmem>> -> memref<1024xi32, #tpu.memory_space<vmem>>
        %dma_start3A_1604 = tpu.memref_slice %arg3[%dma_start3A_1601, %mul3A_1600] : memref<32x10240xi32, #tpu.memory_space<hbm>> -> memref<1x1024xi32, #tpu.memory_space<hbm>>
        %dma_start3A_1605 = tpu.memref_squeeze %dma_start3A_1604 : memref<1x1024xi32, #tpu.memory_space<hbm>> -> memref<1024xi32, #tpu.memory_space<hbm>>
        %dma_start3A_1606 = arith.constant 24576 : i32
        %dma_start3A_1607 = tpu.memref_slice %arg6[%dma_start3A_1606] : memref<65536xi32, #tpu.memory_space<vmem>> -> memref<1024xi32, #tpu.memory_space<vmem>>
        %dma_start3A_1608 = tpu.memref_slice %arg3[%dma_start3A_1601, %mul3A_1600] : memref<32x10240xi32, #tpu.memory_space<hbm>> -> memref<1x1024xi32, #tpu.memory_space<hbm>>
        %dma_start3A_1609 = tpu.memref_squeeze %dma_start3A_1608 : memref<1x1024xi32, #tpu.memory_space<hbm>> -> memref<1024xi32, #tpu.memory_space<hbm>>
        tpu.enqueue_dma source(%dma_start3A_1609 : memref<1024xi32, #tpu.memory_space<hbm>>) target(%dma_start3A_1607 : memref<1024xi32, #tpu.memory_space<vmem>>) target_semaphore(%arg9 : memref<!tpu.dma_semaphore, #tpu.memory_space<semaphore_mem>>)
        %mul3A_1610 = arith.constant 1024 : i32
        %mul3A_1611 = arith.muli %add3A_1334, %mul3A_1610 : i32
        %dma_start3A_1612 = arith.constant 25 : i32
        %dma_start3A_1613 = arith.constant 25600 : i32
        %dma_start3A_1614 = tpu.memref_slice %arg6[%dma_start3A_1613] : memref<65536xi32, #tpu.memory_space<vmem>> -> memref<1024xi32, #tpu.memory_space<vmem>>
        %dma_start3A_1615 = tpu.memref_slice %arg3[%dma_start3A_1612, %mul3A_1611] : memref<32x10240xi32, #tpu.memory_space<hbm>> -> memref<1x1024xi32, #tpu.memory_space<hbm>>
        %dma_start3A_1616 = tpu.memref_squeeze %dma_start3A_1615 : memref<1x1024xi32, #tpu.memory_space<hbm>> -> memref<1024xi32, #tpu.memory_space<hbm>>
        %dma_start3A_1617 = arith.constant 25600 : i32
        %dma_start3A_1618 = tpu.memref_slice %arg6[%dma_start3A_1617] : memref<65536xi32, #tpu.memory_space<vmem>> -> memref<1024xi32, #tpu.memory_space<vmem>>
        %dma_start3A_1619 = tpu.memref_slice %arg3[%dma_start3A_1612, %mul3A_1611] : memref<32x10240xi32, #tpu.memory_space<hbm>> -> memref<1x1024xi32, #tpu.memory_space<hbm>>
        %dma_start3A_1620 = tpu.memref_squeeze %dma_start3A_1619 : memref<1x1024xi32, #tpu.memory_space<hbm>> -> memref<1024xi32, #tpu.memory_space<hbm>>
        tpu.enqueue_dma source(%dma_start3A_1620 : memref<1024xi32, #tpu.memory_space<hbm>>) target(%dma_start3A_1618 : memref<1024xi32, #tpu.memory_space<vmem>>) target_semaphore(%arg9 : memref<!tpu.dma_semaphore, #tpu.memory_space<semaphore_mem>>)
        %mul3A_1621 = arith.constant 1024 : i32
        %mul3A_1622 = arith.muli %add3A_1334, %mul3A_1621 : i32
        %dma_start3A_1623 = arith.constant 26 : i32
        %dma_start3A_1624 = arith.constant 26624 : i32
        %dma_start3A_1625 = tpu.memref_slice %arg6[%dma_start3A_1624] : memref<65536xi32, #tpu.memory_space<vmem>> -> memref<1024xi32, #tpu.memory_space<vmem>>
        %dma_start3A_1626 = tpu.memref_slice %arg3[%dma_start3A_1623, %mul3A_1622] : memref<32x10240xi32, #tpu.memory_space<hbm>> -> memref<1x1024xi32, #tpu.memory_space<hbm>>
        %dma_start3A_1627 = tpu.memref_squeeze %dma_start3A_1626 : memref<1x1024xi32, #tpu.memory_space<hbm>> -> memref<1024xi32, #tpu.memory_space<hbm>>
        %dma_start3A_1628 = arith.constant 26624 : i32
        %dma_start3A_1629 = tpu.memref_slice %arg6[%dma_start3A_1628] : memref<65536xi32, #tpu.memory_space<vmem>> -> memref<1024xi32, #tpu.memory_space<vmem>>
        %dma_start3A_1630 = tpu.memref_slice %arg3[%dma_start3A_1623, %mul3A_1622] : memref<32x10240xi32, #tpu.memory_space<hbm>> -> memref<1x1024xi32, #tpu.memory_space<hbm>>
        %dma_start3A_1631 = tpu.memref_squeeze %dma_start3A_1630 : memref<1x1024xi32, #tpu.memory_space<hbm>> -> memref<1024xi32, #tpu.memory_space<hbm>>
        tpu.enqueue_dma source(%dma_start3A_1631 : memref<1024xi32, #tpu.memory_space<hbm>>) target(%dma_start3A_1629 : memref<1024xi32, #tpu.memory_space<vmem>>) target_semaphore(%arg9 : memref<!tpu.dma_semaphore, #tpu.memory_space<semaphore_mem>>)
        %mul3A_1632 = arith.constant 1024 : i32
        %mul3A_1633 = arith.muli %add3A_1334, %mul3A_1632 : i32
        %dma_start3A_1634 = arith.constant 27 : i32
        %dma_start3A_1635 = arith.constant 27648 : i32
        %dma_start3A_1636 = tpu.memref_slice %arg6[%dma_start3A_1635] : memref<65536xi32, #tpu.memory_space<vmem>> -> memref<1024xi32, #tpu.memory_space<vmem>>
        %dma_start3A_1637 = tpu.memref_slice %arg3[%dma_start3A_1634, %mul3A_1633] : memref<32x10240xi32, #tpu.memory_space<hbm>> -> memref<1x1024xi32, #tpu.memory_space<hbm>>
        %dma_start3A_1638 = tpu.memref_squeeze %dma_start3A_1637 : memref<1x1024xi32, #tpu.memory_space<hbm>> -> memref<1024xi32, #tpu.memory_space<hbm>>
        %dma_start3A_1639 = arith.constant 27648 : i32
        %dma_start3A_1640 = tpu.memref_slice %arg6[%dma_start3A_1639] : memref<65536xi32, #tpu.memory_space<vmem>> -> memref<1024xi32, #tpu.memory_space<vmem>>
        %dma_start3A_1641 = tpu.memref_slice %arg3[%dma_start3A_1634, %mul3A_1633] : memref<32x10240xi32, #tpu.memory_space<hbm>> -> memref<1x1024xi32, #tpu.memory_space<hbm>>
        %dma_start3A_1642 = tpu.memref_squeeze %dma_start3A_1641 : memref<1x1024xi32, #tpu.memory_space<hbm>> -> memref<1024xi32, #tpu.memory_space<hbm>>
        tpu.enqueue_dma source(%dma_start3A_1642 : memref<1024xi32, #tpu.memory_space<hbm>>) target(%dma_start3A_1640 : memref<1024xi32, #tpu.memory_space<vmem>>) target_semaphore(%arg9 : memref<!tpu.dma_semaphore, #tpu.memory_space<semaphore_mem>>)
        %mul3A_1643 = arith.constant 1024 : i32
        %mul3A_1644 = arith.muli %add3A_1334, %mul3A_1643 : i32
        %dma_start3A_1645 = arith.constant 28 : i32
        %dma_start3A_1646 = arith.constant 28672 : i32
        %dma_start3A_1647 = tpu.memref_slice %arg6[%dma_start3A_1646] : memref<65536xi32, #tpu.memory_space<vmem>> -> memref<1024xi32, #tpu.memory_space<vmem>>
        %dma_start3A_1648 = tpu.memref_slice %arg3[%dma_start3A_1645, %mul3A_1644] : memref<32x10240xi32, #tpu.memory_space<hbm>> -> memref<1x1024xi32, #tpu.memory_space<hbm>>
        %dma_start3A_1649 = tpu.memref_squeeze %dma_start3A_1648 : memref<1x1024xi32, #tpu.memory_space<hbm>> -> memref<1024xi32, #tpu.memory_space<hbm>>
        %dma_start3A_1650 = arith.constant 28672 : i32
        %dma_start3A_1651 = tpu.memref_slice %arg6[%dma_start3A_1650] : memref<65536xi32, #tpu.memory_space<vmem>> -> memref<1024xi32, #tpu.memory_space<vmem>>
        %dma_start3A_1652 = tpu.memref_slice %arg3[%dma_start3A_1645, %mul3A_1644] : memref<32x10240xi32, #tpu.memory_space<hbm>> -> memref<1x1024xi32, #tpu.memory_space<hbm>>
        %dma_start3A_1653 = tpu.memref_squeeze %dma_start3A_1652 : memref<1x1024xi32, #tpu.memory_space<hbm>> -> memref<1024xi32, #tpu.memory_space<hbm>>
        tpu.enqueue_dma source(%dma_start3A_1653 : memref<1024xi32, #tpu.memory_space<hbm>>) target(%dma_start3A_1651 : memref<1024xi32, #tpu.memory_space<vmem>>) target_semaphore(%arg9 : memref<!tpu.dma_semaphore, #tpu.memory_space<semaphore_mem>>)
        %mul3A_1654 = arith.constant 1024 : i32
        %mul3A_1655 = arith.muli %add3A_1334, %mul3A_1654 : i32
        %dma_start3A_1656 = arith.constant 29 : i32
        %dma_start3A_1657 = arith.constant 29696 : i32
        %dma_start3A_1658 = tpu.memref_slice %arg6[%dma_start3A_1657] : memref<65536xi32, #tpu.memory_space<vmem>> -> memref<1024xi32, #tpu.memory_space<vmem>>
        %dma_start3A_1659 = tpu.memref_slice %arg3[%dma_start3A_1656, %mul3A_1655] : memref<32x10240xi32, #tpu.memory_space<hbm>> -> memref<1x1024xi32, #tpu.memory_space<hbm>>
        %dma_start3A_1660 = tpu.memref_squeeze %dma_start3A_1659 : memref<1x1024xi32, #tpu.memory_space<hbm>> -> memref<1024xi32, #tpu.memory_space<hbm>>
        %dma_start3A_1661 = arith.constant 29696 : i32
        %dma_start3A_1662 = tpu.memref_slice %arg6[%dma_start3A_1661] : memref<65536xi32, #tpu.memory_space<vmem>> -> memref<1024xi32, #tpu.memory_space<vmem>>
        %dma_start3A_1663 = tpu.memref_slice %arg3[%dma_start3A_1656, %mul3A_1655] : memref<32x10240xi32, #tpu.memory_space<hbm>> -> memref<1x1024xi32, #tpu.memory_space<hbm>>
        %dma_start3A_1664 = tpu.memref_squeeze %dma_start3A_1663 : memref<1x1024xi32, #tpu.memory_space<hbm>> -> memref<1024xi32, #tpu.memory_space<hbm>>
        tpu.enqueue_dma source(%dma_start3A_1664 : memref<1024xi32, #tpu.memory_space<hbm>>) target(%dma_start3A_1662 : memref<1024xi32, #tpu.memory_space<vmem>>) target_semaphore(%arg9 : memref<!tpu.dma_semaphore, #tpu.memory_space<semaphore_mem>>)
        %mul3A_1665 = arith.constant 1024 : i32
        %mul3A_1666 = arith.muli %add3A_1334, %mul3A_1665 : i32
        %dma_start3A_1667 = arith.constant 30 : i32
        %dma_start3A_1668 = arith.constant 30720 : i32
        %dma_start3A_1669 = tpu.memref_slice %arg6[%dma_start3A_1668] : memref<65536xi32, #tpu.memory_space<vmem>> -> memref<1024xi32, #tpu.memory_space<vmem>>
        %dma_start3A_1670 = tpu.memref_slice %arg3[%dma_start3A_1667, %mul3A_1666] : memref<32x10240xi32, #tpu.memory_space<hbm>> -> memref<1x1024xi32, #tpu.memory_space<hbm>>
        %dma_start3A_1671 = tpu.memref_squeeze %dma_start3A_1670 : memref<1x1024xi32, #tpu.memory_space<hbm>> -> memref<1024xi32, #tpu.memory_space<hbm>>
        %dma_start3A_1672 = arith.constant 30720 : i32
        %dma_start3A_1673 = tpu.memref_slice %arg6[%dma_start3A_1672] : memref<65536xi32, #tpu.memory_space<vmem>> -> memref<1024xi32, #tpu.memory_space<vmem>>
        %dma_start3A_1674 = tpu.memref_slice %arg3[%dma_start3A_1667, %mul3A_1666] : memref<32x10240xi32, #tpu.memory_space<hbm>> -> memref<1x1024xi32, #tpu.memory_space<hbm>>
        %dma_start3A_1675 = tpu.memref_squeeze %dma_start3A_1674 : memref<1x1024xi32, #tpu.memory_space<hbm>> -> memref<1024xi32, #tpu.memory_space<hbm>>
        tpu.enqueue_dma source(%dma_start3A_1675 : memref<1024xi32, #tpu.memory_space<hbm>>) target(%dma_start3A_1673 : memref<1024xi32, #tpu.memory_space<vmem>>) target_semaphore(%arg9 : memref<!tpu.dma_semaphore, #tpu.memory_space<semaphore_mem>>)
        %mul3A_1676 = arith.constant 1024 : i32
        %mul3A_1677 = arith.muli %add3A_1334, %mul3A_1676 : i32
        %dma_start3A_1678 = arith.constant 31 : i32
        %dma_start3A_1679 = arith.constant 31744 : i32
        %dma_start3A_1680 = tpu.memref_slice %arg6[%dma_start3A_1679] : memref<65536xi32, #tpu.memory_space<vmem>> -> memref<1024xi32, #tpu.memory_space<vmem>>
        %dma_start3A_1681 = tpu.memref_slice %arg3[%dma_start3A_1678, %mul3A_1677] : memref<32x10240xi32, #tpu.memory_space<hbm>> -> memref<1x1024xi32, #tpu.memory_space<hbm>>
        %dma_start3A_1682 = tpu.memref_squeeze %dma_start3A_1681 : memref<1x1024xi32, #tpu.memory_space<hbm>> -> memref<1024xi32, #tpu.memory_space<hbm>>
        %dma_start3A_1683 = arith.constant 31744 : i32
        %dma_start3A_1684 = tpu.memref_slice %arg6[%dma_start3A_1683] : memref<65536xi32, #tpu.memory_space<vmem>> -> memref<1024xi32, #tpu.memory_space<vmem>>
        %dma_start3A_1685 = tpu.memref_slice %arg3[%dma_start3A_1678, %mul3A_1677] : memref<32x10240xi32, #tpu.memory_space<hbm>> -> memref<1x1024xi32, #tpu.memory_space<hbm>>
        %dma_start3A_1686 = tpu.memref_squeeze %dma_start3A_1685 : memref<1x1024xi32, #tpu.memory_space<hbm>> -> memref<1024xi32, #tpu.memory_space<hbm>>
        tpu.enqueue_dma source(%dma_start3A_1686 : memref<1024xi32, #tpu.memory_space<hbm>>) target(%dma_start3A_1684 : memref<1024xi32, #tpu.memory_space<vmem>>) target_semaphore(%arg9 : memref<!tpu.dma_semaphore, #tpu.memory_space<semaphore_mem>>)
      } else {
      }
      %scan3A_1287 = arith.constant 0 : i32
      %scan3A_1288 = arith.constant 0 : i32
      %scan3A_1289 = arith.constant 64 : i32
      %scan3A_1290 = arith.addi %scan3A_1288, %scan3A_1289 : i32
      %scan3A_1291 = arith.constant 1 : i32
      scf.for %scan3A_1333 = %scan3A_1288 to %scan3A_1290 step %scan3A_1291  : i32 {
        %mul3A_1334 = arith.constant 16 : i32
        %mul3A_1335 = arith.muli %scan3A_1333, %mul3A_1334 : i32
        %add3A_1336 = arith.constant 32768 : i32
        %add3A_1337 = arith.addi %add3A_1336, %mul3A_1335 : i32
        %mul3A_1338 = arith.constant 16 : i32
        %mul3A_1339 = arith.muli %scan3A_1333, %mul3A_1338 : i32
        %add3A_1340 = arith.constant 4096 : i32
        %add3A_1341 = arith.addi %add3A_1340, %mul3A_1339 : i32
        %broadcast_in_dim3A_1342 = arith.constant 0 : i32
        %broadcast_in_dim3A_1343 = vector.broadcast %broadcast_in_dim3A_1342 : i32 to vector<16xi32>
        %broadcast_in_dim3A_1344 = arith.constant 0 : i32
        %broadcast_in_dim3A_1345 = vector.broadcast %broadcast_in_dim3A_1344 : i32 to vector<16xi32>
        %broadcast_in_dim3A_1346 = arith.constant 0 : i32
        %broadcast_in_dim3A_1347 = vector.broadcast %broadcast_in_dim3A_1346 : i32 to vector<16xi32>
        %broadcast_in_dim3A_1348 = arith.constant 0 : i32
        %broadcast_in_dim3A_1349 = vector.broadcast %broadcast_in_dim3A_1348 : i32 to vector<16xi32>
        %add3A_1350 = arith.constant 0 : i32
        %add3A_1351 = arith.addi %add3A_1337, %add3A_1350 : i32
        %get3A = arith.index_cast %add3A_1351 : i32 to index
        %get3A_1352 = tpu.vector_load %arg6[%get3A] {strides = array<i32>} : memref<65536xi32, #tpu.memory_space<vmem>>, vector<16xi32>,
        %gather3A = tpu.vector_load_idx %arg5[%get3A_1352] : memref<20480xi32, #tpu.memory_space<vmem>>[vector<16xi32>], vector<16xi32>,
        %shift_right_arithmetic3A = arith.shrsi %gather3A, %broadcast_in_dim3A_418 : vector<16xi32>
        %add3A_1353 = arith.addi %broadcast_in_dim3A_1343, %shift_right_arithmetic3A : vector<16xi32>
        %and3A = arith.andi %gather3A, %broadcast_in_dim3A_420 : vector<16xi32>
        %add3A_1354 = arith.addi %broadcast_in_dim3A_1345, %and3A : vector<16xi32>
        %add3A_1355 = arith.addi %get3A_1352, %broadcast_in_dim3A_416 : vector<16xi32>
        %gather3A_1356 = tpu.vector_load_idx %arg5[%add3A_1355] : memref<20480xi32, #tpu.memory_space<vmem>>[vector<16xi32>], vector<16xi32>,
        %shift_right_arithmetic3A_1357 = arith.shrsi %gather3A_1356, %broadcast_in_dim3A_418 : vector<16xi32>
        %add3A_1358 = arith.addi %broadcast_in_dim3A_1347, %shift_right_arithmetic3A_1357 : vector<16xi32>
        %and3A_1359 = arith.andi %gather3A_1356, %broadcast_in_dim3A_420 : vector<16xi32>
        %add3A_1360 = arith.addi %broadcast_in_dim3A_1349, %and3A_1359 : vector<16xi32>
        %add3A_1361 = arith.constant 1024 : i32
        %add3A_1362 = arith.addi %add3A_1337, %add3A_1361 : i32
        %get3A_1363 = arith.index_cast %add3A_1362 : i32 to index
        %get3A_1364 = tpu.vector_load %arg6[%get3A_1363] {strides = array<i32>} : memref<65536xi32, #tpu.memory_space<vmem>>, vector<16xi32>,
        %gather3A_1365 = tpu.vector_load_idx %arg5[%get3A_1364] : memref<20480xi32, #tpu.memory_space<vmem>>[vector<16xi32>], vector<16xi32>,
        %shift_right_arithmetic3A_1366 = arith.shrsi %gather3A_1365, %broadcast_in_dim3A_418 : vector<16xi32>
        %add3A_1367 = arith.addi %add3A_1353, %shift_right_arithmetic3A_1366 : vector<16xi32>
        %and3A_1368 = arith.andi %gather3A_1365, %broadcast_in_dim3A_420 : vector<16xi32>
        %add3A_1369 = arith.addi %add3A_1354, %and3A_1368 : vector<16xi32>
        %add3A_1370 = arith.addi %get3A_1364, %broadcast_in_dim3A_416 : vector<16xi32>
        %gather3A_1371 = tpu.vector_load_idx %arg5[%add3A_1370] : memref<20480xi32, #tpu.memory_space<vmem>>[vector<16xi32>], vector<16xi32>,
        %shift_right_arithmetic3A_1372 = arith.shrsi %gather3A_1371, %broadcast_in_dim3A_418 : vector<16xi32>
        %add3A_1373 = arith.addi %add3A_1358, %shift_right_arithmetic3A_1372 : vector<16xi32>
        %and3A_1374 = arith.andi %gather3A_1371, %broadcast_in_dim3A_420 : vector<16xi32>
        %add3A_1375 = arith.addi %add3A_1360, %and3A_1374 : vector<16xi32>
        %add3A_1376 = arith.constant 2048 : i32
        %add3A_1377 = arith.addi %add3A_1337, %add3A_1376 : i32
        %get3A_1378 = arith.index_cast %add3A_1377 : i32 to index
        %get3A_1379 = tpu.vector_load %arg6[%get3A_1378] {strides = array<i32>} : memref<65536xi32, #tpu.memory_space<vmem>>, vector<16xi32>,
        %gather3A_1380 = tpu.vector_load_idx %arg5[%get3A_1379] : memref<20480xi32, #tpu.memory_space<vmem>>[vector<16xi32>], vector<16xi32>,
        %shift_right_arithmetic3A_1381 = arith.shrsi %gather3A_1380, %broadcast_in_dim3A_418 : vector<16xi32>
        %add3A_1382 = arith.addi %add3A_1367, %shift_right_arithmetic3A_1381 : vector<16xi32>
        %and3A_1383 = arith.andi %gather3A_1380, %broadcast_in_dim3A_420 : vector<16xi32>
        %add3A_1384 = arith.addi %add3A_1369, %and3A_1383 : vector<16xi32>
        %add3A_1385 = arith.addi %get3A_1379, %broadcast_in_dim3A_416 : vector<16xi32>
        %gather3A_1386 = tpu.vector_load_idx %arg5[%add3A_1385] : memref<20480xi32, #tpu.memory_space<vmem>>[vector<16xi32>], vector<16xi32>,
        %shift_right_arithmetic3A_1387 = arith.shrsi %gather3A_1386, %broadcast_in_dim3A_418 : vector<16xi32>
        %add3A_1388 = arith.addi %add3A_1373, %shift_right_arithmetic3A_1387 : vector<16xi32>
        %and3A_1389 = arith.andi %gather3A_1386, %broadcast_in_dim3A_420 : vector<16xi32>
        %add3A_1390 = arith.addi %add3A_1375, %and3A_1389 : vector<16xi32>
        %add3A_1391 = arith.constant 3072 : i32
        %add3A_1392 = arith.addi %add3A_1337, %add3A_1391 : i32
        %get3A_1393 = arith.index_cast %add3A_1392 : i32 to index
        %get3A_1394 = tpu.vector_load %arg6[%get3A_1393] {strides = array<i32>} : memref<65536xi32, #tpu.memory_space<vmem>>, vector<16xi32>,
        %gather3A_1395 = tpu.vector_load_idx %arg5[%get3A_1394] : memref<20480xi32, #tpu.memory_space<vmem>>[vector<16xi32>], vector<16xi32>,
        %shift_right_arithmetic3A_1396 = arith.shrsi %gather3A_1395, %broadcast_in_dim3A_418 : vector<16xi32>
        %add3A_1397 = arith.addi %add3A_1382, %shift_right_arithmetic3A_1396 : vector<16xi32>
        %and3A_1398 = arith.andi %gather3A_1395, %broadcast_in_dim3A_420 : vector<16xi32>
        %add3A_1399 = arith.addi %add3A_1384, %and3A_1398 : vector<16xi32>
        %add3A_1400 = arith.addi %get3A_1394, %broadcast_in_dim3A_416 : vector<16xi32>
        %gather3A_1401 = tpu.vector_load_idx %arg5[%add3A_1400] : memref<20480xi32, #tpu.memory_space<vmem>>[vector<16xi32>], vector<16xi32>,
        %shift_right_arithmetic3A_1402 = arith.shrsi %gather3A_1401, %broadcast_in_dim3A_418 : vector<16xi32>
        %add3A_1403 = arith.addi %add3A_1388, %shift_right_arithmetic3A_1402 : vector<16xi32>
        %and3A_1404 = arith.andi %gather3A_1401, %broadcast_in_dim3A_420 : vector<16xi32>
        %add3A_1405 = arith.addi %add3A_1390, %and3A_1404 : vector<16xi32>
        %add3A_1406 = arith.constant 4096 : i32
        %add3A_1407 = arith.addi %add3A_1337, %add3A_1406 : i32
        %get3A_1408 = arith.index_cast %add3A_1407 : i32 to index
        %get3A_1409 = tpu.vector_load %arg6[%get3A_1408] {strides = array<i32>} : memref<65536xi32, #tpu.memory_space<vmem>>, vector<16xi32>,
        %gather3A_1410 = tpu.vector_load_idx %arg5[%get3A_1409] : memref<20480xi32, #tpu.memory_space<vmem>>[vector<16xi32>], vector<16xi32>,
        %shift_right_arithmetic3A_1411 = arith.shrsi %gather3A_1410, %broadcast_in_dim3A_418 : vector<16xi32>
        %add3A_1412 = arith.addi %add3A_1397, %shift_right_arithmetic3A_1411 : vector<16xi32>
        %and3A_1413 = arith.andi %gather3A_1410, %broadcast_in_dim3A_420 : vector<16xi32>
        %add3A_1414 = arith.addi %add3A_1399, %and3A_1413 : vector<16xi32>
        %add3A_1415 = arith.addi %get3A_1409, %broadcast_in_dim3A_416 : vector<16xi32>
        %gather3A_1416 = tpu.vector_load_idx %arg5[%add3A_1415] : memref<20480xi32, #tpu.memory_space<vmem>>[vector<16xi32>], vector<16xi32>,
        %shift_right_arithmetic3A_1417 = arith.shrsi %gather3A_1416, %broadcast_in_dim3A_418 : vector<16xi32>
        %add3A_1418 = arith.addi %add3A_1403, %shift_right_arithmetic3A_1417 : vector<16xi32>
        %and3A_1419 = arith.andi %gather3A_1416, %broadcast_in_dim3A_420 : vector<16xi32>
        %add3A_1420 = arith.addi %add3A_1405, %and3A_1419 : vector<16xi32>
        %add3A_1421 = arith.constant 5120 : i32
        %add3A_1422 = arith.addi %add3A_1337, %add3A_1421 : i32
        %get3A_1423 = arith.index_cast %add3A_1422 : i32 to index
        %get3A_1424 = tpu.vector_load %arg6[%get3A_1423] {strides = array<i32>} : memref<65536xi32, #tpu.memory_space<vmem>>, vector<16xi32>,
        %gather3A_1425 = tpu.vector_load_idx %arg5[%get3A_1424] : memref<20480xi32, #tpu.memory_space<vmem>>[vector<16xi32>], vector<16xi32>,
        %shift_right_arithmetic3A_1426 = arith.shrsi %gather3A_1425, %broadcast_in_dim3A_418 : vector<16xi32>
        %add3A_1427 = arith.addi %add3A_1412, %shift_right_arithmetic3A_1426 : vector<16xi32>
        %and3A_1428 = arith.andi %gather3A_1425, %broadcast_in_dim3A_420 : vector<16xi32>
        %add3A_1429 = arith.addi %add3A_1414, %and3A_1428 : vector<16xi32>
        %add3A_1430 = arith.addi %get3A_1424, %broadcast_in_dim3A_416 : vector<16xi32>
        %gather3A_1431 = tpu.vector_load_idx %arg5[%add3A_1430] : memref<20480xi32, #tpu.memory_space<vmem>>[vector<16xi32>], vector<16xi32>,
        %shift_right_arithmetic3A_1432 = arith.shrsi %gather3A_1431, %broadcast_in_dim3A_418 : vector<16xi32>
        %add3A_1433 = arith.addi %add3A_1418, %shift_right_arithmetic3A_1432 : vector<16xi32>
        %and3A_1434 = arith.andi %gather3A_1431, %broadcast_in_dim3A_420 : vector<16xi32>
        %add3A_1435 = arith.addi %add3A_1420, %and3A_1434 : vector<16xi32>
        %add3A_1436 = arith.constant 6144 : i32
        %add3A_1437 = arith.addi %add3A_1337, %add3A_1436 : i32
        %get3A_1438 = arith.index_cast %add3A_1437 : i32 to index
        %get3A_1439 = tpu.vector_load %arg6[%get3A_1438] {strides = array<i32>} : memref<65536xi32, #tpu.memory_space<vmem>>, vector<16xi32>,
        %gather3A_1440 = tpu.vector_load_idx %arg5[%get3A_1439] : memref<20480xi32, #tpu.memory_space<vmem>>[vector<16xi32>], vector<16xi32>,
        %shift_right_arithmetic3A_1441 = arith.shrsi %gather3A_1440, %broadcast_in_dim3A_418 : vector<16xi32>
        %add3A_1442 = arith.addi %add3A_1427, %shift_right_arithmetic3A_1441 : vector<16xi32>
        %and3A_1443 = arith.andi %gather3A_1440, %broadcast_in_dim3A_420 : vector<16xi32>
        %add3A_1444 = arith.addi %add3A_1429, %and3A_1443 : vector<16xi32>
        %add3A_1445 = arith.addi %get3A_1439, %broadcast_in_dim3A_416 : vector<16xi32>
        %gather3A_1446 = tpu.vector_load_idx %arg5[%add3A_1445] : memref<20480xi32, #tpu.memory_space<vmem>>[vector<16xi32>], vector<16xi32>,
        %shift_right_arithmetic3A_1447 = arith.shrsi %gather3A_1446, %broadcast_in_dim3A_418 : vector<16xi32>
        %add3A_1448 = arith.addi %add3A_1433, %shift_right_arithmetic3A_1447 : vector<16xi32>
        %and3A_1449 = arith.andi %gather3A_1446, %broadcast_in_dim3A_420 : vector<16xi32>
        %add3A_1450 = arith.addi %add3A_1435, %and3A_1449 : vector<16xi32>
        %add3A_1451 = arith.constant 7168 : i32
        %add3A_1452 = arith.addi %add3A_1337, %add3A_1451 : i32
        %get3A_1453 = arith.index_cast %add3A_1452 : i32 to index
        %get3A_1454 = tpu.vector_load %arg6[%get3A_1453] {strides = array<i32>} : memref<65536xi32, #tpu.memory_space<vmem>>, vector<16xi32>,
        %gather3A_1455 = tpu.vector_load_idx %arg5[%get3A_1454] : memref<20480xi32, #tpu.memory_space<vmem>>[vector<16xi32>], vector<16xi32>,
        %shift_right_arithmetic3A_1456 = arith.shrsi %gather3A_1455, %broadcast_in_dim3A_418 : vector<16xi32>
        %add3A_1457 = arith.addi %add3A_1442, %shift_right_arithmetic3A_1456 : vector<16xi32>
        %and3A_1458 = arith.andi %gather3A_1455, %broadcast_in_dim3A_420 : vector<16xi32>
        %add3A_1459 = arith.addi %add3A_1444, %and3A_1458 : vector<16xi32>
        %add3A_1460 = arith.addi %get3A_1454, %broadcast_in_dim3A_416 : vector<16xi32>
        %gather3A_1461 = tpu.vector_load_idx %arg5[%add3A_1460] : memref<20480xi32, #tpu.memory_space<vmem>>[vector<16xi32>], vector<16xi32>,
        %shift_right_arithmetic3A_1462 = arith.shrsi %gather3A_1461, %broadcast_in_dim3A_418 : vector<16xi32>
        %add3A_1463 = arith.addi %add3A_1448, %shift_right_arithmetic3A_1462 : vector<16xi32>
        %and3A_1464 = arith.andi %gather3A_1461, %broadcast_in_dim3A_420 : vector<16xi32>
        %add3A_1465 = arith.addi %add3A_1450, %and3A_1464 : vector<16xi32>
        %add3A_1466 = arith.constant 8192 : i32
        %add3A_1467 = arith.addi %add3A_1337, %add3A_1466 : i32
        %get3A_1468 = arith.index_cast %add3A_1467 : i32 to index
        %get3A_1469 = tpu.vector_load %arg6[%get3A_1468] {strides = array<i32>} : memref<65536xi32, #tpu.memory_space<vmem>>, vector<16xi32>,
        %gather3A_1470 = tpu.vector_load_idx %arg5[%get3A_1469] : memref<20480xi32, #tpu.memory_space<vmem>>[vector<16xi32>], vector<16xi32>,
        %shift_right_arithmetic3A_1471 = arith.shrsi %gather3A_1470, %broadcast_in_dim3A_418 : vector<16xi32>
        %add3A_1472 = arith.addi %add3A_1457, %shift_right_arithmetic3A_1471 : vector<16xi32>
        %and3A_1473 = arith.andi %gather3A_1470, %broadcast_in_dim3A_420 : vector<16xi32>
        %add3A_1474 = arith.addi %add3A_1459, %and3A_1473 : vector<16xi32>
        %add3A_1475 = arith.addi %get3A_1469, %broadcast_in_dim3A_416 : vector<16xi32>
        %gather3A_1476 = tpu.vector_load_idx %arg5[%add3A_1475] : memref<20480xi32, #tpu.memory_space<vmem>>[vector<16xi32>], vector<16xi32>,
        %shift_right_arithmetic3A_1477 = arith.shrsi %gather3A_1476, %broadcast_in_dim3A_418 : vector<16xi32>
        %add3A_1478 = arith.addi %add3A_1463, %shift_right_arithmetic3A_1477 : vector<16xi32>
        %and3A_1479 = arith.andi %gather3A_1476, %broadcast_in_dim3A_420 : vector<16xi32>
        %add3A_1480 = arith.addi %add3A_1465, %and3A_1479 : vector<16xi32>
        %add3A_1481 = arith.constant 9216 : i32
        %add3A_1482 = arith.addi %add3A_1337, %add3A_1481 : i32
        %get3A_1483 = arith.index_cast %add3A_1482 : i32 to index
        %get3A_1484 = tpu.vector_load %arg6[%get3A_1483] {strides = array<i32>} : memref<65536xi32, #tpu.memory_space<vmem>>, vector<16xi32>,
        %gather3A_1485 = tpu.vector_load_idx %arg5[%get3A_1484] : memref<20480xi32, #tpu.memory_space<vmem>>[vector<16xi32>], vector<16xi32>,
        %shift_right_arithmetic3A_1486 = arith.shrsi %gather3A_1485, %broadcast_in_dim3A_418 : vector<16xi32>
        %add3A_1487 = arith.addi %add3A_1472, %shift_right_arithmetic3A_1486 : vector<16xi32>
        %and3A_1488 = arith.andi %gather3A_1485, %broadcast_in_dim3A_420 : vector<16xi32>
        %add3A_1489 = arith.addi %add3A_1474, %and3A_1488 : vector<16xi32>
        %add3A_1490 = arith.addi %get3A_1484, %broadcast_in_dim3A_416 : vector<16xi32>
        %gather3A_1491 = tpu.vector_load_idx %arg5[%add3A_1490] : memref<20480xi32, #tpu.memory_space<vmem>>[vector<16xi32>], vector<16xi32>,
        %shift_right_arithmetic3A_1492 = arith.shrsi %gather3A_1491, %broadcast_in_dim3A_418 : vector<16xi32>
        %add3A_1493 = arith.addi %add3A_1478, %shift_right_arithmetic3A_1492 : vector<16xi32>
        %and3A_1494 = arith.andi %gather3A_1491, %broadcast_in_dim3A_420 : vector<16xi32>
        %add3A_1495 = arith.addi %add3A_1480, %and3A_1494 : vector<16xi32>
        %add3A_1496 = arith.constant 10240 : i32
        %add3A_1497 = arith.addi %add3A_1337, %add3A_1496 : i32
        %get3A_1498 = arith.index_cast %add3A_1497 : i32 to index
        %get3A_1499 = tpu.vector_load %arg6[%get3A_1498] {strides = array<i32>} : memref<65536xi32, #tpu.memory_space<vmem>>, vector<16xi32>,
        %gather3A_1500 = tpu.vector_load_idx %arg5[%get3A_1499] : memref<20480xi32, #tpu.memory_space<vmem>>[vector<16xi32>], vector<16xi32>,
        %shift_right_arithmetic3A_1501 = arith.shrsi %gather3A_1500, %broadcast_in_dim3A_418 : vector<16xi32>
        %add3A_1502 = arith.addi %add3A_1487, %shift_right_arithmetic3A_1501 : vector<16xi32>
        %and3A_1503 = arith.andi %gather3A_1500, %broadcast_in_dim3A_420 : vector<16xi32>
        %add3A_1504 = arith.addi %add3A_1489, %and3A_1503 : vector<16xi32>
        %add3A_1505 = arith.addi %get3A_1499, %broadcast_in_dim3A_416 : vector<16xi32>
        %gather3A_1506 = tpu.vector_load_idx %arg5[%add3A_1505] : memref<20480xi32, #tpu.memory_space<vmem>>[vector<16xi32>], vector<16xi32>,
        %shift_right_arithmetic3A_1507 = arith.shrsi %gather3A_1506, %broadcast_in_dim3A_418 : vector<16xi32>
        %add3A_1508 = arith.addi %add3A_1493, %shift_right_arithmetic3A_1507 : vector<16xi32>
        %and3A_1509 = arith.andi %gather3A_1506, %broadcast_in_dim3A_420 : vector<16xi32>
        %add3A_1510 = arith.addi %add3A_1495, %and3A_1509 : vector<16xi32>
        %add3A_1511 = arith.constant 11264 : i32
        %add3A_1512 = arith.addi %add3A_1337, %add3A_1511 : i32
        %get3A_1513 = arith.index_cast %add3A_1512 : i32 to index
        %get3A_1514 = tpu.vector_load %arg6[%get3A_1513] {strides = array<i32>} : memref<65536xi32, #tpu.memory_space<vmem>>, vector<16xi32>,
        %gather3A_1515 = tpu.vector_load_idx %arg5[%get3A_1514] : memref<20480xi32, #tpu.memory_space<vmem>>[vector<16xi32>], vector<16xi32>,
        %shift_right_arithmetic3A_1516 = arith.shrsi %gather3A_1515, %broadcast_in_dim3A_418 : vector<16xi32>
        %add3A_1517 = arith.addi %add3A_1502, %shift_right_arithmetic3A_1516 : vector<16xi32>
        %and3A_1518 = arith.andi %gather3A_1515, %broadcast_in_dim3A_420 : vector<16xi32>
        %add3A_1519 = arith.addi %add3A_1504, %and3A_1518 : vector<16xi32>
        %add3A_1520 = arith.addi %get3A_1514, %broadcast_in_dim3A_416 : vector<16xi32>
        %gather3A_1521 = tpu.vector_load_idx %arg5[%add3A_1520] : memref<20480xi32, #tpu.memory_space<vmem>>[vector<16xi32>], vector<16xi32>,
        %shift_right_arithmetic3A_1522 = arith.shrsi %gather3A_1521, %broadcast_in_dim3A_418 : vector<16xi32>
        %add3A_1523 = arith.addi %add3A_1508, %shift_right_arithmetic3A_1522 : vector<16xi32>
        %and3A_1524 = arith.andi %gather3A_1521, %broadcast_in_dim3A_420 : vector<16xi32>
        %add3A_1525 = arith.addi %add3A_1510, %and3A_1524 : vector<16xi32>
        %add3A_1526 = arith.constant 12288 : i32
        %add3A_1527 = arith.addi %add3A_1337, %add3A_1526 : i32
        %get3A_1528 = arith.index_cast %add3A_1527 : i32 to index
        %get3A_1529 = tpu.vector_load %arg6[%get3A_1528] {strides = array<i32>} : memref<65536xi32, #tpu.memory_space<vmem>>, vector<16xi32>,
        %gather3A_1530 = tpu.vector_load_idx %arg5[%get3A_1529] : memref<20480xi32, #tpu.memory_space<vmem>>[vector<16xi32>], vector<16xi32>,
        %shift_right_arithmetic3A_1531 = arith.shrsi %gather3A_1530, %broadcast_in_dim3A_418 : vector<16xi32>
        %add3A_1532 = arith.addi %add3A_1517, %shift_right_arithmetic3A_1531 : vector<16xi32>
        %and3A_1533 = arith.andi %gather3A_1530, %broadcast_in_dim3A_420 : vector<16xi32>
        %add3A_1534 = arith.addi %add3A_1519, %and3A_1533 : vector<16xi32>
        %add3A_1535 = arith.addi %get3A_1529, %broadcast_in_dim3A_416 : vector<16xi32>
        %gather3A_1536 = tpu.vector_load_idx %arg5[%add3A_1535] : memref<20480xi32, #tpu.memory_space<vmem>>[vector<16xi32>], vector<16xi32>,
        %shift_right_arithmetic3A_1537 = arith.shrsi %gather3A_1536, %broadcast_in_dim3A_418 : vector<16xi32>
        %add3A_1538 = arith.addi %add3A_1523, %shift_right_arithmetic3A_1537 : vector<16xi32>
        %and3A_1539 = arith.andi %gather3A_1536, %broadcast_in_dim3A_420 : vector<16xi32>
        %add3A_1540 = arith.addi %add3A_1525, %and3A_1539 : vector<16xi32>
        %add3A_1541 = arith.constant 13312 : i32
        %add3A_1542 = arith.addi %add3A_1337, %add3A_1541 : i32
        %get3A_1543 = arith.index_cast %add3A_1542 : i32 to index
        %get3A_1544 = tpu.vector_load %arg6[%get3A_1543] {strides = array<i32>} : memref<65536xi32, #tpu.memory_space<vmem>>, vector<16xi32>,
        %gather3A_1545 = tpu.vector_load_idx %arg5[%get3A_1544] : memref<20480xi32, #tpu.memory_space<vmem>>[vector<16xi32>], vector<16xi32>,
        %shift_right_arithmetic3A_1546 = arith.shrsi %gather3A_1545, %broadcast_in_dim3A_418 : vector<16xi32>
        %add3A_1547 = arith.addi %add3A_1532, %shift_right_arithmetic3A_1546 : vector<16xi32>
        %and3A_1548 = arith.andi %gather3A_1545, %broadcast_in_dim3A_420 : vector<16xi32>
        %add3A_1549 = arith.addi %add3A_1534, %and3A_1548 : vector<16xi32>
        %add3A_1550 = arith.addi %get3A_1544, %broadcast_in_dim3A_416 : vector<16xi32>
        %gather3A_1551 = tpu.vector_load_idx %arg5[%add3A_1550] : memref<20480xi32, #tpu.memory_space<vmem>>[vector<16xi32>], vector<16xi32>,
        %shift_right_arithmetic3A_1552 = arith.shrsi %gather3A_1551, %broadcast_in_dim3A_418 : vector<16xi32>
        %add3A_1553 = arith.addi %add3A_1538, %shift_right_arithmetic3A_1552 : vector<16xi32>
        %and3A_1554 = arith.andi %gather3A_1551, %broadcast_in_dim3A_420 : vector<16xi32>
        %add3A_1555 = arith.addi %add3A_1540, %and3A_1554 : vector<16xi32>
        %add3A_1556 = arith.constant 14336 : i32
        %add3A_1557 = arith.addi %add3A_1337, %add3A_1556 : i32
        %get3A_1558 = arith.index_cast %add3A_1557 : i32 to index
        %get3A_1559 = tpu.vector_load %arg6[%get3A_1558] {strides = array<i32>} : memref<65536xi32, #tpu.memory_space<vmem>>, vector<16xi32>,
        %gather3A_1560 = tpu.vector_load_idx %arg5[%get3A_1559] : memref<20480xi32, #tpu.memory_space<vmem>>[vector<16xi32>], vector<16xi32>,
        %shift_right_arithmetic3A_1561 = arith.shrsi %gather3A_1560, %broadcast_in_dim3A_418 : vector<16xi32>
        %add3A_1562 = arith.addi %add3A_1547, %shift_right_arithmetic3A_1561 : vector<16xi32>
        %and3A_1563 = arith.andi %gather3A_1560, %broadcast_in_dim3A_420 : vector<16xi32>
        %add3A_1564 = arith.addi %add3A_1549, %and3A_1563 : vector<16xi32>
        %add3A_1565 = arith.addi %get3A_1559, %broadcast_in_dim3A_416 : vector<16xi32>
        %gather3A_1566 = tpu.vector_load_idx %arg5[%add3A_1565] : memref<20480xi32, #tpu.memory_space<vmem>>[vector<16xi32>], vector<16xi32>,
        %shift_right_arithmetic3A_1567 = arith.shrsi %gather3A_1566, %broadcast_in_dim3A_418 : vector<16xi32>
        %add3A_1568 = arith.addi %add3A_1553, %shift_right_arithmetic3A_1567 : vector<16xi32>
        %and3A_1569 = arith.andi %gather3A_1566, %broadcast_in_dim3A_420 : vector<16xi32>
        %add3A_1570 = arith.addi %add3A_1555, %and3A_1569 : vector<16xi32>
        %add3A_1571 = arith.constant 15360 : i32
        %add3A_1572 = arith.addi %add3A_1337, %add3A_1571 : i32
        %get3A_1573 = arith.index_cast %add3A_1572 : i32 to index
        %get3A_1574 = tpu.vector_load %arg6[%get3A_1573] {strides = array<i32>} : memref<65536xi32, #tpu.memory_space<vmem>>, vector<16xi32>,
        %gather3A_1575 = tpu.vector_load_idx %arg5[%get3A_1574] : memref<20480xi32, #tpu.memory_space<vmem>>[vector<16xi32>], vector<16xi32>,
        %shift_right_arithmetic3A_1576 = arith.shrsi %gather3A_1575, %broadcast_in_dim3A_418 : vector<16xi32>
        %add3A_1577 = arith.addi %add3A_1562, %shift_right_arithmetic3A_1576 : vector<16xi32>
        %and3A_1578 = arith.andi %gather3A_1575, %broadcast_in_dim3A_420 : vector<16xi32>
        %add3A_1579 = arith.addi %add3A_1564, %and3A_1578 : vector<16xi32>
        %add3A_1580 = arith.addi %get3A_1574, %broadcast_in_dim3A_416 : vector<16xi32>
        %gather3A_1581 = tpu.vector_load_idx %arg5[%add3A_1580] : memref<20480xi32, #tpu.memory_space<vmem>>[vector<16xi32>], vector<16xi32>,
        %shift_right_arithmetic3A_1582 = arith.shrsi %gather3A_1581, %broadcast_in_dim3A_418 : vector<16xi32>
        %add3A_1583 = arith.addi %add3A_1568, %shift_right_arithmetic3A_1582 : vector<16xi32>
        %and3A_1584 = arith.andi %gather3A_1581, %broadcast_in_dim3A_420 : vector<16xi32>
        %add3A_1585 = arith.addi %add3A_1570, %and3A_1584 : vector<16xi32>
        %add3A_1586 = arith.constant 16384 : i32
        %add3A_1587 = arith.addi %add3A_1337, %add3A_1586 : i32
        %get3A_1588 = arith.index_cast %add3A_1587 : i32 to index
        %get3A_1589 = tpu.vector_load %arg6[%get3A_1588] {strides = array<i32>} : memref<65536xi32, #tpu.memory_space<vmem>>, vector<16xi32>,
        %gather3A_1590 = tpu.vector_load_idx %arg5[%get3A_1589] : memref<20480xi32, #tpu.memory_space<vmem>>[vector<16xi32>], vector<16xi32>,
        %shift_right_arithmetic3A_1591 = arith.shrsi %gather3A_1590, %broadcast_in_dim3A_418 : vector<16xi32>
        %add3A_1592 = arith.addi %add3A_1577, %shift_right_arithmetic3A_1591 : vector<16xi32>
        %and3A_1593 = arith.andi %gather3A_1590, %broadcast_in_dim3A_420 : vector<16xi32>
        %add3A_1594 = arith.addi %add3A_1579, %and3A_1593 : vector<16xi32>
        %add3A_1595 = arith.addi %get3A_1589, %broadcast_in_dim3A_416 : vector<16xi32>
        %gather3A_1596 = tpu.vector_load_idx %arg5[%add3A_1595] : memref<20480xi32, #tpu.memory_space<vmem>>[vector<16xi32>], vector<16xi32>,
        %shift_right_arithmetic3A_1597 = arith.shrsi %gather3A_1596, %broadcast_in_dim3A_418 : vector<16xi32>
        %add3A_1598 = arith.addi %add3A_1583, %shift_right_arithmetic3A_1597 : vector<16xi32>
        %and3A_1599 = arith.andi %gather3A_1596, %broadcast_in_dim3A_420 : vector<16xi32>
        %add3A_1600 = arith.addi %add3A_1585, %and3A_1599 : vector<16xi32>
        %add3A_1601 = arith.constant 17408 : i32
        %add3A_1602 = arith.addi %add3A_1337, %add3A_1601 : i32
        %get3A_1603 = arith.index_cast %add3A_1602 : i32 to index
        %get3A_1604 = tpu.vector_load %arg6[%get3A_1603] {strides = array<i32>} : memref<65536xi32, #tpu.memory_space<vmem>>, vector<16xi32>,
        %gather3A_1605 = tpu.vector_load_idx %arg5[%get3A_1604] : memref<20480xi32, #tpu.memory_space<vmem>>[vector<16xi32>], vector<16xi32>,
        %shift_right_arithmetic3A_1606 = arith.shrsi %gather3A_1605, %broadcast_in_dim3A_418 : vector<16xi32>
        %add3A_1607 = arith.addi %add3A_1592, %shift_right_arithmetic3A_1606 : vector<16xi32>
        %and3A_1608 = arith.andi %gather3A_1605, %broadcast_in_dim3A_420 : vector<16xi32>
        %add3A_1609 = arith.addi %add3A_1594, %and3A_1608 : vector<16xi32>
        %add3A_1610 = arith.addi %get3A_1604, %broadcast_in_dim3A_416 : vector<16xi32>
        %gather3A_1611 = tpu.vector_load_idx %arg5[%add3A_1610] : memref<20480xi32, #tpu.memory_space<vmem>>[vector<16xi32>], vector<16xi32>,
        %shift_right_arithmetic3A_1612 = arith.shrsi %gather3A_1611, %broadcast_in_dim3A_418 : vector<16xi32>
        %add3A_1613 = arith.addi %add3A_1598, %shift_right_arithmetic3A_1612 : vector<16xi32>
        %and3A_1614 = arith.andi %gather3A_1611, %broadcast_in_dim3A_420 : vector<16xi32>
        %add3A_1615 = arith.addi %add3A_1600, %and3A_1614 : vector<16xi32>
        %add3A_1616 = arith.constant 18432 : i32
        %add3A_1617 = arith.addi %add3A_1337, %add3A_1616 : i32
        %get3A_1618 = arith.index_cast %add3A_1617 : i32 to index
        %get3A_1619 = tpu.vector_load %arg6[%get3A_1618] {strides = array<i32>} : memref<65536xi32, #tpu.memory_space<vmem>>, vector<16xi32>,
        %gather3A_1620 = tpu.vector_load_idx %arg5[%get3A_1619] : memref<20480xi32, #tpu.memory_space<vmem>>[vector<16xi32>], vector<16xi32>,
        %shift_right_arithmetic3A_1621 = arith.shrsi %gather3A_1620, %broadcast_in_dim3A_418 : vector<16xi32>
        %add3A_1622 = arith.addi %add3A_1607, %shift_right_arithmetic3A_1621 : vector<16xi32>
        %and3A_1623 = arith.andi %gather3A_1620, %broadcast_in_dim3A_420 : vector<16xi32>
        %add3A_1624 = arith.addi %add3A_1609, %and3A_1623 : vector<16xi32>
        %add3A_1625 = arith.addi %get3A_1619, %broadcast_in_dim3A_416 : vector<16xi32>
        %gather3A_1626 = tpu.vector_load_idx %arg5[%add3A_1625] : memref<20480xi32, #tpu.memory_space<vmem>>[vector<16xi32>], vector<16xi32>,
        %shift_right_arithmetic3A_1627 = arith.shrsi %gather3A_1626, %broadcast_in_dim3A_418 : vector<16xi32>
        %add3A_1628 = arith.addi %add3A_1613, %shift_right_arithmetic3A_1627 : vector<16xi32>
        %and3A_1629 = arith.andi %gather3A_1626, %broadcast_in_dim3A_420 : vector<16xi32>
        %add3A_1630 = arith.addi %add3A_1615, %and3A_1629 : vector<16xi32>
        %add3A_1631 = arith.constant 19456 : i32
        %add3A_1632 = arith.addi %add3A_1337, %add3A_1631 : i32
        %get3A_1633 = arith.index_cast %add3A_1632 : i32 to index
        %get3A_1634 = tpu.vector_load %arg6[%get3A_1633] {strides = array<i32>} : memref<65536xi32, #tpu.memory_space<vmem>>, vector<16xi32>,
        %gather3A_1635 = tpu.vector_load_idx %arg5[%get3A_1634] : memref<20480xi32, #tpu.memory_space<vmem>>[vector<16xi32>], vector<16xi32>,
        %shift_right_arithmetic3A_1636 = arith.shrsi %gather3A_1635, %broadcast_in_dim3A_418 : vector<16xi32>
        %add3A_1637 = arith.addi %add3A_1622, %shift_right_arithmetic3A_1636 : vector<16xi32>
        %and3A_1638 = arith.andi %gather3A_1635, %broadcast_in_dim3A_420 : vector<16xi32>
        %add3A_1639 = arith.addi %add3A_1624, %and3A_1638 : vector<16xi32>
        %add3A_1640 = arith.addi %get3A_1634, %broadcast_in_dim3A_416 : vector<16xi32>
        %gather3A_1641 = tpu.vector_load_idx %arg5[%add3A_1640] : memref<20480xi32, #tpu.memory_space<vmem>>[vector<16xi32>], vector<16xi32>,
        %shift_right_arithmetic3A_1642 = arith.shrsi %gather3A_1641, %broadcast_in_dim3A_418 : vector<16xi32>
        %add3A_1643 = arith.addi %add3A_1628, %shift_right_arithmetic3A_1642 : vector<16xi32>
        %and3A_1644 = arith.andi %gather3A_1641, %broadcast_in_dim3A_420 : vector<16xi32>
        %add3A_1645 = arith.addi %add3A_1630, %and3A_1644 : vector<16xi32>
        %add3A_1646 = arith.constant 20480 : i32
        %add3A_1647 = arith.addi %add3A_1337, %add3A_1646 : i32
        %get3A_1648 = arith.index_cast %add3A_1647 : i32 to index
        %get3A_1649 = tpu.vector_load %arg6[%get3A_1648] {strides = array<i32>} : memref<65536xi32, #tpu.memory_space<vmem>>, vector<16xi32>,
        %gather3A_1650 = tpu.vector_load_idx %arg5[%get3A_1649] : memref<20480xi32, #tpu.memory_space<vmem>>[vector<16xi32>], vector<16xi32>,
        %shift_right_arithmetic3A_1651 = arith.shrsi %gather3A_1650, %broadcast_in_dim3A_418 : vector<16xi32>
        %add3A_1652 = arith.addi %add3A_1637, %shift_right_arithmetic3A_1651 : vector<16xi32>
        %and3A_1653 = arith.andi %gather3A_1650, %broadcast_in_dim3A_420 : vector<16xi32>
        %add3A_1654 = arith.addi %add3A_1639, %and3A_1653 : vector<16xi32>
        %add3A_1655 = arith.addi %get3A_1649, %broadcast_in_dim3A_416 : vector<16xi32>
        %gather3A_1656 = tpu.vector_load_idx %arg5[%add3A_1655] : memref<20480xi32, #tpu.memory_space<vmem>>[vector<16xi32>], vector<16xi32>,
        %shift_right_arithmetic3A_1657 = arith.shrsi %gather3A_1656, %broadcast_in_dim3A_418 : vector<16xi32>
        %add3A_1658 = arith.addi %add3A_1643, %shift_right_arithmetic3A_1657 : vector<16xi32>
        %and3A_1659 = arith.andi %gather3A_1656, %broadcast_in_dim3A_420 : vector<16xi32>
        %add3A_1660 = arith.addi %add3A_1645, %and3A_1659 : vector<16xi32>
        %add3A_1661 = arith.constant 21504 : i32
        %add3A_1662 = arith.addi %add3A_1337, %add3A_1661 : i32
        %get3A_1663 = arith.index_cast %add3A_1662 : i32 to index
        %get3A_1664 = tpu.vector_load %arg6[%get3A_1663] {strides = array<i32>} : memref<65536xi32, #tpu.memory_space<vmem>>, vector<16xi32>,
        %gather3A_1665 = tpu.vector_load_idx %arg5[%get3A_1664] : memref<20480xi32, #tpu.memory_space<vmem>>[vector<16xi32>], vector<16xi32>,
        %shift_right_arithmetic3A_1666 = arith.shrsi %gather3A_1665, %broadcast_in_dim3A_418 : vector<16xi32>
        %add3A_1667 = arith.addi %add3A_1652, %shift_right_arithmetic3A_1666 : vector<16xi32>
        %and3A_1668 = arith.andi %gather3A_1665, %broadcast_in_dim3A_420 : vector<16xi32>
        %add3A_1669 = arith.addi %add3A_1654, %and3A_1668 : vector<16xi32>
        %add3A_1670 = arith.addi %get3A_1664, %broadcast_in_dim3A_416 : vector<16xi32>
        %gather3A_1671 = tpu.vector_load_idx %arg5[%add3A_1670] : memref<20480xi32, #tpu.memory_space<vmem>>[vector<16xi32>], vector<16xi32>,
        %shift_right_arithmetic3A_1672 = arith.shrsi %gather3A_1671, %broadcast_in_dim3A_418 : vector<16xi32>
        %add3A_1673 = arith.addi %add3A_1658, %shift_right_arithmetic3A_1672 : vector<16xi32>
        %and3A_1674 = arith.andi %gather3A_1671, %broadcast_in_dim3A_420 : vector<16xi32>
        %add3A_1675 = arith.addi %add3A_1660, %and3A_1674 : vector<16xi32>
        %add3A_1676 = arith.constant 22528 : i32
        %add3A_1677 = arith.addi %add3A_1337, %add3A_1676 : i32
        %get3A_1678 = arith.index_cast %add3A_1677 : i32 to index
        %get3A_1679 = tpu.vector_load %arg6[%get3A_1678] {strides = array<i32>} : memref<65536xi32, #tpu.memory_space<vmem>>, vector<16xi32>,
        %gather3A_1680 = tpu.vector_load_idx %arg5[%get3A_1679] : memref<20480xi32, #tpu.memory_space<vmem>>[vector<16xi32>], vector<16xi32>,
        %shift_right_arithmetic3A_1681 = arith.shrsi %gather3A_1680, %broadcast_in_dim3A_418 : vector<16xi32>
        %add3A_1682 = arith.addi %add3A_1667, %shift_right_arithmetic3A_1681 : vector<16xi32>
        %and3A_1683 = arith.andi %gather3A_1680, %broadcast_in_dim3A_420 : vector<16xi32>
        %add3A_1684 = arith.addi %add3A_1669, %and3A_1683 : vector<16xi32>
        %add3A_1685 = arith.addi %get3A_1679, %broadcast_in_dim3A_416 : vector<16xi32>
        %gather3A_1686 = tpu.vector_load_idx %arg5[%add3A_1685] : memref<20480xi32, #tpu.memory_space<vmem>>[vector<16xi32>], vector<16xi32>,
        %shift_right_arithmetic3A_1687 = arith.shrsi %gather3A_1686, %broadcast_in_dim3A_418 : vector<16xi32>
        %add3A_1688 = arith.addi %add3A_1673, %shift_right_arithmetic3A_1687 : vector<16xi32>
        %and3A_1689 = arith.andi %gather3A_1686, %broadcast_in_dim3A_420 : vector<16xi32>
        %add3A_1690 = arith.addi %add3A_1675, %and3A_1689 : vector<16xi32>
        %add3A_1691 = arith.constant 23552 : i32
        %add3A_1692 = arith.addi %add3A_1337, %add3A_1691 : i32
        %get3A_1693 = arith.index_cast %add3A_1692 : i32 to index
        %get3A_1694 = tpu.vector_load %arg6[%get3A_1693] {strides = array<i32>} : memref<65536xi32, #tpu.memory_space<vmem>>, vector<16xi32>,
        %gather3A_1695 = tpu.vector_load_idx %arg5[%get3A_1694] : memref<20480xi32, #tpu.memory_space<vmem>>[vector<16xi32>], vector<16xi32>,
        %shift_right_arithmetic3A_1696 = arith.shrsi %gather3A_1695, %broadcast_in_dim3A_418 : vector<16xi32>
        %add3A_1697 = arith.addi %add3A_1682, %shift_right_arithmetic3A_1696 : vector<16xi32>
        %and3A_1698 = arith.andi %gather3A_1695, %broadcast_in_dim3A_420 : vector<16xi32>
        %add3A_1699 = arith.addi %add3A_1684, %and3A_1698 : vector<16xi32>
        %add3A_1700 = arith.addi %get3A_1694, %broadcast_in_dim3A_416 : vector<16xi32>
        %gather3A_1701 = tpu.vector_load_idx %arg5[%add3A_1700] : memref<20480xi32, #tpu.memory_space<vmem>>[vector<16xi32>], vector<16xi32>,
        %shift_right_arithmetic3A_1702 = arith.shrsi %gather3A_1701, %broadcast_in_dim3A_418 : vector<16xi32>
        %add3A_1703 = arith.addi %add3A_1688, %shift_right_arithmetic3A_1702 : vector<16xi32>
        %and3A_1704 = arith.andi %gather3A_1701, %broadcast_in_dim3A_420 : vector<16xi32>
        %add3A_1705 = arith.addi %add3A_1690, %and3A_1704 : vector<16xi32>
        %add3A_1706 = arith.constant 24576 : i32
        %add3A_1707 = arith.addi %add3A_1337, %add3A_1706 : i32
        %get3A_1708 = arith.index_cast %add3A_1707 : i32 to index
        %get3A_1709 = tpu.vector_load %arg6[%get3A_1708] {strides = array<i32>} : memref<65536xi32, #tpu.memory_space<vmem>>, vector<16xi32>,
        %gather3A_1710 = tpu.vector_load_idx %arg5[%get3A_1709] : memref<20480xi32, #tpu.memory_space<vmem>>[vector<16xi32>], vector<16xi32>,
        %shift_right_arithmetic3A_1711 = arith.shrsi %gather3A_1710, %broadcast_in_dim3A_418 : vector<16xi32>
        %add3A_1712 = arith.addi %add3A_1697, %shift_right_arithmetic3A_1711 : vector<16xi32>
        %and3A_1713 = arith.andi %gather3A_1710, %broadcast_in_dim3A_420 : vector<16xi32>
        %add3A_1714 = arith.addi %add3A_1699, %and3A_1713 : vector<16xi32>
        %add3A_1715 = arith.addi %get3A_1709, %broadcast_in_dim3A_416 : vector<16xi32>
        %gather3A_1716 = tpu.vector_load_idx %arg5[%add3A_1715] : memref<20480xi32, #tpu.memory_space<vmem>>[vector<16xi32>], vector<16xi32>,
        %shift_right_arithmetic3A_1717 = arith.shrsi %gather3A_1716, %broadcast_in_dim3A_418 : vector<16xi32>
        %add3A_1718 = arith.addi %add3A_1703, %shift_right_arithmetic3A_1717 : vector<16xi32>
        %and3A_1719 = arith.andi %gather3A_1716, %broadcast_in_dim3A_420 : vector<16xi32>
        %add3A_1720 = arith.addi %add3A_1705, %and3A_1719 : vector<16xi32>
        %add3A_1721 = arith.constant 25600 : i32
        %add3A_1722 = arith.addi %add3A_1337, %add3A_1721 : i32
        %get3A_1723 = arith.index_cast %add3A_1722 : i32 to index
        %get3A_1724 = tpu.vector_load %arg6[%get3A_1723] {strides = array<i32>} : memref<65536xi32, #tpu.memory_space<vmem>>, vector<16xi32>,
        %gather3A_1725 = tpu.vector_load_idx %arg5[%get3A_1724] : memref<20480xi32, #tpu.memory_space<vmem>>[vector<16xi32>], vector<16xi32>,
        %shift_right_arithmetic3A_1726 = arith.shrsi %gather3A_1725, %broadcast_in_dim3A_418 : vector<16xi32>
        %add3A_1727 = arith.addi %add3A_1712, %shift_right_arithmetic3A_1726 : vector<16xi32>
        %and3A_1728 = arith.andi %gather3A_1725, %broadcast_in_dim3A_420 : vector<16xi32>
        %add3A_1729 = arith.addi %add3A_1714, %and3A_1728 : vector<16xi32>
        %add3A_1730 = arith.addi %get3A_1724, %broadcast_in_dim3A_416 : vector<16xi32>
        %gather3A_1731 = tpu.vector_load_idx %arg5[%add3A_1730] : memref<20480xi32, #tpu.memory_space<vmem>>[vector<16xi32>], vector<16xi32>,
        %shift_right_arithmetic3A_1732 = arith.shrsi %gather3A_1731, %broadcast_in_dim3A_418 : vector<16xi32>
        %add3A_1733 = arith.addi %add3A_1718, %shift_right_arithmetic3A_1732 : vector<16xi32>
        %and3A_1734 = arith.andi %gather3A_1731, %broadcast_in_dim3A_420 : vector<16xi32>
        %add3A_1735 = arith.addi %add3A_1720, %and3A_1734 : vector<16xi32>
        %add3A_1736 = arith.constant 26624 : i32
        %add3A_1737 = arith.addi %add3A_1337, %add3A_1736 : i32
        %get3A_1738 = arith.index_cast %add3A_1737 : i32 to index
        %get3A_1739 = tpu.vector_load %arg6[%get3A_1738] {strides = array<i32>} : memref<65536xi32, #tpu.memory_space<vmem>>, vector<16xi32>,
        %gather3A_1740 = tpu.vector_load_idx %arg5[%get3A_1739] : memref<20480xi32, #tpu.memory_space<vmem>>[vector<16xi32>], vector<16xi32>,
        %shift_right_arithmetic3A_1741 = arith.shrsi %gather3A_1740, %broadcast_in_dim3A_418 : vector<16xi32>
        %add3A_1742 = arith.addi %add3A_1727, %shift_right_arithmetic3A_1741 : vector<16xi32>
        %and3A_1743 = arith.andi %gather3A_1740, %broadcast_in_dim3A_420 : vector<16xi32>
        %add3A_1744 = arith.addi %add3A_1729, %and3A_1743 : vector<16xi32>
        %add3A_1745 = arith.addi %get3A_1739, %broadcast_in_dim3A_416 : vector<16xi32>
        %gather3A_1746 = tpu.vector_load_idx %arg5[%add3A_1745] : memref<20480xi32, #tpu.memory_space<vmem>>[vector<16xi32>], vector<16xi32>,
        %shift_right_arithmetic3A_1747 = arith.shrsi %gather3A_1746, %broadcast_in_dim3A_418 : vector<16xi32>
        %add3A_1748 = arith.addi %add3A_1733, %shift_right_arithmetic3A_1747 : vector<16xi32>
        %and3A_1749 = arith.andi %gather3A_1746, %broadcast_in_dim3A_420 : vector<16xi32>
        %add3A_1750 = arith.addi %add3A_1735, %and3A_1749 : vector<16xi32>
        %add3A_1751 = arith.constant 27648 : i32
        %add3A_1752 = arith.addi %add3A_1337, %add3A_1751 : i32
        %get3A_1753 = arith.index_cast %add3A_1752 : i32 to index
        %get3A_1754 = tpu.vector_load %arg6[%get3A_1753] {strides = array<i32>} : memref<65536xi32, #tpu.memory_space<vmem>>, vector<16xi32>,
        %gather3A_1755 = tpu.vector_load_idx %arg5[%get3A_1754] : memref<20480xi32, #tpu.memory_space<vmem>>[vector<16xi32>], vector<16xi32>,
        %shift_right_arithmetic3A_1756 = arith.shrsi %gather3A_1755, %broadcast_in_dim3A_418 : vector<16xi32>
        %add3A_1757 = arith.addi %add3A_1742, %shift_right_arithmetic3A_1756 : vector<16xi32>
        %and3A_1758 = arith.andi %gather3A_1755, %broadcast_in_dim3A_420 : vector<16xi32>
        %add3A_1759 = arith.addi %add3A_1744, %and3A_1758 : vector<16xi32>
        %add3A_1760 = arith.addi %get3A_1754, %broadcast_in_dim3A_416 : vector<16xi32>
        %gather3A_1761 = tpu.vector_load_idx %arg5[%add3A_1760] : memref<20480xi32, #tpu.memory_space<vmem>>[vector<16xi32>], vector<16xi32>,
        %shift_right_arithmetic3A_1762 = arith.shrsi %gather3A_1761, %broadcast_in_dim3A_418 : vector<16xi32>
        %add3A_1763 = arith.addi %add3A_1748, %shift_right_arithmetic3A_1762 : vector<16xi32>
        %and3A_1764 = arith.andi %gather3A_1761, %broadcast_in_dim3A_420 : vector<16xi32>
        %add3A_1765 = arith.addi %add3A_1750, %and3A_1764 : vector<16xi32>
        %add3A_1766 = arith.constant 28672 : i32
        %add3A_1767 = arith.addi %add3A_1337, %add3A_1766 : i32
        %get3A_1768 = arith.index_cast %add3A_1767 : i32 to index
        %get3A_1769 = tpu.vector_load %arg6[%get3A_1768] {strides = array<i32>} : memref<65536xi32, #tpu.memory_space<vmem>>, vector<16xi32>,
        %gather3A_1770 = tpu.vector_load_idx %arg5[%get3A_1769] : memref<20480xi32, #tpu.memory_space<vmem>>[vector<16xi32>], vector<16xi32>,
        %shift_right_arithmetic3A_1771 = arith.shrsi %gather3A_1770, %broadcast_in_dim3A_418 : vector<16xi32>
        %add3A_1772 = arith.addi %add3A_1757, %shift_right_arithmetic3A_1771 : vector<16xi32>
        %and3A_1773 = arith.andi %gather3A_1770, %broadcast_in_dim3A_420 : vector<16xi32>
        %add3A_1774 = arith.addi %add3A_1759, %and3A_1773 : vector<16xi32>
        %add3A_1775 = arith.addi %get3A_1769, %broadcast_in_dim3A_416 : vector<16xi32>
        %gather3A_1776 = tpu.vector_load_idx %arg5[%add3A_1775] : memref<20480xi32, #tpu.memory_space<vmem>>[vector<16xi32>], vector<16xi32>,
        %shift_right_arithmetic3A_1777 = arith.shrsi %gather3A_1776, %broadcast_in_dim3A_418 : vector<16xi32>
        %add3A_1778 = arith.addi %add3A_1763, %shift_right_arithmetic3A_1777 : vector<16xi32>
        %and3A_1779 = arith.andi %gather3A_1776, %broadcast_in_dim3A_420 : vector<16xi32>
        %add3A_1780 = arith.addi %add3A_1765, %and3A_1779 : vector<16xi32>
        %add3A_1781 = arith.constant 29696 : i32
        %add3A_1782 = arith.addi %add3A_1337, %add3A_1781 : i32
        %get3A_1783 = arith.index_cast %add3A_1782 : i32 to index
        %get3A_1784 = tpu.vector_load %arg6[%get3A_1783] {strides = array<i32>} : memref<65536xi32, #tpu.memory_space<vmem>>, vector<16xi32>,
        %gather3A_1785 = tpu.vector_load_idx %arg5[%get3A_1784] : memref<20480xi32, #tpu.memory_space<vmem>>[vector<16xi32>], vector<16xi32>,
        %shift_right_arithmetic3A_1786 = arith.shrsi %gather3A_1785, %broadcast_in_dim3A_418 : vector<16xi32>
        %add3A_1787 = arith.addi %add3A_1772, %shift_right_arithmetic3A_1786 : vector<16xi32>
        %and3A_1788 = arith.andi %gather3A_1785, %broadcast_in_dim3A_420 : vector<16xi32>
        %add3A_1789 = arith.addi %add3A_1774, %and3A_1788 : vector<16xi32>
        %add3A_1790 = arith.addi %get3A_1784, %broadcast_in_dim3A_416 : vector<16xi32>
        %gather3A_1791 = tpu.vector_load_idx %arg5[%add3A_1790] : memref<20480xi32, #tpu.memory_space<vmem>>[vector<16xi32>], vector<16xi32>,
        %shift_right_arithmetic3A_1792 = arith.shrsi %gather3A_1791, %broadcast_in_dim3A_418 : vector<16xi32>
        %add3A_1793 = arith.addi %add3A_1778, %shift_right_arithmetic3A_1792 : vector<16xi32>
        %and3A_1794 = arith.andi %gather3A_1791, %broadcast_in_dim3A_420 : vector<16xi32>
        %add3A_1795 = arith.addi %add3A_1780, %and3A_1794 : vector<16xi32>
        %add3A_1796 = arith.constant 30720 : i32
        %add3A_1797 = arith.addi %add3A_1337, %add3A_1796 : i32
        %get3A_1798 = arith.index_cast %add3A_1797 : i32 to index
        %get3A_1799 = tpu.vector_load %arg6[%get3A_1798] {strides = array<i32>} : memref<65536xi32, #tpu.memory_space<vmem>>, vector<16xi32>,
        %gather3A_1800 = tpu.vector_load_idx %arg5[%get3A_1799] : memref<20480xi32, #tpu.memory_space<vmem>>[vector<16xi32>], vector<16xi32>,
        %shift_right_arithmetic3A_1801 = arith.shrsi %gather3A_1800, %broadcast_in_dim3A_418 : vector<16xi32>
        %add3A_1802 = arith.addi %add3A_1787, %shift_right_arithmetic3A_1801 : vector<16xi32>
        %and3A_1803 = arith.andi %gather3A_1800, %broadcast_in_dim3A_420 : vector<16xi32>
        %add3A_1804 = arith.addi %add3A_1789, %and3A_1803 : vector<16xi32>
        %add3A_1805 = arith.addi %get3A_1799, %broadcast_in_dim3A_416 : vector<16xi32>
        %gather3A_1806 = tpu.vector_load_idx %arg5[%add3A_1805] : memref<20480xi32, #tpu.memory_space<vmem>>[vector<16xi32>], vector<16xi32>,
        %shift_right_arithmetic3A_1807 = arith.shrsi %gather3A_1806, %broadcast_in_dim3A_418 : vector<16xi32>
        %add3A_1808 = arith.addi %add3A_1793, %shift_right_arithmetic3A_1807 : vector<16xi32>
        %and3A_1809 = arith.andi %gather3A_1806, %broadcast_in_dim3A_420 : vector<16xi32>
        %add3A_1810 = arith.addi %add3A_1795, %and3A_1809 : vector<16xi32>
        %add3A_1811 = arith.constant 31744 : i32
        %add3A_1812 = arith.addi %add3A_1337, %add3A_1811 : i32
        %get3A_1813 = arith.index_cast %add3A_1812 : i32 to index
        %get3A_1814 = tpu.vector_load %arg6[%get3A_1813] {strides = array<i32>} : memref<65536xi32, #tpu.memory_space<vmem>>, vector<16xi32>,
        %gather3A_1815 = tpu.vector_load_idx %arg5[%get3A_1814] : memref<20480xi32, #tpu.memory_space<vmem>>[vector<16xi32>], vector<16xi32>,
        %shift_right_arithmetic3A_1816 = arith.shrsi %gather3A_1815, %broadcast_in_dim3A_418 : vector<16xi32>
        %add3A_1817 = arith.addi %add3A_1802, %shift_right_arithmetic3A_1816 : vector<16xi32>
        %and3A_1818 = arith.andi %gather3A_1815, %broadcast_in_dim3A_420 : vector<16xi32>
        %add3A_1819 = arith.addi %add3A_1804, %and3A_1818 : vector<16xi32>
        %add3A_1820 = arith.addi %get3A_1814, %broadcast_in_dim3A_416 : vector<16xi32>
        %gather3A_1821 = tpu.vector_load_idx %arg5[%add3A_1820] : memref<20480xi32, #tpu.memory_space<vmem>>[vector<16xi32>], vector<16xi32>,
        %shift_right_arithmetic3A_1822 = arith.shrsi %gather3A_1821, %broadcast_in_dim3A_418 : vector<16xi32>
        %add3A_1823 = arith.addi %add3A_1808, %shift_right_arithmetic3A_1822 : vector<16xi32>
        %and3A_1824 = arith.andi %gather3A_1821, %broadcast_in_dim3A_420 : vector<16xi32>
        %add3A_1825 = arith.addi %add3A_1810, %and3A_1824 : vector<16xi32>
        %add3A_1826 = arith.constant 0 : i32
        %add3A_1827 = arith.addi %add3A_1341, %add3A_1826 : i32
        %swap3A_1828 = arith.index_cast %add3A_1827 : i32 to index
        %swap3A_1829 = tpu.vector_load %arg7[%swap3A_1828] {strides = array<i32>} : memref<8192xi32, #tpu.memory_space<vmem>>, vector<16xi32>,
        tpu.vector_store %arg7[%swap3A_1828], %add3A_1817 {strides = array<i32>} : memref<8192xi32, #tpu.memory_space<vmem>>, vector<16xi32>,
        %sub3A = arith.subi %add3A_1819, %broadcast_in_dim3A_422 : vector<16xi32>
        %add3A_1830 = arith.constant 1024 : i32
        %add3A_1831 = arith.addi %add3A_1341, %add3A_1830 : i32
        %swap3A_1832 = arith.index_cast %add3A_1831 : i32 to index
        %swap3A_1833 = tpu.vector_load %arg7[%swap3A_1832] {strides = array<i32>} : memref<8192xi32, #tpu.memory_space<vmem>>, vector<16xi32>,
        tpu.vector_store %arg7[%swap3A_1832], %sub3A {strides = array<i32>} : memref<8192xi32, #tpu.memory_space<vmem>>, vector<16xi32>,
        %add3A_1834 = arith.constant 2048 : i32
        %add3A_1835 = arith.addi %add3A_1341, %add3A_1834 : i32
        %swap3A_1836 = arith.index_cast %add3A_1835 : i32 to index
        %swap3A_1837 = tpu.vector_load %arg7[%swap3A_1836] {strides = array<i32>} : memref<8192xi32, #tpu.memory_space<vmem>>, vector<16xi32>,
        tpu.vector_store %arg7[%swap3A_1836], %add3A_1823 {strides = array<i32>} : memref<8192xi32, #tpu.memory_space<vmem>>, vector<16xi32>,
        %sub3A_1838 = arith.subi %add3A_1825, %broadcast_in_dim3A_422 : vector<16xi32>
        %add3A_1839 = arith.constant 3072 : i32
        %add3A_1840 = arith.addi %add3A_1341, %add3A_1839 : i32
        %swap3A_1841 = arith.index_cast %add3A_1840 : i32 to index
        %swap3A_1842 = tpu.vector_load %arg7[%swap3A_1841] {strides = array<i32>} : memref<8192xi32, #tpu.memory_space<vmem>>, vector<16xi32>,
        tpu.vector_store %arg7[%swap3A_1841], %sub3A_1838 {strides = array<i32>} : memref<8192xi32, #tpu.memory_space<vmem>>, vector<16xi32>,
      }
      %scan3A_1292 = arith.constant 64 : i32
      %mul3A_1293 = arith.constant 1024 : i32
      %mul3A_1294 = arith.muli %add3A_922, %mul3A_1293 : i32
      %dma_start3A_1295 = arith.constant 4096 : i32
      %dma_start3A_1296 = tpu.memref_slice %arg7[%dma_start3A_1295] : memref<8192xi32, #tpu.memory_space<vmem>> -> memref<1024xi32, #tpu.memory_space<vmem>>
      %dma_start3A_1297 = tpu.memref_slice %arg4[%mul3A_2, %mul3A_1294] : memref<128x10240xi32, #tpu.memory_space<hbm>> -> memref<1x1024xi32, #tpu.memory_space<hbm>>
      %dma_start3A_1298 = tpu.memref_squeeze %dma_start3A_1297 : memref<1x1024xi32, #tpu.memory_space<hbm>> -> memref<1024xi32, #tpu.memory_space<hbm>>
      %dma_start3A_1299 = tpu.memref_slice %arg4[%mul3A_2, %mul3A_1294] : memref<128x10240xi32, #tpu.memory_space<hbm>> -> memref<1x1024xi32, #tpu.memory_space<hbm>>
      %dma_start3A_1300 = tpu.memref_squeeze %dma_start3A_1299 : memref<1x1024xi32, #tpu.memory_space<hbm>> -> memref<1024xi32, #tpu.memory_space<hbm>>
      %dma_start3A_1301 = arith.constant 4096 : i32
      %dma_start3A_1302 = tpu.memref_slice %arg7[%dma_start3A_1301] : memref<8192xi32, #tpu.memory_space<vmem>> -> memref<1024xi32, #tpu.memory_space<vmem>>
      tpu.enqueue_dma source(%dma_start3A_1302 : memref<1024xi32, #tpu.memory_space<vmem>>) target(%dma_start3A_1300 : memref<1024xi32, #tpu.memory_space<hbm>>) target_semaphore(%arg10 : memref<!tpu.dma_semaphore, #tpu.memory_space<semaphore_mem>>)
      %mul3A_1303 = arith.constant 1024 : i32
      %mul3A_1304 = arith.muli %add3A_922, %mul3A_1303 : i32
      %dma_start3A_1305 = arith.constant 5120 : i32
      %dma_start3A_1306 = tpu.memref_slice %arg7[%dma_start3A_1305] : memref<8192xi32, #tpu.memory_space<vmem>> -> memref<1024xi32, #tpu.memory_space<vmem>>
      %dma_start3A_1307 = tpu.memref_slice %arg4[%add3A_4, %mul3A_1304] : memref<128x10240xi32, #tpu.memory_space<hbm>> -> memref<1x1024xi32, #tpu.memory_space<hbm>>
      %dma_start3A_1308 = tpu.memref_squeeze %dma_start3A_1307 : memref<1x1024xi32, #tpu.memory_space<hbm>> -> memref<1024xi32, #tpu.memory_space<hbm>>
      %dma_start3A_1309 = tpu.memref_slice %arg4[%add3A_4, %mul3A_1304] : memref<128x10240xi32, #tpu.memory_space<hbm>> -> memref<1x1024xi32, #tpu.memory_space<hbm>>
      %dma_start3A_1310 = tpu.memref_squeeze %dma_start3A_1309 : memref<1x1024xi32, #tpu.memory_space<hbm>> -> memref<1024xi32, #tpu.memory_space<hbm>>
      %dma_start3A_1311 = arith.constant 5120 : i32
      %dma_start3A_1312 = tpu.memref_slice %arg7[%dma_start3A_1311] : memref<8192xi32, #tpu.memory_space<vmem>> -> memref<1024xi32, #tpu.memory_space<vmem>>
      tpu.enqueue_dma source(%dma_start3A_1312 : memref<1024xi32, #tpu.memory_space<vmem>>) target(%dma_start3A_1310 : memref<1024xi32, #tpu.memory_space<hbm>>) target_semaphore(%arg10 : memref<!tpu.dma_semaphore, #tpu.memory_space<semaphore_mem>>)
      %mul3A_1313 = arith.constant 1024 : i32
      %mul3A_1314 = arith.muli %add3A_922, %mul3A_1313 : i32
      %dma_start3A_1315 = arith.constant 6144 : i32
      %dma_start3A_1316 = tpu.memref_slice %arg7[%dma_start3A_1315] : memref<8192xi32, #tpu.memory_space<vmem>> -> memref<1024xi32, #tpu.memory_space<vmem>>
      %dma_start3A_1317 = tpu.memref_slice %arg4[%add3A_6, %mul3A_1314] : memref<128x10240xi32, #tpu.memory_space<hbm>> -> memref<1x1024xi32, #tpu.memory_space<hbm>>
      %dma_start3A_1318 = tpu.memref_squeeze %dma_start3A_1317 : memref<1x1024xi32, #tpu.memory_space<hbm>> -> memref<1024xi32, #tpu.memory_space<hbm>>
      %dma_start3A_1319 = tpu.memref_slice %arg4[%add3A_6, %mul3A_1314] : memref<128x10240xi32, #tpu.memory_space<hbm>> -> memref<1x1024xi32, #tpu.memory_space<hbm>>
      %dma_start3A_1320 = tpu.memref_squeeze %dma_start3A_1319 : memref<1x1024xi32, #tpu.memory_space<hbm>> -> memref<1024xi32, #tpu.memory_space<hbm>>
      %dma_start3A_1321 = arith.constant 6144 : i32
      %dma_start3A_1322 = tpu.memref_slice %arg7[%dma_start3A_1321] : memref<8192xi32, #tpu.memory_space<vmem>> -> memref<1024xi32, #tpu.memory_space<vmem>>
      tpu.enqueue_dma source(%dma_start3A_1322 : memref<1024xi32, #tpu.memory_space<vmem>>) target(%dma_start3A_1320 : memref<1024xi32, #tpu.memory_space<hbm>>) target_semaphore(%arg10 : memref<!tpu.dma_semaphore, #tpu.memory_space<semaphore_mem>>)
      %mul3A_1323 = arith.constant 1024 : i32
      %mul3A_1324 = arith.muli %add3A_922, %mul3A_1323 : i32
      %dma_start3A_1325 = arith.constant 7168 : i32
      %dma_start3A_1326 = tpu.memref_slice %arg7[%dma_start3A_1325] : memref<8192xi32, #tpu.memory_space<vmem>> -> memref<1024xi32, #tpu.memory_space<vmem>>
      %dma_start3A_1327 = tpu.memref_slice %arg4[%add3A_10, %mul3A_1324] : memref<128x10240xi32, #tpu.memory_space<hbm>> -> memref<1x1024xi32, #tpu.memory_space<hbm>>
      %dma_start3A_1328 = tpu.memref_squeeze %dma_start3A_1327 : memref<1x1024xi32, #tpu.memory_space<hbm>> -> memref<1024xi32, #tpu.memory_space<hbm>>
      %dma_start3A_1329 = tpu.memref_slice %arg4[%add3A_10, %mul3A_1324] : memref<128x10240xi32, #tpu.memory_space<hbm>> -> memref<1x1024xi32, #tpu.memory_space<hbm>>
      %dma_start3A_1330 = tpu.memref_squeeze %dma_start3A_1329 : memref<1x1024xi32, #tpu.memory_space<hbm>> -> memref<1024xi32, #tpu.memory_space<hbm>>
      %dma_start3A_1331 = arith.constant 7168 : i32
      %dma_start3A_1332 = tpu.memref_slice %arg7[%dma_start3A_1331] : memref<8192xi32, #tpu.memory_space<vmem>> -> memref<1024xi32, #tpu.memory_space<vmem>>
      tpu.enqueue_dma source(%dma_start3A_1332 : memref<1024xi32, #tpu.memory_space<vmem>>) target(%dma_start3A_1330 : memref<1024xi32, #tpu.memory_space<hbm>>) target_semaphore(%arg10 : memref<!tpu.dma_semaphore, #tpu.memory_space<semaphore_mem>>)
    }
    %scan3A_427 = arith.constant 5 : i32
    %dma_wait3A_428 = arith.constant 0 : i32
    %dma_wait3A_429 = tpu.memref_slice %arg7[%dma_wait3A_428] : memref<8192xi32, #tpu.memory_space<vmem>> -> memref<1024xi32, #tpu.memory_space<vmem>>
    %dma_wait3A_430 = arith.constant 8192 : i32
    %dma_wait3A_431 = tpu.memref_slice %arg4[%mul3A_2, %dma_wait3A_430] : memref<128x10240xi32, #tpu.memory_space<hbm>> -> memref<1x1024xi32, #tpu.memory_space<hbm>>
    %dma_wait3A_432 = tpu.memref_squeeze %dma_wait3A_431 : memref<1x1024xi32, #tpu.memory_space<hbm>> -> memref<1024xi32, #tpu.memory_space<hbm>>
    %dma_wait3A_433 = arith.constant 8192 : i32
    %dma_wait3A_434 = tpu.memref_slice %arg4[%mul3A_2, %dma_wait3A_433] : memref<128x10240xi32, #tpu.memory_space<hbm>> -> memref<1x1024xi32, #tpu.memory_space<hbm>>
    %dma_wait3A_435 = tpu.memref_squeeze %dma_wait3A_434 : memref<1x1024xi32, #tpu.memory_space<hbm>> -> memref<1024xi32, #tpu.memory_space<hbm>>
    %dma_wait3A_436 = arith.constant 0 : i32
    %dma_wait3A_437 = tpu.memref_slice %arg7[%dma_wait3A_436] : memref<8192xi32, #tpu.memory_space<vmem>> -> memref<1024xi32, #tpu.memory_space<vmem>>
    tpu.wait_dma2 semaphore(%arg10 : memref<!tpu.dma_semaphore, #tpu.memory_space<semaphore_mem>>) src(%dma_wait3A_437 : memref<1024xi32, #tpu.memory_space<vmem>>) dst(%dma_wait3A_435 : memref<1024xi32, #tpu.memory_space<hbm>>)
    %dma_wait3A_438 = arith.constant 1024 : i32
    %dma_wait3A_439 = tpu.memref_slice %arg7[%dma_wait3A_438] : memref<8192xi32, #tpu.memory_space<vmem>> -> memref<1024xi32, #tpu.memory_space<vmem>>
    %dma_wait3A_440 = arith.constant 8192 : i32
    %dma_wait3A_441 = tpu.memref_slice %arg4[%add3A_4, %dma_wait3A_440] : memref<128x10240xi32, #tpu.memory_space<hbm>> -> memref<1x1024xi32, #tpu.memory_space<hbm>>
    %dma_wait3A_442 = tpu.memref_squeeze %dma_wait3A_441 : memref<1x1024xi32, #tpu.memory_space<hbm>> -> memref<1024xi32, #tpu.memory_space<hbm>>
    %dma_wait3A_443 = arith.constant 8192 : i32
    %dma_wait3A_444 = tpu.memref_slice %arg4[%add3A_4, %dma_wait3A_443] : memref<128x10240xi32, #tpu.memory_space<hbm>> -> memref<1x1024xi32, #tpu.memory_space<hbm>>
    %dma_wait3A_445 = tpu.memref_squeeze %dma_wait3A_444 : memref<1x1024xi32, #tpu.memory_space<hbm>> -> memref<1024xi32, #tpu.memory_space<hbm>>
    %dma_wait3A_446 = arith.constant 1024 : i32
    %dma_wait3A_447 = tpu.memref_slice %arg7[%dma_wait3A_446] : memref<8192xi32, #tpu.memory_space<vmem>> -> memref<1024xi32, #tpu.memory_space<vmem>>
    tpu.wait_dma2 semaphore(%arg10 : memref<!tpu.dma_semaphore, #tpu.memory_space<semaphore_mem>>) src(%dma_wait3A_447 : memref<1024xi32, #tpu.memory_space<vmem>>) dst(%dma_wait3A_445 : memref<1024xi32, #tpu.memory_space<hbm>>)
    %dma_wait3A_448 = arith.constant 2048 : i32
    %dma_wait3A_449 = tpu.memref_slice %arg7[%dma_wait3A_448] : memref<8192xi32, #tpu.memory_space<vmem>> -> memref<1024xi32, #tpu.memory_space<vmem>>
    %dma_wait3A_450 = arith.constant 8192 : i32
    %dma_wait3A_451 = tpu.memref_slice %arg4[%add3A_6, %dma_wait3A_450] : memref<128x10240xi32, #tpu.memory_space<hbm>> -> memref<1x1024xi32, #tpu.memory_space<hbm>>
    %dma_wait3A_452 = tpu.memref_squeeze %dma_wait3A_451 : memref<1x1024xi32, #tpu.memory_space<hbm>> -> memref<1024xi32, #tpu.memory_space<hbm>>
    %dma_wait3A_453 = arith.constant 8192 : i32
    %dma_wait3A_454 = tpu.memref_slice %arg4[%add3A_6, %dma_wait3A_453] : memref<128x10240xi32, #tpu.memory_space<hbm>> -> memref<1x1024xi32, #tpu.memory_space<hbm>>
    %dma_wait3A_455 = tpu.memref_squeeze %dma_wait3A_454 : memref<1x1024xi32, #tpu.memory_space<hbm>> -> memref<1024xi32, #tpu.memory_space<hbm>>
    %dma_wait3A_456 = arith.constant 2048 : i32
    %dma_wait3A_457 = tpu.memref_slice %arg7[%dma_wait3A_456] : memref<8192xi32, #tpu.memory_space<vmem>> -> memref<1024xi32, #tpu.memory_space<vmem>>
    tpu.wait_dma2 semaphore(%arg10 : memref<!tpu.dma_semaphore, #tpu.memory_space<semaphore_mem>>) src(%dma_wait3A_457 : memref<1024xi32, #tpu.memory_space<vmem>>) dst(%dma_wait3A_455 : memref<1024xi32, #tpu.memory_space<hbm>>)
    %dma_wait3A_458 = arith.constant 3072 : i32
    %dma_wait3A_459 = tpu.memref_slice %arg7[%dma_wait3A_458] : memref<8192xi32, #tpu.memory_space<vmem>> -> memref<1024xi32, #tpu.memory_space<vmem>>
    %dma_wait3A_460 = arith.constant 8192 : i32
    %dma_wait3A_461 = tpu.memref_slice %arg4[%add3A_10, %dma_wait3A_460] : memref<128x10240xi32, #tpu.memory_space<hbm>> -> memref<1x1024xi32, #tpu.memory_space<hbm>>
    %dma_wait3A_462 = tpu.memref_squeeze %dma_wait3A_461 : memref<1x1024xi32, #tpu.memory_space<hbm>> -> memref<1024xi32, #tpu.memory_space<hbm>>
    %dma_wait3A_463 = arith.constant 8192 : i32
    %dma_wait3A_464 = tpu.memref_slice %arg4[%add3A_10, %dma_wait3A_463] : memref<128x10240xi32, #tpu.memory_space<hbm>> -> memref<1x1024xi32, #tpu.memory_space<hbm>>
    %dma_wait3A_465 = tpu.memref_squeeze %dma_wait3A_464 : memref<1x1024xi32, #tpu.memory_space<hbm>> -> memref<1024xi32, #tpu.memory_space<hbm>>
    %dma_wait3A_466 = arith.constant 3072 : i32
    %dma_wait3A_467 = tpu.memref_slice %arg7[%dma_wait3A_466] : memref<8192xi32, #tpu.memory_space<vmem>> -> memref<1024xi32, #tpu.memory_space<vmem>>
    tpu.wait_dma2 semaphore(%arg10 : memref<!tpu.dma_semaphore, #tpu.memory_space<semaphore_mem>>) src(%dma_wait3A_467 : memref<1024xi32, #tpu.memory_space<vmem>>) dst(%dma_wait3A_465 : memref<1024xi32, #tpu.memory_space<hbm>>)
    %dma_wait3A_468 = arith.constant 4096 : i32
    %dma_wait3A_469 = tpu.memref_slice %arg7[%dma_wait3A_468] : memref<8192xi32, #tpu.memory_space<vmem>> -> memref<1024xi32, #tpu.memory_space<vmem>>
    %dma_wait3A_470 = arith.constant 9216 : i32
    %dma_wait3A_471 = tpu.memref_slice %arg4[%mul3A_2, %dma_wait3A_470] : memref<128x10240xi32, #tpu.memory_space<hbm>> -> memref<1x1024xi32, #tpu.memory_space<hbm>>
    %dma_wait3A_472 = tpu.memref_squeeze %dma_wait3A_471 : memref<1x1024xi32, #tpu.memory_space<hbm>> -> memref<1024xi32, #tpu.memory_space<hbm>>
    %dma_wait3A_473 = arith.constant 9216 : i32
    %dma_wait3A_474 = tpu.memref_slice %arg4[%mul3A_2, %dma_wait3A_473] : memref<128x10240xi32, #tpu.memory_space<hbm>> -> memref<1x1024xi32, #tpu.memory_space<hbm>>
    %dma_wait3A_475 = tpu.memref_squeeze %dma_wait3A_474 : memref<1x1024xi32, #tpu.memory_space<hbm>> -> memref<1024xi32, #tpu.memory_space<hbm>>
    %dma_wait3A_476 = arith.constant 4096 : i32
    %dma_wait3A_477 = tpu.memref_slice %arg7[%dma_wait3A_476] : memref<8192xi32, #tpu.memory_space<vmem>> -> memref<1024xi32, #tpu.memory_space<vmem>>
    tpu.wait_dma2 semaphore(%arg10 : memref<!tpu.dma_semaphore, #tpu.memory_space<semaphore_mem>>) src(%dma_wait3A_477 : memref<1024xi32, #tpu.memory_space<vmem>>) dst(%dma_wait3A_475 : memref<1024xi32, #tpu.memory_space<hbm>>)
    %dma_wait3A_478 = arith.constant 5120 : i32
    %dma_wait3A_479 = tpu.memref_slice %arg7[%dma_wait3A_478] : memref<8192xi32, #tpu.memory_space<vmem>> -> memref<1024xi32, #tpu.memory_space<vmem>>
    %dma_wait3A_480 = arith.constant 9216 : i32
    %dma_wait3A_481 = tpu.memref_slice %arg4[%add3A_4, %dma_wait3A_480] : memref<128x10240xi32, #tpu.memory_space<hbm>> -> memref<1x1024xi32, #tpu.memory_space<hbm>>
    %dma_wait3A_482 = tpu.memref_squeeze %dma_wait3A_481 : memref<1x1024xi32, #tpu.memory_space<hbm>> -> memref<1024xi32, #tpu.memory_space<hbm>>
    %dma_wait3A_483 = arith.constant 9216 : i32
    %dma_wait3A_484 = tpu.memref_slice %arg4[%add3A_4, %dma_wait3A_483] : memref<128x10240xi32, #tpu.memory_space<hbm>> -> memref<1x1024xi32, #tpu.memory_space<hbm>>
    %dma_wait3A_485 = tpu.memref_squeeze %dma_wait3A_484 : memref<1x1024xi32, #tpu.memory_space<hbm>> -> memref<1024xi32, #tpu.memory_space<hbm>>
    %dma_wait3A_486 = arith.constant 5120 : i32
    %dma_wait3A_487 = tpu.memref_slice %arg7[%dma_wait3A_486] : memref<8192xi32, #tpu.memory_space<vmem>> -> memref<1024xi32, #tpu.memory_space<vmem>>
    tpu.wait_dma2 semaphore(%arg10 : memref<!tpu.dma_semaphore, #tpu.memory_space<semaphore_mem>>) src(%dma_wait3A_487 : memref<1024xi32, #tpu.memory_space<vmem>>) dst(%dma_wait3A_485 : memref<1024xi32, #tpu.memory_space<hbm>>)
    %dma_wait3A_488 = arith.constant 6144 : i32
    %dma_wait3A_489 = tpu.memref_slice %arg7[%dma_wait3A_488] : memref<8192xi32, #tpu.memory_space<vmem>> -> memref<1024xi32, #tpu.memory_space<vmem>>
    %dma_wait3A_490 = arith.constant 9216 : i32
    %dma_wait3A_491 = tpu.memref_slice %arg4[%add3A_6, %dma_wait3A_490] : memref<128x10240xi32, #tpu.memory_space<hbm>> -> memref<1x1024xi32, #tpu.memory_space<hbm>>
    %dma_wait3A_492 = tpu.memref_squeeze %dma_wait3A_491 : memref<1x1024xi32, #tpu.memory_space<hbm>> -> memref<1024xi32, #tpu.memory_space<hbm>>
    %dma_wait3A_493 = arith.constant 9216 : i32
    %dma_wait3A_494 = tpu.memref_slice %arg4[%add3A_6, %dma_wait3A_493] : memref<128x10240xi32, #tpu.memory_space<hbm>> -> memref<1x1024xi32, #tpu.memory_space<hbm>>
    %dma_wait3A_495 = tpu.memref_squeeze %dma_wait3A_494 : memref<1x1024xi32, #tpu.memory_space<hbm>> -> memref<1024xi32, #tpu.memory_space<hbm>>
    %dma_wait3A_496 = arith.constant 6144 : i32
    %dma_wait3A_497 = tpu.memref_slice %arg7[%dma_wait3A_496] : memref<8192xi32, #tpu.memory_space<vmem>> -> memref<1024xi32, #tpu.memory_space<vmem>>
    tpu.wait_dma2 semaphore(%arg10 : memref<!tpu.dma_semaphore, #tpu.memory_space<semaphore_mem>>) src(%dma_wait3A_497 : memref<1024xi32, #tpu.memory_space<vmem>>) dst(%dma_wait3A_495 : memref<1024xi32, #tpu.memory_space<hbm>>)
    %dma_wait3A_498 = arith.constant 7168 : i32
    %dma_wait3A_499 = tpu.memref_slice %arg7[%dma_wait3A_498] : memref<8192xi32, #tpu.memory_space<vmem>> -> memref<1024xi32, #tpu.memory_space<vmem>>
    %dma_wait3A_500 = arith.constant 9216 : i32
    %dma_wait3A_501 = tpu.memref_slice %arg4[%add3A_10, %dma_wait3A_500] : memref<128x10240xi32, #tpu.memory_space<hbm>> -> memref<1x1024xi32, #tpu.memory_space<hbm>>
    %dma_wait3A_502 = tpu.memref_squeeze %dma_wait3A_501 : memref<1x1024xi32, #tpu.memory_space<hbm>> -> memref<1024xi32, #tpu.memory_space<hbm>>
    %dma_wait3A_503 = arith.constant 9216 : i32
    %dma_wait3A_504 = tpu.memref_slice %arg4[%add3A_10, %dma_wait3A_503] : memref<128x10240xi32, #tpu.memory_space<hbm>> -> memref<1x1024xi32, #tpu.memory_space<hbm>>
    %dma_wait3A_505 = tpu.memref_squeeze %dma_wait3A_504 : memref<1x1024xi32, #tpu.memory_space<hbm>> -> memref<1024xi32, #tpu.memory_space<hbm>>
    %dma_wait3A_506 = arith.constant 7168 : i32
    %dma_wait3A_507 = tpu.memref_slice %arg7[%dma_wait3A_506] : memref<8192xi32, #tpu.memory_space<vmem>> -> memref<1024xi32, #tpu.memory_space<vmem>>
    tpu.wait_dma2 semaphore(%arg10 : memref<!tpu.dma_semaphore, #tpu.memory_space<semaphore_mem>>) src(%dma_wait3A_507 : memref<1024xi32, #tpu.memory_space<vmem>>) dst(%dma_wait3A_505 : memref<1024xi32, #tpu.memory_space<hbm>>)
    return
  }
}

module attributes {stable_mosaic.version = 14 : i64} {
  func.func @_matmul_t_kernel(%arg0: i32, %arg1: memref<128x128xf32, #tpu.memory_space<vmem>>, %arg2: memref<1024x128xf32, #tpu.memory_space<vmem>>, %arg3: memref<1024x32xi32, #tpu.memory_space<vmem>>, %arg4: memref<128x1024xf32, #tpu.memory_space<vmem>>, %arg5: memref<1x1x128xf32, #tpu.memory_space<vmem>>, %arg6: memref<32x1024xi32, #tpu.memory_space<vmem>>) attributes {dimension_semantics = [#tpu.dimension_semantics<arbitrary>], iteration_bounds = array<i64: 10>, scalar_prefetch = 0 : i64, scratch_operands = 0 : i64, tpu.core_type = #tpu.core_type<tc>, window_params = [{pipeline_mode = #tpu.pipeline_mode<synchronous>, transform_indices = @transform_0, window_bounds = array<i64: 128, 128>}, {transform_indices = @transform_1, window_bounds = array<i64: 1024, 128>}, {transform_indices = @transform_2, window_bounds = array<i64: 1024, 32>}, {transform_indices = @transform_3, window_bounds = array<i64: 128, 1024>}, {transform_indices = @transform_4, window_bounds = array<i64: 1, 1, 128>}, {transform_indices = @transform_5, window_bounds = array<i64: 32, 1024>}]} {
    %get3A = arith.constant 0 : index
    %get3A_0 = arith.constant 0 : index
    %get3A_1 = vector.load %arg1[%get3A, %get3A_0] : memref<128x128xf32, #tpu.memory_space<vmem>>, vector<128x128xf32>
    %get3A_2 = arith.constant 0 : index
    %get3A_3 = arith.constant 0 : index
    %get3A_4 = vector.load %arg2[%get3A_2, %get3A_3] : memref<1024x128xf32, #tpu.memory_space<vmem>>, vector<1024x128xf32>
    %dot_general3A = arith.constant dense<0.000000e+00> : vector<128x1024xf32>
    %dot_general3A_5 = tpu.matmul %get3A_1, %get3A_4, %dot_general3A {dimension_numbers = #tpu.dot_dimension_numbers<[0], [1], [1], [0], [0, 1, 1, 0], [], []>, transpose_lhs_hint = false} : vector<128x128xf32>, vector<1024x128xf32>, vector<128x1024xf32> -> vector<128x1024xf32>
    %iota3A = tpu.iota {dimensions = array<i32: 1>} : vector<128x1024xi32>
    %mul3A = arith.constant 1024 : i32
    %mul3A_6 = arith.muli %arg0, %mul3A : i32
    %add3A = vector.broadcast %mul3A_6 : i32 to vector<128x1024xi32>
    %add3A_7 = arith.addi %iota3A, %add3A : vector<128x1024xi32>
    %lt3A = arith.constant 10000 : i32
    %lt3A_8 = vector.broadcast %lt3A : i32 to vector<128x1024xi32>
    %lt3A_9 = arith.cmpi slt, %add3A_7, %lt3A_8 : vector<128x1024xi32>
    %abs3A = math.absf %dot_general3A_5 : vector<128x1024xf32>
    %jit3A = arith.constant 0.000000e+00 : f32
    %broadcast_in_dim3A = vector.broadcast %jit3A : f32 to vector<128x1024xf32>
    %select_n3A = arith.select %lt3A_9, %abs3A, %broadcast_in_dim3A : vector<128x1024xi1>, vector<128x1024xf32>
    %reduce_max3A = vector.shape_cast %select_n3A : vector<128x1024xf32> to vector<1x128x1024xf32>
    %reduce_max3A_10 = arith.constant dense<0xFF800000> : vector<1xf32>
    %reduce_max3A_11 = vector.multi_reduction <maximumf>, %reduce_max3A, %reduce_max3A_10 [1, 2] : vector<1x128x1024xf32> to vector<1xf32>
    %reduce_max3A_12 = vector.shape_cast %reduce_max3A_11 : vector<1xf32> to vector<1x1x1xf32>
    %reduce_max3A_13 = vector.extract %reduce_max3A_12[0, 0, 0] : f32 from vector<1x1x1xf32>
    %swap3A = arith.constant 0 : index
    %swap3A_14 = arith.constant 0 : index
    %swap3A_15 = vector.load %arg4[%swap3A, %swap3A_14] : memref<128x1024xf32, #tpu.memory_space<vmem>>, vector<128x1024xf32>
    tpu.vector_store %arg4[%swap3A, %swap3A_14], %dot_general3A_5 {strides = array<i32>} : memref<128x1024xf32, #tpu.memory_space<vmem>>, vector<128x1024xf32>,
    %broadcast_in_dim3A_16 = vector.broadcast %reduce_max3A_13 : f32 to vector<1x1x128xf32>
    %swap3A_17 = arith.constant 0 : index
    %swap3A_18 = arith.constant 0 : index
    %swap3A_19 = arith.constant 0 : index
    %swap3A_20 = vector.load %arg5[%swap3A_17, %swap3A_18, %swap3A_19] : memref<1x1x128xf32, #tpu.memory_space<vmem>>, vector<1x1x128xf32>
    tpu.vector_store %arg5[%swap3A_17, %swap3A_18, %swap3A_19], %broadcast_in_dim3A_16 {strides = array<i32>} : memref<1x1x128xf32, #tpu.memory_space<vmem>>, vector<1x1x128xf32>,
    %get3A_21 = arith.constant 0 : index
    %get3A_22 = arith.constant 0 : index
    %get3A_23 = vector.load %arg3[%get3A_21, %get3A_22] : memref<1024x32xi32, #tpu.memory_space<vmem>>, vector<1024x32xi32>
    %jit3A_24 = arith.constant 0 : i32
    %jit3A_25 = arith.constant 10000 : i32
    %max3A = vector.broadcast %jit3A_24 : i32 to vector<1024x32xi32>
    %max3A_26 = arith.maxsi %max3A, %get3A_23 : vector<1024x32xi32>
    %min3A = vector.broadcast %jit3A_25 : i32 to vector<1024x32xi32>
    %min3A_27 = arith.minsi %min3A, %max3A_26 : vector<1024x32xi32>
    %transpose3A = tpu.transpose %min3A_27, [1, 0] : vector<1024x32xi32> -> vector<32x1024xi32>
    %swap3A_28 = arith.constant 0 : index
    %swap3A_29 = arith.constant 0 : index
    %swap3A_30 = vector.load %arg6[%swap3A_28, %swap3A_29] : memref<32x1024xi32, #tpu.memory_space<vmem>>, vector<32x1024xi32>
    tpu.vector_store %arg6[%swap3A_28, %swap3A_29], %transpose3A {strides = array<i32>} : memref<32x1024xi32, #tpu.memory_space<vmem>>, vector<32x1024xi32>,
    return
  }
  func.func @transform_0(%arg0: i32) -> (i32, i32) {
    %c0_i32 = arith.constant 0 : i32
    %c0_i32_0 = arith.constant 0 : i32
    %c0_i32_1 = arith.constant 0 : i32
    return %c0_i32, %c0_i32_0 : i32, i32
  }
  func.func @transform_1(%arg0: i32) -> (i32, i32) {
    %c0_i32 = arith.constant 0 : i32
    %c0_i32_0 = arith.constant 0 : i32
    return %arg0, %c0_i32 : i32, i32
  }
  func.func @transform_2(%arg0: i32) -> (i32, i32) {
    %c0_i32 = arith.constant 0 : i32
    %c0_i32_0 = arith.constant 0 : i32
    return %arg0, %c0_i32 : i32, i32
  }
  func.func @transform_3(%arg0: i32) -> (i32, i32) {
    %c0_i32 = arith.constant 0 : i32
    %c0_i32_0 = arith.constant 0 : i32
    return %c0_i32, %arg0 : i32, i32
  }
  func.func @transform_4(%arg0: i32) -> (i32, i32, i32) {
    %c0_i32 = arith.constant 0 : i32
    %c0_i32_0 = arith.constant 0 : i32
    %c0_i32_1 = arith.constant 0 : i32
    return %arg0, %c0_i32, %c0_i32_0 : i32, i32, i32
  }
  func.func @transform_5(%arg0: i32) -> (i32, i32) {
    %c0_i32 = arith.constant 0 : i32
    %c0_i32_0 = arith.constant 0 : i32
    return %c0_i32, %arg0 : i32, i32
  }
}

module attributes {stable_mosaic.version = 14 : i64} {
  func.func @_gru_kernel(%arg0: i32, %arg1: memref<128x1024xi32, #tpu.memory_space<vmem>>, %arg2: memref<1024x128xf32, #tpu.memory_space<vmem>>, %arg3: memref<384x128xf32, #tpu.memory_space<vmem>>, %arg4: memref<384x128xf32, #tpu.memory_space<vmem>>, %arg5: memref<1x384xf32, #tpu.memory_space<vmem>>, %arg6: memref<1x384xf32, #tpu.memory_space<vmem>>, %arg7: memref<1x1xf32, #tpu.memory_space<vmem>>, %arg8: memref<1024x128xf32, #tpu.memory_space<vmem>>) attributes {dimension_semantics = [#tpu.dimension_semantics<arbitrary>], iteration_bounds = array<i64: 10>, scalar_prefetch = 0 : i64, scratch_operands = 0 : i64, tpu.core_type = #tpu.core_type<tc>, window_params = [{transform_indices = @transform_0, window_bounds = array<i64: 128, 1024>}, {transform_indices = @transform_1, window_bounds = array<i64: 1024, 128>}, {pipeline_mode = #tpu.pipeline_mode<synchronous>, transform_indices = @transform_2, window_bounds = array<i64: 384, 128>}, {pipeline_mode = #tpu.pipeline_mode<synchronous>, transform_indices = @transform_3, window_bounds = array<i64: 384, 128>}, {pipeline_mode = #tpu.pipeline_mode<synchronous>, transform_indices = @transform_4, window_bounds = array<i64: 1, 384>}, {pipeline_mode = #tpu.pipeline_mode<synchronous>, transform_indices = @transform_5, window_bounds = array<i64: 1, 384>}, {pipeline_mode = #tpu.pipeline_mode<synchronous>, transform_indices = @transform_6, window_bounds = array<i64: 1, 1>}, {transform_indices = @transform_7, window_bounds = array<i64: 1024, 128>}]} {
    %get3A = arith.constant 0 : index
    %get3A_0 = arith.constant 0 : index
    %get3A_1 = vector.load %arg2[%get3A, %get3A_0] : memref<1024x128xf32, #tpu.memory_space<vmem>>, vector<1024x128xf32>
    %get3A_2 = arith.constant 0 : index
    %get3A_3 = arith.constant 0 : index
    %get3A_4 = vector.load %arg1[%get3A_2, %get3A_3] : memref<128x1024xi32, #tpu.memory_space<vmem>>, vector<128x1024xi32>
    %convert_element_type3A = arith.sitofp %get3A_4 : vector<128x1024xi32> to vector<128x1024xf32>
    %get3A_5 = arith.constant 0 : index
    %get3A_6 = arith.constant 0 : index
    %get3A_7 = vector.load %arg7[%get3A_5, %get3A_6] : memref<1x1xf32, #tpu.memory_space<vmem>>, vector<1x1xf32>
    %mul3A = vector.broadcast %get3A_7 : vector<1x1xf32> to vector<128x1024xf32>
    %mul3A_8 = arith.mulf %convert_element_type3A, %mul3A : vector<128x1024xf32>
    %get3A_9 = arith.constant 0 : index
    %get3A_10 = arith.constant 0 : index
    %get3A_11 = vector.load %arg3[%get3A_9, %get3A_10] : memref<384x128xf32, #tpu.memory_space<vmem>>, vector<384x128xf32>
    %dot_general3A = arith.constant dense<0.000000e+00> : vector<1024x384xf32>
    %dot_general3A_12 = tpu.matmul %mul3A_8, %get3A_11, %dot_general3A {dimension_numbers = #tpu.dot_dimension_numbers<[0], [1], [1], [0], [0, 1, 1, 0], [], []>, transpose_lhs_hint = false} : vector<128x1024xf32>, vector<384x128xf32>, vector<1024x384xf32> -> vector<1024x384xf32>
    %get3A_13 = arith.constant 0 : index
    %get3A_14 = arith.constant 0 : index
    %get3A_15 = vector.load %arg5[%get3A_13, %get3A_14] : memref<1x384xf32, #tpu.memory_space<vmem>>, vector<1x384xf32>
    %add3A = vector.broadcast %get3A_15 : vector<1x384xf32> to vector<1024x384xf32>
    %add3A_16 = arith.addf %dot_general3A_12, %add3A : vector<1024x384xf32>
    %get3A_17 = arith.constant 0 : index
    %get3A_18 = arith.constant 0 : index
    %get3A_19 = vector.load %arg4[%get3A_17, %get3A_18] : memref<384x128xf32, #tpu.memory_space<vmem>>, vector<384x128xf32>
    %dot_general3A_20 = arith.constant dense<0.000000e+00> : vector<1024x384xf32>
    %dot_general3A_21 = tpu.matmul %get3A_1, %get3A_19, %dot_general3A_20 {dimension_numbers = #tpu.dot_dimension_numbers<[1], [1], [0], [0], [0, 0, 1, 0], [], []>, transpose_lhs_hint = false} : vector<1024x128xf32>, vector<384x128xf32>, vector<1024x384xf32> -> vector<1024x384xf32>
    %get3A_22 = arith.constant 0 : index
    %get3A_23 = arith.constant 0 : index
    %get3A_24 = vector.load %arg6[%get3A_22, %get3A_23] : memref<1x384xf32, #tpu.memory_space<vmem>>, vector<1x384xf32>
    %add3A_25 = vector.broadcast %get3A_24 : vector<1x384xf32> to vector<1024x384xf32>
    %add3A_26 = arith.addf %dot_general3A_21, %add3A_25 : vector<1024x384xf32>
    %slice3A = vector.extract_strided_slice %add3A_16 {offsets = [0, 0], sizes = [1024, 128], strides = [1, 1]} : vector<1024x384xf32> to vector<1024x128xf32>
    %slice3A_27 = vector.extract_strided_slice %add3A_26 {offsets = [0, 0], sizes = [1024, 128], strides = [1, 1]} : vector<1024x384xf32> to vector<1024x128xf32>
    %add3A_28 = arith.addf %slice3A, %slice3A_27 : vector<1024x128xf32>
    %logistic3A = arith.negf %add3A_28 : vector<1024x128xf32>
    %logistic3A_29 = math.exp %logistic3A : vector<1024x128xf32>
    %logistic3A_30 = arith.constant 1.000000e+00 : f32
    %logistic3A_31 = vector.broadcast %logistic3A_30 : f32 to vector<1024x128xf32>
    %logistic3A_32 = arith.addf %logistic3A_31, %logistic3A_29 : vector<1024x128xf32>
    %logistic3A_33 = arith.divf %logistic3A_31, %logistic3A_32 : vector<1024x128xf32>
    %slice3A_34 = vector.extract_strided_slice %add3A_16 {offsets = [0, 128], sizes = [1024, 128], strides = [1, 1]} : vector<1024x384xf32> to vector<1024x128xf32>
    %slice3A_35 = vector.extract_strided_slice %add3A_26 {offsets = [0, 128], sizes = [1024, 128], strides = [1, 1]} : vector<1024x384xf32> to vector<1024x128xf32>
    %add3A_36 = arith.addf %slice3A_34, %slice3A_35 : vector<1024x128xf32>
    %logistic3A_37 = arith.negf %add3A_36 : vector<1024x128xf32>
    %logistic3A_38 = math.exp %logistic3A_37 : vector<1024x128xf32>
    %logistic3A_39 = arith.constant 1.000000e+00 : f32
    %logistic3A_40 = vector.broadcast %logistic3A_39 : f32 to vector<1024x128xf32>
    %logistic3A_41 = arith.addf %logistic3A_40, %logistic3A_38 : vector<1024x128xf32>
    %logistic3A_42 = arith.divf %logistic3A_40, %logistic3A_41 : vector<1024x128xf32>
    %slice3A_43 = vector.extract_strided_slice %add3A_16 {offsets = [0, 256], sizes = [1024, 128], strides = [1, 1]} : vector<1024x384xf32> to vector<1024x128xf32>
    %slice3A_44 = vector.extract_strided_slice %add3A_26 {offsets = [0, 256], sizes = [1024, 128], strides = [1, 1]} : vector<1024x384xf32> to vector<1024x128xf32>
    %mul3A_45 = arith.mulf %logistic3A_33, %slice3A_44 : vector<1024x128xf32>
    %add3A_46 = arith.addf %slice3A_43, %mul3A_45 : vector<1024x128xf32>
    %tanh3A = math.tanh %add3A_46 : vector<1024x128xf32>
    %sub3A = arith.constant 1.000000e+00 : f32
    %sub3A_47 = vector.broadcast %sub3A : f32 to vector<1024x128xf32>
    %sub3A_48 = arith.subf %sub3A_47, %logistic3A_42 : vector<1024x128xf32>
    %mul3A_49 = arith.mulf %sub3A_48, %tanh3A : vector<1024x128xf32>
    %mul3A_50 = arith.mulf %logistic3A_42, %get3A_1 : vector<1024x128xf32>
    %add3A_51 = arith.addf %mul3A_49, %mul3A_50 : vector<1024x128xf32>
    %swap3A = arith.constant 0 : index
    %swap3A_52 = arith.constant 0 : index
    %swap3A_53 = vector.load %arg8[%swap3A, %swap3A_52] : memref<1024x128xf32, #tpu.memory_space<vmem>>, vector<1024x128xf32>
    tpu.vector_store %arg8[%swap3A, %swap3A_52], %add3A_51 {strides = array<i32>} : memref<1024x128xf32, #tpu.memory_space<vmem>>, vector<1024x128xf32>,
    return
  }
  func.func @transform_0(%arg0: i32) -> (i32, i32) {
    %c0_i32 = arith.constant 0 : i32
    %c0_i32_0 = arith.constant 0 : i32
    return %c0_i32, %arg0 : i32, i32
  }
  func.func @transform_1(%arg0: i32) -> (i32, i32) {
    %c0_i32 = arith.constant 0 : i32
    %c0_i32_0 = arith.constant 0 : i32
    return %arg0, %c0_i32 : i32, i32
  }
  func.func @transform_2(%arg0: i32) -> (i32, i32) {
    %c0_i32 = arith.constant 0 : i32
    %c0_i32_0 = arith.constant 0 : i32
    %c0_i32_1 = arith.constant 0 : i32
    return %c0_i32, %c0_i32_0 : i32, i32
  }
  func.func @transform_3(%arg0: i32) -> (i32, i32) {
    %c0_i32 = arith.constant 0 : i32
    %c0_i32_0 = arith.constant 0 : i32
    %c0_i32_1 = arith.constant 0 : i32
    return %c0_i32, %c0_i32_0 : i32, i32
  }
  func.func @transform_4(%arg0: i32) -> (i32, i32) {
    %c0_i32 = arith.constant 0 : i32
    %c0_i32_0 = arith.constant 0 : i32
    %c0_i32_1 = arith.constant 0 : i32
    return %c0_i32, %c0_i32_0 : i32, i32
  }
  func.func @transform_5(%arg0: i32) -> (i32, i32) {
    %c0_i32 = arith.constant 0 : i32
    %c0_i32_0 = arith.constant 0 : i32
    %c0_i32_1 = arith.constant 0 : i32
    return %c0_i32, %c0_i32_0 : i32, i32
  }
  func.func @transform_6(%arg0: i32) -> (i32, i32) {
    %c0_i32 = arith.constant 0 : i32
    %c0_i32_0 = arith.constant 0 : i32
    %c0_i32_1 = arith.constant 0 : i32
    return %c0_i32, %c0_i32_0 : i32, i32
  }
  func.func @transform_7(%arg0: i32) -> (i32, i32) {
    %c0_i32 = arith.constant 0 : i32
    %c0_i32_0 = arith.constant 0 : i32
    return %arg0, %c0_i32 : i32, i32
  }
}

</mosaic_0001>

<sc_bundles>
// kernel: kernel.5.cloned.1.call-start
scs
__scs_entry_jumppad:
0x0: {  	(pc) =	sbr.rel $0x88, $3  }
0x1: {  	(tag) =	ssettag $0x0;
	lr =	simm.s32 $0x1  }
0x2: {  	[smem:$0x3F9A] =	sst lr;
	_ =	strace $0xD0000000  }
0x3: {  	_ = 	snop  }
0x4: {  	_ = 	snop  }
0x5: {  	_ = 	snop  }
0x6: {  	_ = 	snop  }
0x7: {  	_ = 	snop  }
__scs_overlays_trampoline_lowered:
0x8: {  	[smem:$0x3FA9] =	sst s0  }
0x9: {  	[smem:$0x3FAA] =	sst s1  }
0xa: {  	[smem:$0x3FAB] =	sst s2  }
0xb: {  	[smem:$0x3FAC] =	sst s3  }
0xc: {  	[smem:$0x3FAD] =	sst s4  }
0xd: {  	[smem:$0x3FAE] =	sst s5  }
0xe: {  	[smem:$0x3FAF] =	sst s6  }
0xf: {  	[smem:$0x3FB0] =	sst s7  }
0x10: {  	[smem:$0x3FB1] =	sst s8  }
0x11: {  	[smem:$0x3FB2] =	sst s9;
	s0 =	simm.s32 @!p0 $0x0  }
0x12: {  	s1 =	sld [smem:$0x3F98];
	s0 =	simm.s32 @p0 $0x1  }
0x13: {  	[smem:$0x3FB3] =	sst s0;
	s0 =	simm.s32 @!p1 $0x0  }
0x14: {  	s2 =	sld [smem:$0x3F97];
	s0 =	simm.s32 @p1 $0x1  }
0x15: {  	[smem:$0x3FB4] =	sst s0;
	s0 =	simm.s32 @!p2 $0x0  }
0x16: {  	s3 =	sld [smem:$0x3FDB];
	s0 =	simm.s32 @p2 $0x1  }
0x17: {  	s4 =	simm.s32 $0x1BF5;
	[smem:$0x3FB6] =	sst s0  }
0x18: {  	s0 =	sld [smem:$0x3F99];
	_ =	swait.ge [sflag:s4], $0x0  }
0x19: {  	s7 =	sld [smem:$0x3F9A]  }
0x1a: {  	s8 =	sadd.s32 $0xFFFFE003, lr  }
0x1b: {  	s9 =	sadd.s32 $0xFFFFFEF7, lr;
	s5 =	simm.s32 $0xFFFFFFFF;
	p2 =	slt.u32 s8, $0xFFFFF086  }
0x1c: {  	p1 =	slt.u32 s9, $0xF7A;
	s5 =	simm.s32 @!p2 $0x0  }
0x1d: {  	s5 =	simm.s32 @p1 $0x1;
	p0 =	seq.s32 s7, s2  }
0x1e: {  	s7 =	smul.u32 @!p0 $0xF7A, s2;
	p2 =	seq.s32 @!p0 s5, $0x0  }
0x1f: {  	s9 =	smul.u32 $0xF7A, s1;
	s8 =	simm.s32 @!p0 $0x1BF5;
	p2 =	por !p2, p0  }
0x20: {  	[sflag:s8] =	ssyncset.s32 @!p0 $0xFFFFF086;
	s6 =	sadd.s32 @!p0 s3, s7;
	s7 =	simm.s32 @!p0 $0x108  }
0x21: {  	s3 =	sadd.s32 s3, s9;
	s6 =	sadd.s32 @!p0 $0x88, s6;
	s7 =	simm.s32 @p2 $0x1082  }
0x22: {  	[simem:s7], [sflag:s8] =	dma.local @!p0 [hbm:s6], $0xF7A  }
0x23: {  	s9 =	sor.u32 $0xD0000000, s2;
	s6 =	simm.s32 $0x108;
	_ =	swait.ge @!p0 [sflag:s8], $0x0  }
0x24: {  	s3 =	sadd.s32 $0x88, s3;
	s6 =	simm.s32 @!p1 $0x1082;
	[sflag:s4] =	ssyncset.s32 $0xFFFFF086  }
0x25: {  	[simem:s6], [sflag:s4] =	dma.local [hbm:s3], $0xF7A  }
0x26: {  	[smem:$0x3F9A] =	sst s1;
	(tag) =	ssettag s2;
	_ =	strace s9  }
0x27: {  	s1 =	sld [smem:$0x3FAA]  }
0x28: {  	s2 =	sld [smem:$0x3FAB]  }
0x29: {  	s4 =	sld [smem:$0x3FAD]  }
0x2a: {  	p0 =	seq.s32 s5, $0x0;
	s5 =	sld [smem:$0x3FAE]  }
0x2b: {  	s6 =	sld [smem:$0x3FAF]  }
0x2c: {  	s7 =	sld [smem:$0x3FB0]  }
0x2d: {  	s3 =	simm.s32 $0x108;
	s8 =	sld [smem:$0x3FB1]  }
0x2e: {  	s3 =	simm.s32 @!p0 $0x1082;
	s9 =	sld [smem:$0x3FB2]  }
0x2f: {  	lr =	sadd.s32 s0, s3;
	s0 =	sld [smem:$0x3FA9]  }
0x30: {  	s3 =	sld [smem:$0x3FAC]  }
0x31: {  	[smem:$0x3FB5] =	sst s10  }
0x32: {  	s10 =	sld [smem:$0x3FB3];
	_ =	sdelay $0x3  }
0x33: {  	p0 =	seq.s32 s10, $0x1;
	s10 =	sld [smem:$0x3FB5];
	_ =	sdelay $0x3  }
0x34: {  	[smem:$0x3FB5] =	sst s10  }
0x35: {  	s10 =	sld [smem:$0x3FB4];
	_ =	sdelay $0x3  }
0x36: {  	p1 =	seq.s32 s10, $0x1;
	s10 =	sld [smem:$0x3FB5];
	_ =	sdelay $0x3  }
0x37: {  	[smem:$0x3FB5] =	sst s10  }
0x38: {  	s10 =	sld [smem:$0x3FB6]  }
0x39: {  	_ = 	snop;
	(pc) =	sbr.ind lr, $3  }
0x3a: {  	_ = 	snop  }
0x3b: {  	_ = 	snop  }
0x3c: {  	p2 =	seq.s32 s10, $0x1;
	s10 =	sld [smem:$0x3FB5]  }
0x3d: {  	_ =	shalt  }
0x3e: {  	_ =	shalt  }
0x3f: {  	_ =	shalt  }
0x40: {  	_ =	shalt  }
0x41: {  	_ =	shalt  }
0x42: {  	_ =	shalt  }
0x43: {  	_ =	shalt  }
0x44: {  	_ =	shalt  }
0x45: {  	_ =	shalt  }
0x46: {  	_ =	shalt  }
0x47: {  	_ =	shalt  }
0x48: {  	_ =	shalt  }
0x49: {  	_ =	shalt  }
0x4a: {  	_ =	shalt  }
0x4b: {  	_ =	shalt  }
0x4c: {  	_ =	shalt  }
0x4d: {  	_ =	shalt  }
0x4e: {  	_ =	shalt  }
0x4f: {  	_ =	shalt  }
0x50: {  	_ =	shalt  }
0x51: {  	_ =	shalt  }
0x52: {  	_ =	shalt  }
0x53: {  	_ =	shalt  }
0x54: {  	_ =	shalt  }
0x55: {  	_ =	shalt  }
0x56: {  	_ =	shalt  }
0x57: {  	_ =	shalt  }
0x58: {  	_ =	shalt  }
0x59: {  	_ =	shalt  }
0x5a: {  	_ =	shalt  }
0x5b: {  	_ =	shalt  }
0x5c: {  	_ =	shalt  }
0x5d: {  	_ =	shalt  }
0x5e: {  	_ =	shalt  }
0x5f: {  	_ =	shalt  }
0x60: {  	_ =	shalt  }
0x61: {  	_ =	shalt  }
0x62: {  	_ =	shalt  }
0x63: {  	_ =	shalt  }
0x64: {  	_ =	shalt  }
0x65: {  	_ =	shalt  }
0x66: {  	_ =	shalt  }
0x67: {  	_ =	shalt  }
0x68: {  	_ =	shalt  }
0x69: {  	_ =	shalt  }
0x6a: {  	_ =	shalt  }
0x6b: {  	_ =	shalt  }
0x6c: {  	_ =	shalt  }
0x6d: {  	_ =	shalt  }
0x6e: {  	_ =	shalt  }
0x6f: {  	_ =	shalt  }
0x70: {  	_ =	shalt  }
0x71: {  	_ =	shalt  }
0x72: {  	_ =	shalt  }
0x73: {  	_ =	shalt  }
0x74: {  	_ =	shalt  }
0x75: {  	_ =	shalt  }
0x76: {  	_ =	shalt  }
0x77: {  	_ =	shalt  }
0x78: {  	_ =	shalt  }
0x79: {  	_ =	shalt  }
0x7a: {  	_ =	shalt  }
0x7b: {  	_ =	shalt  }
0x7c: {  	_ =	shalt  }
0x7d: {  	_ =	shalt  }
0x7e: {  	_ =	shalt  }
0x7f: {  	_ =	shalt  }
0x80: {  	_ =	shalt  }
0x81: {  	_ =	shalt  }
0x82: {  	_ =	shalt  }
0x83: {  	_ =	shalt  }
0x84: {  	_ =	shalt  }
0x85: {  	_ =	shalt  }
0x86: {  	_ =	shalt  }
0x87: {  	_ =	shalt  }
.Lfunc_end0:
.L_simem_size_0:
called_computation_lowered:
.L_overlay_start_0:
0x88: {  	s2 =	sld [smem:$0x3FD9]  }
0x89: {  	s3 =	sld [smem:$0x3FFE];
	_ =	sdelay $0x1  }
0x8a: {  	s1 =	srdreg.scid  }
0x8b: {  	s0 =	sand.u32 $0x1, s1  }
0x8c: {  	s17 =	sshll.u32 s0, $0xA;
	s2 =	sadd.s32 s3, s2  }
0x8d: {  	s2 =	sadd.s32 s2, s17  }
0x8e: {  	[smem:$0x3FC1] =	sst s2  }
0x8f: {  	_ = 	snop  }
0x90: {  	s2 =	sld [smem:$0x3FD0];
	(tm) =	ssettm $0x1  }
0x91: {  	s18 =	sld [smem:$0x3FFB];
	_ =	sdelay $0x3  }
0x92: {  	_ =	strace s18  }
0x93: {  	s3 =	sld [smem:$0x3FFC];
	_ =	sdelay $0x3  }
0x94: {  	_ =	strace s3  }
0x95: {  	s3 =	sld [smem:$0x3FFD];
	_ =	sdelay $0x3  }
0x96: {  	_ =	strace s3  }
0x97: {  	_ =	strace $0x8FFFFFFF  }
0x98: {  	s19 =	sld [smem:$0x3FDB];
	_ =	sdelay $0x1  }
0x99: {  	s4 =	simm.s32 $_scs_section_size  }
0x9a: {  	s5 =	simm.s32 $_size__tile_overlayer_lowered;
	s6 =	simm.s32 $_tile_overlayer_lowered  }
0x9b: {  	s22 =	simm.s32 $0x1BFF;
	s21 =	sshll.u32 s6, $0x1;
	s3 =	sadd.s32 s4, s19  }
0x9c: {  	s7 =	simm.s32 $0x0;
	s20 =	sshll.u32 s5, $0x1;
	s5 =	sadd.s32 s21, s3  }
0x9d: {  	[timem:s7], [sflag:s22] =	dma.local [hbm:s5], s20  }
0x9e: {  	_ =	swait.ge [sflag:s22], s20  }
0x9f: {  	s4 =	ssub.s32 $0x0, s20;
	[sflag:s22] =	ssyncset.done $0x0  }
0xa0: {  	[sflag:s22] =	ssyncadd.s32 s4;
	_ =	sdelay $0x1  }
0xa1: {  	s23 =	simm.s32 $0x1B8B  }
0xa2: {  	_ =	swait.ge [sflag:s23], $0x1  }
0xa3: {  	[sflag:s23] =	ssyncset.done $0x0  }
0xa4: {  	s25 =	simm.s32 $0x1B8E;
	s24 =	sld [smem:$0x3FFE];
	[sflag:s23] =	ssyncadd.s32 $0xFFFFFFFF  }
0xa5: {  	s26 =	simm.s32 $execute0_lowered;
	[smem:$0x3FD2] =	sst s25  }
0xa6: {  	s5 =	sshll.u32 s26, $0x1;
	_ =	strace $0x80000046;
	[dreg:$0x1] =	wrdreg $0xFFFFFFFF  }
0xa7: {  	s28 =	simm.s32 $_size_execute0_lowered;
	s3 =	sadd.s32 s3, s5;
	[dreg:$0x0] =	wrdreg $0x0  }
0xa8: {  	s5 =	sshll.u32 s28, $0x1;
	[dreg:$0x2] =	wrdreg s3  }
0xa9: {  	[dreg:$0x3] =	wrdreg s5  }
0xaa: {  	[dreg:$0x4] =	wrdreg $0xC0  }
0xab: {  	_ =	task [dreg:s7], $0x5FFFF  }
0xac: {  	[dreg:$0x1] =	wrdreg $0xFFFFFFFF  }
0xad: {  	[dreg:$0x0] =	wrdreg $0x60  }
0xae: {  	[dreg:$0x2] =	wrdreg s2  }
0xaf: {  	[dreg:$0x3] =	wrdreg s24  }
0xb0: {  	[dreg:$0x4] =	wrdreg $0x9  }
0xb1: {  	_ =	task.clear_ibuf [dreg:s7], $0x5FFFF;
	_ =	strace $0x90000046  }
0xb2: {  	s29 =	simm.s32 $0x9;
	_ =	strace $0x80000048  }
0xb3: {  	_ =	swait.ge [sflag:s29], $0x1  }
0xb4: {  	[sflag:s29] =	ssyncadd.s32 $0xFFFFFFFF  }
0xb5: {  	_ =	strace $0x90000048  }
0xb6: {  	_ =	sfence  }
0xb7: {  	s30 =	sld [smem:$0x0];
	_ =	sdelay $0x2  }
0xb8: {  	s31 =	sshll.u32 s1, $0xD;
	s1 =	sshrl.u32 s1, $0x2  }
0xb9: {  	s3 =	sand.u32 $0x4000, s31;
	s1 =	sadd.s32 s1, s30  }
0xba: {  	s0 =	sor.u32 s3, s0;
	s1 =	sshll.u32 s1, $0x11  }
0xbb: {  	s0 =	sor.u32 s1, s0  }
0xbc: {  	s0 =	sadd.s32 $0x8F2B, s0  }
0xbd: {  	[sflag:s0] =	ssyncadd.remote.s32 $0x1  }
0xbe: {  	_ =	sfence.sel $0xFFFF  }
0xbf: {  	[dreg:$0x0] =	wrdreg $0xFFFFFFFF;
	(pc) =	sbr.abs _section_cstart, $3  }
0xc0: {  	[dreg:$0x1] =	wrdreg $0xFFFFFFFF  }
0xc1: {  	_ =	task.clear_ibuf [dreg:s7], $0x2FFFF;
	_ =	strace $0x9FFFFFFF  }
0xc2: {  	(tm) =	ssettm $0x7FFFFFFF  }
0xc3: {  	_ =	shalt  }
tec
execute0_lowered:
.L_overlay_start_1:
0x0: {  	(tag) =	ssettag $0x1  }
0x1: {  	s1 =	rddreg [dreg:$0x0]  }
0x2: {  	s0 =	rddreg [dreg:$0x1];
	s2 =	simm.s32 $0x0  }
0x3: {  	s3 =	srdreg.scid;
	[smem:$0x7FF] =	sst s2;
	s20 =	sadd.s32 $0x3A10, s0  }
0x4: {  	s21 =	sadd.s32 $0x3A20, s0;
	_ =	strace $0x80000047;
	[dreg:$0x6] =	wrdreg s20  }
0x5: {  	s5 =	stileid.u32;
	s22 =	sadd.s32 $0x3A30, s0;
	[dreg:$0x7] =	wrdreg s21  }
0x6: {  	s30 =	simm.s32 $0x15400;
	s23 =	sadd.s32 $0x3A40, s0;
	[dreg:$0x8] =	wrdreg s22  }
0x7: {  	s31 =	simm.s32 $0x15800;
	s24 =	sadd.s32 $0x3A50, s0;
	[dreg:$0x9] =	wrdreg s23  }
0x8: {  	s6 =	sand.u32 $0x1, s3;
	s25 =	sadd.s32 $0x3A60, s0;
	[dreg:$0xa] =	wrdreg s24  }
0x9: {  	s14 =	sshll.u32 s5, $0x2;
	s26 =	sadd.s32 $0x3A70, s0;
	[dreg:$0xb] =	wrdreg s25  }
0xa: {  	s15 =	sshrl.u32 s5, $0x1;
	s28 =	sadd.s32 $0x6200, s0;
	[dreg:$0xc] =	wrdreg s26  }
0xb: {  	s3 =	sadd.s32 $0x1200, s0;
	s29 =	sadd.s32 $0x6210, s0;
	[dreg:$0xd] =	wrdreg s28  }
0xc: {  	s5 =	sadd.s32 $0xB400, s0;
	[dreg:$0xe] =	wrdreg s29;
	s20 =	sadd.s32 $0x6260, s0  }
0xd: {  	s12 =	sadd.s32 $0x1230, s0;
	s22 =	sadd.s32 $0x6270, s0;
	[dreg:$0x13] =	wrdreg s20  }
0xe: {  	s13 =	sadd.s32 $0x1240, s0;
	s24 =	sadd.s32 $0x8A00, s0;
	[dreg:$0x14] =	wrdreg s22  }
0xf: {  	s4 =	sshll.u32 s6, $0x1;
	s25 =	sadd.s32 $0x8A10, s0;
	[dreg:$0x15] =	wrdreg s24  }
0x10: {  	s9 =	ssub.s32 $0x2, s6;
	s26 =	sadd.s32 $0x8A20, s0;
	[dreg:$0x16] =	wrdreg s25  }
0x11: {  	s28 =	sadd.s32 $0x8A30, s0;
	s29 =	sadd.s32 $0x8A40, s0;
	[dreg:$0x17] =	wrdreg s26  }
0x12: {  	s8 =	sor.u32 s4, s14;
	s4 =	smul.u32 $0x14000, s15;
	[dreg:$0x18] =	wrdreg s28  }
0x13: {  	s10 =	sshrl.u32 s9, $0x1;
	[dreg:$0x19] =	wrdreg s29;
	s20 =	sadd.s32 $0x9210, s0  }
0x14: {  	s14 =	sadd.s32 $0x1250, s0;
	s22 =	sadd.s32 $0x9220, s0;
	[dreg:$0x1e] =	wrdreg s20  }
0x15: {  	s15 =	sadd.s32 $0x1260, s0;
	s24 =	sadd.s32 $0x9230, s0;
	[dreg:$0x1f] =	wrdreg s22  }
0x16: {  	s25 =	sadd.s32 $0x9240, s0;
	s26 =	sadd.s32 $0x9250, s0;
	[smem:$0x7F8] =	sst s24  }
0x17: {  	s28 =	sadd.s32 $0x9260, s0;
	s7 =	sshll.u32 s8, $0x7;
	[smem:$0x7F9] =	sst s25  }
0x18: {  	s9 =	ssub.s32 s9, s10;
	s8 =	sor.u32 $0x41, s8;
	[smem:$0x7FA] =	sst s26  }
0x19: {  	[smem:$0x7FB] =	sst s28;
	s24 =	simm.s32 $0x2;
	s25 =	simm.s32 $0x16C00  }
0x1a: {  	s22 =	simm.s32 $0x0;
	s6 =	sand.u32 $0x300, s7;
	s19 =	sshrl.u32 s8, $0x3  }
0x1b: {  	s8 =	sshll.u32 s8, $0x7;
	s29 =	smax.u32 s9, $0x1;
	s9 =	simm.s32 $0x16800  }
0x1c: {  	s17 =	sor.u32 s4, s6;
	s7 =	sor.u32 $0x80, s6;
	[smem:$0x7FD] =	sst s29  }
0x1d: {  	s16 =	sshrl.u32 s17, $0x3;
	s23 =	sadd.s32 $0xA0000, s17;
	s17 =	sadd.s32 $0x6230, s0  }
0x1e: {  	s11 =	sor.u32 s4, s7;
	s10 =	sadd.s32 s1, s16;
	[dreg:$0x10] =	wrdreg s17  }
0x1f: {  	s18 =	sshrl.u32 s11, $0x3;
	s17 =	sadd.s32 $0x8A60, s0;
	[dreg:$0x3] =	wrdreg s10  }
0x20: {  	s8 =	sand.u32 $0x380, s8;
	s1 =	sadd.s32 s1, s18;
	[dreg:$0x1b] =	wrdreg s17  }
0x21: {  	s11 =	sadd.s32 $0x1220, s0;
	s18 =	sadd.s32 $0x3A00, s0;
	[dreg:$0x4] =	wrdreg s1  }
0x22: {  	s16 =	sadd.s32 $0x1270, s0;
	[dreg:$0x5] =	wrdreg s18;
	s18 =	sadd.s32 $0x6240, s0  }
0x23: {  	s1 =	smul.u32 $0x14000, s19;
	s19 =	sadd.s32 $0x6250, s0;
	[dreg:$0x11] =	wrdreg s18  }
0x24: {  	s10 =	sadd.s32 $0x1210, s0;
	[dreg:$0x12] =	wrdreg s19;
	s18 =	sadd.s32 $0x8A70, s0  }
0x25: {  	s19 =	sadd.s32 $0x9200, s0;
	s21 =	sor.u32 s8, s1;
	[dreg:$0x1c] =	wrdreg s18  }
0x26: {  	s8 =	sadd.s32 $0x6220, s0;
	[dreg:$0x1d] =	wrdreg s19;
	s18 =	simm.s32 $0x80  }
0x27: {  	s19 =	simm.s32 $0x400;
	[dreg:$0xf] =	wrdreg s8;
	s8 =	sadd.s32 $0x8A50, s0  }
0x28: {  	s1 =	simm.s32 $0x16000;
	s0 =	sadd.s32 $0x9270, s0;
	[dreg:$0x1a] =	wrdreg s8  }
0x29: {  	v0 =	vimm.s32 $0x8000;
	[smem:$0x7FC] =	sst s0;
	s0 =	simm.s32 $0x15C00;
	s8 =	simm.s32 $0x16400  }
.LBB2_1:
0x2a: {  	s17 =	rddreg [dreg:$0x3]  }
0x2b: {  	[tilespmem:s2], [sflag:$0x1] =	stream.strided.gather [hbm4b:s17+s18], $0x2800, s19, s18, $0x38;
	[tilespmem:$0x17000] =	vst v63  }
0x2c: {  	s26 =	rddreg [dreg:$0x4];
	s20 =	simm.s32 $0x2800  }
0x2d: {  	[tilespmem:s20], [sflag:$0x1] =	stream.strided.gather [hbm4b:s26+s18], $0x2800, s19, s18, $0x38;
	[tilespmem:$0x17000] =	vst v63  }
0x2e: {  	s28 =	simm.s32 $0x5000  }
0x2f: {  	[tilespmem:s28], [sflag:$0x2] =	stream.strided.gather [hbm4b:s3+s18], $0x400, s19, s18, $0x38;
	[tilespmem:$0x17000] =	vst v63  }
0x30: {  	s29 =	simm.s32 $0x5400  }
0x31: {  	[tilespmem:s29], [sflag:$0x2] =	stream.strided.gather [hbm4b:s10+s18], $0x400, s19, s18, $0x38;
	[tilespmem:$0x17000] =	vst v63  }
0x32: {  	s20 =	simm.s32 $0x5800  }
0x33: {  	[tilespmem:s20], [sflag:$0x2] =	stream.strided.gather [hbm4b:s11+s18], $0x400, s19, s18, $0x38;
	[tilespmem:$0x17000] =	vst v63  }
0x34: {  	[smem:$0x7F7] =	sst s22;
	s22 =	simm.s32 $0x5C00  }
0x35: {  	[tilespmem:s22], [sflag:$0x2] =	stream.strided.gather [hbm4b:s12+s18], $0x400, s19, s18, $0x38;
	[tilespmem:$0x17000] =	vst v63  }
0x36: {  	s26 =	simm.s32 $0x6000  }
0x37: {  	[tilespmem:s26], [sflag:$0x2] =	stream.strided.gather [hbm4b:s13+s18], $0x400, s19, s18, $0x38;
	[tilespmem:$0x17000] =	vst v63  }
0x38: {  	s28 =	simm.s32 $0x6400  }
0x39: {  	[tilespmem:s28], [sflag:$0x2] =	stream.strided.gather [hbm4b:s14+s18], $0x400, s19, s18, $0x38;
	[tilespmem:$0x17000] =	vst v63  }
0x3a: {  	s29 =	simm.s32 $0x6800  }
0x3b: {  	[tilespmem:s29], [sflag:$0x2] =	stream.strided.gather [hbm4b:s15+s18], $0x400, s19, s18, $0x38;
	[tilespmem:$0x17000] =	vst v63  }
0x3c: {  	s20 =	simm.s32 $0x6C00  }
0x3d: {  	[tilespmem:s20], [sflag:$0x2] =	stream.strided.gather [hbm4b:s16+s18], $0x400, s19, s18, $0x38;
	[tilespmem:$0x17000] =	vst v63  }
0x3e: {  	s22 =	rddreg [dreg:$0x5];
	s26 =	simm.s32 $0x7000  }
0x3f: {  	[tilespmem:s26], [sflag:$0x2] =	stream.strided.gather [hbm4b:s22+s18], $0x400, s19, s18, $0x38;
	[tilespmem:$0x17000] =	vst v63  }
0x40: {  	s28 =	rddreg [dreg:$0x6];
	s29 =	simm.s32 $0x7400  }
0x41: {  	[tilespmem:s29], [sflag:$0x2] =	stream.strided.gather [hbm4b:s28+s18], $0x400, s19, s18, $0x38;
	[tilespmem:$0x17000] =	vst v63  }
0x42: {  	s22 =	rddreg [dreg:$0x7];
	s26 =	simm.s32 $0x7800  }
0x43: {  	[tilespmem:s26], [sflag:$0x2] =	stream.strided.gather [hbm4b:s22+s18], $0x400, s19, s18, $0x38;
	[tilespmem:$0x17000] =	vst v63  }
0x44: {  	s28 =	rddreg [dreg:$0x8];
	s29 =	simm.s32 $0x7C00  }
0x45: {  	[tilespmem:s29], [sflag:$0x2] =	stream.strided.gather [hbm4b:s28+s18], $0x400, s19, s18, $0x38;
	[tilespmem:$0x17000] =	vst v63  }
0x46: {  	s22 =	rddreg [dreg:$0x9];
	s26 =	simm.s32 $0x8000  }
0x47: {  	[tilespmem:s26], [sflag:$0x2] =	stream.strided.gather [hbm4b:s22+s18], $0x400, s19, s18, $0x38;
	[tilespmem:$0x17000] =	vst v63  }
0x48: {  	s28 =	rddreg [dreg:$0xa];
	s29 =	simm.s32 $0x8400  }
0x49: {  	[tilespmem:s29], [sflag:$0x2] =	stream.strided.gather [hbm4b:s28+s18], $0x400, s19, s18, $0x38;
	[tilespmem:$0x17000] =	vst v63  }
0x4a: {  	s22 =	rddreg [dreg:$0xb];
	s26 =	simm.s32 $0x8800  }
0x4b: {  	[tilespmem:s26], [sflag:$0x2] =	stream.strided.gather [hbm4b:s22+s18], $0x400, s19, s18, $0x38;
	[tilespmem:$0x17000] =	vst v63  }
0x4c: {  	s28 =	rddreg [dreg:$0xc];
	s29 =	simm.s32 $0x8C00  }
0x4d: {  	[tilespmem:s29], [sflag:$0x2] =	stream.strided.gather [hbm4b:s28+s18], $0x400, s19, s18, $0x38;
	[tilespmem:$0x17000] =	vst v63  }
0x4e: {  	s22 =	rddreg [dreg:$0xd];
	s26 =	simm.s32 $0x9000  }
0x4f: {  	[tilespmem:s26], [sflag:$0x2] =	stream.strided.gather [hbm4b:s22+s18], $0x400, s19, s18, $0x38;
	[tilespmem:$0x17000] =	vst v63  }
0x50: {  	s28 =	rddreg [dreg:$0xe];
	s29 =	simm.s32 $0x9400  }
0x51: {  	[tilespmem:s29], [sflag:$0x2] =	stream.strided.gather [hbm4b:s28+s18], $0x400, s19, s18, $0x38;
	[tilespmem:$0x17000] =	vst v63  }
0x52: {  	s22 =	rddreg [dreg:$0xf];
	s26 =	simm.s32 $0x9800  }
0x53: {  	[tilespmem:s26], [sflag:$0x2] =	stream.strided.gather [hbm4b:s22+s18], $0x400, s19, s18, $0x38;
	[tilespmem:$0x17000] =	vst v63  }
0x54: {  	s28 =	rddreg [dreg:$0x10];
	s29 =	simm.s32 $0x9C00  }
0x55: {  	[tilespmem:s29], [sflag:$0x2] =	stream.strided.gather [hbm4b:s28+s18], $0x400, s19, s18, $0x38;
	[tilespmem:$0x17000] =	vst v63  }
0x56: {  	s22 =	rddreg [dreg:$0x11];
	s26 =	simm.s32 $0xA000  }
0x57: {  	[tilespmem:s26], [sflag:$0x2] =	stream.strided.gather [hbm4b:s22+s18], $0x400, s19, s18, $0x38;
	[tilespmem:$0x17000] =	vst v63  }
0x58: {  	s28 =	rddreg [dreg:$0x12];
	s29 =	simm.s32 $0xA400  }
0x59: {  	[tilespmem:s29], [sflag:$0x2] =	stream.strided.gather [hbm4b:s28+s18], $0x400, s19, s18, $0x38;
	[tilespmem:$0x17000] =	vst v63  }
0x5a: {  	s22 =	rddreg [dreg:$0x13];
	s26 =	simm.s32 $0xA800  }
0x5b: {  	[tilespmem:s26], [sflag:$0x2] =	stream.strided.gather [hbm4b:s22+s18], $0x400, s19, s18, $0x38;
	[tilespmem:$0x17000] =	vst v63  }
0x5c: {  	s28 =	rddreg [dreg:$0x14];
	s29 =	simm.s32 $0xAC00  }
0x5d: {  	[tilespmem:s29], [sflag:$0x2] =	stream.strided.gather [hbm4b:s28+s18], $0x400, s19, s18, $0x38;
	[tilespmem:$0x17000] =	vst v63  }
0x5e: {  	s22 =	rddreg [dreg:$0x15];
	s26 =	simm.s32 $0xB000  }
0x5f: {  	[tilespmem:s26], [sflag:$0x2] =	stream.strided.gather [hbm4b:s22+s18], $0x400, s19, s18, $0x38;
	[tilespmem:$0x17000] =	vst v63  }
0x60: {  	s28 =	rddreg [dreg:$0x16];
	s29 =	simm.s32 $0xB400  }
0x61: {  	[tilespmem:s29], [sflag:$0x2] =	stream.strided.gather [hbm4b:s28+s18], $0x400, s19, s18, $0x38;
	[tilespmem:$0x17000] =	vst v63  }
0x62: {  	s22 =	rddreg [dreg:$0x17];
	s26 =	simm.s32 $0xB800  }
0x63: {  	[tilespmem:s26], [sflag:$0x2] =	stream.strided.gather [hbm4b:s22+s18], $0x400, s19, s18, $0x38;
	[tilespmem:$0x17000] =	vst v63  }
0x64: {  	s28 =	rddreg [dreg:$0x18];
	s29 =	simm.s32 $0xBC00  }
0x65: {  	[tilespmem:s29], [sflag:$0x2] =	stream.strided.gather [hbm4b:s28+s18], $0x400, s19, s18, $0x38;
	[tilespmem:$0x17000] =	vst v63  }
0x66: {  	s22 =	rddreg [dreg:$0x19];
	s26 =	simm.s32 $0xC000  }
0x67: {  	[tilespmem:s26], [sflag:$0x2] =	stream.strided.gather [hbm4b:s22+s18], $0x400, s19, s18, $0x38;
	[tilespmem:$0x17000] =	vst v63  }
0x68: {  	s28 =	rddreg [dreg:$0x1a];
	s29 =	simm.s32 $0xC400  }
0x69: {  	[tilespmem:s29], [sflag:$0x2] =	stream.strided.gather [hbm4b:s28+s18], $0x400, s19, s18, $0x38;
	[tilespmem:$0x17000] =	vst v63  }
0x6a: {  	s20 =	rddreg [dreg:$0x1b];
	s22 =	simm.s32 $0xC800  }
0x6b: {  	[tilespmem:s22], [sflag:$0x2] =	stream.strided.gather [hbm4b:s20+s18], $0x400, s19, s18, $0x38;
	[tilespmem:$0x17000] =	vst v63  }
0x6c: {  	s26 =	rddreg [dreg:$0x1c];
	s28 =	simm.s32 $0xCC00;
	s29 =	simm.s32 $0x1  }
0x6d: {  	[tilespmem:s28], [sflag:$0x2] =	stream.strided.gather [hbm4b:s26+s18], $0x400, s19, s18, $0x38;
	[tilespmem:$0x17000] =	vst v63  }
0x6e: {  	_ =	swait.ge [sflag:s29], $0x2800  }
0x6f: {  	[sflag:s29] =	ssyncset.done $0x0  }
0x70: {  	[sflag:s29] =	ssyncadd.s32 $0xFFFFD800  }
0x71: {  	[tilespmem:$0x2710] =	vst v0  }
0x72: {  	_ =	swait.ge [sflag:s29], $0x2800  }
0x73: {  	[sflag:s29] =	ssyncset.done $0x0  }
0x74: {  	[sflag:s29] =	ssyncadd.s32 $0xFFFFD800  }
0x75: {  	s26 =	simm.s32 $0x0;
	[tilespmem:$0x4F10] =	vst v0  }
.LBB2_2:
0x76: {  	p0 =	seq.s32 s26, $0x0  }
0x77: {  	s17 =	simm.s32 @!p0 $0x3  }
0x78: {  	_ =	swait.ge @!p0 [sflag:s17], $0x400  }
0x79: {  	[sflag:s17] =	ssyncset.done @!p0 $0x0  }
0x7a: {  	[sflag:s17] =	ssyncadd.s32 @!p0 $0xFFFFFC00  }
0x7b: {  	_ =	swait.ge @!p0 [sflag:s17], $0x400  }
0x7c: {  	[sflag:s17] =	ssyncset.done @!p0 $0x0  }
0x7d: {  	[sflag:s17] =	ssyncadd.s32 @!p0 $0xFFFFFC00  }
0x7e: {  	_ =	swait.ge @!p0 [sflag:s17], $0x400  }
0x7f: {  	[sflag:s17] =	ssyncset.done @!p0 $0x0  }
0x80: {  	[sflag:s17] =	ssyncadd.s32 @!p0 $0xFFFFFC00  }
0x81: {  	_ =	swait.ge @!p0 [sflag:s17], $0x400  }
0x82: {  	[sflag:s17] =	ssyncset.done @!p0 $0x0  }
0x83: {  	[sflag:s17] =	ssyncadd.s32 @!p0 $0xFFFFFC00  }
0x84: {  	_ =	swait.ge [sflag:s24], $0x400  }
0x85: {  	[sflag:s24] =	ssyncset.done $0x0  }
0x86: {  	[sflag:s24] =	ssyncadd.s32 $0xFFFFFC00  }
0x87: {  	_ =	swait.ge [sflag:s24], $0x400  }
0x88: {  	[sflag:s24] =	ssyncset.done $0x0  }
0x89: {  	[sflag:s24] =	ssyncadd.s32 $0xFFFFFC00  }
0x8a: {  	_ =	swait.ge [sflag:s24], $0x400  }
0x8b: {  	[sflag:s24] =	ssyncset.done $0x0  }
0x8c: {  	[sflag:s24] =	ssyncadd.s32 $0xFFFFFC00  }
0x8d: {  	_ =	swait.ge [sflag:s24], $0x400  }
0x8e: {  	[sflag:s24] =	ssyncset.done $0x0  }
0x8f: {  	[sflag:s24] =	ssyncadd.s32 $0xFFFFFC00  }
0x90: {  	_ =	swait.ge [sflag:s24], $0x400  }
0x91: {  	[sflag:s24] =	ssyncset.done $0x0  }
0x92: {  	[sflag:s24] =	ssyncadd.s32 $0xFFFFFC00  }
0x93: {  	_ =	swait.ge [sflag:s24], $0x400  }
0x94: {  	[sflag:s24] =	ssyncset.done $0x0  }
0x95: {  	[sflag:s24] =	ssyncadd.s32 $0xFFFFFC00  }
0x96: {  	_ =	swait.ge [sflag:s24], $0x400  }
0x97: {  	[sflag:s24] =	ssyncset.done $0x0  }
0x98: {  	[sflag:s24] =	ssyncadd.s32 $0xFFFFFC00  }
0x99: {  	_ =	swait.ge [sflag:s24], $0x400  }
0x9a: {  	[sflag:s24] =	ssyncset.done $0x0  }
0x9b: {  	[sflag:s24] =	ssyncadd.s32 $0xFFFFFC00  }
0x9c: {  	_ =	swait.ge [sflag:s24], $0x400  }
0x9d: {  	[sflag:s24] =	ssyncset.done $0x0  }
0x9e: {  	[sflag:s24] =	ssyncadd.s32 $0xFFFFFC00  }
0x9f: {  	_ =	swait.ge [sflag:s24], $0x400  }
0xa0: {  	[sflag:s24] =	ssyncset.done $0x0  }
0xa1: {  	[sflag:s24] =	ssyncadd.s32 $0xFFFFFC00  }
0xa2: {  	_ =	swait.ge [sflag:s24], $0x400  }
0xa3: {  	[sflag:s24] =	ssyncset.done $0x0  }
0xa4: {  	[sflag:s24] =	ssyncadd.s32 $0xFFFFFC00  }
0xa5: {  	_ =	swait.ge [sflag:s24], $0x400  }
0xa6: {  	[sflag:s24] =	ssyncset.done $0x0  }
0xa7: {  	[sflag:s24] =	ssyncadd.s32 $0xFFFFFC00  }
0xa8: {  	_ =	swait.ge [sflag:s24], $0x400  }
0xa9: {  	[sflag:s24] =	ssyncset.done $0x0  }
0xaa: {  	[sflag:s24] =	ssyncadd.s32 $0xFFFFFC00  }
0xab: {  	_ =	swait.ge [sflag:s24], $0x400  }
0xac: {  	[sflag:s24] =	ssyncset.done $0x0  }
0xad: {  	[sflag:s24] =	ssyncadd.s32 $0xFFFFFC00  }
0xae: {  	_ =	swait.ge [sflag:s24], $0x400  }
0xaf: {  	[sflag:s24] =	ssyncset.done $0x0  }
0xb0: {  	[sflag:s24] =	ssyncadd.s32 $0xFFFFFC00  }
0xb1: {  	_ =	swait.ge [sflag:s24], $0x400  }
0xb2: {  	[sflag:s24] =	ssyncset.done $0x0  }
0xb3: {  	[sflag:s24] =	ssyncadd.s32 $0xFFFFFC00  }
0xb4: {  	_ =	swait.ge [sflag:s24], $0x400  }
0xb5: {  	[sflag:s24] =	ssyncset.done $0x0  }
0xb6: {  	[sflag:s24] =	ssyncadd.s32 $0xFFFFFC00  }
0xb7: {  	_ =	swait.ge [sflag:s24], $0x400  }
0xb8: {  	[sflag:s24] =	ssyncset.done $0x0  }
0xb9: {  	[sflag:s24] =	ssyncadd.s32 $0xFFFFFC00  }
0xba: {  	_ =	swait.ge [sflag:s24], $0x400  }
0xbb: {  	[sflag:s24] =	ssyncset.done $0x0  }
0xbc: {  	[sflag:s24] =	ssyncadd.s32 $0xFFFFFC00  }
0xbd: {  	_ =	swait.ge [sflag:s24], $0x400  }
0xbe: {  	[sflag:s24] =	ssyncset.done $0x0  }
0xbf: {  	[sflag:s24] =	ssyncadd.s32 $0xFFFFFC00  }
0xc0: {  	_ =	swait.ge [sflag:s24], $0x400  }
0xc1: {  	[sflag:s24] =	ssyncset.done $0x0  }
0xc2: {  	[sflag:s24] =	ssyncadd.s32 $0xFFFFFC00  }
0xc3: {  	_ =	swait.ge [sflag:s24], $0x400  }
0xc4: {  	[sflag:s24] =	ssyncset.done $0x0  }
0xc5: {  	[sflag:s24] =	ssyncadd.s32 $0xFFFFFC00  }
0xc6: {  	_ =	swait.ge [sflag:s24], $0x400  }
0xc7: {  	[sflag:s24] =	ssyncset.done $0x0  }
0xc8: {  	[sflag:s24] =	ssyncadd.s32 $0xFFFFFC00  }
0xc9: {  	_ =	swait.ge [sflag:s24], $0x400  }
0xca: {  	[sflag:s24] =	ssyncset.done $0x0  }
0xcb: {  	[sflag:s24] =	ssyncadd.s32 $0xFFFFFC00  }
0xcc: {  	_ =	swait.ge [sflag:s24], $0x400  }
0xcd: {  	[sflag:s24] =	ssyncset.done $0x0  }
0xce: {  	[sflag:s24] =	ssyncadd.s32 $0xFFFFFC00  }
0xcf: {  	_ =	swait.ge [sflag:s24], $0x400  }
0xd0: {  	[sflag:s24] =	ssyncset.done $0x0  }
0xd1: {  	[sflag:s24] =	ssyncadd.s32 $0xFFFFFC00  }
0xd2: {  	_ =	swait.ge [sflag:s24], $0x400  }
0xd3: {  	[sflag:s24] =	ssyncset.done $0x0  }
0xd4: {  	[sflag:s24] =	ssyncadd.s32 $0xFFFFFC00  }
0xd5: {  	_ =	swait.ge [sflag:s24], $0x400  }
0xd6: {  	[sflag:s24] =	ssyncset.done $0x0  }
0xd7: {  	[sflag:s24] =	ssyncadd.s32 $0xFFFFFC00  }
0xd8: {  	_ =	swait.ge [sflag:s24], $0x400  }
0xd9: {  	[sflag:s24] =	ssyncset.done $0x0  }
0xda: {  	[sflag:s24] =	ssyncadd.s32 $0xFFFFFC00  }
0xdb: {  	_ =	swait.ge [sflag:s24], $0x400  }
0xdc: {  	[sflag:s24] =	ssyncset.done $0x0  }
0xdd: {  	[sflag:s24] =	ssyncadd.s32 $0xFFFFFC00  }
0xde: {  	_ =	swait.ge [sflag:s24], $0x400  }
0xdf: {  	[sflag:s24] =	ssyncset.done $0x0  }
0xe0: {  	s22 =	sshll.u32 s26, $0x1;
	[sflag:s24] =	ssyncadd.s32 $0xFFFFFC00  }
0xe1: {  	s17 =	sor.u32 $0x1, s22;
	_ =	swait.ge [sflag:s24], $0x400  }
0xe2: {  	s20 =	sshll.u32 s17, $0xA;
	[sflag:s24] =	ssyncset.done $0x0  }
0xe3: {  	s28 =	simm.s32 $0xD000;
	s22 =	sadd.s32 s3, s20;
	[sflag:s24] =	ssyncadd.s32 $0xFFFFFC00  }
0xe4: {  	[tilespmem:s28], [sflag:$0x2] =	stream.strided.gather [hbm4b:s22+s18], $0x400, s19, s18, $0x38;
	[tilespmem:$0x17000] =	vst v63  }
0xe5: {  	s29 =	sadd.s32 s20, s10;
	s28 =	simm.s32 $0xD400  }
0xe6: {  	[tilespmem:s28], [sflag:$0x2] =	stream.strided.gather [hbm4b:s29+s18], $0x400, s19, s18, $0x38;
	[tilespmem:$0x17000] =	vst v63  }
0xe7: {  	s29 =	sadd.s32 s20, s11;
	s28 =	simm.s32 $0xD800  }
0xe8: {  	[tilespmem:s28], [sflag:$0x2] =	stream.strided.gather [hbm4b:s29+s18], $0x400, s19, s18, $0x38;
	[tilespmem:$0x17000] =	vst v63  }
0xe9: {  	s29 =	sadd.s32 s20, s12;
	s28 =	simm.s32 $0xDC00  }
0xea: {  	[tilespmem:s28], [sflag:$0x2] =	stream.strided.gather [hbm4b:s29+s18], $0x400, s19, s18, $0x38;
	[tilespmem:$0x17000] =	vst v63  }
0xeb: {  	s29 =	sadd.s32 s20, s13;
	s28 =	simm.s32 $0xE000  }
0xec: {  	[tilespmem:s28], [sflag:$0x2] =	stream.strided.gather [hbm4b:s29+s18], $0x400, s19, s18, $0x38;
	[tilespmem:$0x17000] =	vst v63  }
0xed: {  	s29 =	sadd.s32 s20, s14;
	s28 =	simm.s32 $0xE400  }
0xee: {  	[tilespmem:s28], [sflag:$0x2] =	stream.strided.gather [hbm4b:s29+s18], $0x400, s19, s18, $0x38;
	[tilespmem:$0x17000] =	vst v63  }
0xef: {  	s17 =	sshll.u32 s17, $0xD;
	s29 =	sadd.s32 s20, s15;
	s28 =	simm.s32 $0xE800  }
0xf0: {  	[tilespmem:s28], [sflag:$0x2] =	stream.strided.gather [hbm4b:s29+s18], $0x400, s19, s18, $0x38;
	[tilespmem:$0x17000] =	vst v63  }
0xf1: {  	s22 =	sshrl.u32 s17, $0x3;
	s20 =	sadd.s32 s20, s16;
	s29 =	simm.s32 $0xEC00  }
0xf2: {  	[tilespmem:s29], [sflag:$0x2] =	stream.strided.gather [hbm4b:s20+s18], $0x400, s19, s18, $0x38;
	[tilespmem:$0x17000] =	vst v63  }
0xf3: {  	s20 =	sadd.s32 s3, s22  }
0xf4: {  	s28 =	simm.s32 $0xF000;
	s29 =	sadd.s32 $0x2800, s20  }
0xf5: {  	[tilespmem:s28], [sflag:$0x2] =	stream.strided.gather [hbm4b:s29+s18], $0x400, s19, s18, $0x38;
	[tilespmem:$0x17000] =	vst v63  }
0xf6: {  	s29 =	sadd.s32 $0x2810, s20;
	s28 =	simm.s32 $0xF400  }
0xf7: {  	[tilespmem:s28], [sflag:$0x2] =	stream.strided.gather [hbm4b:s29+s18], $0x400, s19, s18, $0x38;
	[tilespmem:$0x17000] =	vst v63  }
0xf8: {  	s29 =	sadd.s32 $0x2820, s20;
	s28 =	simm.s32 $0xF800  }
0xf9: {  	[tilespmem:s28], [sflag:$0x2] =	stream.strided.gather [hbm4b:s29+s18], $0x400, s19, s18, $0x38;
	[tilespmem:$0x17000] =	vst v63  }
0xfa: {  	s29 =	sadd.s32 $0x2830, s20;
	s28 =	simm.s32 $0xFC00  }
0xfb: {  	[tilespmem:s28], [sflag:$0x2] =	stream.strided.gather [hbm4b:s29+s18], $0x400, s19, s18, $0x38;
	[tilespmem:$0x17000] =	vst v63  }
0xfc: {  	s29 =	sadd.s32 $0x2840, s20;
	s28 =	simm.s32 $0x10000  }
0xfd: {  	[tilespmem:s28], [sflag:$0x2] =	stream.strided.gather [hbm4b:s29+s18], $0x400, s19, s18, $0x38;
	[tilespmem:$0x17000] =	vst v63  }
0xfe: {  	s29 =	sadd.s32 $0x2850, s20;
	s28 =	simm.s32 $0x10400  }
0xff: {  	[tilespmem:s28], [sflag:$0x2] =	stream.strided.gather [hbm4b:s29+s18], $0x400, s19, s18, $0x38;
	[tilespmem:$0x17000] =	vst v63  }
0x100: {  	s29 =	sadd.s32 $0x2860, s20;
	s28 =	simm.s32 $0x10800  }
0x101: {  	[tilespmem:s28], [sflag:$0x2] =	stream.strided.gather [hbm4b:s29+s18], $0x400, s19, s18, $0x38;
	[tilespmem:$0x17000] =	vst v63  }
0x102: {  	s29 =	sadd.s32 $0x2870, s20;
	s28 =	simm.s32 $0x10C00  }
0x103: {  	[tilespmem:s28], [sflag:$0x2] =	stream.strided.gather [hbm4b:s29+s18], $0x400, s19, s18, $0x38;
	[tilespmem:$0x17000] =	vst v63  }
0x104: {  	s29 =	sadd.s32 $0x5000, s20;
	s28 =	simm.s32 $0x11000  }
0x105: {  	[tilespmem:s28], [sflag:$0x2] =	stream.strided.gather [hbm4b:s29+s18], $0x400, s19, s18, $0x38;
	[tilespmem:$0x17000] =	vst v63  }
0x106: {  	s29 =	sadd.s32 $0x5010, s20;
	s28 =	simm.s32 $0x11400  }
0x107: {  	[tilespmem:s28], [sflag:$0x2] =	stream.strided.gather [hbm4b:s29+s18], $0x400, s19, s18, $0x38;
	[tilespmem:$0x17000] =	vst v63  }
0x108: {  	s29 =	sadd.s32 $0x5020, s20;
	s28 =	simm.s32 $0x11800  }
0x109: {  	[tilespmem:s28], [sflag:$0x2] =	stream.strided.gather [hbm4b:s29+s18], $0x400, s19, s18, $0x38;
	[tilespmem:$0x17000] =	vst v63  }
0x10a: {  	s29 =	sadd.s32 $0x5030, s20;
	s28 =	simm.s32 $0x11C00  }
0x10b: {  	[tilespmem:s28], [sflag:$0x2] =	stream.strided.gather [hbm4b:s29+s18], $0x400, s19, s18, $0x38;
	[tilespmem:$0x17000] =	vst v63  }
0x10c: {  	s29 =	sadd.s32 $0x5040, s20;
	s28 =	simm.s32 $0x12000  }
0x10d: {  	[tilespmem:s28], [sflag:$0x2] =	stream.strided.gather [hbm4b:s29+s18], $0x400, s19, s18, $0x38;
	[tilespmem:$0x17000] =	vst v63  }
0x10e: {  	s29 =	sadd.s32 $0x5050, s20;
	s28 =	simm.s32 $0x12400  }
0x10f: {  	[tilespmem:s28], [sflag:$0x2] =	stream.strided.gather [hbm4b:s29+s18], $0x400, s19, s18, $0x38;
	[tilespmem:$0x17000] =	vst v63  }
0x110: {  	s29 =	sadd.s32 $0x5060, s20;
	s28 =	simm.s32 $0x12800  }
0x111: {  	[tilespmem:s28], [sflag:$0x2] =	stream.strided.gather [hbm4b:s29+s18], $0x400, s19, s18, $0x38;
	[tilespmem:$0x17000] =	vst v63  }
0x112: {  	s29 =	sadd.s32 $0x5070, s20;
	s28 =	simm.s32 $0x12C00  }
0x113: {  	[tilespmem:s28], [sflag:$0x2] =	stream.strided.gather [hbm4b:s29+s18], $0x400, s19, s18, $0x38;
	[tilespmem:$0x17000] =	vst v63  }
0x114: {  	s29 =	sadd.s32 $0x7800, s20;
	s28 =	simm.s32 $0x13000  }
0x115: {  	[tilespmem:s28], [sflag:$0x2] =	stream.strided.gather [hbm4b:s29+s18], $0x400, s19, s18, $0x38;
	[tilespmem:$0x17000] =	vst v63  }
0x116: {  	s29 =	sadd.s32 $0x7810, s20;
	s28 =	simm.s32 $0x13400  }
0x117: {  	[tilespmem:s28], [sflag:$0x2] =	stream.strided.gather [hbm4b:s29+s18], $0x400, s19, s18, $0x38;
	[tilespmem:$0x17000] =	vst v63  }
0x118: {  	s29 =	sadd.s32 $0x7820, s20;
	s28 =	simm.s32 $0x13800  }
0x119: {  	[tilespmem:s28], [sflag:$0x2] =	stream.strided.gather [hbm4b:s29+s18], $0x400, s19, s18, $0x38;
	[tilespmem:$0x17000] =	vst v63  }
0x11a: {  	s29 =	sadd.s32 $0x7830, s20;
	s28 =	simm.s32 $0x13C00  }
0x11b: {  	[tilespmem:s28], [sflag:$0x2] =	stream.strided.gather [hbm4b:s29+s18], $0x400, s19, s18, $0x38;
	[tilespmem:$0x17000] =	vst v63  }
0x11c: {  	s29 =	sadd.s32 $0x7840, s20;
	s28 =	simm.s32 $0x14000  }
0x11d: {  	[tilespmem:s28], [sflag:$0x2] =	stream.strided.gather [hbm4b:s29+s18], $0x400, s19, s18, $0x38;
	[tilespmem:$0x17000] =	vst v63  }
0x11e: {  	s29 =	sadd.s32 $0x7850, s20;
	s28 =	simm.s32 $0x14400  }
0x11f: {  	[tilespmem:s28], [sflag:$0x2] =	stream.strided.gather [hbm4b:s29+s18], $0x400, s19, s18, $0x38;
	[tilespmem:$0x17000] =	vst v63  }
0x120: {  	s29 =	sadd.s32 $0x7860, s20;
	s28 =	simm.s32 $0x14800  }
0x121: {  	[tilespmem:s28], [sflag:$0x2] =	stream.strided.gather [hbm4b:s29+s18], $0x400, s19, s18, $0x38;
	[tilespmem:$0x17000] =	vst v63  }
0x122: {  	s20 =	sadd.s32 $0x7870, s20;
	s29 =	simm.s32 $0x14C00  }
0x123: {  	[tilespmem:s29], [sflag:$0x2] =	stream.strided.gather [hbm4b:s20+s18], $0x400, s19, s18, $0x38;
	[tilespmem:$0x17000] =	vst v63  }
0x124: {  	s22 =	simm.s32 $0x5800;
	s28 =	simm.s32 $0x15800;
	s20 =	simm.s32 $0x0  }
.LBB2_3:
0x125: {  	v1 =	vld [tilespmem:s22+$0xFFFFF800]  }
0x126: {  	v2 =	vld [tilespmem:s22+$0xFFFFFC00]  }
0x127: {  	v4 =	vld [tilespmem:s22+$0x0]  }
0x128: {  	v6 =	vld [tilespmem:s22+$0x400];
	s29 =	sand.u32 $0x3F0, s20  }
0x129: {  	v7 =	vld [tilespmem:s29+$0x6000]  }
0x12a: {  	v8 =	vld [tilespmem:s29+$0x6400]  }
0x12b: {  	v9 =	vld [tilespmem:s29+$0x6800]  }
0x12c: {  	v10 =	vld [tilespmem:s29+$0x6C00]  }
0x12d: {  	v11 =	vld [tilespmem:s29+$0x7000]  }
0x12e: {  	v12 =	vld [tilespmem:s29+$0x7400]  }
0x12f: {  	v13 =	vld [tilespmem:s29+$0x7800]  }
0x130: {  	v14 =	vld [tilespmem:s29+$0x7C00]  }
0x131: {  	v15 =	vld [tilespmem:s29+$0x8000]  }
0x132: {  	v16 =	vld [tilespmem:s29+$0x8400]  }
0x133: {  	v17 =	vld [tilespmem:s29+$0x8800]  }
0x134: {  	v18 =	vld [tilespmem:s29+$0x8C00]  }
0x135: {  	v19 =	vld [tilespmem:s29+$0x9000]  }
0x136: {  	v24 =	vld [tilespmem:s29+$0x9400]  }
0x137: {  	v41 =	vld [tilespmem:s29+$0x9800]  }
0x138: {  	v20 =	vld.idx.msk [tilespmem:v1+s2+$0x0], $0xffff  }
0x139: {  	v21 =	vld.idx.msk [tilespmem:v2+s2+$0x0], $0xffff  }
0x13a: {  	v23 =	vld.idx.msk [tilespmem:v4+s2+$0x0], $0xffff  }
0x13b: {  	v25 =	vld.idx.msk [tilespmem:v6+s2+$0x0], $0xffff  }
0x13c: {  	v22 =	vld.idx.msk [tilespmem:v7+s2+$0x0], $0xffff  }
0x13d: {  	v27 =	vld.idx.msk [tilespmem:v8+s2+$0x0], $0xffff  }
0x13e: {  	v33 =	vld.idx.msk [tilespmem:v9+s2+$0x0], $0xffff  }
0x13f: {  	v26 =	vld.idx.msk [tilespmem:v10+s2+$0x0], $0xffff  }
0x140: {  	v29 =	vld.idx.msk [tilespmem:v11+s2+$0x0], $0xffff  }
0x141: {  	v28 =	vld.idx.msk [tilespmem:v12+s2+$0x0], $0xffff  }
0x142: {  	v31 =	vld.idx.msk [tilespmem:v13+s2+$0x0], $0xffff  }
0x143: {  	v3 =	vadd.s32 $0x2800, v1;
	v30 =	vld.idx.msk [tilespmem:v14+s2+$0x0], $0xffff  }
0x144: {  	v5 =	vadd.s32 $0x2800, v2;
	v34 =	vld.idx.msk [tilespmem:v15+s2+$0x0], $0xffff  }
0x145: {  	v43 =	vadd.s32 $0x2800, v6;
	v32 =	vld.idx.msk [tilespmem:v16+s2+$0x0], $0xffff  }
0x146: {  	v35 =	vld.idx.msk [tilespmem:v17+s2+$0x0], $0xffff  }
0x147: {  	v44 =	vadd.s32 $0x2800, v7;
	v36 =	vld.idx.msk [tilespmem:v18+s2+$0x0], $0xffff  }
0x148: {  	v45 =	vadd.s32 $0x2800, v8;
	v1 =	vld.idx.msk [tilespmem:v3+s2+$0x0], $0xffff  }
0x149: {  	v46 =	vadd.s32 $0x2800, v9;
	v2 =	vld.idx.msk [tilespmem:v5+s2+$0x0], $0xffff  }
0x14a: {  	v49 =	vadd.s32 $0x2800, v12;
	v3 =	vadd.s32 $0x2800, v4;
	v4 =	vld.idx.msk [tilespmem:v43+s2+$0x0], $0xffff  }
0x14b: {  	v47 =	vadd.s32 $0x2800, v10;
	v43 =	vld [tilespmem:s29+$0x9C00]  }
0x14c: {  	v50 =	vadd.s32 $0x2800, v13;
	v5 =	vld.idx.msk [tilespmem:v44+s2+$0x0], $0xffff  }
0x14d: {  	v48 =	vadd.s32 $0x2800, v11;
	v51 =	vadd.s32 $0x2800, v14;
	v52 =	vadd.s32 $0x2800, v15;
	v6 =	vld.idx.msk [tilespmem:v45+s2+$0x0], $0xffff  }
0x14e: {  	v53 =	vadd.s32 $0x2800, v16;
	v54 =	vadd.s32 $0x2800, v17;
	v55 =	vadd.s32 $0x2800, v18;
	v7 =	vld.idx.msk [tilespmem:v46+s2+$0x0], $0xffff  }
0x14f: {  	v57 =	vadd.s32 $0x2800, v19;
	v60 =	vadd.s32 $0x2800, v24;
	v10 =	vld.idx.msk [tilespmem:v49+s2+$0x0], $0xffff;
	v49 =	vadd.s32 $0x2800, v41  }
0x150: {  	v8 =	vld.idx.msk [tilespmem:v47+s2+$0x0], $0xffff;
	v56 =	vshra.s32 v20, $0x10;
	v38 =	vshra.s32 v21, $0x10;
	v58 =	vshra.s32 v23, $0x10  }
0x151: {  	v11 =	vld.idx.msk [tilespmem:v50+s2+$0x0], $0xffff;
	v61 =	vshra.s32 v25, $0x10;
	v20 =	vand.u32 $0xFFFF, v20;
	v21 =	vand.u32 $0xFFFF, v21  }
0x152: {  	v12 =	vld.idx.msk [tilespmem:v51+s2+$0x0], $0xffff;
	v23 =	vand.u32 $0xFFFF, v23;
	v25 =	vand.u32 $0xFFFF, v25;
	v17 =	vadd.s32 v56, v38  }
0x153: {  	v16 =	vld.idx.msk [tilespmem:v55+s2+$0x0], $0xffff;
	v62 =	vshra.s32 v22, $0x10;
	v50 =	vshra.s32 v27, $0x10;
	v51 =	vshra.s32 v33, $0x10  }
0x154: {  	v18 =	vld.idx.msk [tilespmem:v60+s2+$0x0], $0xffff;
	v55 =	vshra.s32 v26, $0x10;
	v56 =	vshra.s32 v29, $0x10;
	v60 =	vshra.s32 v28, $0x10  }
0x155: {  	v9 =	vld.idx.msk [tilespmem:v48+s2+$0x0], $0xffff;
	v20 =	vadd.s32 v20, v21;
	v22 =	vand.u32 $0xFFFF, v22;
	v26 =	vand.u32 $0xFFFF, v26  }
0x156: {  	v14 =	vld.idx.msk [tilespmem:v53+s2+$0x0], $0xffff;
	v37 =	vshra.s32 v1, $0x10;
	v39 =	vshra.s32 v2, $0x10;
	v17 =	vadd.s32 v58, v17  }
0x157: {  	v15 =	vld.idx.msk [tilespmem:v54+s2+$0x0], $0xffff;
	v40 =	vshra.s32 v4, $0x10;
	v54 =	vadd.s32 $0x2800, v43;
	v23 =	vadd.s32 v20, v23  }
0x158: {  	v47 =	vld [tilespmem:s29+$0xA400];
	v1 =	vand.u32 $0xFFFF, v1;
	v2 =	vand.u32 $0xFFFF, v2;
	v37 =	vadd.s32 v37, v39  }
0x159: {  	v38 =	vld.idx.msk [tilespmem:v19+s2+$0x0], $0xffff;
	v39 =	vadd.s32 v61, v17;
	v48 =	vshra.s32 v5, $0x10;
	v42 =	vshra.s32 v6, $0x10  }
0x15a: {  	v3 =	vld.idx.msk [tilespmem:v3+s2+$0x0], $0xffff;
	v53 =	vshra.s32 v7, $0x10;
	v44 =	vshra.s32 v8, $0x10;
	v58 =	vshra.s32 v9, $0x10  }
0x15b: {  	v19 =	vld.idx.msk [tilespmem:v49+s2+$0x0], $0xffff;
	v46 =	vshra.s32 v10, $0x10;
	v61 =	vshra.s32 v31, $0x10;
	v49 =	vshra.s32 v12, $0x10  }
0x15c: {  	v45 =	vld [tilespmem:s29+$0xA000];
	v23 =	vadd.s32 v23, v25;
	v25 =	vand.u32 $0xFFFF, v27;
	v1 =	vadd.s32 v1, v2  }
0x15d: {  	v63 =	vadd.s32 v62, v39;
	v62 =	vshra.s32 v11, $0x10;
	v22 =	vadd.s32 v23, v22  }
0x15e: {  	v13 =	vld.idx.msk [tilespmem:v52+s2+$0x0], $0xffff;
	v39 =	vadd.s32 v50, v63;
	v63 =	vadd.s32 $0x2800, v47;
	v50 =	vshra.s32 v14, $0x10  }
0x15f: {  	v22 =	vadd.s32 v22, v25;
	v52 =	vadd.s32 v51, v39;
	v59 =	vshra.s32 v3, $0x10  }
0x160: {  	v17 =	vld.idx.msk [tilespmem:v57+s2+$0x0], $0xffff;
	v39 =	vadd.s32 v55, v52;
	v2 =	vand.u32 $0xFFFF, v3;
	v37 =	vadd.s32 v59, v37  }
0x161: {  	v51 =	vld [tilespmem:s29+$0xAC00];
	v57 =	vadd.s32 v56, v39;
	v59 =	vadd.s32 $0x2800, v45;
	v56 =	vshra.s32 v34, $0x10  }
0x162: {  	v1 =	vadd.s32 v1, v2;
	v2 =	vand.u32 $0xFFFF, v4;
	v37 =	vadd.s32 v40, v37;
	v40 =	vld.idx.msk [tilespmem:v24+s2+$0x0], $0xffff  }
0x163: {  	v39 =	vadd.s32 v60, v57;
	v24 =	vld.idx.msk [tilespmem:v54+s2+$0x0], $0xffff;
	v54 =	vshra.s32 v30, $0x10;
	v57 =	vshra.s32 v13, $0x10  }
0x164: {  	v60 =	vshra.s32 v35, $0x10;
	v1 =	vadd.s32 v1, v2;
	v2 =	vand.u32 $0xFFFF, v5  }
0x165: {  	v37 =	vadd.s32 v48, v37;
	v39 =	vadd.s32 v61, v39;
	v61 =	vshra.s32 v15, $0x10  }
0x166: {  	v1 =	vadd.s32 v1, v2;
	v2 =	vand.u32 $0xFFFF, v6;
	v37 =	vadd.s32 v42, v37  }
0x167: {  	v48 =	vld [tilespmem:s29+$0xA800];
	v39 =	vadd.s32 v54, v39;
	v1 =	vadd.s32 v1, v2;
	v2 =	vand.u32 $0xFFFF, v7  }
0x168: {  	v42 =	vld.idx.msk [tilespmem:v41+s2+$0x0], $0xffff;
	v37 =	vadd.s32 v53, v37;
	v39 =	vadd.s32 v56, v39;
	v53 =	vadd.s32 $0x2800, v51  }
0x169: {  	v1 =	vadd.s32 v2, v1;
	v2 =	vand.u32 $0xFFFF, v8;
	v37 =	vadd.s32 v44, v37  }
0x16a: {  	v1 =	vadd.s32 v2, v1;
	v2 =	vand.u32 $0xFFFF, v9;
	v37 =	vadd.s32 v58, v37  }
0x16b: {  	v47 =	vld.idx.msk [tilespmem:v47+s2+$0x0], $0xffff;
	v1 =	vadd.s32 v2, v1;
	v2 =	vand.u32 $0xFFFF, v10;
	v37 =	vadd.s32 v46, v37  }
0x16c: {  	v54 =	vld [tilespmem:s29+$0xB400];
	v58 =	vadd.s32 $0x2800, v48;
	v1 =	vadd.s32 v2, v1;
	v2 =	vand.u32 $0xFFFF, v11  }
0x16d: {  	v52 =	vld [tilespmem:s29+$0xB000];
	v37 =	vadd.s32 v62, v37;
	v62 =	vshra.s32 v36, $0x10;
	v3 =	vand.u32 $0xFFFF, v42  }
0x16e: {  	v44 =	vld.idx.msk [tilespmem:v43+s2+$0x0], $0xffff;
	v1 =	vadd.s32 v2, v1;
	v2 =	vand.u32 $0xFFFF, v12;
	v55 =	vadd.s32 v49, v37  }
0x16f: {  	v37 =	vld.idx.msk [tilespmem:v59+s2+$0x0], $0xffff;
	v59 =	vshra.s32 v32, $0x10;
	v1 =	vadd.s32 v2, v1;
	v2 =	vand.u32 $0xFFFF, v13  }
0x170: {  	v46 =	vld.idx.msk [tilespmem:v45+s2+$0x0], $0xffff;
	v41 =	vadd.s32 v57, v55;
	v43 =	vadd.s32 v59, v39;
	v55 =	vshra.s32 v16, $0x10  }
0x171: {  	v56 =	vld [tilespmem:s29+$0xB800];
	v57 =	vadd.s32 $0x2800, v54;
	v59 =	vshra.s32 v24, $0x10;
	v1 =	vadd.s32 v2, v1  }
0x172: {  	v51 =	vld.idx.msk [tilespmem:v51+s2+$0x0], $0xffff;
	v2 =	vand.u32 $0xFFFF, v14;
	v41 =	vadd.s32 v50, v41;
	v43 =	vadd.s32 v60, v43  }
0x173: {  	v39 =	vld.idx.msk [tilespmem:v63+s2+$0x0], $0xffff;
	v60 =	vshra.s32 v38, $0x10;
	v1 =	vadd.s32 v2, v1;
	v2 =	vand.u32 $0xFFFF, v15  }
0x174: {  	v50 =	vld.idx.msk [tilespmem:v48+s2+$0x0], $0xffff;
	v41 =	vadd.s32 v61, v41;
	v43 =	vadd.s32 v62, v43;
	v61 =	vshra.s32 v17, $0x10  }
0x175: {  	v62 =	vshra.s32 v40, $0x10;
	v27 =	vand.u32 $0xFFFF, v46;
	v63 =	vadd.s32 v55, v41;
	v41 =	vld.idx.msk [tilespmem:v58+s2+$0x0], $0xffff  }
0x176: {  	v55 =	vadd.s32 $0x2800, v52;
	v43 =	vadd.s32 v60, v43;
	v60 =	vshra.s32 v42, $0x10;
	v58 =	vld [tilespmem:s29+$0xBC00]  }
0x177: {  	v45 =	vadd.s32 v61, v63;
	v48 =	vadd.s32 v62, v43;
	v63 =	vshra.s32 v18, $0x10;
	v43 =	vld.idx.msk [tilespmem:v53+s2+$0x0], $0xffff  }
0x178: {  	v61 =	vshra.s32 v19, $0x10;
	v53 =	vld.idx.msk [tilespmem:v52+s2+$0x0], $0xffff;
	v52 =	vshra.s32 v44, $0x10;
	v48 =	vadd.s32 v60, v48  }
0x179: {  	v54 =	vld.idx.msk [tilespmem:v54+s2+$0x0], $0xffff;
	v62 =	vshra.s32 v46, $0x10;
	v45 =	vadd.s32 v63, v45;
	v48 =	vadd.s32 v52, v48  }
0x17a: {  	v60 =	vadd.s32 $0x2800, v56;
	v49 =	vadd.s32 v61, v45;
	v52 =	vadd.s32 v62, v48;
	v48 =	vld.idx.msk [tilespmem:v57+s2+$0x0], $0xffff  }
0x17b: {  	v1 =	vadd.s32 v2, v1;
	v63 =	vshra.s32 v37, $0x10;
	v49 =	vadd.s32 v59, v49;
	v57 =	vld [tilespmem:s29+$0xC000]  }
0x17c: {  	v61 =	vshra.s32 v47, $0x10;
	v62 =	vshra.s32 v39, $0x10;
	v45 =	vld.idx.msk [tilespmem:v55+s2+$0x0], $0xffff;
	v49 =	vadd.s32 v63, v49  }
0x17d: {  	v52 =	vadd.s32 v61, v52;
	v55 =	vld.idx.msk [tilespmem:v56+s2+$0x0], $0xffff;
	v61 =	vadd.s32 $0x2800, v58;
	v56 =	vshra.s32 v41, $0x10  }
0x17e: {  	v59 =	vadd.s32 v62, v49;
	v49 =	vshra.s32 v50, $0x10;
	v62 =	vshra.s32 v51, $0x10  }
0x17f: {  	v52 =	vadd.s32 v49, v52;
	v49 =	vld.idx.msk [tilespmem:v60+s2+$0x0], $0xffff;
	v59 =	vadd.s32 v56, v59;
	v60 =	vshra.s32 v43, $0x10  }
0x180: {  	v52 =	vadd.s32 v62, v52;
	v56 =	vld.idx.msk [tilespmem:v58+s2+$0x0], $0xffff;
	v58 =	vadd.s32 v60, v59;
	v59 =	vshra.s32 v53, $0x10  }
0x181: {  	v2 =	vand.u32 $0xFFFF, v16;
	v52 =	vadd.s32 v59, v52;
	v59 =	vshra.s32 v54, $0x10  }
0x182: {  	v1 =	vadd.s32 v2, v1;
	v60 =	vshra.s32 v45, $0x10;
	v59 =	vadd.s32 v59, v52;
	v52 =	vld.idx.msk [tilespmem:v61+s2+$0x0], $0xffff  }
0x183: {  	v62 =	vshra.s32 v48, $0x10;
	v61 =	vadd.s32 $0x2800, v57;
	v58 =	vadd.s32 v60, v58;
	v60 =	vld [tilespmem:s29+$0xC400]  }
0x184: {  	v2 =	vand.u32 $0xFFFF, v17;
	v58 =	vadd.s32 v62, v58;
	v62 =	vshra.s32 v55, $0x10;
	v57 =	vld.idx.msk [tilespmem:v57+s2+$0x0], $0xffff  }
0x185: {  	v1 =	vadd.s32 v2, v1;
	v59 =	vadd.s32 v62, v59;
	v62 =	vshra.s32 v56, $0x10  }
0x186: {  	v42 =	vand.u32 $0xFFFF, v37;
	v63 =	vshra.s32 v49, $0x10;
	v59 =	vadd.s32 v62, v59;
	v62 =	vld [tilespmem:s29+$0xC800]  }
0x187: {  	v46 =	vand.u32 $0xFFFF, v39;
	v58 =	vadd.s32 v63, v58;
	v63 =	vshra.s32 v52, $0x10  }
0x188: {  	v20 =	vld.idx.msk [tilespmem:v61+s2+$0x0], $0xffff;
	v21 =	vadd.s32 $0x2800, v60;
	v58 =	vadd.s32 v63, v58;
	v63 =	vand.u32 $0xFFFF, v33  }
0x189: {  	v61 =	vshra.s32 v57, $0x10;
	v22 =	vadd.s32 v63, v22;
	v63 =	vand.u32 $0xFFFF, v29  }
0x18a: {  	v23 =	vadd.s32 v61, v59;
	v22 =	vadd.s32 v26, v22;
	v59 =	vand.u32 $0xFFFF, v28  }
0x18b: {  	v33 =	vld.idx.msk [tilespmem:v60+s2+$0x0], $0xffff;
	v25 =	vadd.s32 $0x2800, v62;
	v22 =	vadd.s32 v63, v22;
	v60 =	vand.u32 $0xFFFF, v31  }
0x18c: {  	v63 =	vand.u32 $0xFFFF, v34;
	v34 =	vand.u32 $0xFFFF, v32;
	v32 =	vand.u32 $0xFFFF, v53  }
0x18d: {  	v2 =	vld [tilespmem:s29+$0xCC00];
	v53 =	vand.u32 $0xFFFF, v57;
	v29 =	vshra.s32 v20, $0x10;
	v22 =	vadd.s32 v59, v22  }
0x18e: {  	v57 =	vand.u32 $0xFFFF, v49;
	v26 =	vadd.s32 v29, v58;
	v22 =	vadd.s32 v60, v22  }
0x18f: {  	v58 =	vand.u32 $0xFFFF, v35;
	v60 =	vand.u32 $0xFFFF, v36;
	v29 =	vand.u32 $0xFFFF, v47  }
0x190: {  	v35 =	vand.u32 $0xFFFF, v18;
	v36 =	vand.u32 $0xFFFF, v19;
	v47 =	vand.u32 $0xFFFF, v41  }
0x191: {  	v28 =	vld.idx.msk [tilespmem:v62+s2+$0x0], $0xffff;
	v62 =	vand.u32 $0xFFFF, v30;
	v30 =	vand.u32 $0xFFFF, v50;
	v1 =	vadd.s32 v35, v1  }
0x192: {  	v50 =	vadd.s32 $0x2800, v2;
	v22 =	vadd.s32 v62, v22;
	v1 =	vadd.s32 v36, v1  }
0x193: {  	v21 =	vld.idx.msk [tilespmem:v21+s2+$0x0], $0xffff;
	v61 =	vshra.s32 v33, $0x10;
	v22 =	vadd.s32 v63, v22;
	v63 =	vand.u32 $0xFFFF, v40  }
0x194: {  	v40 =	vand.u32 $0xFFFF, v24;
	v23 =	vadd.s32 v61, v23;
	v22 =	vadd.s32 v34, v22  }
0x195: {  	v61 =	vand.u32 $0xFFFF, v38;
	v34 =	vand.u32 $0xFFFF, v54;
	v22 =	vadd.s32 v58, v22  }
0x196: {  	v38 =	vand.u32 $0xFFFF, v55;
	v1 =	vadd.s32 v40, v1;
	v22 =	vadd.s32 v60, v22  }
0x197: {  	v54 =	vand.u32 $0xFFFF, v45;
	v55 =	vand.u32 $0xFFFF, v48;
	v22 =	vadd.s32 v61, v22  }
0x198: {  	v31 =	vshra.s32 v21, $0x10;
	v1 =	vadd.s32 v42, v1;
	v22 =	vadd.s32 v63, v22  }
0x199: {  	v58 =	vand.u32 $0xFFFF, v52;
	v3 =	vadd.s32 v3, v22;
	v22 =	vand.u32 $0xFFFF, v44  }
0x19a: {  	v25 =	vld.idx.msk [tilespmem:v25+s2+$0x0], $0xffff;
	v26 =	vadd.s32 v31, v26;
	v59 =	vshra.s32 v28, $0x10;
	v3 =	vadd.s32 v22, v3  }
0x19b: {  	v2 =	vld.idx.msk [tilespmem:v2+s2+$0x0], $0xffff;
	v31 =	vand.u32 $0xFFFF, v51;
	v1 =	vadd.s32 v46, v1;
	v3 =	vadd.s32 v27, v3  }
0x19c: {  	v51 =	vand.u32 $0xFFFF, v43;
	v60 =	vand.u32 $0xFFFF, v20;
	v3 =	vadd.s32 v29, v3  }
0x19d: {  	v23 =	vadd.s32 v59, v23;
	v1 =	vadd.s32 v47, v1;
	v3 =	vadd.s32 v30, v3  }
0x19e: {  	v59 =	vand.u32 $0xFFFF, v28;
	v61 =	vand.u32 $0xFFFF, v21;
	v3 =	vadd.s32 v31, v3  }
0x19f: {  	v62 =	vshra.s32 v25, $0x10;
	v1 =	vadd.s32 v51, v1;
	v3 =	vadd.s32 v32, v3  }
0x1a0: {  	v63 =	vshra.s32 v2, $0x10;
	v1 =	vadd.s32 v54, v1;
	v3 =	vadd.s32 v34, v3  }
0x1a1: {  	v44 =	vand.u32 $0xFFFF, v56;
	v1 =	vadd.s32 v55, v1;
	v3 =	vadd.s32 v38, v3  }
0x1a2: {  	v4 =	vld.idx.msk [tilespmem:v50+s2+$0x0], $0xffff;
	v2 =	vand.u32 $0xFFFF, v2;
	v1 =	vadd.s32 v57, v1;
	v3 =	vadd.s32 v44, v3  }
0x1a3: {  	v56 =	vand.u32 $0xFFFF, v33;
	v1 =	vadd.s32 v58, v1;
	v3 =	vadd.s32 v53, v3  }
0x1a4: {  	v26 =	vadd.s32 v62, v26;
	v1 =	vadd.s32 v60, v1;
	v3 =	vadd.s32 v56, v3  }
0x1a5: {  	p1 =	sne.s32 s20, $0x3F0;
	v62 =	vand.u32 $0xFFFF, v25;
	v1 =	vadd.s32 v61, v1;
	v3 =	vadd.s32 v59, v3  }
.Ltmp0:
0x1a6: {  	v5 =	vadd.s32 v63, v23;
	v1 =	vadd.s32 v62, v1;
	v2 =	vadd.s32 v2, v3;
	(pc) =	sbr.rel @p1 .LBB2_3-.Ltmp0, $4  }
0x1a7: {  	[tilespmem:s28+$0xFFFFF800] =	vst v5;
	v3 =	vshra.s32 v4, $0x10;
	v4 =	vand.u32 $0xFFFF, v4;
	v2 =	vadd.s32 $0xFFF00000, v2  }
0x1a8: {  	v3 =	vadd.s32 v3, v26;
	v1 =	vadd.s32 v4, v1;
	[tilespmem:s28+$0xFFFFFC00] =	vst v2  }
0x1a9: {  	[tilespmem:s28+$0x0] =	vst v3;
	v1 =	vadd.s32 $0xFFF00000, v1  }
0x1aa: {  	s22 =	sadd.s32 $0x10, s22;
	s20 =	sadd.s32 $0x10, s20;
	[tilespmem:s28+$0x400] =	vst v1;
	s28 =	sadd.s32 $0x10, s28  }
0x1ab: {  	s20 =	sshll.u32 s26, $0xE  }
0x1ac: {  	s22 =	sadd.s32 s4, s20  }
0x1ad: {  	s28 =	sor.u32 s6, s22  }
0x1ae: {  	s28 =	sshrl.u32 s28, $0x3  }
0x1af: {  	s29 =	simm.s32 $0x15000;
	s28 =	sadd.s32 s5, s28  }
0x1b0: {  	[hbm4b:s28+s18] =	stream.strided.scatter [tilespmem:s29], [sflag:$0x3], $0x400, s19, s18, $0x38;
	[tilespmem:$0x17000] =	vst v63  }
0x1b1: {  	s29 =	sadd.s32 s23, s20  }
0x1b2: {  	s22 =	sor.u32 s7, s22;
	s28 =	sshrl.u32 s29, $0x3  }
0x1b3: {  	s22 =	sshrl.u32 s22, $0x3;
	s28 =	sadd.s32 s5, s28  }
0x1b4: {  	[hbm4b:s28+s18] =	stream.strided.scatter [tilespmem:s30], [sflag:$0x3], $0x400, s19, s18, $0x38;
	[tilespmem:$0x17000] =	vst v63  }
0x1b5: {  	s22 =	sadd.s32 s5, s22;
	s29 =	sadd.s32 s21, s20  }
0x1b6: {  	[hbm4b:s22+s18] =	stream.strided.scatter [tilespmem:s31], [sflag:$0x3], $0x400, s19, s18, $0x38;
	[tilespmem:$0x17000] =	vst v63  }
0x1b7: {  	s22 =	sshrl.u32 s29, $0x3  }
0x1b8: {  	s22 =	sadd.s32 s5, s22  }
0x1b9: {  	[hbm4b:s22+s18] =	stream.strided.scatter [tilespmem:s0], [sflag:$0x3], $0x400, s19, s18, $0x38;
	[tilespmem:$0x17000] =	vst v63  }
0x1ba: {  	s22 =	simm.s32 @!p0 $0x3  }
0x1bb: {  	_ =	swait.ge @!p0 [sflag:s22], $0x400  }
0x1bc: {  	[sflag:s22] =	ssyncset.done @!p0 $0x0  }
0x1bd: {  	[sflag:s22] =	ssyncadd.s32 @!p0 $0xFFFFFC00  }
0x1be: {  	_ =	swait.ge @!p0 [sflag:s22], $0x400  }
0x1bf: {  	[sflag:s22] =	ssyncset.done @!p0 $0x0  }
0x1c0: {  	[sflag:s22] =	ssyncadd.s32 @!p0 $0xFFFFFC00  }
0x1c1: {  	_ =	swait.ge @!p0 [sflag:s22], $0x400  }
0x1c2: {  	[sflag:s22] =	ssyncset.done @!p0 $0x0  }
0x1c3: {  	[sflag:s22] =	ssyncadd.s32 @!p0 $0xFFFFFC00  }
0x1c4: {  	_ =	swait.ge @!p0 [sflag:s22], $0x400  }
0x1c5: {  	[sflag:s22] =	ssyncset.done @!p0 $0x0  }
0x1c6: {  	[sflag:s22] =	ssyncadd.s32 @!p0 $0xFFFFFC00  }
0x1c7: {  	_ =	swait.ge [sflag:s24], $0x400  }
0x1c8: {  	[sflag:s24] =	ssyncset.done $0x0  }
0x1c9: {  	[sflag:s24] =	ssyncadd.s32 $0xFFFFFC00  }
0x1ca: {  	_ =	swait.ge [sflag:s24], $0x400  }
0x1cb: {  	[sflag:s24] =	ssyncset.done $0x0  }
0x1cc: {  	[sflag:s24] =	ssyncadd.s32 $0xFFFFFC00  }
0x1cd: {  	_ =	swait.ge [sflag:s24], $0x400  }
0x1ce: {  	[sflag:s24] =	ssyncset.done $0x0  }
0x1cf: {  	[sflag:s24] =	ssyncadd.s32 $0xFFFFFC00  }
0x1d0: {  	_ =	swait.ge [sflag:s24], $0x400  }
0x1d1: {  	[sflag:s24] =	ssyncset.done $0x0  }
0x1d2: {  	[sflag:s24] =	ssyncadd.s32 $0xFFFFFC00  }
0x1d3: {  	_ =	swait.ge [sflag:s24], $0x400  }
0x1d4: {  	[sflag:s24] =	ssyncset.done $0x0  }
0x1d5: {  	[sflag:s24] =	ssyncadd.s32 $0xFFFFFC00  }
0x1d6: {  	_ =	swait.ge [sflag:s24], $0x400  }
0x1d7: {  	[sflag:s24] =	ssyncset.done $0x0  }
0x1d8: {  	[sflag:s24] =	ssyncadd.s32 $0xFFFFFC00  }
0x1d9: {  	_ =	swait.ge [sflag:s24], $0x400  }
0x1da: {  	[sflag:s24] =	ssyncset.done $0x0  }
0x1db: {  	[sflag:s24] =	ssyncadd.s32 $0xFFFFFC00  }
0x1dc: {  	_ =	swait.ge [sflag:s24], $0x400  }
0x1dd: {  	[sflag:s24] =	ssyncset.done $0x0  }
0x1de: {  	[sflag:s24] =	ssyncadd.s32 $0xFFFFFC00  }
0x1df: {  	_ =	swait.ge [sflag:s24], $0x400  }
0x1e0: {  	[sflag:s24] =	ssyncset.done $0x0  }
0x1e1: {  	[sflag:s24] =	ssyncadd.s32 $0xFFFFFC00  }
0x1e2: {  	_ =	swait.ge [sflag:s24], $0x400  }
0x1e3: {  	[sflag:s24] =	ssyncset.done $0x0  }
0x1e4: {  	[sflag:s24] =	ssyncadd.s32 $0xFFFFFC00  }
0x1e5: {  	_ =	swait.ge [sflag:s24], $0x400  }
0x1e6: {  	[sflag:s24] =	ssyncset.done $0x0  }
0x1e7: {  	[sflag:s24] =	ssyncadd.s32 $0xFFFFFC00  }
0x1e8: {  	_ =	swait.ge [sflag:s24], $0x400  }
0x1e9: {  	[sflag:s24] =	ssyncset.done $0x0  }
0x1ea: {  	[sflag:s24] =	ssyncadd.s32 $0xFFFFFC00  }
0x1eb: {  	_ =	swait.ge [sflag:s24], $0x400  }
0x1ec: {  	[sflag:s24] =	ssyncset.done $0x0  }
0x1ed: {  	[sflag:s24] =	ssyncadd.s32 $0xFFFFFC00  }
0x1ee: {  	_ =	swait.ge [sflag:s24], $0x400  }
0x1ef: {  	[sflag:s24] =	ssyncset.done $0x0  }
0x1f0: {  	[sflag:s24] =	ssyncadd.s32 $0xFFFFFC00  }
0x1f1: {  	_ =	swait.ge [sflag:s24], $0x400  }
0x1f2: {  	[sflag:s24] =	ssyncset.done $0x0  }
0x1f3: {  	[sflag:s24] =	ssyncadd.s32 $0xFFFFFC00  }
0x1f4: {  	_ =	swait.ge [sflag:s24], $0x400  }
0x1f5: {  	[sflag:s24] =	ssyncset.done $0x0  }
0x1f6: {  	[sflag:s24] =	ssyncadd.s32 $0xFFFFFC00  }
0x1f7: {  	_ =	swait.ge [sflag:s24], $0x400  }
0x1f8: {  	[sflag:s24] =	ssyncset.done $0x0  }
0x1f9: {  	[sflag:s24] =	ssyncadd.s32 $0xFFFFFC00  }
0x1fa: {  	_ =	swait.ge [sflag:s24], $0x400  }
0x1fb: {  	[sflag:s24] =	ssyncset.done $0x0  }
0x1fc: {  	[sflag:s24] =	ssyncadd.s32 $0xFFFFFC00  }
0x1fd: {  	_ =	swait.ge [sflag:s24], $0x400  }
0x1fe: {  	[sflag:s24] =	ssyncset.done $0x0  }
0x1ff: {  	[sflag:s24] =	ssyncadd.s32 $0xFFFFFC00  }
0x200: {  	_ =	swait.ge [sflag:s24], $0x400  }
0x201: {  	[sflag:s24] =	ssyncset.done $0x0  }
0x202: {  	[sflag:s24] =	ssyncadd.s32 $0xFFFFFC00  }
0x203: {  	_ =	swait.ge [sflag:s24], $0x400  }
0x204: {  	[sflag:s24] =	ssyncset.done $0x0  }
0x205: {  	[sflag:s24] =	ssyncadd.s32 $0xFFFFFC00  }
0x206: {  	_ =	swait.ge [sflag:s24], $0x400  }
0x207: {  	[sflag:s24] =	ssyncset.done $0x0  }
0x208: {  	[sflag:s24] =	ssyncadd.s32 $0xFFFFFC00  }
0x209: {  	_ =	swait.ge [sflag:s24], $0x400  }
0x20a: {  	[sflag:s24] =	ssyncset.done $0x0  }
0x20b: {  	[sflag:s24] =	ssyncadd.s32 $0xFFFFFC00  }
0x20c: {  	_ =	swait.ge [sflag:s24], $0x400  }
0x20d: {  	[sflag:s24] =	ssyncset.done $0x0  }
0x20e: {  	[sflag:s24] =	ssyncadd.s32 $0xFFFFFC00  }
0x20f: {  	_ =	swait.ge [sflag:s24], $0x400  }
0x210: {  	[sflag:s24] =	ssyncset.done $0x0  }
0x211: {  	[sflag:s24] =	ssyncadd.s32 $0xFFFFFC00  }
0x212: {  	_ =	swait.ge [sflag:s24], $0x400  }
0x213: {  	[sflag:s24] =	ssyncset.done $0x0  }
0x214: {  	[sflag:s24] =	ssyncadd.s32 $0xFFFFFC00  }
0x215: {  	_ =	swait.ge [sflag:s24], $0x400  }
0x216: {  	[sflag:s24] =	ssyncset.done $0x0  }
0x217: {  	[sflag:s24] =	ssyncadd.s32 $0xFFFFFC00  }
0x218: {  	_ =	swait.ge [sflag:s24], $0x400  }
0x219: {  	[sflag:s24] =	ssyncset.done $0x0  }
0x21a: {  	[sflag:s24] =	ssyncadd.s32 $0xFFFFFC00  }
0x21b: {  	_ =	swait.ge [sflag:s24], $0x400  }
0x21c: {  	[sflag:s24] =	ssyncset.done $0x0  }
0x21d: {  	[sflag:s24] =	ssyncadd.s32 $0xFFFFFC00  }
0x21e: {  	_ =	swait.ge [sflag:s24], $0x400  }
0x21f: {  	[sflag:s24] =	ssyncset.done $0x0  }
0x220: {  	[sflag:s24] =	ssyncadd.s32 $0xFFFFFC00  }
0x221: {  	p0 =	seq.s32 s26, $0x4;
	_ =	swait.ge [sflag:s24], $0x400  }
.Ltmp1:
0x222: {  	[sflag:s24] =	ssyncset.done $0x0;
	(pc) =	sbr.rel @p0 .LBB2_6-.Ltmp1, $4  }
0x223: {  	[sflag:s24] =	ssyncadd.s32 $0xFFFFFC00  }
0x224: {  	_ =	swait.ge [sflag:s24], $0x400  }
0x225: {  	[sflag:s24] =	ssyncset.done $0x0  }
0x226: {  	[sflag:s24] =	ssyncadd.s32 $0xFFFFFC00  }
0x227: {  	s20 =	sshrl.u32 s20, $0x3  }
0x228: {  	s22 =	sadd.s32 $0x800, s20  }
0x229: {  	s29 =	simm.s32 $0x5000;
	s28 =	sadd.s32 s3, s22  }
0x22a: {  	[tilespmem:s29], [sflag:$0x2] =	stream.strided.gather [hbm4b:s28+s18], $0x400, s19, s18, $0x38;
	[tilespmem:$0x17000] =	vst v63  }
0x22b: {  	s28 =	sadd.s32 s22, s10;
	s29 =	simm.s32 $0x5400  }
0x22c: {  	[tilespmem:s29], [sflag:$0x2] =	stream.strided.gather [hbm4b:s28+s18], $0x400, s19, s18, $0x38;
	[tilespmem:$0x17000] =	vst v63  }
0x22d: {  	s28 =	sadd.s32 s22, s11;
	s29 =	simm.s32 $0x5800  }
0x22e: {  	[tilespmem:s29], [sflag:$0x2] =	stream.strided.gather [hbm4b:s28+s18], $0x400, s19, s18, $0x38;
	[tilespmem:$0x17000] =	vst v63  }
0x22f: {  	s28 =	sadd.s32 s22, s12;
	s29 =	simm.s32 $0x5C00  }
0x230: {  	[tilespmem:s29], [sflag:$0x2] =	stream.strided.gather [hbm4b:s28+s18], $0x400, s19, s18, $0x38;
	[tilespmem:$0x17000] =	vst v63  }
0x231: {  	s28 =	sadd.s32 s22, s13;
	s29 =	simm.s32 $0x6000  }
0x232: {  	[tilespmem:s29], [sflag:$0x2] =	stream.strided.gather [hbm4b:s28+s18], $0x400, s19, s18, $0x38;
	[tilespmem:$0x17000] =	vst v63  }
0x233: {  	s28 =	sadd.s32 s22, s14;
	s29 =	simm.s32 $0x6400  }
0x234: {  	[tilespmem:s29], [sflag:$0x2] =	stream.strided.gather [hbm4b:s28+s18], $0x400, s19, s18, $0x38;
	[tilespmem:$0x17000] =	vst v63  }
0x235: {  	s28 =	sadd.s32 s22, s15;
	s29 =	simm.s32 $0x6800  }
0x236: {  	[tilespmem:s29], [sflag:$0x2] =	stream.strided.gather [hbm4b:s28+s18], $0x400, s19, s18, $0x38;
	[tilespmem:$0x17000] =	vst v63  }
0x237: {  	s20 =	sadd.s32 s3, s20;
	s22 =	sadd.s32 s22, s16;
	s29 =	simm.s32 $0x6C00  }
0x238: {  	[tilespmem:s29], [sflag:$0x2] =	stream.strided.gather [hbm4b:s22+s18], $0x400, s19, s18, $0x38;
	[tilespmem:$0x17000] =	vst v63  }
0x239: {  	s22 =	sadd.s32 $0x3000, s20;
	s29 =	simm.s32 $0x7000  }
0x23a: {  	[tilespmem:s29], [sflag:$0x2] =	stream.strided.gather [hbm4b:s22+s18], $0x400, s19, s18, $0x38;
	[tilespmem:$0x17000] =	vst v63  }
0x23b: {  	s22 =	sadd.s32 $0x3010, s20;
	s29 =	simm.s32 $0x7400  }
0x23c: {  	[tilespmem:s29], [sflag:$0x2] =	stream.strided.gather [hbm4b:s22+s18], $0x400, s19, s18, $0x38;
	[tilespmem:$0x17000] =	vst v63  }
0x23d: {  	s22 =	sadd.s32 $0x3020, s20;
	s29 =	simm.s32 $0x7800  }
0x23e: {  	[tilespmem:s29], [sflag:$0x2] =	stream.strided.gather [hbm4b:s22+s18], $0x400, s19, s18, $0x38;
	[tilespmem:$0x17000] =	vst v63  }
0x23f: {  	s22 =	sadd.s32 $0x3030, s20;
	s29 =	simm.s32 $0x7C00  }
0x240: {  	[tilespmem:s29], [sflag:$0x2] =	stream.strided.gather [hbm4b:s22+s18], $0x400, s19, s18, $0x38;
	[tilespmem:$0x17000] =	vst v63  }
0x241: {  	s22 =	sadd.s32 $0x3040, s20;
	s29 =	simm.s32 $0x8000  }
0x242: {  	[tilespmem:s29], [sflag:$0x2] =	stream.strided.gather [hbm4b:s22+s18], $0x400, s19, s18, $0x38;
	[tilespmem:$0x17000] =	vst v63  }
0x243: {  	s22 =	sadd.s32 $0x3050, s20;
	s29 =	simm.s32 $0x8400  }
0x244: {  	[tilespmem:s29], [sflag:$0x2] =	stream.strided.gather [hbm4b:s22+s18], $0x400, s19, s18, $0x38;
	[tilespmem:$0x17000] =	vst v63  }
0x245: {  	s22 =	sadd.s32 $0x3060, s20;
	s29 =	simm.s32 $0x8800  }
0x246: {  	[tilespmem:s29], [sflag:$0x2] =	stream.strided.gather [hbm4b:s22+s18], $0x400, s19, s18, $0x38;
	[tilespmem:$0x17000] =	vst v63  }
0x247: {  	s22 =	sadd.s32 $0x3070, s20;
	s29 =	simm.s32 $0x8C00  }
0x248: {  	[tilespmem:s29], [sflag:$0x2] =	stream.strided.gather [hbm4b:s22+s18], $0x400, s19, s18, $0x38;
	[tilespmem:$0x17000] =	vst v63  }
0x249: {  	s22 =	sadd.s32 $0x5800, s20;
	s29 =	simm.s32 $0x9000  }
0x24a: {  	[tilespmem:s29], [sflag:$0x2] =	stream.strided.gather [hbm4b:s22+s18], $0x400, s19, s18, $0x38;
	[tilespmem:$0x17000] =	vst v63  }
0x24b: {  	s22 =	sadd.s32 $0x5810, s20;
	s29 =	simm.s32 $0x9400  }
0x24c: {  	[tilespmem:s29], [sflag:$0x2] =	stream.strided.gather [hbm4b:s22+s18], $0x400, s19, s18, $0x38;
	[tilespmem:$0x17000] =	vst v63  }
0x24d: {  	s22 =	sadd.s32 $0x5820, s20;
	s29 =	simm.s32 $0x9800  }
0x24e: {  	[tilespmem:s29], [sflag:$0x2] =	stream.strided.gather [hbm4b:s22+s18], $0x400, s19, s18, $0x38;
	[tilespmem:$0x17000] =	vst v63  }
0x24f: {  	s22 =	sadd.s32 $0x5830, s20;
	s29 =	simm.s32 $0x9C00  }
0x250: {  	[tilespmem:s29], [sflag:$0x2] =	stream.strided.gather [hbm4b:s22+s18], $0x400, s19, s18, $0x38;
	[tilespmem:$0x17000] =	vst v63  }
0x251: {  	s22 =	sadd.s32 $0x5840, s20;
	s29 =	simm.s32 $0xA000  }
0x252: {  	[tilespmem:s29], [sflag:$0x2] =	stream.strided.gather [hbm4b:s22+s18], $0x400, s19, s18, $0x38;
	[tilespmem:$0x17000] =	vst v63  }
0x253: {  	s22 =	sadd.s32 $0x5850, s20;
	s29 =	simm.s32 $0xA400  }
0x254: {  	[tilespmem:s29], [sflag:$0x2] =	stream.strided.gather [hbm4b:s22+s18], $0x400, s19, s18, $0x38;
	[tilespmem:$0x17000] =	vst v63  }
0x255: {  	s22 =	sadd.s32 $0x5860, s20;
	s29 =	simm.s32 $0xA800  }
0x256: {  	[tilespmem:s29], [sflag:$0x2] =	stream.strided.gather [hbm4b:s22+s18], $0x400, s19, s18, $0x38;
	[tilespmem:$0x17000] =	vst v63  }
0x257: {  	s20 =	sadd.s32 $0x5870, s20;
	s29 =	simm.s32 $0xAC00  }
0x258: {  	[tilespmem:s29], [sflag:$0x2] =	stream.strided.gather [hbm4b:s20+s18], $0x400, s19, s18, $0x38;
	[tilespmem:$0x17000] =	vst v63  }
0x259: {  	s28 =	rddreg [dreg:$0x1d];
	s20 =	sshll.u32 s26, $0xB  }
0x25a: {  	s29 =	simm.s32 $0xB000;
	s22 =	sadd.s32 s20, s28;
	s28 =	rddreg [dreg:$0x1e]  }
0x25b: {  	[tilespmem:s29], [sflag:$0x2] =	stream.strided.gather [hbm4b:s22+s18], $0x400, s19, s18, $0x38;
	[tilespmem:$0x17000] =	vst v63  }
0x25c: {  	s22 =	sadd.s32 s20, s28;
	s29 =	simm.s32 $0xB400;
	s28 =	rddreg [dreg:$0x1f]  }
0x25d: {  	[tilespmem:s29], [sflag:$0x2] =	stream.strided.gather [hbm4b:s22+s18], $0x400, s19, s18, $0x38;
	[tilespmem:$0x17000] =	vst v63  }
0x25e: {  	s22 =	sadd.s32 s20, s28;
	s28 =	sld [smem:$0x7F8]  }
0x25f: {  	s29 =	simm.s32 $0xB800  }
0x260: {  	[tilespmem:s29], [sflag:$0x2] =	stream.strided.gather [hbm4b:s22+s18], $0x400, s19, s18, $0x38;
	[tilespmem:$0x17000] =	vst v63  }
0x261: {  	s22 =	sadd.s32 s20, s28;
	s28 =	sld [smem:$0x7F9]  }
0x262: {  	s29 =	simm.s32 $0xBC00  }
0x263: {  	[tilespmem:s29], [sflag:$0x2] =	stream.strided.gather [hbm4b:s22+s18], $0x400, s19, s18, $0x38;
	[tilespmem:$0x17000] =	vst v63  }
0x264: {  	s22 =	sadd.s32 s20, s28;
	s28 =	sld [smem:$0x7FA]  }
0x265: {  	s29 =	simm.s32 $0xC000  }
0x266: {  	[tilespmem:s29], [sflag:$0x2] =	stream.strided.gather [hbm4b:s22+s18], $0x400, s19, s18, $0x38;
	[tilespmem:$0x17000] =	vst v63  }
0x267: {  	s22 =	sadd.s32 s20, s28;
	s28 =	sld [smem:$0x7FB]  }
0x268: {  	s29 =	simm.s32 $0xC400  }
0x269: {  	[tilespmem:s29], [sflag:$0x2] =	stream.strided.gather [hbm4b:s22+s18], $0x400, s19, s18, $0x38;
	[tilespmem:$0x17000] =	vst v63  }
0x26a: {  	s22 =	sadd.s32 s20, s28;
	s28 =	sld [smem:$0x7FC]  }
0x26b: {  	s29 =	simm.s32 $0xC800  }
0x26c: {  	[tilespmem:s29], [sflag:$0x2] =	stream.strided.gather [hbm4b:s22+s18], $0x400, s19, s18, $0x38;
	[tilespmem:$0x17000] =	vst v63  }
0x26d: {  	s29 =	simm.s32 $0xCC00;
	s20 =	sadd.s32 s20, s28  }
0x26e: {  	[tilespmem:s29], [sflag:$0x2] =	stream.strided.gather [hbm4b:s20+s18], $0x400, s19, s18, $0x38;
	[tilespmem:$0x17000] =	vst v63  }
.LBB2_6:
0x26f: {  	s20 =	simm.s32 $0x0  }
.LBB2_7:
0x270: {  	s22 =	sand.u32 $0x3F0, s20  }
0x271: {  	v1 =	vld [tilespmem:s22+$0xD000]  }
0x272: {  	v2 =	vld [tilespmem:s22+$0xD400]  }
0x273: {  	v4 =	vld [tilespmem:s22+$0xD800]  }
0x274: {  	v6 =	vld [tilespmem:s22+$0xDC00]  }
0x275: {  	v7 =	vld [tilespmem:s22+$0xE000]  }
0x276: {  	v8 =	vld [tilespmem:s22+$0xE400]  }
0x277: {  	v9 =	vld [tilespmem:s22+$0xE800]  }
0x278: {  	v10 =	vld [tilespmem:s22+$0xEC00]  }
0x279: {  	v11 =	vld [tilespmem:s22+$0xF000]  }
0x27a: {  	v12 =	vld [tilespmem:s22+$0xF400]  }
0x27b: {  	v13 =	vld [tilespmem:s22+$0xF800]  }
0x27c: {  	v14 =	vld [tilespmem:s22+$0xFC00]  }
0x27d: {  	v15 =	vld [tilespmem:s22+$0x10000]  }
0x27e: {  	v16 =	vld [tilespmem:s22+$0x10400]  }
0x27f: {  	v17 =	vld [tilespmem:s22+$0x10800]  }
0x280: {  	v18 =	vld [tilespmem:s22+$0x10C00]  }
0x281: {  	v19 =	vld [tilespmem:s22+$0x11000]  }
0x282: {  	v24 =	vld [tilespmem:s22+$0x11400]  }
0x283: {  	v41 =	vld [tilespmem:s22+$0x11800]  }
0x284: {  	v20 =	vld.idx.msk [tilespmem:v1+s2+$0x0], $0xffff  }
0x285: {  	v21 =	vld.idx.msk [tilespmem:v2+s2+$0x0], $0xffff  }
0x286: {  	v23 =	vld.idx.msk [tilespmem:v4+s2+$0x0], $0xffff  }
0x287: {  	v25 =	vld.idx.msk [tilespmem:v6+s2+$0x0], $0xffff  }
0x288: {  	v22 =	vld.idx.msk [tilespmem:v7+s2+$0x0], $0xffff  }
0x289: {  	v27 =	vld.idx.msk [tilespmem:v8+s2+$0x0], $0xffff  }
0x28a: {  	v33 =	vld.idx.msk [tilespmem:v9+s2+$0x0], $0xffff  }
0x28b: {  	v26 =	vld.idx.msk [tilespmem:v10+s2+$0x0], $0xffff  }
0x28c: {  	v29 =	vld.idx.msk [tilespmem:v11+s2+$0x0], $0xffff  }
0x28d: {  	v28 =	vld.idx.msk [tilespmem:v12+s2+$0x0], $0xffff  }
0x28e: {  	v31 =	vld.idx.msk [tilespmem:v13+s2+$0x0], $0xffff  }
0x28f: {  	v3 =	vadd.s32 $0x2800, v1;
	v30 =	vld.idx.msk [tilespmem:v14+s2+$0x0], $0xffff  }
0x290: {  	v5 =	vadd.s32 $0x2800, v2;
	v34 =	vld.idx.msk [tilespmem:v15+s2+$0x0], $0xffff  }
0x291: {  	v43 =	vadd.s32 $0x2800, v6;
	v32 =	vld.idx.msk [tilespmem:v16+s2+$0x0], $0xffff  }
0x292: {  	v44 =	vadd.s32 $0x2800, v7;
	v35 =	vld.idx.msk [tilespmem:v17+s2+$0x0], $0xffff  }
0x293: {  	v45 =	vadd.s32 $0x2800, v8;
	v36 =	vld.idx.msk [tilespmem:v18+s2+$0x0], $0xffff  }
0x294: {  	v46 =	vadd.s32 $0x2800, v9;
	v1 =	vld.idx.msk [tilespmem:v3+s2+$0x0], $0xffff  }
0x295: {  	v47 =	vadd.s32 $0x2800, v10;
	v2 =	vld.idx.msk [tilespmem:v5+s2+$0x0], $0xffff  }
0x296: {  	v49 =	vadd.s32 $0x2800, v12;
	v3 =	vadd.s32 $0x2800, v4;
	v4 =	vld.idx.msk [tilespmem:v43+s2+$0x0], $0xffff  }
0x297: {  	v50 =	vadd.s32 $0x2800, v13;
	v5 =	vld.idx.msk [tilespmem:v44+s2+$0x0], $0xffff  }
0x298: {  	v51 =	vadd.s32 $0x2800, v14;
	v6 =	vld.idx.msk [tilespmem:v45+s2+$0x0], $0xffff  }
0x299: {  	v55 =	vadd.s32 $0x2800, v18;
	v7 =	vld.idx.msk [tilespmem:v46+s2+$0x0], $0xffff  }
0x29a: {  	v60 =	vadd.s32 $0x2800, v24;
	v8 =	vld.idx.msk [tilespmem:v47+s2+$0x0], $0xffff  }
0x29b: {  	v48 =	vadd.s32 $0x2800, v11;
	v52 =	vadd.s32 $0x2800, v15;
	v53 =	vadd.s32 $0x2800, v16;
	v10 =	vld.idx.msk [tilespmem:v49+s2+$0x0], $0xffff  }
0x29c: {  	v54 =	vadd.s32 $0x2800, v17;
	v57 =	vadd.s32 $0x2800, v19;
	v11 =	vld.idx.msk [tilespmem:v50+s2+$0x0], $0xffff;
	v49 =	vadd.s32 $0x2800, v41  }
0x29d: {  	v12 =	vld.idx.msk [tilespmem:v51+s2+$0x0], $0xffff;
	v56 =	vshra.s32 v20, $0x10;
	v38 =	vshra.s32 v21, $0x10;
	v58 =	vshra.s32 v23, $0x10  }
0x29e: {  	v16 =	vld.idx.msk [tilespmem:v55+s2+$0x0], $0xffff;
	v61 =	vshra.s32 v25, $0x10;
	v62 =	vshra.s32 v22, $0x10;
	v50 =	vshra.s32 v27, $0x10  }
0x29f: {  	v18 =	vld.idx.msk [tilespmem:v60+s2+$0x0], $0xffff;
	v51 =	vshra.s32 v33, $0x10;
	v55 =	vshra.s32 v26, $0x10;
	v60 =	vshra.s32 v28, $0x10  }
0x2a0: {  	v43 =	vld [tilespmem:s22+$0x11C00];
	v20 =	vand.u32 $0xFFFF, v20;
	v21 =	vand.u32 $0xFFFF, v21;
	v23 =	vand.u32 $0xFFFF, v23  }
0x2a1: {  	v9 =	vld.idx.msk [tilespmem:v48+s2+$0x0], $0xffff;
	v25 =	vand.u32 $0xFFFF, v25;
	v22 =	vand.u32 $0xFFFF, v22;
	v26 =	vand.u32 $0xFFFF, v26  }
0x2a2: {  	v14 =	vld.idx.msk [tilespmem:v53+s2+$0x0], $0xffff;
	v17 =	vadd.s32 v56, v38;
	v56 =	vshra.s32 v29, $0x10;
	v20 =	vadd.s32 v20, v21  }
0x2a3: {  	v15 =	vld.idx.msk [tilespmem:v54+s2+$0x0], $0xffff;
	v37 =	vshra.s32 v1, $0x10;
	v39 =	vshra.s32 v2, $0x10;
	v17 =	vadd.s32 v58, v17  }
0x2a4: {  	v47 =	vld [tilespmem:s22+$0x12400];
	v40 =	vshra.s32 v4, $0x10;
	v48 =	vshra.s32 v5, $0x10;
	v42 =	vshra.s32 v6, $0x10  }
0x2a5: {  	v38 =	vld.idx.msk [tilespmem:v19+s2+$0x0], $0xffff;
	v53 =	vshra.s32 v7, $0x10;
	v54 =	vadd.s32 $0x2800, v43;
	v44 =	vshra.s32 v8, $0x10  }
0x2a6: {  	v19 =	vld.idx.msk [tilespmem:v49+s2+$0x0], $0xffff;
	v58 =	vshra.s32 v9, $0x10;
	v46 =	vshra.s32 v10, $0x10;
	v49 =	vshra.s32 v12, $0x10  }
0x2a7: {  	v3 =	vld.idx.msk [tilespmem:v3+s2+$0x0], $0xffff;
	v23 =	vadd.s32 v20, v23;
	v1 =	vand.u32 $0xFFFF, v1;
	v2 =	vand.u32 $0xFFFF, v2  }
0x2a8: {  	v37 =	vadd.s32 v37, v39;
	v39 =	vadd.s32 v61, v17;
	v61 =	vshra.s32 v31, $0x10  }
0x2a9: {  	v45 =	vld [tilespmem:s22+$0x12000];
	v23 =	vadd.s32 v23, v25;
	v25 =	vand.u32 $0xFFFF, v27;
	v1 =	vadd.s32 v1, v2  }
0x2aa: {  	v63 =	vadd.s32 v62, v39;
	v62 =	vshra.s32 v11, $0x10;
	v22 =	vadd.s32 v23, v22  }
0x2ab: {  	v13 =	vld.idx.msk [tilespmem:v52+s2+$0x0], $0xffff;
	v39 =	vadd.s32 v50, v63;
	v63 =	vadd.s32 $0x2800, v47;
	v50 =	vshra.s32 v14, $0x10  }
0x2ac: {  	v22 =	vadd.s32 v22, v25;
	v52 =	vadd.s32 v51, v39;
	v59 =	vshra.s32 v3, $0x10  }
0x2ad: {  	v17 =	vld.idx.msk [tilespmem:v57+s2+$0x0], $0xffff;
	v39 =	vadd.s32 v55, v52;
	v2 =	vand.u32 $0xFFFF, v3;
	v37 =	vadd.s32 v59, v37  }
0x2ae: {  	v51 =	vld [tilespmem:s22+$0x12C00];
	v57 =	vadd.s32 v56, v39;
	v59 =	vadd.s32 $0x2800, v45;
	v56 =	vshra.s32 v34, $0x10  }
0x2af: {  	v1 =	vadd.s32 v1, v2;
	v2 =	vand.u32 $0xFFFF, v4;
	v37 =	vadd.s32 v40, v37;
	v40 =	vld.idx.msk [tilespmem:v24+s2+$0x0], $0xffff  }
0x2b0: {  	v39 =	vadd.s32 v60, v57;
	v24 =	vld.idx.msk [tilespmem:v54+s2+$0x0], $0xffff;
	v54 =	vshra.s32 v30, $0x10;
	v57 =	vshra.s32 v13, $0x10  }
0x2b1: {  	v60 =	vshra.s32 v35, $0x10;
	v1 =	vadd.s32 v1, v2;
	v2 =	vand.u32 $0xFFFF, v5  }
0x2b2: {  	v37 =	vadd.s32 v48, v37;
	v39 =	vadd.s32 v61, v39;
	v61 =	vshra.s32 v15, $0x10  }
0x2b3: {  	v1 =	vadd.s32 v1, v2;
	v2 =	vand.u32 $0xFFFF, v6;
	v37 =	vadd.s32 v42, v37  }
0x2b4: {  	v48 =	vld [tilespmem:s22+$0x12800];
	v39 =	vadd.s32 v54, v39;
	v1 =	vadd.s32 v1, v2;
	v2 =	vand.u32 $0xFFFF, v7  }
0x2b5: {  	v42 =	vld.idx.msk [tilespmem:v41+s2+$0x0], $0xffff;
	v37 =	vadd.s32 v53, v37;
	v39 =	vadd.s32 v56, v39;
	v53 =	vadd.s32 $0x2800, v51  }
0x2b6: {  	v1 =	vadd.s32 v2, v1;
	v2 =	vand.u32 $0xFFFF, v8;
	v37 =	vadd.s32 v44, v37  }
0x2b7: {  	v1 =	vadd.s32 v2, v1;
	v2 =	vand.u32 $0xFFFF, v9;
	v37 =	vadd.s32 v58, v37  }
0x2b8: {  	v47 =	vld.idx.msk [tilespmem:v47+s2+$0x0], $0xffff;
	v1 =	vadd.s32 v2, v1;
	v2 =	vand.u32 $0xFFFF, v10;
	v37 =	vadd.s32 v46, v37  }
0x2b9: {  	v54 =	vld [tilespmem:s22+$0x13400];
	v58 =	vadd.s32 $0x2800, v48;
	v1 =	vadd.s32 v2, v1;
	v2 =	vand.u32 $0xFFFF, v11  }
0x2ba: {  	v52 =	vld [tilespmem:s22+$0x13000];
	v37 =	vadd.s32 v62, v37;
	v62 =	vshra.s32 v36, $0x10;
	v3 =	vand.u32 $0xFFFF, v42  }
0x2bb: {  	v44 =	vld.idx.msk [tilespmem:v43+s2+$0x0], $0xffff;
	v1 =	vadd.s32 v2, v1;
	v2 =	vand.u32 $0xFFFF, v12;
	v55 =	vadd.s32 v49, v37  }
0x2bc: {  	v37 =	vld.idx.msk [tilespmem:v59+s2+$0x0], $0xffff;
	v59 =	vshra.s32 v32, $0x10;
	v1 =	vadd.s32 v2, v1;
	v2 =	vand.u32 $0xFFFF, v13  }
0x2bd: {  	v46 =	vld.idx.msk [tilespmem:v45+s2+$0x0], $0xffff;
	v41 =	vadd.s32 v57, v55;
	v43 =	vadd.s32 v59, v39;
	v55 =	vshra.s32 v16, $0x10  }
0x2be: {  	v56 =	vld [tilespmem:s22+$0x13800];
	v57 =	vadd.s32 $0x2800, v54;
	v59 =	vshra.s32 v24, $0x10;
	v1 =	vadd.s32 v2, v1  }
0x2bf: {  	v51 =	vld.idx.msk [tilespmem:v51+s2+$0x0], $0xffff;
	v2 =	vand.u32 $0xFFFF, v14;
	v41 =	vadd.s32 v50, v41;
	v43 =	vadd.s32 v60, v43  }
0x2c0: {  	v39 =	vld.idx.msk [tilespmem:v63+s2+$0x0], $0xffff;
	v60 =	vshra.s32 v38, $0x10;
	v1 =	vadd.s32 v2, v1;
	v2 =	vand.u32 $0xFFFF, v15  }
0x2c1: {  	v50 =	vld.idx.msk [tilespmem:v48+s2+$0x0], $0xffff;
	v41 =	vadd.s32 v61, v41;
	v43 =	vadd.s32 v62, v43;
	v61 =	vshra.s32 v17, $0x10  }
0x2c2: {  	v62 =	vshra.s32 v40, $0x10;
	v27 =	vand.u32 $0xFFFF, v46;
	v63 =	vadd.s32 v55, v41;
	v41 =	vld.idx.msk [tilespmem:v58+s2+$0x0], $0xffff  }
0x2c3: {  	v55 =	vadd.s32 $0x2800, v52;
	v43 =	vadd.s32 v60, v43;
	v60 =	vshra.s32 v42, $0x10;
	v58 =	vld [tilespmem:s22+$0x13C00]  }
0x2c4: {  	v45 =	vadd.s32 v61, v63;
	v48 =	vadd.s32 v62, v43;
	v63 =	vshra.s32 v18, $0x10;
	v43 =	vld.idx.msk [tilespmem:v53+s2+$0x0], $0xffff  }
0x2c5: {  	v61 =	vshra.s32 v19, $0x10;
	v53 =	vld.idx.msk [tilespmem:v52+s2+$0x0], $0xffff;
	v52 =	vshra.s32 v44, $0x10;
	v48 =	vadd.s32 v60, v48  }
0x2c6: {  	v54 =	vld.idx.msk [tilespmem:v54+s2+$0x0], $0xffff;
	v62 =	vshra.s32 v46, $0x10;
	v45 =	vadd.s32 v63, v45;
	v48 =	vadd.s32 v52, v48  }
0x2c7: {  	v60 =	vadd.s32 $0x2800, v56;
	v49 =	vadd.s32 v61, v45;
	v52 =	vadd.s32 v62, v48;
	v48 =	vld.idx.msk [tilespmem:v57+s2+$0x0], $0xffff  }
0x2c8: {  	v1 =	vadd.s32 v2, v1;
	v63 =	vshra.s32 v37, $0x10;
	v49 =	vadd.s32 v59, v49;
	v57 =	vld [tilespmem:s22+$0x14000]  }
0x2c9: {  	v61 =	vshra.s32 v47, $0x10;
	v62 =	vshra.s32 v39, $0x10;
	v45 =	vld.idx.msk [tilespmem:v55+s2+$0x0], $0xffff;
	v49 =	vadd.s32 v63, v49  }
0x2ca: {  	v52 =	vadd.s32 v61, v52;
	v55 =	vld.idx.msk [tilespmem:v56+s2+$0x0], $0xffff;
	v61 =	vadd.s32 $0x2800, v58;
	v56 =	vshra.s32 v41, $0x10  }
0x2cb: {  	v59 =	vadd.s32 v62, v49;
	v49 =	vshra.s32 v50, $0x10;
	v62 =	vshra.s32 v51, $0x10  }
0x2cc: {  	v52 =	vadd.s32 v49, v52;
	v49 =	vld.idx.msk [tilespmem:v60+s2+$0x0], $0xffff;
	v59 =	vadd.s32 v56, v59;
	v60 =	vshra.s32 v43, $0x10  }
0x2cd: {  	v52 =	vadd.s32 v62, v52;
	v56 =	vld.idx.msk [tilespmem:v58+s2+$0x0], $0xffff;
	v58 =	vadd.s32 v60, v59;
	v59 =	vshra.s32 v53, $0x10  }
0x2ce: {  	v2 =	vand.u32 $0xFFFF, v16;
	v52 =	vadd.s32 v59, v52;
	v59 =	vshra.s32 v54, $0x10  }
0x2cf: {  	v1 =	vadd.s32 v2, v1;
	v60 =	vshra.s32 v45, $0x10;
	v59 =	vadd.s32 v59, v52;
	v52 =	vld.idx.msk [tilespmem:v61+s2+$0x0], $0xffff  }
0x2d0: {  	v62 =	vshra.s32 v48, $0x10;
	v61 =	vadd.s32 $0x2800, v57;
	v58 =	vadd.s32 v60, v58;
	v60 =	vld [tilespmem:s22+$0x14400]  }
0x2d1: {  	v2 =	vand.u32 $0xFFFF, v17;
	v58 =	vadd.s32 v62, v58;
	v62 =	vshra.s32 v55, $0x10;
	v57 =	vld.idx.msk [tilespmem:v57+s2+$0x0], $0xffff  }
0x2d2: {  	v1 =	vadd.s32 v2, v1;
	v59 =	vadd.s32 v62, v59;
	v62 =	vshra.s32 v56, $0x10  }
0x2d3: {  	v42 =	vand.u32 $0xFFFF, v37;
	v63 =	vshra.s32 v49, $0x10;
	v59 =	vadd.s32 v62, v59;
	v62 =	vld [tilespmem:s22+$0x14800]  }
0x2d4: {  	v46 =	vand.u32 $0xFFFF, v39;
	v58 =	vadd.s32 v63, v58;
	v63 =	vshra.s32 v52, $0x10  }
0x2d5: {  	v20 =	vld.idx.msk [tilespmem:v61+s2+$0x0], $0xffff;
	v21 =	vadd.s32 $0x2800, v60;
	v58 =	vadd.s32 v63, v58;
	v63 =	vand.u32 $0xFFFF, v33  }
0x2d6: {  	v61 =	vshra.s32 v57, $0x10;
	v22 =	vadd.s32 v63, v22;
	v63 =	vand.u32 $0xFFFF, v29  }
0x2d7: {  	v23 =	vadd.s32 v61, v59;
	v22 =	vadd.s32 v26, v22;
	v59 =	vand.u32 $0xFFFF, v28  }
0x2d8: {  	v33 =	vld.idx.msk [tilespmem:v60+s2+$0x0], $0xffff;
	v25 =	vadd.s32 $0x2800, v62;
	v22 =	vadd.s32 v63, v22;
	v60 =	vand.u32 $0xFFFF, v31  }
0x2d9: {  	v63 =	vand.u32 $0xFFFF, v34;
	v34 =	vand.u32 $0xFFFF, v32;
	v32 =	vand.u32 $0xFFFF, v53  }
0x2da: {  	v2 =	vld [tilespmem:s22+$0x14C00];
	v53 =	vand.u32 $0xFFFF, v57;
	v29 =	vshra.s32 v20, $0x10;
	v22 =	vadd.s32 v59, v22  }
0x2db: {  	v57 =	vand.u32 $0xFFFF, v49;
	v26 =	vadd.s32 v29, v58;
	v22 =	vadd.s32 v60, v22  }
0x2dc: {  	v58 =	vand.u32 $0xFFFF, v35;
	v60 =	vand.u32 $0xFFFF, v36;
	v29 =	vand.u32 $0xFFFF, v47  }
0x2dd: {  	v35 =	vand.u32 $0xFFFF, v18;
	v36 =	vand.u32 $0xFFFF, v19;
	v47 =	vand.u32 $0xFFFF, v41  }
0x2de: {  	v28 =	vld.idx.msk [tilespmem:v62+s2+$0x0], $0xffff;
	v62 =	vand.u32 $0xFFFF, v30;
	v30 =	vand.u32 $0xFFFF, v50;
	v1 =	vadd.s32 v35, v1  }
0x2df: {  	v50 =	vadd.s32 $0x2800, v2;
	v22 =	vadd.s32 v62, v22;
	v1 =	vadd.s32 v36, v1  }
0x2e0: {  	v21 =	vld.idx.msk [tilespmem:v21+s2+$0x0], $0xffff;
	v61 =	vshra.s32 v33, $0x10;
	v22 =	vadd.s32 v63, v22;
	v63 =	vand.u32 $0xFFFF, v40  }
0x2e1: {  	v40 =	vand.u32 $0xFFFF, v24;
	v23 =	vadd.s32 v61, v23;
	v22 =	vadd.s32 v34, v22  }
0x2e2: {  	v61 =	vand.u32 $0xFFFF, v38;
	v34 =	vand.u32 $0xFFFF, v54;
	v22 =	vadd.s32 v58, v22  }
0x2e3: {  	v38 =	vand.u32 $0xFFFF, v55;
	v1 =	vadd.s32 v40, v1;
	v22 =	vadd.s32 v60, v22  }
0x2e4: {  	v54 =	vand.u32 $0xFFFF, v45;
	v55 =	vand.u32 $0xFFFF, v48;
	v22 =	vadd.s32 v61, v22  }
0x2e5: {  	v31 =	vshra.s32 v21, $0x10;
	v1 =	vadd.s32 v42, v1;
	v22 =	vadd.s32 v63, v22  }
0x2e6: {  	v58 =	vand.u32 $0xFFFF, v52;
	v3 =	vadd.s32 v3, v22;
	v22 =	vand.u32 $0xFFFF, v44  }
0x2e7: {  	v25 =	vld.idx.msk [tilespmem:v25+s2+$0x0], $0xffff;
	v26 =	vadd.s32 v31, v26;
	v59 =	vshra.s32 v28, $0x10;
	v3 =	vadd.s32 v22, v3  }
0x2e8: {  	v2 =	vld.idx.msk [tilespmem:v2+s2+$0x0], $0xffff;
	v31 =	vand.u32 $0xFFFF, v51;
	v1 =	vadd.s32 v46, v1;
	v3 =	vadd.s32 v27, v3  }
0x2e9: {  	v51 =	vand.u32 $0xFFFF, v43;
	v60 =	vand.u32 $0xFFFF, v20;
	v3 =	vadd.s32 v29, v3  }
0x2ea: {  	v23 =	vadd.s32 v59, v23;
	v1 =	vadd.s32 v47, v1;
	v3 =	vadd.s32 v30, v3  }
0x2eb: {  	v59 =	vand.u32 $0xFFFF, v28;
	v61 =	vand.u32 $0xFFFF, v21;
	v3 =	vadd.s32 v31, v3  }
0x2ec: {  	v62 =	vshra.s32 v25, $0x10;
	v1 =	vadd.s32 v51, v1;
	v3 =	vadd.s32 v32, v3  }
0x2ed: {  	v63 =	vshra.s32 v2, $0x10;
	v1 =	vadd.s32 v54, v1;
	v3 =	vadd.s32 v34, v3  }
0x2ee: {  	v44 =	vand.u32 $0xFFFF, v56;
	v1 =	vadd.s32 v55, v1;
	v3 =	vadd.s32 v38, v3  }
0x2ef: {  	v4 =	vld.idx.msk [tilespmem:v50+s2+$0x0], $0xffff;
	v2 =	vand.u32 $0xFFFF, v2;
	v1 =	vadd.s32 v57, v1;
	v3 =	vadd.s32 v44, v3  }
0x2f0: {  	v56 =	vand.u32 $0xFFFF, v33;
	v1 =	vadd.s32 v58, v1;
	v3 =	vadd.s32 v53, v3  }
0x2f1: {  	v26 =	vadd.s32 v62, v26;
	v1 =	vadd.s32 v60, v1;
	v3 =	vadd.s32 v56, v3  }
0x2f2: {  	p0 =	sne.s32 s20, $0x3F0;
	v62 =	vand.u32 $0xFFFF, v25;
	v1 =	vadd.s32 v61, v1;
	v3 =	vadd.s32 v59, v3  }
.Ltmp2:
0x2f3: {  	v5 =	vadd.s32 v63, v23;
	v1 =	vadd.s32 v62, v1;
	v2 =	vadd.s32 v2, v3;
	(pc) =	sbr.rel @p0 .LBB2_7-.Ltmp2, $4  }
0x2f4: {  	[tilespmem:s22+$0x16000] =	vst v5;
	v3 =	vshra.s32 v4, $0x10;
	v4 =	vand.u32 $0xFFFF, v4;
	v2 =	vadd.s32 $0xFFF00000, v2  }
0x2f5: {  	v3 =	vadd.s32 v3, v26;
	v1 =	vadd.s32 v4, v1;
	[tilespmem:s22+$0x16400] =	vst v2  }
0x2f6: {  	[tilespmem:s22+$0x16800] =	vst v3;
	v1 =	vadd.s32 $0xFFF00000, v1  }
0x2f7: {  	s20 =	sadd.s32 $0x10, s20;
	[tilespmem:s22+$0x16C00] =	vst v1  }
0x2f8: {  	s20 =	sadd.s32 s4, s17  }
0x2f9: {  	s22 =	sor.u32 s6, s20  }
0x2fa: {  	s22 =	sshrl.u32 s22, $0x3  }
0x2fb: {  	s28 =	sadd.s32 s23, s17;
	s22 =	sadd.s32 s5, s22  }
0x2fc: {  	[hbm4b:s22+s18] =	stream.strided.scatter [tilespmem:s1], [sflag:$0x3], $0x400, s19, s18, $0x38;
	[tilespmem:$0x17000] =	vst v63  }
0x2fd: {  	s26 =	sadd.s32 $0x1, s26;
	s22 =	sshrl.u32 s28, $0x3  }
0x2fe: {  	s20 =	sor.u32 s7, s20;
	p0 =	sne.s32 s26, $0x5;
	s22 =	sadd.s32 s5, s22  }
0x2ff: {  	[hbm4b:s22+s18] =	stream.strided.scatter [tilespmem:s8], [sflag:$0x3], $0x400, s19, s18, $0x38;
	[tilespmem:$0x17000] =	vst v63  }
.Ltmp3:
0x300: {  	s29 =	sadd.s32 s21, s17;
	s20 =	sshrl.u32 s20, $0x3;
	(pc) =	sbr.rel @p0 .LBB2_2-.Ltmp3, $4  }
0x301: {  	s17 =	sshrl.u32 s29, $0x3;
	s20 =	sadd.s32 s5, s20  }
0x302: {  	[hbm4b:s20+s18] =	stream.strided.scatter [tilespmem:s9], [sflag:$0x3], $0x400, s19, s18, $0x38;
	[tilespmem:$0x17000] =	vst v63  }
0x303: {  	s17 =	sadd.s32 s5, s17  }
0x304: {  	[hbm4b:s17+s18] =	stream.strided.scatter [tilespmem:s25], [sflag:$0x3], $0x400, s19, s18, $0x38;
	[tilespmem:$0x17000] =	vst v63  }
0x305: {  	s20 =	simm.s32 $0x3  }
0x306: {  	_ =	swait.ge [sflag:s20], $0x400  }
0x307: {  	[sflag:s20] =	ssyncset.done $0x0  }
0x308: {  	[sflag:s20] =	ssyncadd.s32 $0xFFFFFC00  }
0x309: {  	_ =	swait.ge [sflag:s20], $0x400  }
0x30a: {  	[sflag:s20] =	ssyncset.done $0x0  }
0x30b: {  	[sflag:s20] =	ssyncadd.s32 $0xFFFFFC00  }
0x30c: {  	_ =	swait.ge [sflag:s20], $0x400  }
0x30d: {  	[sflag:s20] =	ssyncset.done $0x0  }
0x30e: {  	[sflag:s20] =	ssyncadd.s32 $0xFFFFFC00  }
0x30f: {  	_ =	swait.ge [sflag:s20], $0x400  }
0x310: {  	[sflag:s20] =	ssyncset.done $0x0  }
0x311: {  	[sflag:s20] =	ssyncadd.s32 $0xFFFFFC00  }
0x312: {  	_ =	swait.ge [sflag:s20], $0x400  }
0x313: {  	[sflag:s20] =	ssyncset.done $0x0  }
0x314: {  	[sflag:s20] =	ssyncadd.s32 $0xFFFFFC00  }
0x315: {  	_ =	swait.ge [sflag:s20], $0x400  }
0x316: {  	[sflag:s20] =	ssyncset.done $0x0  }
0x317: {  	[sflag:s20] =	ssyncadd.s32 $0xFFFFFC00  }
0x318: {  	_ =	swait.ge [sflag:s20], $0x400  }
0x319: {  	[sflag:s20] =	ssyncset.done $0x0  }
0x31a: {  	[sflag:s20] =	ssyncadd.s32 $0xFFFFFC00  }
0x31b: {  	_ =	swait.ge [sflag:s20], $0x400  }
0x31c: {  	s22 =	sld [smem:$0x7F7]  }
0x31d: {  	s17 =	sld [smem:$0x7FD];
	_ =	sdelay $0x1  }
0x31e: {  	s22 =	sadd.s32 $0x1, s22  }
0x31f: {  	p0 =	sne.s32 s22, s17  }
.Ltmp4:
0x320: {  	_ = 	snop;
	(pc) =	sbr.rel @p0 .LBB2_1-.Ltmp4, $3  }
0x321: {  	_ =	sdelay $0x1  }
0x322: {  	[sflag:s20] =	ssyncset.done $0x0  }
0x323: {  	[sflag:s20] =	ssyncadd.s32 $0xFFFFFC00  }
0x324: {  	_ =	sfence.sel $0x180000  }
0x325: {  	[bflag:$0x0] =	sbarrier.arrive $0xFFFF  }
0x326: {  	_ =	strace $0x90000047  }
0x327: {  	s0 =	stileid.u32;
	[bflag:$0x2] =	sbarrier.arrive $0xFFFF  }
0x328: {  	p0 =	sne.s32 s0, $0x0;
	s0 =	rddreg [dreg:$0x2]  }
0x329: {  	s0 =	sadd.s32 @!p0 $0x100000, s0  }
0x32a: {  	[sflag:s0] =	ssyncadd.tile.s32 @!p0 $0x1;
	_ =	shalt  }
.Lfunc_end2:
_tile_overlayer_lowered:
.L_overlay_start_2:
0x32b: {  	(tag) =	ssettag $0x2  }
0x32c: {  	s0 =	rddreg [dreg:$0x0];
	s2 =	stileid.u32  }
0x32d: {  	s1 =	rddreg [dreg:$0x1];
	p0 =	sne.s32 s2, $0x0  }
0x32e: {  	s3 =	rddreg [dreg:$0x2];
	[bflag:$0x3] =	sbarrier.arrive $0xFFFF;
	s2 =	simm.s32 @!p0 $0x1C04  }
0x32f: {  	[timem:s3], [sflag:s2] =	dma.local @!p0 [hbm:s0], s1  }
0x330: {  	s0 =	simm.s32 @!p0 $0x4  }
0x331: {  	_ =	swait.ge @!p0 [sflag:s0], s1  }
0x332: {  	s1 =	ssub.s32 @!p0 $0x0, s1;
	[sflag:s0] =	ssyncset.done @!p0 $0x0  }
0x333: {  	[sflag:s0] =	ssyncadd.s32 @!p0 s1  }
0x334: {  	[bflag:$0x3] =	sbarrier.arrive $0xFFFF  }
0x335: {  	_ =	shalt  }

</sc_bundles>
